<compile_context>
chip_gen: v7x
topology: tpu7x:2x2x1
jax: 0.10.2.dev20260603
libtpu: 0.0.44.dev20260713+nightly
codegen_flags: <defaults>
</compile_context>

<pallas_src>
import functools

import jax
import jax.numpy as jnp
from jax import lax
from jax.experimental import pallas as pl
from jax.experimental.pallas import tpu as pltpu
from jax.experimental.pallas import tpu_sc as plsc

NC = 2
NS = 16
NW = NC * NS
CH = 2000
ZW = 10


def _mesh():
    return plsc.VectorSubcoreMesh(core_axis_name="c", subcore_axis_name="s")


_SC_PARAMS = pltpu.CompilerParams(
    needs_layout_passes=False, use_tc_tiling_on_sc=False)


def _rsqrt16(xdeg):
    yi = jnp.int32(0x5F3759DF) - (plsc.bitcast(xdeg, jnp.int32) >> 1)
    y = plsc.bitcast(yi, jnp.float32)
    for _ in range(3):
        y = y * (1.5 - 0.5 * xdeg * y * y)
    return jnp.where(xdeg > 0, y, 0.0)


CHM = 2000


def _nl1_body(N, E, src_hbm, dst_hbm, ew_hbm, xcm_hbm, zeros1_hbm,
              dinv_hbm, norm_hbm, out_hbm, tab_v, s_v, d_v, nrm_v, val_v,
              acc_sh):
    c = lax.axis_index("c")
    s = lax.axis_index("s")
    wid = c * NS + s
    epw = E // NW
    eps = E // NS
    nchunks = epw // CHM
    nz = N // ZW
    zch = nz // CHM

    @pl.when(s < ZW)
    def _():
        pltpu.sync_copy(zeros1_hbm, val_v)

        def zit(j, _):
            pltpu.sync_copy(val_v, acc_sh.at[pl.ds(s * nz + j * CHM, CHM)])
            return 0

        lax.fori_loop(0, zch, zit, 0)

    plsc.subcore_barrier()

    def dchunk(k, _):
        base = s * eps + k * CHM
        pltpu.sync_copy(dst_hbm.at[pl.ds(base, CHM)], d_v)
        pltpu.sync_copy(ew_hbm.at[pl.ds(base, CHM)], val_v)
        pltpu.sync_copy(val_v, acc_sh.at[d_v], add=True)
        return 0

    lax.fori_loop(0, eps // CHM, dchunk, 0)
    plsc.subcore_barrier()

    @pl.when(s < ZW)
    def _():
        def dv_it(j, _):
            off = s * nz + j * CHM
            pltpu.sync_copy(acc_sh.at[pl.ds(off, CHM)], val_v)

            def n_it(i, _):
                sl = pl.ds(i * 16, 16)
                val_v[sl] = _rsqrt16(val_v[sl] + 1.0)
                return 0

            lax.fori_loop(0, CHM // 16, n_it, 0, unroll=4)
            pltpu.sync_copy(val_v, dinv_hbm.at[pl.ds(off, CHM)])
            return 0

        lax.fori_loop(0, zch, dv_it, 0)

    plsc.subcore_barrier()

    for p in range(4):
        if p == 0:
            pltpu.sync_copy(dinv_hbm, tab_v)

            def chunk0(k, _):
                base = wid * epw + k * CHM
                pltpu.sync_copy(src_hbm.at[pl.ds(base, CHM)], s_v)
                pltpu.sync_copy(dst_hbm.at[pl.ds(base, CHM)], d_v)
                pltpu.sync_copy(ew_hbm.at[pl.ds(base, CHM)], nrm_v)

                def it(i, _):
                    sl = pl.ds(i * 16, 16)
                    a = plsc.load_gather(tab_v, [s_v[sl]])
                    b = plsc.load_gather(tab_v, [d_v[sl]])
                    nrm_v[sl] = a * nrm_v[sl] * b
                    return 0

                lax.fori_loop(0, CHM // 16, it, 0, unroll=4)
                pltpu.sync_copy(nrm_v, norm_hbm.at[pl.ds(base, CHM)])
                return 0

            lax.fori_loop(0, nchunks, chunk0, 0)
        else:
            pltpu.sync_copy(xcm_hbm.at[pl.ds((p - 1) * N, N)], tab_v)

            @pl.when(s < ZW)
            def _():
                pltpu.sync_copy(zeros1_hbm, val_v)

                def zit(j, _):
                    pltpu.sync_copy(val_v,
                                    acc_sh.at[pl.ds(s * nz + j * CHM, CHM)])
                    return 0

                lax.fori_loop(0, zch, zit, 0)

            plsc.subcore_barrier()

            def chunkp(k, _):
                base = wid * epw + k * CHM
                pltpu.sync_copy(src_hbm.at[pl.ds(base, CHM)], s_v)
                pltpu.sync_copy(dst_hbm.at[pl.ds(base, CHM)], d_v)
                pltpu.sync_copy(norm_hbm.at[pl.ds(base, CHM)], nrm_v)

                def it(i, _):
                    sl = pl.ds(i * 16, 16)
                    val_v[sl] = plsc.load_gather(tab_v, [s_v[sl]]) * nrm_v[sl]
                    return 0

                lax.fori_loop(0, CHM // 16, it, 0, unroll=4)
                pltpu.sync_copy(val_v, acc_sh.at[d_v], add=True)
                return 0

            lax.fori_loop(0, nchunks, chunkp, 0)
            plsc.subcore_barrier()

            @pl.when(s < ZW)
            def _():
                def oit(j, _):
                    off = s * nz + j * CHM
                    pltpu.sync_copy(acc_sh.at[pl.ds(off, CHM)], val_v)
                    pltpu.sync_copy(
                        val_v,
                        out_hbm.at[pl.ds(c * 3 * N + (p - 1) * N + off, CHM)])
                    return 0

                lax.fori_loop(0, zch, oit, 0)

            plsc.subcore_barrier()


def _nl1_call(src, dst, ew, xcm, zeros1, N, E):
    body = functools.partial(_nl1_body, N, E)
    return pl.kernel(
        body,
        out_type=(
            jax.ShapeDtypeStruct((N,), jnp.float32),
            jax.ShapeDtypeStruct((E,), jnp.float32),
            jax.ShapeDtypeStruct((NC * 3 * N,), jnp.float32),
        ),
        mesh=_mesh(),
        compiler_params=_SC_PARAMS,
        scratch_types=[
            pltpu.VMEM((N,), jnp.float32),
            pltpu.VMEM((CHM,), jnp.int32),
            pltpu.VMEM((CHM,), jnp.int32),
            pltpu.VMEM((CHM,), jnp.float32),
            pltpu.VMEM((CHM,), jnp.float32),
            pltpu.VMEM_SHARED((N,), jnp.float32),
        ],
    )(src, dst, ew, xcm, zeros1)


def _h1_body(a1p_ref, x_ref, dsq3_ref, w_ref, b_ref, o_ref):
    a1 = a1p_ref[0] + a1p_ref[1] + x_ref[...] * dsq3_ref[...]
    h1 = jnp.dot(a1, w_ref[...], preferred_element_type=jnp.float32)
    h1 = jnp.maximum(h1 + b_ref[...], 0.0)
    o_ref[0] = h1[:, :16]
    o_ref[1] = h1[:, 16:]


def _h1_call(a1p, x, dsq3, W1, b1, N, R):
    ng = N // R
    return pl.pallas_call(
        _h1_body,
        grid=(ng,),
        in_specs=[
            pl.BlockSpec((NC, R, 3), lambda i: (0, i, 0)),
            pl.BlockSpec((R, 3), lambda i: (i, 0)),
            pl.BlockSpec((R, 3), lambda i: (i, 0)),
            pl.BlockSpec((3, 32), lambda i: (0, 0)),
            pl.BlockSpec((1, 32), lambda i: (0, 0)),
        ],
        out_specs=pl.BlockSpec((NC, R, 16), lambda i: (0, i, 0)),
        out_shape=jax.ShapeDtypeStruct((NC, N, 16), jnp.float32),
    )(a1p, x, dsq3, W1, b1)


def _l2_body(N, E, src_hbm, dst_hbm, nrm_hbm, h1f_hbm, zeros16_hbm,
             a2_hbm, s1_v, s2_v, d1_v, d2_v, nrm_v, rows_v, a2_sh):
    c = lax.axis_index("c")
    s = lax.axis_index("s")
    eps = E // NS
    nchunks = eps // CH
    coff = c * N
    hh = CH // 2
    rc = 1000
    nz = N // ZW

    @pl.when(s < ZW)
    def _():
        pltpu.sync_copy(zeros16_hbm, rows_v.at[pl.ds(0, rc)])

        def zit(j, _):
            pltpu.sync_copy(rows_v.at[pl.ds(0, rc)],
                            a2_sh.at[pl.ds(s * nz + j * rc, rc)])
            return 0

        lax.fori_loop(0, nz // rc, zit, 0)

    plsc.subcore_barrier()

    h0, h1 = 1008, CH - 1008

    def chunk(k, _):
        base = s * eps + k * CH
        pltpu.sync_copy(src_hbm.at[pl.ds(base, h0)], s1_v)
        pltpu.sync_copy(src_hbm.at[pl.ds(base + h0, h1)], s2_v)
        pltpu.sync_copy(dst_hbm.at[pl.ds(base, h0)], d1_v)
        pltpu.sync_copy(dst_hbm.at[pl.ds(base + h0, h1)], d2_v)
        pltpu.sync_copy(nrm_hbm.at[pl.ds(base, CH)], nrm_v)

        def off1_it(i, _):
            sl = pl.ds(i * 16, 16)
            s1_v[sl] = s1_v[sl] + coff
            return 0

        def off2_it(i, _):
            sl = pl.ds(i * 16, 16)
            s2_v[sl] = s2_v[sl] + coff
            return 0

        lax.fori_loop(0, h0 // 16, off1_it, 0, unroll=4)
        lax.fori_loop(0, h1 // 16, off2_it, 0, unroll=4)

        for noff, hlen, sv, dv in ((0, h0, s1_v, d1_v),
                                   (h0, h1, s2_v, d2_v)):
            if hlen == h0:
                pltpu.sync_copy(h1f_hbm.at[sv], rows_v)
            else:
                pltpu.sync_copy(h1f_hbm.at[sv], rows_v.at[pl.ds(0, h1)])

            def scale_blk(i, _, noff=noff):
                nrm16 = nrm_v[pl.ds(noff + i * 16, 16)]
                for kk in range(16):
                    r = i * 16 + kk
                    rows_v[r] = rows_v[r] * nrm16[kk]
                return 0

            lax.fori_loop(0, hlen // 16, scale_blk, 0)
            if hlen == h0:
                pltpu.sync_copy(rows_v, a2_sh.at[dv], add=True)
            else:
                pltpu.sync_copy(rows_v.at[pl.ds(0, h1)],
                                a2_sh.at[dv], add=True)
        return 0

    lax.fori_loop(0, nchunks, chunk, 0)
    plsc.subcore_barrier()

    @pl.when(s < ZW)
    def _():
        def oit(j, _):
            off = s * nz + j * rc
            pltpu.sync_copy(a2_sh.at[pl.ds(off, rc)], rows_v.at[pl.ds(0, rc)])
            pltpu.sync_copy(rows_v.at[pl.ds(0, rc)],
                            a2_hbm.at[c, pl.ds(off, rc)])
            return 0

        lax.fori_loop(0, nz // rc, oit, 0)


def _l2_call(src, dst, nrm, h1f, zeros16, N, E):
    body = functools.partial(_l2_body, N, E)
    return pl.kernel(
        body,
        out_type=jax.ShapeDtypeStruct((NC, N, 16), jnp.float32),
        mesh=_mesh(),
        compiler_params=_SC_PARAMS,
        scratch_types=[
            pltpu.VMEM((1008,), jnp.int32),
            pltpu.VMEM((992,), jnp.int32),
            pltpu.VMEM((1008,), jnp.int32),
            pltpu.VMEM((992,), jnp.int32),
            pltpu.VMEM((CH,), jnp.float32),
            pltpu.VMEM((1008, 16), jnp.float32),
            pltpu.VMEM_SHARED((N, 16), jnp.float32),
        ],
    )(src, dst, nrm, h1f, zeros16)


def _out_body(ng, ninv, a2_ref, h1_ref, dsq16_ref, w2_ref, b2_ref, wr_ref,
              br_ref, o_ref, acc):
    i = pl.program_id(0)

    @pl.when(i == 0)
    def _():
        acc[...] = jnp.zeros_like(acc)

    dsq16 = dsq16_ref[...]
    a2lo = a2_ref[0] + h1_ref[0] * dsq16
    a2hi = a2_ref[1] + h1_ref[1] * dsq16
    a2f = jnp.concatenate([a2lo, a2hi], axis=1)
    h2 = jnp.dot(a2f, w2_ref[...], preferred_element_type=jnp.float32)
    h2 = jnp.maximum(h2 + b2_ref[...], 0.0)
    acc[...] += jnp.sum(h2, axis=0, keepdims=True)

    @pl.when(i == ng - 1)
    def _():
        hg = acc[...] * ninv
        o_ref[...] = jnp.dot(hg, wr_ref[...],
                             preferred_element_type=jnp.float32) + br_ref[...]


def _out_call(a2, h1, dsq16, W2, b2, Wr, br, N, R):
    ng = N // R
    body = functools.partial(_out_body, ng, 1.0 / N)
    return pl.pallas_call(
        body,
        grid=(ng,),
        in_specs=[
            pl.BlockSpec((NC, R, 16), lambda i: (0, i, 0)),
            pl.BlockSpec((NC, R, 16), lambda i: (0, i, 0)),
            pl.BlockSpec((R, 16), lambda i: (i, 0)),
            pl.BlockSpec((32, 32), lambda i: (0, 0)),
            pl.BlockSpec((1, 32), lambda i: (0, 0)),
            pl.BlockSpec((32, 1), lambda i: (0, 0)),
            pl.BlockSpec((1, 1), lambda i: (0, 0)),
        ],
        out_specs=pl.BlockSpec((1, 1), lambda i: (0, 0)),
        out_shape=jax.ShapeDtypeStruct((1, 1), jnp.float32),
        scratch_shapes=[pltpu.VMEM((1, 32), jnp.float32)],
    )(a2, h1, dsq16, W2, b2, Wr, br)


def kernel(x, edge_index, edge_weight, W1, b1, W2, b2, Wr, br):
    N = x.shape[0]
    E = edge_weight.shape[0]
    R = 2000
    assert E % (NW * CH) == 0 and N % (ZW * 8) == 0 and N % R == 0

    f32 = jnp.float32
    src = edge_index[0]
    dst = edge_index[1]
    xcm = jnp.transpose(x).reshape(3 * N)
    zeros1 = jnp.zeros((CHM,), f32)
    zeros16 = jnp.zeros((1000, 16), f32)

    dinv, norm, a1p = _nl1_call(src, dst, edge_weight, xcm, zeros1, N, E)
    dsq = dinv * dinv
    dsq3 = jnp.broadcast_to(dsq[:, None], (N, 3))
    dsq16 = jnp.broadcast_to(dsq[:, None], (N, 16))
    a1pt = jnp.transpose(a1p.reshape(NC, 3, N), (0, 2, 1))
    h1 = _h1_call(a1pt, x, dsq3, W1, b1.reshape(1, 32), N, R)
    h1f = h1.reshape(NC * N, 16)
    a2 = _l2_call(src, dst, norm, h1f, zeros16, N, E)
    res = _out_call(a2, h1, dsq16, W2, b2.reshape(1, 32), Wr,
                    br.reshape(1, 1), N, R)
    return res.reshape(1)

# --- scband reference (transcript-rebuilt; emitter-appended) ---
"""Pipeline reference for scband-gcnregressor-78039555768961 (READ-ONLY COPY).

The authoritative reference and input builder live on the scoring server;
editing this copy changes nothing except your own understanding.
"""

import jax, jax.numpy as jnp
import numpy as np


def gcn_conv(x, src, dst, ew, W, b, N):
    # PyG GCNConv semantics: lin (no bias) -> add self loops (weight 1) ->
    # symmetric normalization D^{-1/2} A_hat D^{-1/2} -> scatter-add -> + bias
    loop = jnp.arange(N, dtype=src.dtype)
    s = jnp.concatenate([src, loop])
    d = jnp.concatenate([dst, loop])
    w = jnp.concatenate([ew, jnp.ones((N,), dtype=ew.dtype)])
    deg = jax.ops.segment_sum(w, d, num_segments=N)
    dinv = jnp.where(deg > 0, deg ** -0.5, 0.0)
    norm = dinv[s] * w * dinv[d]
    h = x @ W
    msg = h[s] * norm[:, None]
    out = jax.ops.segment_sum(msg, d, num_segments=N)
    return out + b


def setup_inputs(seed: int = 0) -> dict:
    key = jax.random.key(seed)
    ks = jax.random.split(key, 9)
    N = 100000
    E = 1600000
    x = jax.random.normal(ks[0], (N, 3), dtype=jnp.float32)
    edge_index = jax.random.randint(ks[1], (2, E), 0, N, dtype=jnp.int32)
    edge_weight = jax.random.uniform(ks[2], (E,), dtype=jnp.float32)
    W1 = jax.random.normal(ks[3], (3, 32), dtype=jnp.float32) * (1.0 / np.sqrt(3.0))
    b1 = jnp.zeros((32,), dtype=jnp.float32)
    W2 = jax.random.normal(ks[4], (32, 32), dtype=jnp.float32) * (1.0 / np.sqrt(32.0))
    b2 = jnp.zeros((32,), dtype=jnp.float32)
    Wr = jax.random.normal(ks[5], (32, 1), dtype=jnp.float32) * (1.0 / np.sqrt(32.0))
    br = jnp.zeros((1,), dtype=jnp.float32)
    return {"x": x, "edge_index": edge_index, "edge_weight": edge_weight,
            "W1": W1, "b1": b1, "W2": W2, "b2": b2, "Wr": Wr, "br": br}


def reference(x, edge_index, edge_weight, W1, b1, W2, b2, Wr, br):
    N = x.shape[0]
    src = edge_index[0]
    dst = edge_index[1]
    h = jax.nn.relu(gcn_conv(x, src, dst, edge_weight, W1, b1, N))
    h = jax.nn.relu(gcn_conv(h, src, dst, edge_weight, W2, b2, N))
    # global_mean_pool with batch == zeros -> single-graph mean over nodes
    hg = jnp.mean(h, axis=0, keepdims=True)
    out = hg @ Wr + br
    return out.squeeze(-1)

if __name__ == "__main__":
    import jax
    _d = setup_inputs()
    print(jax.jit(kernel)(*tuple(_d.values())))

</pallas_src>

<mosaic_0001>
#map = affine_map<(d0, d1) -> (0)>
module attributes {stable_mosaic.version = 14 : i64} {
  func.func @_nl1_body(%arg0: i32, %arg1: i32, %arg2: memref<1600000xi32, #tpu.memory_space<hbm>>, %arg3: memref<1600000xi32, #tpu.memory_space<hbm>>, %arg4: memref<1600000xf32, #tpu.memory_space<hbm>>, %arg5: memref<300000xf32, #tpu.memory_space<hbm>>, %arg6: memref<2000xf32, #tpu.memory_space<hbm>>, %arg7: memref<100000xf32, #tpu.memory_space<hbm>>, %arg8: memref<1600000xf32, #tpu.memory_space<hbm>>, %arg9: memref<600000xf32, #tpu.memory_space<hbm>>, %arg10: memref<100000xf32, #tpu.memory_space<vmem>>, %arg11: memref<2000xi32, #tpu.memory_space<vmem>>, %arg12: memref<2000xi32, #tpu.memory_space<vmem>>, %arg13: memref<2000xf32, #tpu.memory_space<vmem>>, %arg14: memref<2000xf32, #tpu.memory_space<vmem>>, %arg15: memref<100000xf32, #tpu.memory_space<vmem_shared>>) attributes {dimension_semantics = [#tpu.dimension_semantics<core_parallel>, #tpu.dimension_semantics<subcore_parallel>], iteration_bounds = array<i64: 2, 16>, scalar_prefetch = 0 : i64, scratch_operands = 6 : i64, tpu.core_type = #tpu.core_type<sc_vector_subcore>, window_params = [{transform_indices = #map}, {transform_indices = #map}, {transform_indices = #map}, {transform_indices = #map}, {transform_indices = #map}, {transform_indices = #map}, {transform_indices = #map}, {transform_indices = #map}]} {
    %mul3A = arith.constant 16 : i32
    %mul3A_0 = arith.muli %arg0, %mul3A : i32
    %add3A = arith.addi %mul3A_0, %arg1 : i32
    %lt3A = arith.constant 10 : i32
    %lt3A_1 = arith.cmpi slt, %arg1, %lt3A : i32
    %convert_element_type3A = arith.extui %lt3A_1 : i1 to i32
    %cond3A = arith.constant 0 : i32
    %cond3A_2 = arith.cmpi ne, %convert_element_type3A, %cond3A : i32
    scf.if %cond3A_2 {
      "tpu.region"() ({
        %run_scoped3A = tpu.sem_alloc : memref<!tpu.dma_semaphore, #tpu.memory_space<semaphore_mem>>
        tpu.enqueue_dma source(%arg6 : memref<2000xf32, #tpu.memory_space<hbm>>) target(%arg14 : memref<2000xf32, #tpu.memory_space<vmem>>) target_semaphore(%run_scoped3A : memref<!tpu.dma_semaphore, #tpu.memory_space<semaphore_mem>>)
        tpu.wait_dma2 semaphore(%run_scoped3A : memref<!tpu.dma_semaphore, #tpu.memory_space<semaphore_mem>>) src(%arg6 : memref<2000xf32, #tpu.memory_space<hbm>>) dst(%arg14 : memref<2000xf32, #tpu.memory_space<vmem>>)
        tpu.yield
      }) : () -> ()
      %scan3A_83 = arith.constant 0 : i32
      %scan3A_84 = arith.constant 0 : i32
      %scan3A_85 = arith.constant 5 : i32
      %scan3A_86 = arith.addi %scan3A_84, %scan3A_85 : i32
      %scan3A_87 = arith.constant 1 : i32
      %scan3A_88 = scf.for %scan3A_90 = %scan3A_84 to %scan3A_86 step %scan3A_87 iter_args(%scan3A_91 = %scan3A_83) -> (i32)  : i32 {
        %mul3A_92 = arith.constant 10000 : i32
        %mul3A_93 = arith.muli %arg1, %mul3A_92 : i32
        %mul3A_94 = arith.constant 2000 : i32
        %mul3A_95 = arith.muli %scan3A_90, %mul3A_94 : i32
        %add3A_96 = arith.addi %mul3A_93, %mul3A_95 : i32
        "tpu.region"() ({
          %run_scoped3A = tpu.sem_alloc : memref<!tpu.dma_semaphore, #tpu.memory_space<semaphore_mem>>
          %dma_start3A = tpu.memref_slice %arg15[%add3A_96] : memref<100000xf32, #tpu.memory_space<vmem_shared>> -> memref<2000xf32, #tpu.memory_space<vmem_shared>>
          %dma_start3A_98 = tpu.memref_slice %arg15[%add3A_96] : memref<100000xf32, #tpu.memory_space<vmem_shared>> -> memref<2000xf32, #tpu.memory_space<vmem_shared>>
          tpu.enqueue_dma source(%arg14 : memref<2000xf32, #tpu.memory_space<vmem>>) target(%dma_start3A_98 : memref<2000xf32, #tpu.memory_space<vmem_shared>>) target_semaphore(%run_scoped3A : memref<!tpu.dma_semaphore, #tpu.memory_space<semaphore_mem>>)
          %dma_wait3A = tpu.memref_slice %arg15[%add3A_96] : memref<100000xf32, #tpu.memory_space<vmem_shared>> -> memref<2000xf32, #tpu.memory_space<vmem_shared>>
          %dma_wait3A_99 = tpu.memref_slice %arg15[%add3A_96] : memref<100000xf32, #tpu.memory_space<vmem_shared>> -> memref<2000xf32, #tpu.memory_space<vmem_shared>>
          tpu.wait_dma2 semaphore(%run_scoped3A : memref<!tpu.dma_semaphore, #tpu.memory_space<semaphore_mem>>) src(%arg14 : memref<2000xf32, #tpu.memory_space<vmem>>) dst(%dma_wait3A_99 : memref<2000xf32, #tpu.memory_space<vmem_shared>>)
          tpu.yield
        }) : () -> ()
        %scan3A_97 = arith.constant 0 : i32
        scf.yield %scan3A_97 : i32
      }
      %scan3A_89 = arith.constant 5 : i32
    } else {
    }
    %barrier3A = arith.constant 0 : index
    tpu.barrier barrier_id(%barrier3A)
    %scan3A = arith.constant 0 : i32
    %scan3A_3 = arith.constant 0 : i32
    %scan3A_4 = arith.constant 50 : i32
    %scan3A_5 = arith.addi %scan3A_3, %scan3A_4 : i32
    %scan3A_6 = arith.constant 1 : i32
    %scan3A_7 = scf.for %scan3A_83 = %scan3A_3 to %scan3A_5 step %scan3A_6 iter_args(%scan3A_84 = %scan3A) -> (i32)  : i32 {
      %mul3A_85 = arith.constant 100000 : i32
      %mul3A_86 = arith.muli %arg1, %mul3A_85 : i32
      %mul3A_87 = arith.constant 2000 : i32
      %mul3A_88 = arith.muli %scan3A_83, %mul3A_87 : i32
      %add3A_89 = arith.addi %mul3A_86, %mul3A_88 : i32
      "tpu.region"() ({
        %run_scoped3A = tpu.sem_alloc : memref<!tpu.dma_semaphore, #tpu.memory_space<semaphore_mem>>
        %dma_start3A = tpu.memref_slice %arg3[%add3A_89] : memref<1600000xi32, #tpu.memory_space<hbm>> -> memref<2000xi32, #tpu.memory_space<hbm>>
        %dma_start3A_91 = tpu.memref_slice %arg3[%add3A_89] : memref<1600000xi32, #tpu.memory_space<hbm>> -> memref<2000xi32, #tpu.memory_space<hbm>>
        tpu.enqueue_dma source(%dma_start3A_91 : memref<2000xi32, #tpu.memory_space<hbm>>) target(%arg12 : memref<2000xi32, #tpu.memory_space<vmem>>) target_semaphore(%run_scoped3A : memref<!tpu.dma_semaphore, #tpu.memory_space<semaphore_mem>>)
        %dma_wait3A = tpu.memref_slice %arg3[%add3A_89] : memref<1600000xi32, #tpu.memory_space<hbm>> -> memref<2000xi32, #tpu.memory_space<hbm>>
        %dma_wait3A_92 = tpu.memref_slice %arg3[%add3A_89] : memref<1600000xi32, #tpu.memory_space<hbm>> -> memref<2000xi32, #tpu.memory_space<hbm>>
        tpu.wait_dma2 semaphore(%run_scoped3A : memref<!tpu.dma_semaphore, #tpu.memory_space<semaphore_mem>>) src(%dma_wait3A_92 : memref<2000xi32, #tpu.memory_space<hbm>>) dst(%arg12 : memref<2000xi32, #tpu.memory_space<vmem>>)
        tpu.yield
      }) : () -> ()
      "tpu.region"() ({
        %run_scoped3A = tpu.sem_alloc : memref<!tpu.dma_semaphore, #tpu.memory_space<semaphore_mem>>
        %dma_start3A = tpu.memref_slice %arg4[%add3A_89] : memref<1600000xf32, #tpu.memory_space<hbm>> -> memref<2000xf32, #tpu.memory_space<hbm>>
        %dma_start3A_91 = tpu.memref_slice %arg4[%add3A_89] : memref<1600000xf32, #tpu.memory_space<hbm>> -> memref<2000xf32, #tpu.memory_space<hbm>>
        tpu.enqueue_dma source(%dma_start3A_91 : memref<2000xf32, #tpu.memory_space<hbm>>) target(%arg14 : memref<2000xf32, #tpu.memory_space<vmem>>) target_semaphore(%run_scoped3A : memref<!tpu.dma_semaphore, #tpu.memory_space<semaphore_mem>>)
        %dma_wait3A = tpu.memref_slice %arg4[%add3A_89] : memref<1600000xf32, #tpu.memory_space<hbm>> -> memref<2000xf32, #tpu.memory_space<hbm>>
        %dma_wait3A_92 = tpu.memref_slice %arg4[%add3A_89] : memref<1600000xf32, #tpu.memory_space<hbm>> -> memref<2000xf32, #tpu.memory_space<hbm>>
        tpu.wait_dma2 semaphore(%run_scoped3A : memref<!tpu.dma_semaphore, #tpu.memory_space<semaphore_mem>>) src(%dma_wait3A_92 : memref<2000xf32, #tpu.memory_space<hbm>>) dst(%arg14 : memref<2000xf32, #tpu.memory_space<vmem>>)
        tpu.yield
      }) : () -> ()
      "tpu.region"() ({
        %run_scoped3A = tpu.sem_alloc : memref<!tpu.dma_semaphore, #tpu.memory_space<semaphore_mem>>
        %dma_start3A = arith.constant 0 : i32
        %dma_start3A_91 = tpu.memref_slice %arg15[%dma_start3A] : memref<100000xf32, #tpu.memory_space<vmem_shared>> -> memref<100000xf32, #tpu.memory_space<vmem_shared>>
        tpu.enqueue_indirect_dma source(%arg14 : memref<2000xf32, #tpu.memory_space<vmem>>) target(%dma_start3A_91 : memref<100000xf32, #tpu.memory_space<vmem_shared>>) offsets(%arg12 : memref<2000xi32, #tpu.memory_space<vmem>>) semaphore(%run_scoped3A : memref<!tpu.dma_semaphore, #tpu.memory_space<semaphore_mem>>) {add = true}
        %dma_wait3A = arith.constant 0 : i32
        %dma_wait3A_92 = tpu.memref_slice %arg15[%dma_wait3A] : memref<100000xf32, #tpu.memory_space<vmem_shared>> -> memref<100000xf32, #tpu.memory_space<vmem_shared>>
        tpu.wait_indirect_dma semaphore(%run_scoped3A : memref<!tpu.dma_semaphore, #tpu.memory_space<semaphore_mem>>) src(%arg14 : memref<2000xf32, #tpu.memory_space<vmem>>) dst(%dma_wait3A_92 : memref<100000xf32, #tpu.memory_space<vmem_shared>>)
        tpu.yield
      }) : () -> ()
      %scan3A_90 = arith.constant 0 : i32
      scf.yield %scan3A_90 : i32
    }
    %scan3A_8 = arith.constant 50 : i32
    %barrier3A_9 = arith.constant 0 : index
    tpu.barrier barrier_id(%barrier3A_9)
    %lt3A_10 = arith.constant 10 : i32
    %lt3A_11 = arith.cmpi slt, %arg1, %lt3A_10 : i32
    %convert_element_type3A_12 = arith.extui %lt3A_11 : i1 to i32
    %cond3A_13 = arith.constant 0 : i32
    %cond3A_14 = arith.cmpi ne, %convert_element_type3A_12, %cond3A_13 : i32
    scf.if %cond3A_14 {
      %scan3A_83 = arith.constant 0 : i32
      %scan3A_84 = arith.constant 0 : i32
      %scan3A_85 = arith.constant 5 : i32
      %scan3A_86 = arith.addi %scan3A_84, %scan3A_85 : i32
      %scan3A_87 = arith.constant 1 : i32
      %scan3A_88 = scf.for %scan3A_90 = %scan3A_84 to %scan3A_86 step %scan3A_87 iter_args(%scan3A_91 = %scan3A_83) -> (i32)  : i32 {
        %mul3A_92 = arith.constant 10000 : i32
        %mul3A_93 = arith.muli %arg1, %mul3A_92 : i32
        %mul3A_94 = arith.constant 2000 : i32
        %mul3A_95 = arith.muli %scan3A_90, %mul3A_94 : i32
        %add3A_96 = arith.addi %mul3A_93, %mul3A_95 : i32
        "tpu.region"() ({
          %run_scoped3A = tpu.sem_alloc : memref<!tpu.dma_semaphore, #tpu.memory_space<semaphore_mem>>
          %dma_start3A = tpu.memref_slice %arg15[%add3A_96] : memref<100000xf32, #tpu.memory_space<vmem_shared>> -> memref<2000xf32, #tpu.memory_space<vmem_shared>>
          %dma_start3A_149 = tpu.memref_slice %arg15[%add3A_96] : memref<100000xf32, #tpu.memory_space<vmem_shared>> -> memref<2000xf32, #tpu.memory_space<vmem_shared>>
          tpu.enqueue_dma source(%dma_start3A_149 : memref<2000xf32, #tpu.memory_space<vmem_shared>>) target(%arg14 : memref<2000xf32, #tpu.memory_space<vmem>>) target_semaphore(%run_scoped3A : memref<!tpu.dma_semaphore, #tpu.memory_space<semaphore_mem>>)
          %dma_wait3A = tpu.memref_slice %arg15[%add3A_96] : memref<100000xf32, #tpu.memory_space<vmem_shared>> -> memref<2000xf32, #tpu.memory_space<vmem_shared>>
          %dma_wait3A_150 = tpu.memref_slice %arg15[%add3A_96] : memref<100000xf32, #tpu.memory_space<vmem_shared>> -> memref<2000xf32, #tpu.memory_space<vmem_shared>>
          tpu.wait_dma2 semaphore(%run_scoped3A : memref<!tpu.dma_semaphore, #tpu.memory_space<semaphore_mem>>) src(%dma_wait3A_150 : memref<2000xf32, #tpu.memory_space<vmem_shared>>) dst(%arg14 : memref<2000xf32, #tpu.memory_space<vmem>>)
          tpu.yield
        }) : () -> ()
        %scan3A_97 = arith.constant 0 : i32
        %scan3A_98 = arith.constant 0 : i32
        %scan3A_99 = arith.constant 124 : i32
        %scan3A_100 = arith.addi %scan3A_98, %scan3A_99 : i32
        %scan3A_101 = arith.constant 4 : i32
        %scan3A_102 = scf.for %scan3A_149 = %scan3A_98 to %scan3A_100 step %scan3A_101 iter_args(%scan3A_150 = %scan3A_97) -> (i32)  : i32 {
          %mul3A_151 = arith.constant 16 : i32
          %mul3A_152 = arith.muli %scan3A_149, %mul3A_151 : i32
          %get3A_153 = arith.index_cast %mul3A_152 : i32 to index
          %get3A_154 = tpu.vector_load %arg14[%get3A_153] {strides = array<i32>} : memref<2000xf32, #tpu.memory_space<vmem>>, vector<16xf32>,
          %add3A_155 = arith.constant 1.000000e+00 : f32
          %add3A_156 = vector.broadcast %add3A_155 : f32 to vector<16xf32>
          %add3A_157 = arith.addf %get3A_154, %add3A_156 : vector<16xf32>
          %bitcast3A_158 = vector.bitcast %add3A_157 : vector<16xf32> to vector<16xi32>
          %shift_right_arithmetic3A_159 = arith.constant 1 : i32
          %shift_right_arithmetic3A_160 = vector.broadcast %shift_right_arithmetic3A_159 : i32 to vector<16xi32>
          %shift_right_arithmetic3A_161 = arith.shrsi %bitcast3A_158, %shift_right_arithmetic3A_160 : vector<16xi32>
          %sub3A_162 = arith.constant 1597463007 : i32
          %sub3A_163 = vector.broadcast %sub3A_162 : i32 to vector<16xi32>
          %sub3A_164 = arith.subi %sub3A_163, %shift_right_arithmetic3A_161 : vector<16xi32>
          %bitcast3A_165 = vector.bitcast %sub3A_164 : vector<16xi32> to vector<16xf32>
          %mul3A_166 = arith.constant 5.000000e-01 : f32
          %mul3A_167 = vector.broadcast %mul3A_166 : f32 to vector<16xf32>
          %mul3A_168 = arith.mulf %mul3A_167, %add3A_157 : vector<16xf32>
          %mul3A_169 = arith.mulf %mul3A_168, %bitcast3A_165 : vector<16xf32>
          %mul3A_170 = arith.mulf %mul3A_169, %bitcast3A_165 : vector<16xf32>
          %sub3A_171 = arith.constant 1.500000e+00 : f32
          %sub3A_172 = vector.broadcast %sub3A_171 : f32 to vector<16xf32>
          %sub3A_173 = arith.subf %sub3A_172, %mul3A_170 : vector<16xf32>
          %mul3A_174 = arith.mulf %bitcast3A_165, %sub3A_173 : vector<16xf32>
          %mul3A_175 = arith.constant 5.000000e-01 : f32
          %mul3A_176 = vector.broadcast %mul3A_175 : f32 to vector<16xf32>
          %mul3A_177 = arith.mulf %mul3A_176, %add3A_157 : vector<16xf32>
          %mul3A_178 = arith.mulf %mul3A_177, %mul3A_174 : vector<16xf32>
          %mul3A_179 = arith.mulf %mul3A_178, %mul3A_174 : vector<16xf32>
          %sub3A_180 = arith.constant 1.500000e+00 : f32
          %sub3A_181 = vector.broadcast %sub3A_180 : f32 to vector<16xf32>
          %sub3A_182 = arith.subf %sub3A_181, %mul3A_179 : vector<16xf32>
          %mul3A_183 = arith.mulf %mul3A_174, %sub3A_182 : vector<16xf32>
          %mul3A_184 = arith.constant 5.000000e-01 : f32
          %mul3A_185 = vector.broadcast %mul3A_184 : f32 to vector<16xf32>
          %mul3A_186 = arith.mulf %mul3A_185, %add3A_157 : vector<16xf32>
          %mul3A_187 = arith.mulf %mul3A_186, %mul3A_183 : vector<16xf32>
          %mul3A_188 = arith.mulf %mul3A_187, %mul3A_183 : vector<16xf32>
          %sub3A_189 = arith.constant 1.500000e+00 : f32
          %sub3A_190 = vector.broadcast %sub3A_189 : f32 to vector<16xf32>
          %sub3A_191 = arith.subf %sub3A_190, %mul3A_188 : vector<16xf32>
          %mul3A_192 = arith.mulf %mul3A_183, %sub3A_191 : vector<16xf32>
          %gt3A_193 = arith.constant 0.000000e+00 : f32
          %gt3A_194 = vector.broadcast %gt3A_193 : f32 to vector<16xf32>
          %gt3A_195 = arith.cmpf ogt, %add3A_157, %gt3A_194 : vector<16xf32>
          %jit3A_196 = arith.constant 0.000000e+00 : f32
          %broadcast_in_dim3A_197 = vector.broadcast %jit3A_196 : f32 to vector<16xf32>
          %select_n3A_198 = arith.select %gt3A_195, %mul3A_192, %broadcast_in_dim3A_197 : vector<16xi1>, vector<16xf32>
          %swap3A_199 = arith.index_cast %mul3A_152 : i32 to index
          %swap3A_200 = tpu.vector_load %arg14[%swap3A_199] {strides = array<i32>} : memref<2000xf32, #tpu.memory_space<vmem>>, vector<16xf32>,
          tpu.vector_store %arg14[%swap3A_199], %select_n3A_198 {strides = array<i32>} : memref<2000xf32, #tpu.memory_space<vmem>>, vector<16xf32>,
          %scan3A_201 = arith.constant 0 : i32
          %scan3A_202 = arith.constant 1 : i32
          %scan3A_203 = arith.addi %scan3A_149, %scan3A_202 : i32
          %mul3A_204 = arith.constant 16 : i32
          %mul3A_205 = arith.muli %scan3A_203, %mul3A_204 : i32
          %get3A_206 = arith.index_cast %mul3A_205 : i32 to index
          %get3A_207 = tpu.vector_load %arg14[%get3A_206] {strides = array<i32>} : memref<2000xf32, #tpu.memory_space<vmem>>, vector<16xf32>,
          %add3A_208 = arith.constant 1.000000e+00 : f32
          %add3A_209 = vector.broadcast %add3A_208 : f32 to vector<16xf32>
          %add3A_210 = arith.addf %get3A_207, %add3A_209 : vector<16xf32>
          %bitcast3A_211 = vector.bitcast %add3A_210 : vector<16xf32> to vector<16xi32>
          %shift_right_arithmetic3A_212 = arith.constant 1 : i32
          %shift_right_arithmetic3A_213 = vector.broadcast %shift_right_arithmetic3A_212 : i32 to vector<16xi32>
          %shift_right_arithmetic3A_214 = arith.shrsi %bitcast3A_211, %shift_right_arithmetic3A_213 : vector<16xi32>
          %sub3A_215 = arith.constant 1597463007 : i32
          %sub3A_216 = vector.broadcast %sub3A_215 : i32 to vector<16xi32>
          %sub3A_217 = arith.subi %sub3A_216, %shift_right_arithmetic3A_214 : vector<16xi32>
          %bitcast3A_218 = vector.bitcast %sub3A_217 : vector<16xi32> to vector<16xf32>
          %mul3A_219 = arith.constant 5.000000e-01 : f32
          %mul3A_220 = vector.broadcast %mul3A_219 : f32 to vector<16xf32>
          %mul3A_221 = arith.mulf %mul3A_220, %add3A_210 : vector<16xf32>
          %mul3A_222 = arith.mulf %mul3A_221, %bitcast3A_218 : vector<16xf32>
          %mul3A_223 = arith.mulf %mul3A_222, %bitcast3A_218 : vector<16xf32>
          %sub3A_224 = arith.constant 1.500000e+00 : f32
          %sub3A_225 = vector.broadcast %sub3A_224 : f32 to vector<16xf32>
          %sub3A_226 = arith.subf %sub3A_225, %mul3A_223 : vector<16xf32>
          %mul3A_227 = arith.mulf %bitcast3A_218, %sub3A_226 : vector<16xf32>
          %mul3A_228 = arith.constant 5.000000e-01 : f32
          %mul3A_229 = vector.broadcast %mul3A_228 : f32 to vector<16xf32>
          %mul3A_230 = arith.mulf %mul3A_229, %add3A_210 : vector<16xf32>
          %mul3A_231 = arith.mulf %mul3A_230, %mul3A_227 : vector<16xf32>
          %mul3A_232 = arith.mulf %mul3A_231, %mul3A_227 : vector<16xf32>
          %sub3A_233 = arith.constant 1.500000e+00 : f32
          %sub3A_234 = vector.broadcast %sub3A_233 : f32 to vector<16xf32>
          %sub3A_235 = arith.subf %sub3A_234, %mul3A_232 : vector<16xf32>
          %mul3A_236 = arith.mulf %mul3A_227, %sub3A_235 : vector<16xf32>
          %mul3A_237 = arith.constant 5.000000e-01 : f32
          %mul3A_238 = vector.broadcast %mul3A_237 : f32 to vector<16xf32>
          %mul3A_239 = arith.mulf %mul3A_238, %add3A_210 : vector<16xf32>
          %mul3A_240 = arith.mulf %mul3A_239, %mul3A_236 : vector<16xf32>
          %mul3A_241 = arith.mulf %mul3A_240, %mul3A_236 : vector<16xf32>
          %sub3A_242 = arith.constant 1.500000e+00 : f32
          %sub3A_243 = vector.broadcast %sub3A_242 : f32 to vector<16xf32>
          %sub3A_244 = arith.subf %sub3A_243, %mul3A_241 : vector<16xf32>
          %mul3A_245 = arith.mulf %mul3A_236, %sub3A_244 : vector<16xf32>
          %gt3A_246 = arith.constant 0.000000e+00 : f32
          %gt3A_247 = vector.broadcast %gt3A_246 : f32 to vector<16xf32>
          %gt3A_248 = arith.cmpf ogt, %add3A_210, %gt3A_247 : vector<16xf32>
          %jit3A_249 = arith.constant 0.000000e+00 : f32
          %broadcast_in_dim3A_250 = vector.broadcast %jit3A_249 : f32 to vector<16xf32>
          %select_n3A_251 = arith.select %gt3A_248, %mul3A_245, %broadcast_in_dim3A_250 : vector<16xi1>, vector<16xf32>
          %swap3A_252 = arith.index_cast %mul3A_205 : i32 to index
          %swap3A_253 = tpu.vector_load %arg14[%swap3A_252] {strides = array<i32>} : memref<2000xf32, #tpu.memory_space<vmem>>, vector<16xf32>,
          tpu.vector_store %arg14[%swap3A_252], %select_n3A_251 {strides = array<i32>} : memref<2000xf32, #tpu.memory_space<vmem>>, vector<16xf32>,
          %scan3A_254 = arith.constant 0 : i32
          %scan3A_255 = arith.constant 2 : i32
          %scan3A_256 = arith.addi %scan3A_149, %scan3A_255 : i32
          %mul3A_257 = arith.constant 16 : i32
          %mul3A_258 = arith.muli %scan3A_256, %mul3A_257 : i32
          %get3A_259 = arith.index_cast %mul3A_258 : i32 to index
          %get3A_260 = tpu.vector_load %arg14[%get3A_259] {strides = array<i32>} : memref<2000xf32, #tpu.memory_space<vmem>>, vector<16xf32>,
          %add3A_261 = arith.constant 1.000000e+00 : f32
          %add3A_262 = vector.broadcast %add3A_261 : f32 to vector<16xf32>
          %add3A_263 = arith.addf %get3A_260, %add3A_262 : vector<16xf32>
          %bitcast3A_264 = vector.bitcast %add3A_263 : vector<16xf32> to vector<16xi32>
          %shift_right_arithmetic3A_265 = arith.constant 1 : i32
          %shift_right_arithmetic3A_266 = vector.broadcast %shift_right_arithmetic3A_265 : i32 to vector<16xi32>
          %shift_right_arithmetic3A_267 = arith.shrsi %bitcast3A_264, %shift_right_arithmetic3A_266 : vector<16xi32>
          %sub3A_268 = arith.constant 1597463007 : i32
          %sub3A_269 = vector.broadcast %sub3A_268 : i32 to vector<16xi32>
          %sub3A_270 = arith.subi %sub3A_269, %shift_right_arithmetic3A_267 : vector<16xi32>
          %bitcast3A_271 = vector.bitcast %sub3A_270 : vector<16xi32> to vector<16xf32>
          %mul3A_272 = arith.constant 5.000000e-01 : f32
          %mul3A_273 = vector.broadcast %mul3A_272 : f32 to vector<16xf32>
          %mul3A_274 = arith.mulf %mul3A_273, %add3A_263 : vector<16xf32>
          %mul3A_275 = arith.mulf %mul3A_274, %bitcast3A_271 : vector<16xf32>
          %mul3A_276 = arith.mulf %mul3A_275, %bitcast3A_271 : vector<16xf32>
          %sub3A_277 = arith.constant 1.500000e+00 : f32
          %sub3A_278 = vector.broadcast %sub3A_277 : f32 to vector<16xf32>
          %sub3A_279 = arith.subf %sub3A_278, %mul3A_276 : vector<16xf32>
          %mul3A_280 = arith.mulf %bitcast3A_271, %sub3A_279 : vector<16xf32>
          %mul3A_281 = arith.constant 5.000000e-01 : f32
          %mul3A_282 = vector.broadcast %mul3A_281 : f32 to vector<16xf32>
          %mul3A_283 = arith.mulf %mul3A_282, %add3A_263 : vector<16xf32>
          %mul3A_284 = arith.mulf %mul3A_283, %mul3A_280 : vector<16xf32>
          %mul3A_285 = arith.mulf %mul3A_284, %mul3A_280 : vector<16xf32>
          %sub3A_286 = arith.constant 1.500000e+00 : f32
          %sub3A_287 = vector.broadcast %sub3A_286 : f32 to vector<16xf32>
          %sub3A_288 = arith.subf %sub3A_287, %mul3A_285 : vector<16xf32>
          %mul3A_289 = arith.mulf %mul3A_280, %sub3A_288 : vector<16xf32>
          %mul3A_290 = arith.constant 5.000000e-01 : f32
          %mul3A_291 = vector.broadcast %mul3A_290 : f32 to vector<16xf32>
          %mul3A_292 = arith.mulf %mul3A_291, %add3A_263 : vector<16xf32>
          %mul3A_293 = arith.mulf %mul3A_292, %mul3A_289 : vector<16xf32>
          %mul3A_294 = arith.mulf %mul3A_293, %mul3A_289 : vector<16xf32>
          %sub3A_295 = arith.constant 1.500000e+00 : f32
          %sub3A_296 = vector.broadcast %sub3A_295 : f32 to vector<16xf32>
          %sub3A_297 = arith.subf %sub3A_296, %mul3A_294 : vector<16xf32>
          %mul3A_298 = arith.mulf %mul3A_289, %sub3A_297 : vector<16xf32>
          %gt3A_299 = arith.constant 0.000000e+00 : f32
          %gt3A_300 = vector.broadcast %gt3A_299 : f32 to vector<16xf32>
          %gt3A_301 = arith.cmpf ogt, %add3A_263, %gt3A_300 : vector<16xf32>
          %jit3A_302 = arith.constant 0.000000e+00 : f32
          %broadcast_in_dim3A_303 = vector.broadcast %jit3A_302 : f32 to vector<16xf32>
          %select_n3A_304 = arith.select %gt3A_301, %mul3A_298, %broadcast_in_dim3A_303 : vector<16xi1>, vector<16xf32>
          %swap3A_305 = arith.index_cast %mul3A_258 : i32 to index
          %swap3A_306 = tpu.vector_load %arg14[%swap3A_305] {strides = array<i32>} : memref<2000xf32, #tpu.memory_space<vmem>>, vector<16xf32>,
          tpu.vector_store %arg14[%swap3A_305], %select_n3A_304 {strides = array<i32>} : memref<2000xf32, #tpu.memory_space<vmem>>, vector<16xf32>,
          %scan3A_307 = arith.constant 0 : i32
          %scan3A_308 = arith.constant 3 : i32
          %scan3A_309 = arith.addi %scan3A_149, %scan3A_308 : i32
          %mul3A_310 = arith.constant 16 : i32
          %mul3A_311 = arith.muli %scan3A_309, %mul3A_310 : i32
          %get3A_312 = arith.index_cast %mul3A_311 : i32 to index
          %get3A_313 = tpu.vector_load %arg14[%get3A_312] {strides = array<i32>} : memref<2000xf32, #tpu.memory_space<vmem>>, vector<16xf32>,
          %add3A_314 = arith.constant 1.000000e+00 : f32
          %add3A_315 = vector.broadcast %add3A_314 : f32 to vector<16xf32>
          %add3A_316 = arith.addf %get3A_313, %add3A_315 : vector<16xf32>
          %bitcast3A_317 = vector.bitcast %add3A_316 : vector<16xf32> to vector<16xi32>
          %shift_right_arithmetic3A_318 = arith.constant 1 : i32
          %shift_right_arithmetic3A_319 = vector.broadcast %shift_right_arithmetic3A_318 : i32 to vector<16xi32>
          %shift_right_arithmetic3A_320 = arith.shrsi %bitcast3A_317, %shift_right_arithmetic3A_319 : vector<16xi32>
          %sub3A_321 = arith.constant 1597463007 : i32
          %sub3A_322 = vector.broadcast %sub3A_321 : i32 to vector<16xi32>
          %sub3A_323 = arith.subi %sub3A_322, %shift_right_arithmetic3A_320 : vector<16xi32>
          %bitcast3A_324 = vector.bitcast %sub3A_323 : vector<16xi32> to vector<16xf32>
          %mul3A_325 = arith.constant 5.000000e-01 : f32
          %mul3A_326 = vector.broadcast %mul3A_325 : f32 to vector<16xf32>
          %mul3A_327 = arith.mulf %mul3A_326, %add3A_316 : vector<16xf32>
          %mul3A_328 = arith.mulf %mul3A_327, %bitcast3A_324 : vector<16xf32>
          %mul3A_329 = arith.mulf %mul3A_328, %bitcast3A_324 : vector<16xf32>
          %sub3A_330 = arith.constant 1.500000e+00 : f32
          %sub3A_331 = vector.broadcast %sub3A_330 : f32 to vector<16xf32>
          %sub3A_332 = arith.subf %sub3A_331, %mul3A_329 : vector<16xf32>
          %mul3A_333 = arith.mulf %bitcast3A_324, %sub3A_332 : vector<16xf32>
          %mul3A_334 = arith.constant 5.000000e-01 : f32
          %mul3A_335 = vector.broadcast %mul3A_334 : f32 to vector<16xf32>
          %mul3A_336 = arith.mulf %mul3A_335, %add3A_316 : vector<16xf32>
          %mul3A_337 = arith.mulf %mul3A_336, %mul3A_333 : vector<16xf32>
          %mul3A_338 = arith.mulf %mul3A_337, %mul3A_333 : vector<16xf32>
          %sub3A_339 = arith.constant 1.500000e+00 : f32
          %sub3A_340 = vector.broadcast %sub3A_339 : f32 to vector<16xf32>
          %sub3A_341 = arith.subf %sub3A_340, %mul3A_338 : vector<16xf32>
          %mul3A_342 = arith.mulf %mul3A_333, %sub3A_341 : vector<16xf32>
          %mul3A_343 = arith.constant 5.000000e-01 : f32
          %mul3A_344 = vector.broadcast %mul3A_343 : f32 to vector<16xf32>
          %mul3A_345 = arith.mulf %mul3A_344, %add3A_316 : vector<16xf32>
          %mul3A_346 = arith.mulf %mul3A_345, %mul3A_342 : vector<16xf32>
          %mul3A_347 = arith.mulf %mul3A_346, %mul3A_342 : vector<16xf32>
          %sub3A_348 = arith.constant 1.500000e+00 : f32
          %sub3A_349 = vector.broadcast %sub3A_348 : f32 to vector<16xf32>
          %sub3A_350 = arith.subf %sub3A_349, %mul3A_347 : vector<16xf32>
          %mul3A_351 = arith.mulf %mul3A_342, %sub3A_350 : vector<16xf32>
          %gt3A_352 = arith.constant 0.000000e+00 : f32
          %gt3A_353 = vector.broadcast %gt3A_352 : f32 to vector<16xf32>
          %gt3A_354 = arith.cmpf ogt, %add3A_316, %gt3A_353 : vector<16xf32>
          %jit3A_355 = arith.constant 0.000000e+00 : f32
          %broadcast_in_dim3A_356 = vector.broadcast %jit3A_355 : f32 to vector<16xf32>
          %select_n3A_357 = arith.select %gt3A_354, %mul3A_351, %broadcast_in_dim3A_356 : vector<16xi1>, vector<16xf32>
          %swap3A_358 = arith.index_cast %mul3A_311 : i32 to index
          %swap3A_359 = tpu.vector_load %arg14[%swap3A_358] {strides = array<i32>} : memref<2000xf32, #tpu.memory_space<vmem>>, vector<16xf32>,
          tpu.vector_store %arg14[%swap3A_358], %select_n3A_357 {strides = array<i32>} : memref<2000xf32, #tpu.memory_space<vmem>>, vector<16xf32>,
          %scan3A_360 = arith.constant 0 : i32
          scf.yield %scan3A_360 : i32
        }
        %scan3A_103 = arith.constant 124 : i32
        %scan3A_104 = arith.addi %scan3A_98, %scan3A_103 : i32
        %mul3A_105 = arith.constant 16 : i32
        %mul3A_106 = arith.muli %scan3A_104, %mul3A_105 : i32
        %get3A = arith.index_cast %mul3A_106 : i32 to index
        %get3A_107 = tpu.vector_load %arg14[%get3A] {strides = array<i32>} : memref<2000xf32, #tpu.memory_space<vmem>>, vector<16xf32>,
        %add3A_108 = arith.constant 1.000000e+00 : f32
        %add3A_109 = vector.broadcast %add3A_108 : f32 to vector<16xf32>
        %add3A_110 = arith.addf %get3A_107, %add3A_109 : vector<16xf32>
        %bitcast3A = vector.bitcast %add3A_110 : vector<16xf32> to vector<16xi32>
        %shift_right_arithmetic3A = arith.constant 1 : i32
        %shift_right_arithmetic3A_111 = vector.broadcast %shift_right_arithmetic3A : i32 to vector<16xi32>
        %shift_right_arithmetic3A_112 = arith.shrsi %bitcast3A, %shift_right_arithmetic3A_111 : vector<16xi32>
        %sub3A = arith.constant 1597463007 : i32
        %sub3A_113 = vector.broadcast %sub3A : i32 to vector<16xi32>
        %sub3A_114 = arith.subi %sub3A_113, %shift_right_arithmetic3A_112 : vector<16xi32>
        %bitcast3A_115 = vector.bitcast %sub3A_114 : vector<16xi32> to vector<16xf32>
        %mul3A_116 = arith.constant 5.000000e-01 : f32
        %mul3A_117 = vector.broadcast %mul3A_116 : f32 to vector<16xf32>
        %mul3A_118 = arith.mulf %mul3A_117, %add3A_110 : vector<16xf32>
        %mul3A_119 = arith.mulf %mul3A_118, %bitcast3A_115 : vector<16xf32>
        %mul3A_120 = arith.mulf %mul3A_119, %bitcast3A_115 : vector<16xf32>
        %sub3A_121 = arith.constant 1.500000e+00 : f32
        %sub3A_122 = vector.broadcast %sub3A_121 : f32 to vector<16xf32>
        %sub3A_123 = arith.subf %sub3A_122, %mul3A_120 : vector<16xf32>
        %mul3A_124 = arith.mulf %bitcast3A_115, %sub3A_123 : vector<16xf32>
        %mul3A_125 = arith.constant 5.000000e-01 : f32
        %mul3A_126 = vector.broadcast %mul3A_125 : f32 to vector<16xf32>
        %mul3A_127 = arith.mulf %mul3A_126, %add3A_110 : vector<16xf32>
        %mul3A_128 = arith.mulf %mul3A_127, %mul3A_124 : vector<16xf32>
        %mul3A_129 = arith.mulf %mul3A_128, %mul3A_124 : vector<16xf32>
        %sub3A_130 = arith.constant 1.500000e+00 : f32
        %sub3A_131 = vector.broadcast %sub3A_130 : f32 to vector<16xf32>
        %sub3A_132 = arith.subf %sub3A_131, %mul3A_129 : vector<16xf32>
        %mul3A_133 = arith.mulf %mul3A_124, %sub3A_132 : vector<16xf32>
        %mul3A_134 = arith.constant 5.000000e-01 : f32
        %mul3A_135 = vector.broadcast %mul3A_134 : f32 to vector<16xf32>
        %mul3A_136 = arith.mulf %mul3A_135, %add3A_110 : vector<16xf32>
        %mul3A_137 = arith.mulf %mul3A_136, %mul3A_133 : vector<16xf32>
        %mul3A_138 = arith.mulf %mul3A_137, %mul3A_133 : vector<16xf32>
        %sub3A_139 = arith.constant 1.500000e+00 : f32
        %sub3A_140 = vector.broadcast %sub3A_139 : f32 to vector<16xf32>
        %sub3A_141 = arith.subf %sub3A_140, %mul3A_138 : vector<16xf32>
        %mul3A_142 = arith.mulf %mul3A_133, %sub3A_141 : vector<16xf32>
        %gt3A = arith.constant 0.000000e+00 : f32
        %gt3A_143 = vector.broadcast %gt3A : f32 to vector<16xf32>
        %gt3A_144 = arith.cmpf ogt, %add3A_110, %gt3A_143 : vector<16xf32>
        %jit3A = arith.constant 0.000000e+00 : f32
        %broadcast_in_dim3A = vector.broadcast %jit3A : f32 to vector<16xf32>
        %select_n3A = arith.select %gt3A_144, %mul3A_142, %broadcast_in_dim3A : vector<16xi1>, vector<16xf32>
        %swap3A = arith.index_cast %mul3A_106 : i32 to index
        %swap3A_145 = tpu.vector_load %arg14[%swap3A] {strides = array<i32>} : memref<2000xf32, #tpu.memory_space<vmem>>, vector<16xf32>,
        tpu.vector_store %arg14[%swap3A], %select_n3A {strides = array<i32>} : memref<2000xf32, #tpu.memory_space<vmem>>, vector<16xf32>,
        %scan3A_146 = arith.constant 0 : i32
        %scan3A_147 = arith.constant 125 : i32
        "tpu.region"() ({
          %run_scoped3A = tpu.sem_alloc : memref<!tpu.dma_semaphore, #tpu.memory_space<semaphore_mem>>
          %dma_start3A = tpu.memref_slice %arg7[%add3A_96] : memref<100000xf32, #tpu.memory_space<hbm>> -> memref<2000xf32, #tpu.memory_space<hbm>>
          %dma_start3A_149 = tpu.memref_slice %arg7[%add3A_96] : memref<100000xf32, #tpu.memory_space<hbm>> -> memref<2000xf32, #tpu.memory_space<hbm>>
          tpu.enqueue_dma source(%arg14 : memref<2000xf32, #tpu.memory_space<vmem>>) target(%dma_start3A_149 : memref<2000xf32, #tpu.memory_space<hbm>>) target_semaphore(%run_scoped3A : memref<!tpu.dma_semaphore, #tpu.memory_space<semaphore_mem>>)
          %dma_wait3A = tpu.memref_slice %arg7[%add3A_96] : memref<100000xf32, #tpu.memory_space<hbm>> -> memref<2000xf32, #tpu.memory_space<hbm>>
          %dma_wait3A_150 = tpu.memref_slice %arg7[%add3A_96] : memref<100000xf32, #tpu.memory_space<hbm>> -> memref<2000xf32, #tpu.memory_space<hbm>>
          tpu.wait_dma2 semaphore(%run_scoped3A : memref<!tpu.dma_semaphore, #tpu.memory_space<semaphore_mem>>) src(%arg14 : memref<2000xf32, #tpu.memory_space<vmem>>) dst(%dma_wait3A_150 : memref<2000xf32, #tpu.memory_space<hbm>>)
          tpu.yield
        }) : () -> ()
        %scan3A_148 = arith.constant 0 : i32
        scf.yield %scan3A_148 : i32
      }
      %scan3A_89 = arith.constant 5 : i32
    } else {
    }
    %barrier3A_15 = arith.constant 0 : index
    tpu.barrier barrier_id(%barrier3A_15)
    "tpu.region"() ({
      %run_scoped3A = tpu.sem_alloc : memref<!tpu.dma_semaphore, #tpu.memory_space<semaphore_mem>>
      tpu.enqueue_dma source(%arg7 : memref<100000xf32, #tpu.memory_space<hbm>>) target(%arg10 : memref<100000xf32, #tpu.memory_space<vmem>>) target_semaphore(%run_scoped3A : memref<!tpu.dma_semaphore, #tpu.memory_space<semaphore_mem>>)
      tpu.wait_dma2 semaphore(%run_scoped3A : memref<!tpu.dma_semaphore, #tpu.memory_space<semaphore_mem>>) src(%arg7 : memref<100000xf32, #tpu.memory_space<hbm>>) dst(%arg10 : memref<100000xf32, #tpu.memory_space<vmem>>)
      tpu.yield
    }) : () -> ()
    %scan3A_16 = arith.constant 0 : i32
    %scan3A_17 = arith.constant 0 : i32
    %scan3A_18 = arith.constant 25 : i32
    %scan3A_19 = arith.addi %scan3A_17, %scan3A_18 : i32
    %scan3A_20 = arith.constant 1 : i32
    %scan3A_21 = scf.for %scan3A_83 = %scan3A_17 to %scan3A_19 step %scan3A_20 iter_args(%scan3A_84 = %scan3A_16) -> (i32)  : i32 {
      %mul3A_85 = arith.constant 50000 : i32
      %mul3A_86 = arith.muli %add3A, %mul3A_85 : i32
      %mul3A_87 = arith.constant 2000 : i32
      %mul3A_88 = arith.muli %scan3A_83, %mul3A_87 : i32
      %add3A_89 = arith.addi %mul3A_86, %mul3A_88 : i32
      "tpu.region"() ({
        %run_scoped3A = tpu.sem_alloc : memref<!tpu.dma_semaphore, #tpu.memory_space<semaphore_mem>>
        %dma_start3A = tpu.memref_slice %arg2[%add3A_89] : memref<1600000xi32, #tpu.memory_space<hbm>> -> memref<2000xi32, #tpu.memory_space<hbm>>
        %dma_start3A_112 = tpu.memref_slice %arg2[%add3A_89] : memref<1600000xi32, #tpu.memory_space<hbm>> -> memref<2000xi32, #tpu.memory_space<hbm>>
        tpu.enqueue_dma source(%dma_start3A_112 : memref<2000xi32, #tpu.memory_space<hbm>>) target(%arg11 : memref<2000xi32, #tpu.memory_space<vmem>>) target_semaphore(%run_scoped3A : memref<!tpu.dma_semaphore, #tpu.memory_space<semaphore_mem>>)
        %dma_wait3A = tpu.memref_slice %arg2[%add3A_89] : memref<1600000xi32, #tpu.memory_space<hbm>> -> memref<2000xi32, #tpu.memory_space<hbm>>
        %dma_wait3A_113 = tpu.memref_slice %arg2[%add3A_89] : memref<1600000xi32, #tpu.memory_space<hbm>> -> memref<2000xi32, #tpu.memory_space<hbm>>
        tpu.wait_dma2 semaphore(%run_scoped3A : memref<!tpu.dma_semaphore, #tpu.memory_space<semaphore_mem>>) src(%dma_wait3A_113 : memref<2000xi32, #tpu.memory_space<hbm>>) dst(%arg11 : memref<2000xi32, #tpu.memory_space<vmem>>)
        tpu.yield
      }) : () -> ()
      "tpu.region"() ({
        %run_scoped3A = tpu.sem_alloc : memref<!tpu.dma_semaphore, #tpu.memory_space<semaphore_mem>>
        %dma_start3A = tpu.memref_slice %arg3[%add3A_89] : memref<1600000xi32, #tpu.memory_space<hbm>> -> memref<2000xi32, #tpu.memory_space<hbm>>
        %dma_start3A_112 = tpu.memref_slice %arg3[%add3A_89] : memref<1600000xi32, #tpu.memory_space<hbm>> -> memref<2000xi32, #tpu.memory_space<hbm>>
        tpu.enqueue_dma source(%dma_start3A_112 : memref<2000xi32, #tpu.memory_space<hbm>>) target(%arg12 : memref<2000xi32, #tpu.memory_space<vmem>>) target_semaphore(%run_scoped3A : memref<!tpu.dma_semaphore, #tpu.memory_space<semaphore_mem>>)
        %dma_wait3A = tpu.memref_slice %arg3[%add3A_89] : memref<1600000xi32, #tpu.memory_space<hbm>> -> memref<2000xi32, #tpu.memory_space<hbm>>
        %dma_wait3A_113 = tpu.memref_slice %arg3[%add3A_89] : memref<1600000xi32, #tpu.memory_space<hbm>> -> memref<2000xi32, #tpu.memory_space<hbm>>
        tpu.wait_dma2 semaphore(%run_scoped3A : memref<!tpu.dma_semaphore, #tpu.memory_space<semaphore_mem>>) src(%dma_wait3A_113 : memref<2000xi32, #tpu.memory_space<hbm>>) dst(%arg12 : memref<2000xi32, #tpu.memory_space<vmem>>)
        tpu.yield
      }) : () -> ()
      "tpu.region"() ({
        %run_scoped3A = tpu.sem_alloc : memref<!tpu.dma_semaphore, #tpu.memory_space<semaphore_mem>>
        %dma_start3A = tpu.memref_slice %arg4[%add3A_89] : memref<1600000xf32, #tpu.memory_space<hbm>> -> memref<2000xf32, #tpu.memory_space<hbm>>
        %dma_start3A_112 = tpu.memref_slice %arg4[%add3A_89] : memref<1600000xf32, #tpu.memory_space<hbm>> -> memref<2000xf32, #tpu.memory_space<hbm>>
        tpu.enqueue_dma source(%dma_start3A_112 : memref<2000xf32, #tpu.memory_space<hbm>>) target(%arg13 : memref<2000xf32, #tpu.memory_space<vmem>>) target_semaphore(%run_scoped3A : memref<!tpu.dma_semaphore, #tpu.memory_space<semaphore_mem>>)
        %dma_wait3A = tpu.memref_slice %arg4[%add3A_89] : memref<1600000xf32, #tpu.memory_space<hbm>> -> memref<2000xf32, #tpu.memory_space<hbm>>
        %dma_wait3A_113 = tpu.memref_slice %arg4[%add3A_89] : memref<1600000xf32, #tpu.memory_space<hbm>> -> memref<2000xf32, #tpu.memory_space<hbm>>
        tpu.wait_dma2 semaphore(%run_scoped3A : memref<!tpu.dma_semaphore, #tpu.memory_space<semaphore_mem>>) src(%dma_wait3A_113 : memref<2000xf32, #tpu.memory_space<hbm>>) dst(%arg13 : memref<2000xf32, #tpu.memory_space<vmem>>)
        tpu.yield
      }) : () -> ()
      %scan3A_90 = arith.constant 0 : i32
      %scan3A_91 = arith.constant 0 : i32
      %scan3A_92 = arith.constant 124 : i32
      %scan3A_93 = arith.addi %scan3A_91, %scan3A_92 : i32
      %scan3A_94 = arith.constant 4 : i32
      %scan3A_95 = scf.for %scan3A_112 = %scan3A_91 to %scan3A_93 step %scan3A_94 iter_args(%scan3A_113 = %scan3A_90) -> (i32)  : i32 {
        %mul3A_114 = arith.constant 16 : i32
        %mul3A_115 = arith.muli %scan3A_112, %mul3A_114 : i32
        %get3A_116 = arith.index_cast %mul3A_115 : i32 to index
        %get3A_117 = tpu.vector_load %arg11[%get3A_116] {strides = array<i32>} : memref<2000xi32, #tpu.memory_space<vmem>>, vector<16xi32>,
        %gather3A_118 = tpu.vector_load_idx %arg10[%get3A_117] : memref<100000xf32, #tpu.memory_space<vmem>>[vector<16xi32>], vector<16xf32>,
        %get3A_119 = arith.index_cast %mul3A_115 : i32 to index
        %get3A_120 = tpu.vector_load %arg12[%get3A_119] {strides = array<i32>} : memref<2000xi32, #tpu.memory_space<vmem>>, vector<16xi32>,
        %gather3A_121 = tpu.vector_load_idx %arg10[%get3A_120] : memref<100000xf32, #tpu.memory_space<vmem>>[vector<16xi32>], vector<16xf32>,
        %get3A_122 = arith.index_cast %mul3A_115 : i32 to index
        %get3A_123 = tpu.vector_load %arg13[%get3A_122] {strides = array<i32>} : memref<2000xf32, #tpu.memory_space<vmem>>, vector<16xf32>,
        %mul3A_124 = arith.mulf %gather3A_118, %get3A_123 : vector<16xf32>
        %mul3A_125 = arith.mulf %mul3A_124, %gather3A_121 : vector<16xf32>
        %swap3A_126 = arith.index_cast %mul3A_115 : i32 to index
        %swap3A_127 = tpu.vector_load %arg13[%swap3A_126] {strides = array<i32>} : memref<2000xf32, #tpu.memory_space<vmem>>, vector<16xf32>,
        tpu.vector_store %arg13[%swap3A_126], %mul3A_125 {strides = array<i32>} : memref<2000xf32, #tpu.memory_space<vmem>>, vector<16xf32>,
        %scan3A_128 = arith.constant 0 : i32
        %scan3A_129 = arith.constant 1 : i32
        %scan3A_130 = arith.addi %scan3A_112, %scan3A_129 : i32
        %mul3A_131 = arith.constant 16 : i32
        %mul3A_132 = arith.muli %scan3A_130, %mul3A_131 : i32
        %get3A_133 = arith.index_cast %mul3A_132 : i32 to index
        %get3A_134 = tpu.vector_load %arg11[%get3A_133] {strides = array<i32>} : memref<2000xi32, #tpu.memory_space<vmem>>, vector<16xi32>,
        %gather3A_135 = tpu.vector_load_idx %arg10[%get3A_134] : memref<100000xf32, #tpu.memory_space<vmem>>[vector<16xi32>], vector<16xf32>,
        %get3A_136 = arith.index_cast %mul3A_132 : i32 to index
        %get3A_137 = tpu.vector_load %arg12[%get3A_136] {strides = array<i32>} : memref<2000xi32, #tpu.memory_space<vmem>>, vector<16xi32>,
        %gather3A_138 = tpu.vector_load_idx %arg10[%get3A_137] : memref<100000xf32, #tpu.memory_space<vmem>>[vector<16xi32>], vector<16xf32>,
        %get3A_139 = arith.index_cast %mul3A_132 : i32 to index
        %get3A_140 = tpu.vector_load %arg13[%get3A_139] {strides = array<i32>} : memref<2000xf32, #tpu.memory_space<vmem>>, vector<16xf32>,
        %mul3A_141 = arith.mulf %gather3A_135, %get3A_140 : vector<16xf32>
        %mul3A_142 = arith.mulf %mul3A_141, %gather3A_138 : vector<16xf32>
        %swap3A_143 = arith.index_cast %mul3A_132 : i32 to index
        %swap3A_144 = tpu.vector_load %arg13[%swap3A_143] {strides = array<i32>} : memref<2000xf32, #tpu.memory_space<vmem>>, vector<16xf32>,
        tpu.vector_store %arg13[%swap3A_143], %mul3A_142 {strides = array<i32>} : memref<2000xf32, #tpu.memory_space<vmem>>, vector<16xf32>,
        %scan3A_145 = arith.constant 0 : i32
        %scan3A_146 = arith.constant 2 : i32
        %scan3A_147 = arith.addi %scan3A_112, %scan3A_146 : i32
        %mul3A_148 = arith.constant 16 : i32
        %mul3A_149 = arith.muli %scan3A_147, %mul3A_148 : i32
        %get3A_150 = arith.index_cast %mul3A_149 : i32 to index
        %get3A_151 = tpu.vector_load %arg11[%get3A_150] {strides = array<i32>} : memref<2000xi32, #tpu.memory_space<vmem>>, vector<16xi32>,
        %gather3A_152 = tpu.vector_load_idx %arg10[%get3A_151] : memref<100000xf32, #tpu.memory_space<vmem>>[vector<16xi32>], vector<16xf32>,
        %get3A_153 = arith.index_cast %mul3A_149 : i32 to index
        %get3A_154 = tpu.vector_load %arg12[%get3A_153] {strides = array<i32>} : memref<2000xi32, #tpu.memory_space<vmem>>, vector<16xi32>,
        %gather3A_155 = tpu.vector_load_idx %arg10[%get3A_154] : memref<100000xf32, #tpu.memory_space<vmem>>[vector<16xi32>], vector<16xf32>,
        %get3A_156 = arith.index_cast %mul3A_149 : i32 to index
        %get3A_157 = tpu.vector_load %arg13[%get3A_156] {strides = array<i32>} : memref<2000xf32, #tpu.memory_space<vmem>>, vector<16xf32>,
        %mul3A_158 = arith.mulf %gather3A_152, %get3A_157 : vector<16xf32>
        %mul3A_159 = arith.mulf %mul3A_158, %gather3A_155 : vector<16xf32>
        %swap3A_160 = arith.index_cast %mul3A_149 : i32 to index
        %swap3A_161 = tpu.vector_load %arg13[%swap3A_160] {strides = array<i32>} : memref<2000xf32, #tpu.memory_space<vmem>>, vector<16xf32>,
        tpu.vector_store %arg13[%swap3A_160], %mul3A_159 {strides = array<i32>} : memref<2000xf32, #tpu.memory_space<vmem>>, vector<16xf32>,
        %scan3A_162 = arith.constant 0 : i32
        %scan3A_163 = arith.constant 3 : i32
        %scan3A_164 = arith.addi %scan3A_112, %scan3A_163 : i32
        %mul3A_165 = arith.constant 16 : i32
        %mul3A_166 = arith.muli %scan3A_164, %mul3A_165 : i32
        %get3A_167 = arith.index_cast %mul3A_166 : i32 to index
        %get3A_168 = tpu.vector_load %arg11[%get3A_167] {strides = array<i32>} : memref<2000xi32, #tpu.memory_space<vmem>>, vector<16xi32>,
        %gather3A_169 = tpu.vector_load_idx %arg10[%get3A_168] : memref<100000xf32, #tpu.memory_space<vmem>>[vector<16xi32>], vector<16xf32>,
        %get3A_170 = arith.index_cast %mul3A_166 : i32 to index
        %get3A_171 = tpu.vector_load %arg12[%get3A_170] {strides = array<i32>} : memref<2000xi32, #tpu.memory_space<vmem>>, vector<16xi32>,
        %gather3A_172 = tpu.vector_load_idx %arg10[%get3A_171] : memref<100000xf32, #tpu.memory_space<vmem>>[vector<16xi32>], vector<16xf32>,
        %get3A_173 = arith.index_cast %mul3A_166 : i32 to index
        %get3A_174 = tpu.vector_load %arg13[%get3A_173] {strides = array<i32>} : memref<2000xf32, #tpu.memory_space<vmem>>, vector<16xf32>,
        %mul3A_175 = arith.mulf %gather3A_169, %get3A_174 : vector<16xf32>
        %mul3A_176 = arith.mulf %mul3A_175, %gather3A_172 : vector<16xf32>
        %swap3A_177 = arith.index_cast %mul3A_166 : i32 to index
        %swap3A_178 = tpu.vector_load %arg13[%swap3A_177] {strides = array<i32>} : memref<2000xf32, #tpu.memory_space<vmem>>, vector<16xf32>,
        tpu.vector_store %arg13[%swap3A_177], %mul3A_176 {strides = array<i32>} : memref<2000xf32, #tpu.memory_space<vmem>>, vector<16xf32>,
        %scan3A_179 = arith.constant 0 : i32
        scf.yield %scan3A_179 : i32
      }
      %scan3A_96 = arith.constant 124 : i32
      %scan3A_97 = arith.addi %scan3A_91, %scan3A_96 : i32
      %mul3A_98 = arith.constant 16 : i32
      %mul3A_99 = arith.muli %scan3A_97, %mul3A_98 : i32
      %get3A = arith.index_cast %mul3A_99 : i32 to index
      %get3A_100 = tpu.vector_load %arg11[%get3A] {strides = array<i32>} : memref<2000xi32, #tpu.memory_space<vmem>>, vector<16xi32>,
      %gather3A = tpu.vector_load_idx %arg10[%get3A_100] : memref<100000xf32, #tpu.memory_space<vmem>>[vector<16xi32>], vector<16xf32>,
      %get3A_101 = arith.index_cast %mul3A_99 : i32 to index
      %get3A_102 = tpu.vector_load %arg12[%get3A_101] {strides = array<i32>} : memref<2000xi32, #tpu.memory_space<vmem>>, vector<16xi32>,
      %gather3A_103 = tpu.vector_load_idx %arg10[%get3A_102] : memref<100000xf32, #tpu.memory_space<vmem>>[vector<16xi32>], vector<16xf32>,
      %get3A_104 = arith.index_cast %mul3A_99 : i32 to index
      %get3A_105 = tpu.vector_load %arg13[%get3A_104] {strides = array<i32>} : memref<2000xf32, #tpu.memory_space<vmem>>, vector<16xf32>,
      %mul3A_106 = arith.mulf %gather3A, %get3A_105 : vector<16xf32>
      %mul3A_107 = arith.mulf %mul3A_106, %gather3A_103 : vector<16xf32>
      %swap3A = arith.index_cast %mul3A_99 : i32 to index
      %swap3A_108 = tpu.vector_load %arg13[%swap3A] {strides = array<i32>} : memref<2000xf32, #tpu.memory_space<vmem>>, vector<16xf32>,
      tpu.vector_store %arg13[%swap3A], %mul3A_107 {strides = array<i32>} : memref<2000xf32, #tpu.memory_space<vmem>>, vector<16xf32>,
      %scan3A_109 = arith.constant 0 : i32
      %scan3A_110 = arith.constant 125 : i32
      "tpu.region"() ({
        %run_scoped3A = tpu.sem_alloc : memref<!tpu.dma_semaphore, #tpu.memory_space<semaphore_mem>>
        %dma_start3A = tpu.memref_slice %arg8[%add3A_89] : memref<1600000xf32, #tpu.memory_space<hbm>> -> memref<2000xf32, #tpu.memory_space<hbm>>
        %dma_start3A_112 = tpu.memref_slice %arg8[%add3A_89] : memref<1600000xf32, #tpu.memory_space<hbm>> -> memref<2000xf32, #tpu.memory_space<hbm>>
        tpu.enqueue_dma source(%arg13 : memref<2000xf32, #tpu.memory_space<vmem>>) target(%dma_start3A_112 : memref<2000xf32, #tpu.memory_space<hbm>>) target_semaphore(%run_scoped3A : memref<!tpu.dma_semaphore, #tpu.memory_space<semaphore_mem>>)
        %dma_wait3A = tpu.memref_slice %arg8[%add3A_89] : memref<1600000xf32, #tpu.memory_space<hbm>> -> memref<2000xf32, #tpu.memory_space<hbm>>
        %dma_wait3A_113 = tpu.memref_slice %arg8[%add3A_89] : memref<1600000xf32, #tpu.memory_space<hbm>> -> memref<2000xf32, #tpu.memory_space<hbm>>
        tpu.wait_dma2 semaphore(%run_scoped3A : memref<!tpu.dma_semaphore, #tpu.memory_space<semaphore_mem>>) src(%arg13 : memref<2000xf32, #tpu.memory_space<vmem>>) dst(%dma_wait3A_113 : memref<2000xf32, #tpu.memory_space<hbm>>)
        tpu.yield
      }) : () -> ()
      %scan3A_111 = arith.constant 0 : i32
      scf.yield %scan3A_111 : i32
    }
    %scan3A_22 = arith.constant 25 : i32
    "tpu.region"() ({
      %run_scoped3A = tpu.sem_alloc : memref<!tpu.dma_semaphore, #tpu.memory_space<semaphore_mem>>
      %dma_start3A = arith.constant 0 : i32
      %dma_start3A_83 = tpu.memref_slice %arg5[%dma_start3A] : memref<300000xf32, #tpu.memory_space<hbm>> -> memref<100000xf32, #tpu.memory_space<hbm>>
      %dma_start3A_84 = arith.constant 0 : i32
      %dma_start3A_85 = tpu.memref_slice %arg5[%dma_start3A_84] : memref<300000xf32, #tpu.memory_space<hbm>> -> memref<100000xf32, #tpu.memory_space<hbm>>
      tpu.enqueue_dma source(%dma_start3A_85 : memref<100000xf32, #tpu.memory_space<hbm>>) target(%arg10 : memref<100000xf32, #tpu.memory_space<vmem>>) target_semaphore(%run_scoped3A : memref<!tpu.dma_semaphore, #tpu.memory_space<semaphore_mem>>)
      %dma_wait3A = arith.constant 0 : i32
      %dma_wait3A_86 = tpu.memref_slice %arg5[%dma_wait3A] : memref<300000xf32, #tpu.memory_space<hbm>> -> memref<100000xf32, #tpu.memory_space<hbm>>
      %dma_wait3A_87 = arith.constant 0 : i32
      %dma_wait3A_88 = tpu.memref_slice %arg5[%dma_wait3A_87] : memref<300000xf32, #tpu.memory_space<hbm>> -> memref<100000xf32, #tpu.memory_space<hbm>>
      tpu.wait_dma2 semaphore(%run_scoped3A : memref<!tpu.dma_semaphore, #tpu.memory_space<semaphore_mem>>) src(%dma_wait3A_88 : memref<100000xf32, #tpu.memory_space<hbm>>) dst(%arg10 : memref<100000xf32, #tpu.memory_space<vmem>>)
      tpu.yield
    }) : () -> ()
    %lt3A_23 = arith.constant 10 : i32
    %lt3A_24 = arith.cmpi slt, %arg1, %lt3A_23 : i32
    %convert_element_type3A_25 = arith.extui %lt3A_24 : i1 to i32
    %cond3A_26 = arith.constant 0 : i32
    %cond3A_27 = arith.cmpi ne, %convert_element_type3A_25, %cond3A_26 : i32
    scf.if %cond3A_27 {
      "tpu.region"() ({
        %run_scoped3A = tpu.sem_alloc : memref<!tpu.dma_semaphore, #tpu.memory_space<semaphore_mem>>
        tpu.enqueue_dma source(%arg6 : memref<2000xf32, #tpu.memory_space<hbm>>) target(%arg14 : memref<2000xf32, #tpu.memory_space<vmem>>) target_semaphore(%run_scoped3A : memref<!tpu.dma_semaphore, #tpu.memory_space<semaphore_mem>>)
        tpu.wait_dma2 semaphore(%run_scoped3A : memref<!tpu.dma_semaphore, #tpu.memory_space<semaphore_mem>>) src(%arg6 : memref<2000xf32, #tpu.memory_space<hbm>>) dst(%arg14 : memref<2000xf32, #tpu.memory_space<vmem>>)
        tpu.yield
      }) : () -> ()
      %scan3A_83 = arith.constant 0 : i32
      %scan3A_84 = arith.constant 0 : i32
      %scan3A_85 = arith.constant 5 : i32
      %scan3A_86 = arith.addi %scan3A_84, %scan3A_85 : i32
      %scan3A_87 = arith.constant 1 : i32
      %scan3A_88 = scf.for %scan3A_90 = %scan3A_84 to %scan3A_86 step %scan3A_87 iter_args(%scan3A_91 = %scan3A_83) -> (i32)  : i32 {
        %mul3A_92 = arith.constant 10000 : i32
        %mul3A_93 = arith.muli %arg1, %mul3A_92 : i32
        %mul3A_94 = arith.constant 2000 : i32
        %mul3A_95 = arith.muli %scan3A_90, %mul3A_94 : i32
        %add3A_96 = arith.addi %mul3A_93, %mul3A_95 : i32
        "tpu.region"() ({
          %run_scoped3A = tpu.sem_alloc : memref<!tpu.dma_semaphore, #tpu.memory_space<semaphore_mem>>
          %dma_start3A = tpu.memref_slice %arg15[%add3A_96] : memref<100000xf32, #tpu.memory_space<vmem_shared>> -> memref<2000xf32, #tpu.memory_space<vmem_shared>>
          %dma_start3A_98 = tpu.memref_slice %arg15[%add3A_96] : memref<100000xf32, #tpu.memory_space<vmem_shared>> -> memref<2000xf32, #tpu.memory_space<vmem_shared>>
          tpu.enqueue_dma source(%arg14 : memref<2000xf32, #tpu.memory_space<vmem>>) target(%dma_start3A_98 : memref<2000xf32, #tpu.memory_space<vmem_shared>>) target_semaphore(%run_scoped3A : memref<!tpu.dma_semaphore, #tpu.memory_space<semaphore_mem>>)
          %dma_wait3A = tpu.memref_slice %arg15[%add3A_96] : memref<100000xf32, #tpu.memory_space<vmem_shared>> -> memref<2000xf32, #tpu.memory_space<vmem_shared>>
          %dma_wait3A_99 = tpu.memref_slice %arg15[%add3A_96] : memref<100000xf32, #tpu.memory_space<vmem_shared>> -> memref<2000xf32, #tpu.memory_space<vmem_shared>>
          tpu.wait_dma2 semaphore(%run_scoped3A : memref<!tpu.dma_semaphore, #tpu.memory_space<semaphore_mem>>) src(%arg14 : memref<2000xf32, #tpu.memory_space<vmem>>) dst(%dma_wait3A_99 : memref<2000xf32, #tpu.memory_space<vmem_shared>>)
          tpu.yield
        }) : () -> ()
        %scan3A_97 = arith.constant 0 : i32
        scf.yield %scan3A_97 : i32
      }
      %scan3A_89 = arith.constant 5 : i32
    } else {
    }
    %barrier3A_28 = arith.constant 0 : index
    tpu.barrier barrier_id(%barrier3A_28)
    %scan3A_29 = arith.constant 0 : i32
    %scan3A_30 = arith.constant 0 : i32
    %scan3A_31 = arith.constant 25 : i32
    %scan3A_32 = arith.addi %scan3A_30, %scan3A_31 : i32
    %scan3A_33 = arith.constant 1 : i32
    %scan3A_34 = scf.for %scan3A_83 = %scan3A_30 to %scan3A_32 step %scan3A_33 iter_args(%scan3A_84 = %scan3A_29) -> (i32)  : i32 {
      %mul3A_85 = arith.constant 50000 : i32
      %mul3A_86 = arith.muli %add3A, %mul3A_85 : i32
      %mul3A_87 = arith.constant 2000 : i32
      %mul3A_88 = arith.muli %scan3A_83, %mul3A_87 : i32
      %add3A_89 = arith.addi %mul3A_86, %mul3A_88 : i32
      "tpu.region"() ({
        %run_scoped3A = tpu.sem_alloc : memref<!tpu.dma_semaphore, #tpu.memory_space<semaphore_mem>>
        %dma_start3A = tpu.memref_slice %arg2[%add3A_89] : memref<1600000xi32, #tpu.memory_space<hbm>> -> memref<2000xi32, #tpu.memory_space<hbm>>
        %dma_start3A_108 = tpu.memref_slice %arg2[%add3A_89] : memref<1600000xi32, #tpu.memory_space<hbm>> -> memref<2000xi32, #tpu.memory_space<hbm>>
        tpu.enqueue_dma source(%dma_start3A_108 : memref<2000xi32, #tpu.memory_space<hbm>>) target(%arg11 : memref<2000xi32, #tpu.memory_space<vmem>>) target_semaphore(%run_scoped3A : memref<!tpu.dma_semaphore, #tpu.memory_space<semaphore_mem>>)
        %dma_wait3A = tpu.memref_slice %arg2[%add3A_89] : memref<1600000xi32, #tpu.memory_space<hbm>> -> memref<2000xi32, #tpu.memory_space<hbm>>
        %dma_wait3A_109 = tpu.memref_slice %arg2[%add3A_89] : memref<1600000xi32, #tpu.memory_space<hbm>> -> memref<2000xi32, #tpu.memory_space<hbm>>
        tpu.wait_dma2 semaphore(%run_scoped3A : memref<!tpu.dma_semaphore, #tpu.memory_space<semaphore_mem>>) src(%dma_wait3A_109 : memref<2000xi32, #tpu.memory_space<hbm>>) dst(%arg11 : memref<2000xi32, #tpu.memory_space<vmem>>)
        tpu.yield
      }) : () -> ()
      "tpu.region"() ({
        %run_scoped3A = tpu.sem_alloc : memref<!tpu.dma_semaphore, #tpu.memory_space<semaphore_mem>>
        %dma_start3A = tpu.memref_slice %arg3[%add3A_89] : memref<1600000xi32, #tpu.memory_space<hbm>> -> memref<2000xi32, #tpu.memory_space<hbm>>
        %dma_start3A_108 = tpu.memref_slice %arg3[%add3A_89] : memref<1600000xi32, #tpu.memory_space<hbm>> -> memref<2000xi32, #tpu.memory_space<hbm>>
        tpu.enqueue_dma source(%dma_start3A_108 : memref<2000xi32, #tpu.memory_space<hbm>>) target(%arg12 : memref<2000xi32, #tpu.memory_space<vmem>>) target_semaphore(%run_scoped3A : memref<!tpu.dma_semaphore, #tpu.memory_space<semaphore_mem>>)
        %dma_wait3A = tpu.memref_slice %arg3[%add3A_89] : memref<1600000xi32, #tpu.memory_space<hbm>> -> memref<2000xi32, #tpu.memory_space<hbm>>
        %dma_wait3A_109 = tpu.memref_slice %arg3[%add3A_89] : memref<1600000xi32, #tpu.memory_space<hbm>> -> memref<2000xi32, #tpu.memory_space<hbm>>
        tpu.wait_dma2 semaphore(%run_scoped3A : memref<!tpu.dma_semaphore, #tpu.memory_space<semaphore_mem>>) src(%dma_wait3A_109 : memref<2000xi32, #tpu.memory_space<hbm>>) dst(%arg12 : memref<2000xi32, #tpu.memory_space<vmem>>)
        tpu.yield
      }) : () -> ()
      "tpu.region"() ({
        %run_scoped3A = tpu.sem_alloc : memref<!tpu.dma_semaphore, #tpu.memory_space<semaphore_mem>>
        %dma_start3A = tpu.memref_slice %arg8[%add3A_89] : memref<1600000xf32, #tpu.memory_space<hbm>> -> memref<2000xf32, #tpu.memory_space<hbm>>
        %dma_start3A_108 = tpu.memref_slice %arg8[%add3A_89] : memref<1600000xf32, #tpu.memory_space<hbm>> -> memref<2000xf32, #tpu.memory_space<hbm>>
        tpu.enqueue_dma source(%dma_start3A_108 : memref<2000xf32, #tpu.memory_space<hbm>>) target(%arg13 : memref<2000xf32, #tpu.memory_space<vmem>>) target_semaphore(%run_scoped3A : memref<!tpu.dma_semaphore, #tpu.memory_space<semaphore_mem>>)
        %dma_wait3A = tpu.memref_slice %arg8[%add3A_89] : memref<1600000xf32, #tpu.memory_space<hbm>> -> memref<2000xf32, #tpu.memory_space<hbm>>
        %dma_wait3A_109 = tpu.memref_slice %arg8[%add3A_89] : memref<1600000xf32, #tpu.memory_space<hbm>> -> memref<2000xf32, #tpu.memory_space<hbm>>
        tpu.wait_dma2 semaphore(%run_scoped3A : memref<!tpu.dma_semaphore, #tpu.memory_space<semaphore_mem>>) src(%dma_wait3A_109 : memref<2000xf32, #tpu.memory_space<hbm>>) dst(%arg13 : memref<2000xf32, #tpu.memory_space<vmem>>)
        tpu.yield
      }) : () -> ()
      %scan3A_90 = arith.constant 0 : i32
      %scan3A_91 = arith.constant 0 : i32
      %scan3A_92 = arith.constant 124 : i32
      %scan3A_93 = arith.addi %scan3A_91, %scan3A_92 : i32
      %scan3A_94 = arith.constant 4 : i32
      %scan3A_95 = scf.for %scan3A_108 = %scan3A_91 to %scan3A_93 step %scan3A_94 iter_args(%scan3A_109 = %scan3A_90) -> (i32)  : i32 {
        %mul3A_110 = arith.constant 16 : i32
        %mul3A_111 = arith.muli %scan3A_108, %mul3A_110 : i32
        %get3A_112 = arith.index_cast %mul3A_111 : i32 to index
        %get3A_113 = tpu.vector_load %arg11[%get3A_112] {strides = array<i32>} : memref<2000xi32, #tpu.memory_space<vmem>>, vector<16xi32>,
        %gather3A_114 = tpu.vector_load_idx %arg10[%get3A_113] : memref<100000xf32, #tpu.memory_space<vmem>>[vector<16xi32>], vector<16xf32>,
        %get3A_115 = arith.index_cast %mul3A_111 : i32 to index
        %get3A_116 = tpu.vector_load %arg13[%get3A_115] {strides = array<i32>} : memref<2000xf32, #tpu.memory_space<vmem>>, vector<16xf32>,
        %mul3A_117 = arith.mulf %gather3A_114, %get3A_116 : vector<16xf32>
        %swap3A_118 = arith.index_cast %mul3A_111 : i32 to index
        %swap3A_119 = tpu.vector_load %arg14[%swap3A_118] {strides = array<i32>} : memref<2000xf32, #tpu.memory_space<vmem>>, vector<16xf32>,
        tpu.vector_store %arg14[%swap3A_118], %mul3A_117 {strides = array<i32>} : memref<2000xf32, #tpu.memory_space<vmem>>, vector<16xf32>,
        %scan3A_120 = arith.constant 0 : i32
        %scan3A_121 = arith.constant 1 : i32
        %scan3A_122 = arith.addi %scan3A_108, %scan3A_121 : i32
        %mul3A_123 = arith.constant 16 : i32
        %mul3A_124 = arith.muli %scan3A_122, %mul3A_123 : i32
        %get3A_125 = arith.index_cast %mul3A_124 : i32 to index
        %get3A_126 = tpu.vector_load %arg11[%get3A_125] {strides = array<i32>} : memref<2000xi32, #tpu.memory_space<vmem>>, vector<16xi32>,
        %gather3A_127 = tpu.vector_load_idx %arg10[%get3A_126] : memref<100000xf32, #tpu.memory_space<vmem>>[vector<16xi32>], vector<16xf32>,
        %get3A_128 = arith.index_cast %mul3A_124 : i32 to index
        %get3A_129 = tpu.vector_load %arg13[%get3A_128] {strides = array<i32>} : memref<2000xf32, #tpu.memory_space<vmem>>, vector<16xf32>,
        %mul3A_130 = arith.mulf %gather3A_127, %get3A_129 : vector<16xf32>
        %swap3A_131 = arith.index_cast %mul3A_124 : i32 to index
        %swap3A_132 = tpu.vector_load %arg14[%swap3A_131] {strides = array<i32>} : memref<2000xf32, #tpu.memory_space<vmem>>, vector<16xf32>,
        tpu.vector_store %arg14[%swap3A_131], %mul3A_130 {strides = array<i32>} : memref<2000xf32, #tpu.memory_space<vmem>>, vector<16xf32>,
        %scan3A_133 = arith.constant 0 : i32
        %scan3A_134 = arith.constant 2 : i32
        %scan3A_135 = arith.addi %scan3A_108, %scan3A_134 : i32
        %mul3A_136 = arith.constant 16 : i32
        %mul3A_137 = arith.muli %scan3A_135, %mul3A_136 : i32
        %get3A_138 = arith.index_cast %mul3A_137 : i32 to index
        %get3A_139 = tpu.vector_load %arg11[%get3A_138] {strides = array<i32>} : memref<2000xi32, #tpu.memory_space<vmem>>, vector<16xi32>,
        %gather3A_140 = tpu.vector_load_idx %arg10[%get3A_139] : memref<100000xf32, #tpu.memory_space<vmem>>[vector<16xi32>], vector<16xf32>,
        %get3A_141 = arith.index_cast %mul3A_137 : i32 to index
        %get3A_142 = tpu.vector_load %arg13[%get3A_141] {strides = array<i32>} : memref<2000xf32, #tpu.memory_space<vmem>>, vector<16xf32>,
        %mul3A_143 = arith.mulf %gather3A_140, %get3A_142 : vector<16xf32>
        %swap3A_144 = arith.index_cast %mul3A_137 : i32 to index
        %swap3A_145 = tpu.vector_load %arg14[%swap3A_144] {strides = array<i32>} : memref<2000xf32, #tpu.memory_space<vmem>>, vector<16xf32>,
        tpu.vector_store %arg14[%swap3A_144], %mul3A_143 {strides = array<i32>} : memref<2000xf32, #tpu.memory_space<vmem>>, vector<16xf32>,
        %scan3A_146 = arith.constant 0 : i32
        %scan3A_147 = arith.constant 3 : i32
        %scan3A_148 = arith.addi %scan3A_108, %scan3A_147 : i32
        %mul3A_149 = arith.constant 16 : i32
        %mul3A_150 = arith.muli %scan3A_148, %mul3A_149 : i32
        %get3A_151 = arith.index_cast %mul3A_150 : i32 to index
        %get3A_152 = tpu.vector_load %arg11[%get3A_151] {strides = array<i32>} : memref<2000xi32, #tpu.memory_space<vmem>>, vector<16xi32>,
        %gather3A_153 = tpu.vector_load_idx %arg10[%get3A_152] : memref<100000xf32, #tpu.memory_space<vmem>>[vector<16xi32>], vector<16xf32>,
        %get3A_154 = arith.index_cast %mul3A_150 : i32 to index
        %get3A_155 = tpu.vector_load %arg13[%get3A_154] {strides = array<i32>} : memref<2000xf32, #tpu.memory_space<vmem>>, vector<16xf32>,
        %mul3A_156 = arith.mulf %gather3A_153, %get3A_155 : vector<16xf32>
        %swap3A_157 = arith.index_cast %mul3A_150 : i32 to index
        %swap3A_158 = tpu.vector_load %arg14[%swap3A_157] {strides = array<i32>} : memref<2000xf32, #tpu.memory_space<vmem>>, vector<16xf32>,
        tpu.vector_store %arg14[%swap3A_157], %mul3A_156 {strides = array<i32>} : memref<2000xf32, #tpu.memory_space<vmem>>, vector<16xf32>,
        %scan3A_159 = arith.constant 0 : i32
        scf.yield %scan3A_159 : i32
      }
      %scan3A_96 = arith.constant 124 : i32
      %scan3A_97 = arith.addi %scan3A_91, %scan3A_96 : i32
      %mul3A_98 = arith.constant 16 : i32
      %mul3A_99 = arith.muli %scan3A_97, %mul3A_98 : i32
      %get3A = arith.index_cast %mul3A_99 : i32 to index
      %get3A_100 = tpu.vector_load %arg11[%get3A] {strides = array<i32>} : memref<2000xi32, #tpu.memory_space<vmem>>, vector<16xi32>,
      %gather3A = tpu.vector_load_idx %arg10[%get3A_100] : memref<100000xf32, #tpu.memory_space<vmem>>[vector<16xi32>], vector<16xf32>,
      %get3A_101 = arith.index_cast %mul3A_99 : i32 to index
      %get3A_102 = tpu.vector_load %arg13[%get3A_101] {strides = array<i32>} : memref<2000xf32, #tpu.memory_space<vmem>>, vector<16xf32>,
      %mul3A_103 = arith.mulf %gather3A, %get3A_102 : vector<16xf32>
      %swap3A = arith.index_cast %mul3A_99 : i32 to index
      %swap3A_104 = tpu.vector_load %arg14[%swap3A] {strides = array<i32>} : memref<2000xf32, #tpu.memory_space<vmem>>, vector<16xf32>,
      tpu.vector_store %arg14[%swap3A], %mul3A_103 {strides = array<i32>} : memref<2000xf32, #tpu.memory_space<vmem>>, vector<16xf32>,
      %scan3A_105 = arith.constant 0 : i32
      %scan3A_106 = arith.constant 125 : i32
      "tpu.region"() ({
        %run_scoped3A = tpu.sem_alloc : memref<!tpu.dma_semaphore, #tpu.memory_space<semaphore_mem>>
        %dma_start3A = arith.constant 0 : i32
        %dma_start3A_108 = tpu.memref_slice %arg15[%dma_start3A] : memref<100000xf32, #tpu.memory_space<vmem_shared>> -> memref<100000xf32, #tpu.memory_space<vmem_shared>>
        tpu.enqueue_indirect_dma source(%arg14 : memref<2000xf32, #tpu.memory_space<vmem>>) target(%dma_start3A_108 : memref<100000xf32, #tpu.memory_space<vmem_shared>>) offsets(%arg12 : memref<2000xi32, #tpu.memory_space<vmem>>) semaphore(%run_scoped3A : memref<!tpu.dma_semaphore, #tpu.memory_space<semaphore_mem>>) {add = true}
        %dma_wait3A = arith.constant 0 : i32
        %dma_wait3A_109 = tpu.memref_slice %arg15[%dma_wait3A] : memref<100000xf32, #tpu.memory_space<vmem_shared>> -> memref<100000xf32, #tpu.memory_space<vmem_shared>>
        tpu.wait_indirect_dma semaphore(%run_scoped3A : memref<!tpu.dma_semaphore, #tpu.memory_space<semaphore_mem>>) src(%arg14 : memref<2000xf32, #tpu.memory_space<vmem>>) dst(%dma_wait3A_109 : memref<100000xf32, #tpu.memory_space<vmem_shared>>)
        tpu.yield
      }) : () -> ()
      %scan3A_107 = arith.constant 0 : i32
      scf.yield %scan3A_107 : i32
    }
    %scan3A_35 = arith.constant 25 : i32
    %barrier3A_36 = arith.constant 0 : index
    tpu.barrier barrier_id(%barrier3A_36)
    %lt3A_37 = arith.constant 10 : i32
    %lt3A_38 = arith.cmpi slt, %arg1, %lt3A_37 : i32
    %convert_element_type3A_39 = arith.extui %lt3A_38 : i1 to i32
    %cond3A_40 = arith.constant 0 : i32
    %cond3A_41 = arith.cmpi ne, %convert_element_type3A_39, %cond3A_40 : i32
    scf.if %cond3A_41 {
      %scan3A_83 = arith.constant 0 : i32
      %scan3A_84 = arith.constant 0 : i32
      %scan3A_85 = arith.constant 5 : i32
      %scan3A_86 = arith.addi %scan3A_84, %scan3A_85 : i32
      %scan3A_87 = arith.constant 1 : i32
      %scan3A_88 = scf.for %scan3A_90 = %scan3A_84 to %scan3A_86 step %scan3A_87 iter_args(%scan3A_91 = %scan3A_83) -> (i32)  : i32 {
        %mul3A_92 = arith.constant 10000 : i32
        %mul3A_93 = arith.muli %arg1, %mul3A_92 : i32
        %mul3A_94 = arith.constant 2000 : i32
        %mul3A_95 = arith.muli %scan3A_90, %mul3A_94 : i32
        %add3A_96 = arith.addi %mul3A_93, %mul3A_95 : i32
        "tpu.region"() ({
          %run_scoped3A = tpu.sem_alloc : memref<!tpu.dma_semaphore, #tpu.memory_space<semaphore_mem>>
          %dma_start3A = tpu.memref_slice %arg15[%add3A_96] : memref<100000xf32, #tpu.memory_space<vmem_shared>> -> memref<2000xf32, #tpu.memory_space<vmem_shared>>
          %dma_start3A_105 = tpu.memref_slice %arg15[%add3A_96] : memref<100000xf32, #tpu.memory_space<vmem_shared>> -> memref<2000xf32, #tpu.memory_space<vmem_shared>>
          tpu.enqueue_dma source(%dma_start3A_105 : memref<2000xf32, #tpu.memory_space<vmem_shared>>) target(%arg14 : memref<2000xf32, #tpu.memory_space<vmem>>) target_semaphore(%run_scoped3A : memref<!tpu.dma_semaphore, #tpu.memory_space<semaphore_mem>>)
          %dma_wait3A = tpu.memref_slice %arg15[%add3A_96] : memref<100000xf32, #tpu.memory_space<vmem_shared>> -> memref<2000xf32, #tpu.memory_space<vmem_shared>>
          %dma_wait3A_106 = tpu.memref_slice %arg15[%add3A_96] : memref<100000xf32, #tpu.memory_space<vmem_shared>> -> memref<2000xf32, #tpu.memory_space<vmem_shared>>
          tpu.wait_dma2 semaphore(%run_scoped3A : memref<!tpu.dma_semaphore, #tpu.memory_space<semaphore_mem>>) src(%dma_wait3A_106 : memref<2000xf32, #tpu.memory_space<vmem_shared>>) dst(%arg14 : memref<2000xf32, #tpu.memory_space<vmem>>)
          tpu.yield
        }) : () -> ()
        %mul3A_97 = arith.constant 3 : i32
        %mul3A_98 = arith.muli %arg0, %mul3A_97 : i32
        %mul3A_99 = arith.constant 100000 : i32
        %mul3A_100 = arith.muli %mul3A_98, %mul3A_99 : i32
        %add3A_101 = arith.constant 0 : i32
        %add3A_102 = arith.addi %mul3A_100, %add3A_101 : i32
        %add3A_103 = arith.addi %add3A_102, %add3A_96 : i32
        "tpu.region"() ({
          %run_scoped3A = tpu.sem_alloc : memref<!tpu.dma_semaphore, #tpu.memory_space<semaphore_mem>>
          %dma_start3A = tpu.memref_slice %arg9[%add3A_103] : memref<600000xf32, #tpu.memory_space<hbm>> -> memref<2000xf32, #tpu.memory_space<hbm>>
          %dma_start3A_105 = tpu.memref_slice %arg9[%add3A_103] : memref<600000xf32, #tpu.memory_space<hbm>> -> memref<2000xf32, #tpu.memory_space<hbm>>
          tpu.enqueue_dma source(%arg14 : memref<2000xf32, #tpu.memory_space<vmem>>) target(%dma_start3A_105 : memref<2000xf32, #tpu.memory_space<hbm>>) target_semaphore(%run_scoped3A : memref<!tpu.dma_semaphore, #tpu.memory_space<semaphore_mem>>)
          %dma_wait3A = tpu.memref_slice %arg9[%add3A_103] : memref<600000xf32, #tpu.memory_space<hbm>> -> memref<2000xf32, #tpu.memory_space<hbm>>
          %dma_wait3A_106 = tpu.memref_slice %arg9[%add3A_103] : memref<600000xf32, #tpu.memory_space<hbm>> -> memref<2000xf32, #tpu.memory_space<hbm>>
          tpu.wait_dma2 semaphore(%run_scoped3A : memref<!tpu.dma_semaphore, #tpu.memory_space<semaphore_mem>>) src(%arg14 : memref<2000xf32, #tpu.memory_space<vmem>>) dst(%dma_wait3A_106 : memref<2000xf32, #tpu.memory_space<hbm>>)
          tpu.yield
        }) : () -> ()
        %scan3A_104 = arith.constant 0 : i32
        scf.yield %scan3A_104 : i32
      }
      %scan3A_89 = arith.constant 5 : i32
    } else {
    }
    %barrier3A_42 = arith.constant 0 : index
    tpu.barrier barrier_id(%barrier3A_42)
    "tpu.region"() ({
      %run_scoped3A = tpu.sem_alloc : memref<!tpu.dma_semaphore, #tpu.memory_space<semaphore_mem>>
      %dma_start3A = arith.constant 100000 : i32
      %dma_start3A_83 = tpu.memref_slice %arg5[%dma_start3A] : memref<300000xf32, #tpu.memory_space<hbm>> -> memref<100000xf32, #tpu.memory_space<hbm>>
      %dma_start3A_84 = arith.constant 100000 : i32
      %dma_start3A_85 = tpu.memref_slice %arg5[%dma_start3A_84] : memref<300000xf32, #tpu.memory_space<hbm>> -> memref<100000xf32, #tpu.memory_space<hbm>>
      tpu.enqueue_dma source(%dma_start3A_85 : memref<100000xf32, #tpu.memory_space<hbm>>) target(%arg10 : memref<100000xf32, #tpu.memory_space<vmem>>) target_semaphore(%run_scoped3A : memref<!tpu.dma_semaphore, #tpu.memory_space<semaphore_mem>>)
      %dma_wait3A = arith.constant 100000 : i32
      %dma_wait3A_86 = tpu.memref_slice %arg5[%dma_wait3A] : memref<300000xf32, #tpu.memory_space<hbm>> -> memref<100000xf32, #tpu.memory_space<hbm>>
      %dma_wait3A_87 = arith.constant 100000 : i32
      %dma_wait3A_88 = tpu.memref_slice %arg5[%dma_wait3A_87] : memref<300000xf32, #tpu.memory_space<hbm>> -> memref<100000xf32, #tpu.memory_space<hbm>>
      tpu.wait_dma2 semaphore(%run_scoped3A : memref<!tpu.dma_semaphore, #tpu.memory_space<semaphore_mem>>) src(%dma_wait3A_88 : memref<100000xf32, #tpu.memory_space<hbm>>) dst(%arg10 : memref<100000xf32, #tpu.memory_space<vmem>>)
      tpu.yield
    }) : () -> ()
    %lt3A_43 = arith.constant 10 : i32
    %lt3A_44 = arith.cmpi slt, %arg1, %lt3A_43 : i32
    %convert_element_type3A_45 = arith.extui %lt3A_44 : i1 to i32
    %cond3A_46 = arith.constant 0 : i32
    %cond3A_47 = arith.cmpi ne, %convert_element_type3A_45, %cond3A_46 : i32
    scf.if %cond3A_47 {
      "tpu.region"() ({
        %run_scoped3A = tpu.sem_alloc : memref<!tpu.dma_semaphore, #tpu.memory_space<semaphore_mem>>
        tpu.enqueue_dma source(%arg6 : memref<2000xf32, #tpu.memory_space<hbm>>) target(%arg14 : memref<2000xf32, #tpu.memory_space<vmem>>) target_semaphore(%run_scoped3A : memref<!tpu.dma_semaphore, #tpu.memory_space<semaphore_mem>>)
        tpu.wait_dma2 semaphore(%run_scoped3A : memref<!tpu.dma_semaphore, #tpu.memory_space<semaphore_mem>>) src(%arg6 : memref<2000xf32, #tpu.memory_space<hbm>>) dst(%arg14 : memref<2000xf32, #tpu.memory_space<vmem>>)
        tpu.yield
      }) : () -> ()
      %scan3A_83 = arith.constant 0 : i32
      %scan3A_84 = arith.constant 0 : i32
      %scan3A_85 = arith.constant 5 : i32
      %scan3A_86 = arith.addi %scan3A_84, %scan3A_85 : i32
      %scan3A_87 = arith.constant 1 : i32
      %scan3A_88 = scf.for %scan3A_90 = %scan3A_84 to %scan3A_86 step %scan3A_87 iter_args(%scan3A_91 = %scan3A_83) -> (i32)  : i32 {
        %mul3A_92 = arith.constant 10000 : i32
        %mul3A_93 = arith.muli %arg1, %mul3A_92 : i32
        %mul3A_94 = arith.constant 2000 : i32
        %mul3A_95 = arith.muli %scan3A_90, %mul3A_94 : i32
        %add3A_96 = arith.addi %mul3A_93, %mul3A_95 : i32
        "tpu.region"() ({
          %run_scoped3A = tpu.sem_alloc : memref<!tpu.dma_semaphore, #tpu.memory_space<semaphore_mem>>
          %dma_start3A = tpu.memref_slice %arg15[%add3A_96] : memref<100000xf32, #tpu.memory_space<vmem_shared>> -> memref<2000xf32, #tpu.memory_space<vmem_shared>>
          %dma_start3A_98 = tpu.memref_slice %arg15[%add3A_96] : memref<100000xf32, #tpu.memory_space<vmem_shared>> -> memref<2000xf32, #tpu.memory_space<vmem_shared>>
          tpu.enqueue_dma source(%arg14 : memref<2000xf32, #tpu.memory_space<vmem>>) target(%dma_start3A_98 : memref<2000xf32, #tpu.memory_space<vmem_shared>>) target_semaphore(%run_scoped3A : memref<!tpu.dma_semaphore, #tpu.memory_space<semaphore_mem>>)
          %dma_wait3A = tpu.memref_slice %arg15[%add3A_96] : memref<100000xf32, #tpu.memory_space<vmem_shared>> -> memref<2000xf32, #tpu.memory_space<vmem_shared>>
          %dma_wait3A_99 = tpu.memref_slice %arg15[%add3A_96] : memref<100000xf32, #tpu.memory_space<vmem_shared>> -> memref<2000xf32, #tpu.memory_space<vmem_shared>>
          tpu.wait_dma2 semaphore(%run_scoped3A : memref<!tpu.dma_semaphore, #tpu.memory_space<semaphore_mem>>) src(%arg14 : memref<2000xf32, #tpu.memory_space<vmem>>) dst(%dma_wait3A_99 : memref<2000xf32, #tpu.memory_space<vmem_shared>>)
          tpu.yield
        }) : () -> ()
        %scan3A_97 = arith.constant 0 : i32
        scf.yield %scan3A_97 : i32
      }
      %scan3A_89 = arith.constant 5 : i32
    } else {
    }
    %barrier3A_48 = arith.constant 0 : index
    tpu.barrier barrier_id(%barrier3A_48)
    %scan3A_49 = arith.constant 0 : i32
    %scan3A_50 = arith.constant 0 : i32
    %scan3A_51 = arith.constant 25 : i32
    %scan3A_52 = arith.addi %scan3A_50, %scan3A_51 : i32
    %scan3A_53 = arith.constant 1 : i32
    %scan3A_54 = scf.for %scan3A_83 = %scan3A_50 to %scan3A_52 step %scan3A_53 iter_args(%scan3A_84 = %scan3A_49) -> (i32)  : i32 {
      %mul3A_85 = arith.constant 50000 : i32
      %mul3A_86 = arith.muli %add3A, %mul3A_85 : i32
      %mul3A_87 = arith.constant 2000 : i32
      %mul3A_88 = arith.muli %scan3A_83, %mul3A_87 : i32
      %add3A_89 = arith.addi %mul3A_86, %mul3A_88 : i32
      "tpu.region"() ({
        %run_scoped3A = tpu.sem_alloc : memref<!tpu.dma_semaphore, #tpu.memory_space<semaphore_mem>>
        %dma_start3A = tpu.memref_slice %arg2[%add3A_89] : memref<1600000xi32, #tpu.memory_space<hbm>> -> memref<2000xi32, #tpu.memory_space<hbm>>
        %dma_start3A_108 = tpu.memref_slice %arg2[%add3A_89] : memref<1600000xi32, #tpu.memory_space<hbm>> -> memref<2000xi32, #tpu.memory_space<hbm>>
        tpu.enqueue_dma source(%dma_start3A_108 : memref<2000xi32, #tpu.memory_space<hbm>>) target(%arg11 : memref<2000xi32, #tpu.memory_space<vmem>>) target_semaphore(%run_scoped3A : memref<!tpu.dma_semaphore, #tpu.memory_space<semaphore_mem>>)
        %dma_wait3A = tpu.memref_slice %arg2[%add3A_89] : memref<1600000xi32, #tpu.memory_space<hbm>> -> memref<2000xi32, #tpu.memory_space<hbm>>
        %dma_wait3A_109 = tpu.memref_slice %arg2[%add3A_89] : memref<1600000xi32, #tpu.memory_space<hbm>> -> memref<2000xi32, #tpu.memory_space<hbm>>
        tpu.wait_dma2 semaphore(%run_scoped3A : memref<!tpu.dma_semaphore, #tpu.memory_space<semaphore_mem>>) src(%dma_wait3A_109 : memref<2000xi32, #tpu.memory_space<hbm>>) dst(%arg11 : memref<2000xi32, #tpu.memory_space<vmem>>)
        tpu.yield
      }) : () -> ()
      "tpu.region"() ({
        %run_scoped3A = tpu.sem_alloc : memref<!tpu.dma_semaphore, #tpu.memory_space<semaphore_mem>>
        %dma_start3A = tpu.memref_slice %arg3[%add3A_89] : memref<1600000xi32, #tpu.memory_space<hbm>> -> memref<2000xi32, #tpu.memory_space<hbm>>
        %dma_start3A_108 = tpu.memref_slice %arg3[%add3A_89] : memref<1600000xi32, #tpu.memory_space<hbm>> -> memref<2000xi32, #tpu.memory_space<hbm>>
        tpu.enqueue_dma source(%dma_start3A_108 : memref<2000xi32, #tpu.memory_space<hbm>>) target(%arg12 : memref<2000xi32, #tpu.memory_space<vmem>>) target_semaphore(%run_scoped3A : memref<!tpu.dma_semaphore, #tpu.memory_space<semaphore_mem>>)
        %dma_wait3A = tpu.memref_slice %arg3[%add3A_89] : memref<1600000xi32, #tpu.memory_space<hbm>> -> memref<2000xi32, #tpu.memory_space<hbm>>
        %dma_wait3A_109 = tpu.memref_slice %arg3[%add3A_89] : memref<1600000xi32, #tpu.memory_space<hbm>> -> memref<2000xi32, #tpu.memory_space<hbm>>
        tpu.wait_dma2 semaphore(%run_scoped3A : memref<!tpu.dma_semaphore, #tpu.memory_space<semaphore_mem>>) src(%dma_wait3A_109 : memref<2000xi32, #tpu.memory_space<hbm>>) dst(%arg12 : memref<2000xi32, #tpu.memory_space<vmem>>)
        tpu.yield
      }) : () -> ()
      "tpu.region"() ({
        %run_scoped3A = tpu.sem_alloc : memref<!tpu.dma_semaphore, #tpu.memory_space<semaphore_mem>>
        %dma_start3A = tpu.memref_slice %arg8[%add3A_89] : memref<1600000xf32, #tpu.memory_space<hbm>> -> memref<2000xf32, #tpu.memory_space<hbm>>
        %dma_start3A_108 = tpu.memref_slice %arg8[%add3A_89] : memref<1600000xf32, #tpu.memory_space<hbm>> -> memref<2000xf32, #tpu.memory_space<hbm>>
        tpu.enqueue_dma source(%dma_start3A_108 : memref<2000xf32, #tpu.memory_space<hbm>>) target(%arg13 : memref<2000xf32, #tpu.memory_space<vmem>>) target_semaphore(%run_scoped3A : memref<!tpu.dma_semaphore, #tpu.memory_space<semaphore_mem>>)
        %dma_wait3A = tpu.memref_slice %arg8[%add3A_89] : memref<1600000xf32, #tpu.memory_space<hbm>> -> memref<2000xf32, #tpu.memory_space<hbm>>
        %dma_wait3A_109 = tpu.memref_slice %arg8[%add3A_89] : memref<1600000xf32, #tpu.memory_space<hbm>> -> memref<2000xf32, #tpu.memory_space<hbm>>
        tpu.wait_dma2 semaphore(%run_scoped3A : memref<!tpu.dma_semaphore, #tpu.memory_space<semaphore_mem>>) src(%dma_wait3A_109 : memref<2000xf32, #tpu.memory_space<hbm>>) dst(%arg13 : memref<2000xf32, #tpu.memory_space<vmem>>)
        tpu.yield
      }) : () -> ()
      %scan3A_90 = arith.constant 0 : i32
      %scan3A_91 = arith.constant 0 : i32
      %scan3A_92 = arith.constant 124 : i32
      %scan3A_93 = arith.addi %scan3A_91, %scan3A_92 : i32
      %scan3A_94 = arith.constant 4 : i32
      %scan3A_95 = scf.for %scan3A_108 = %scan3A_91 to %scan3A_93 step %scan3A_94 iter_args(%scan3A_109 = %scan3A_90) -> (i32)  : i32 {
        %mul3A_110 = arith.constant 16 : i32
        %mul3A_111 = arith.muli %scan3A_108, %mul3A_110 : i32
        %get3A_112 = arith.index_cast %mul3A_111 : i32 to index
        %get3A_113 = tpu.vector_load %arg11[%get3A_112] {strides = array<i32>} : memref<2000xi32, #tpu.memory_space<vmem>>, vector<16xi32>,
        %gather3A_114 = tpu.vector_load_idx %arg10[%get3A_113] : memref<100000xf32, #tpu.memory_space<vmem>>[vector<16xi32>], vector<16xf32>,
        %get3A_115 = arith.index_cast %mul3A_111 : i32 to index
        %get3A_116 = tpu.vector_load %arg13[%get3A_115] {strides = array<i32>} : memref<2000xf32, #tpu.memory_space<vmem>>, vector<16xf32>,
        %mul3A_117 = arith.mulf %gather3A_114, %get3A_116 : vector<16xf32>
        %swap3A_118 = arith.index_cast %mul3A_111 : i32 to index
        %swap3A_119 = tpu.vector_load %arg14[%swap3A_118] {strides = array<i32>} : memref<2000xf32, #tpu.memory_space<vmem>>, vector<16xf32>,
        tpu.vector_store %arg14[%swap3A_118], %mul3A_117 {strides = array<i32>} : memref<2000xf32, #tpu.memory_space<vmem>>, vector<16xf32>,
        %scan3A_120 = arith.constant 0 : i32
        %scan3A_121 = arith.constant 1 : i32
        %scan3A_122 = arith.addi %scan3A_108, %scan3A_121 : i32
        %mul3A_123 = arith.constant 16 : i32
        %mul3A_124 = arith.muli %scan3A_122, %mul3A_123 : i32
        %get3A_125 = arith.index_cast %mul3A_124 : i32 to index
        %get3A_126 = tpu.vector_load %arg11[%get3A_125] {strides = array<i32>} : memref<2000xi32, #tpu.memory_space<vmem>>, vector<16xi32>,
        %gather3A_127 = tpu.vector_load_idx %arg10[%get3A_126] : memref<100000xf32, #tpu.memory_space<vmem>>[vector<16xi32>], vector<16xf32>,
        %get3A_128 = arith.index_cast %mul3A_124 : i32 to index
        %get3A_129 = tpu.vector_load %arg13[%get3A_128] {strides = array<i32>} : memref<2000xf32, #tpu.memory_space<vmem>>, vector<16xf32>,
        %mul3A_130 = arith.mulf %gather3A_127, %get3A_129 : vector<16xf32>
        %swap3A_131 = arith.index_cast %mul3A_124 : i32 to index
        %swap3A_132 = tpu.vector_load %arg14[%swap3A_131] {strides = array<i32>} : memref<2000xf32, #tpu.memory_space<vmem>>, vector<16xf32>,
        tpu.vector_store %arg14[%swap3A_131], %mul3A_130 {strides = array<i32>} : memref<2000xf32, #tpu.memory_space<vmem>>, vector<16xf32>,
        %scan3A_133 = arith.constant 0 : i32
        %scan3A_134 = arith.constant 2 : i32
        %scan3A_135 = arith.addi %scan3A_108, %scan3A_134 : i32
        %mul3A_136 = arith.constant 16 : i32
        %mul3A_137 = arith.muli %scan3A_135, %mul3A_136 : i32
        %get3A_138 = arith.index_cast %mul3A_137 : i32 to index
        %get3A_139 = tpu.vector_load %arg11[%get3A_138] {strides = array<i32>} : memref<2000xi32, #tpu.memory_space<vmem>>, vector<16xi32>,
        %gather3A_140 = tpu.vector_load_idx %arg10[%get3A_139] : memref<100000xf32, #tpu.memory_space<vmem>>[vector<16xi32>], vector<16xf32>,
        %get3A_141 = arith.index_cast %mul3A_137 : i32 to index
        %get3A_142 = tpu.vector_load %arg13[%get3A_141] {strides = array<i32>} : memref<2000xf32, #tpu.memory_space<vmem>>, vector<16xf32>,
        %mul3A_143 = arith.mulf %gather3A_140, %get3A_142 : vector<16xf32>
        %swap3A_144 = arith.index_cast %mul3A_137 : i32 to index
        %swap3A_145 = tpu.vector_load %arg14[%swap3A_144] {strides = array<i32>} : memref<2000xf32, #tpu.memory_space<vmem>>, vector<16xf32>,
        tpu.vector_store %arg14[%swap3A_144], %mul3A_143 {strides = array<i32>} : memref<2000xf32, #tpu.memory_space<vmem>>, vector<16xf32>,
        %scan3A_146 = arith.constant 0 : i32
        %scan3A_147 = arith.constant 3 : i32
        %scan3A_148 = arith.addi %scan3A_108, %scan3A_147 : i32
        %mul3A_149 = arith.constant 16 : i32
        %mul3A_150 = arith.muli %scan3A_148, %mul3A_149 : i32
        %get3A_151 = arith.index_cast %mul3A_150 : i32 to index
        %get3A_152 = tpu.vector_load %arg11[%get3A_151] {strides = array<i32>} : memref<2000xi32, #tpu.memory_space<vmem>>, vector<16xi32>,
        %gather3A_153 = tpu.vector_load_idx %arg10[%get3A_152] : memref<100000xf32, #tpu.memory_space<vmem>>[vector<16xi32>], vector<16xf32>,
        %get3A_154 = arith.index_cast %mul3A_150 : i32 to index
        %get3A_155 = tpu.vector_load %arg13[%get3A_154] {strides = array<i32>} : memref<2000xf32, #tpu.memory_space<vmem>>, vector<16xf32>,
        %mul3A_156 = arith.mulf %gather3A_153, %get3A_155 : vector<16xf32>
        %swap3A_157 = arith.index_cast %mul3A_150 : i32 to index
        %swap3A_158 = tpu.vector_load %arg14[%swap3A_157] {strides = array<i32>} : memref<2000xf32, #tpu.memory_space<vmem>>, vector<16xf32>,
        tpu.vector_store %arg14[%swap3A_157], %mul3A_156 {strides = array<i32>} : memref<2000xf32, #tpu.memory_space<vmem>>, vector<16xf32>,
        %scan3A_159 = arith.constant 0 : i32
        scf.yield %scan3A_159 : i32
      }
      %scan3A_96 = arith.constant 124 : i32
      %scan3A_97 = arith.addi %scan3A_91, %scan3A_96 : i32
      %mul3A_98 = arith.constant 16 : i32
      %mul3A_99 = arith.muli %scan3A_97, %mul3A_98 : i32
      %get3A = arith.index_cast %mul3A_99 : i32 to index
      %get3A_100 = tpu.vector_load %arg11[%get3A] {strides = array<i32>} : memref<2000xi32, #tpu.memory_space<vmem>>, vector<16xi32>,
      %gather3A = tpu.vector_load_idx %arg10[%get3A_100] : memref<100000xf32, #tpu.memory_space<vmem>>[vector<16xi32>], vector<16xf32>,
      %get3A_101 = arith.index_cast %mul3A_99 : i32 to index
      %get3A_102 = tpu.vector_load %arg13[%get3A_101] {strides = array<i32>} : memref<2000xf32, #tpu.memory_space<vmem>>, vector<16xf32>,
      %mul3A_103 = arith.mulf %gather3A, %get3A_102 : vector<16xf32>
      %swap3A = arith.index_cast %mul3A_99 : i32 to index
      %swap3A_104 = tpu.vector_load %arg14[%swap3A] {strides = array<i32>} : memref<2000xf32, #tpu.memory_space<vmem>>, vector<16xf32>,
      tpu.vector_store %arg14[%swap3A], %mul3A_103 {strides = array<i32>} : memref<2000xf32, #tpu.memory_space<vmem>>, vector<16xf32>,
      %scan3A_105 = arith.constant 0 : i32
      %scan3A_106 = arith.constant 125 : i32
      "tpu.region"() ({
        %run_scoped3A = tpu.sem_alloc : memref<!tpu.dma_semaphore, #tpu.memory_space<semaphore_mem>>
        %dma_start3A = arith.constant 0 : i32
        %dma_start3A_108 = tpu.memref_slice %arg15[%dma_start3A] : memref<100000xf32, #tpu.memory_space<vmem_shared>> -> memref<100000xf32, #tpu.memory_space<vmem_shared>>
        tpu.enqueue_indirect_dma source(%arg14 : memref<2000xf32, #tpu.memory_space<vmem>>) target(%dma_start3A_108 : memref<100000xf32, #tpu.memory_space<vmem_shared>>) offsets(%arg12 : memref<2000xi32, #tpu.memory_space<vmem>>) semaphore(%run_scoped3A : memref<!tpu.dma_semaphore, #tpu.memory_space<semaphore_mem>>) {add = true}
        %dma_wait3A = arith.constant 0 : i32
        %dma_wait3A_109 = tpu.memref_slice %arg15[%dma_wait3A] : memref<100000xf32, #tpu.memory_space<vmem_shared>> -> memref<100000xf32, #tpu.memory_space<vmem_shared>>
        tpu.wait_indirect_dma semaphore(%run_scoped3A : memref<!tpu.dma_semaphore, #tpu.memory_space<semaphore_mem>>) src(%arg14 : memref<2000xf32, #tpu.memory_space<vmem>>) dst(%dma_wait3A_109 : memref<100000xf32, #tpu.memory_space<vmem_shared>>)
        tpu.yield
      }) : () -> ()
      %scan3A_107 = arith.constant 0 : i32
      scf.yield %scan3A_107 : i32
    }
    %scan3A_55 = arith.constant 25 : i32
    %barrier3A_56 = arith.constant 0 : index
    tpu.barrier barrier_id(%barrier3A_56)
    %lt3A_57 = arith.constant 10 : i32
    %lt3A_58 = arith.cmpi slt, %arg1, %lt3A_57 : i32
    %convert_element_type3A_59 = arith.extui %lt3A_58 : i1 to i32
    %cond3A_60 = arith.constant 0 : i32
    %cond3A_61 = arith.cmpi ne, %convert_element_type3A_59, %cond3A_60 : i32
    scf.if %cond3A_61 {
      %scan3A_83 = arith.constant 0 : i32
      %scan3A_84 = arith.constant 0 : i32
      %scan3A_85 = arith.constant 5 : i32
      %scan3A_86 = arith.addi %scan3A_84, %scan3A_85 : i32
      %scan3A_87 = arith.constant 1 : i32
      %scan3A_88 = scf.for %scan3A_90 = %scan3A_84 to %scan3A_86 step %scan3A_87 iter_args(%scan3A_91 = %scan3A_83) -> (i32)  : i32 {
        %mul3A_92 = arith.constant 10000 : i32
        %mul3A_93 = arith.muli %arg1, %mul3A_92 : i32
        %mul3A_94 = arith.constant 2000 : i32
        %mul3A_95 = arith.muli %scan3A_90, %mul3A_94 : i32
        %add3A_96 = arith.addi %mul3A_93, %mul3A_95 : i32
        "tpu.region"() ({
          %run_scoped3A = tpu.sem_alloc : memref<!tpu.dma_semaphore, #tpu.memory_space<semaphore_mem>>
          %dma_start3A = tpu.memref_slice %arg15[%add3A_96] : memref<100000xf32, #tpu.memory_space<vmem_shared>> -> memref<2000xf32, #tpu.memory_space<vmem_shared>>
          %dma_start3A_105 = tpu.memref_slice %arg15[%add3A_96] : memref<100000xf32, #tpu.memory_space<vmem_shared>> -> memref<2000xf32, #tpu.memory_space<vmem_shared>>
          tpu.enqueue_dma source(%dma_start3A_105 : memref<2000xf32, #tpu.memory_space<vmem_shared>>) target(%arg14 : memref<2000xf32, #tpu.memory_space<vmem>>) target_semaphore(%run_scoped3A : memref<!tpu.dma_semaphore, #tpu.memory_space<semaphore_mem>>)
          %dma_wait3A = tpu.memref_slice %arg15[%add3A_96] : memref<100000xf32, #tpu.memory_space<vmem_shared>> -> memref<2000xf32, #tpu.memory_space<vmem_shared>>
          %dma_wait3A_106 = tpu.memref_slice %arg15[%add3A_96] : memref<100000xf32, #tpu.memory_space<vmem_shared>> -> memref<2000xf32, #tpu.memory_space<vmem_shared>>
          tpu.wait_dma2 semaphore(%run_scoped3A : memref<!tpu.dma_semaphore, #tpu.memory_space<semaphore_mem>>) src(%dma_wait3A_106 : memref<2000xf32, #tpu.memory_space<vmem_shared>>) dst(%arg14 : memref<2000xf32, #tpu.memory_space<vmem>>)
          tpu.yield
        }) : () -> ()
        %mul3A_97 = arith.constant 3 : i32
        %mul3A_98 = arith.muli %arg0, %mul3A_97 : i32
        %mul3A_99 = arith.constant 100000 : i32
        %mul3A_100 = arith.muli %mul3A_98, %mul3A_99 : i32
        %add3A_101 = arith.constant 100000 : i32
        %add3A_102 = arith.addi %mul3A_100, %add3A_101 : i32
        %add3A_103 = arith.addi %add3A_102, %add3A_96 : i32
        "tpu.region"() ({
          %run_scoped3A = tpu.sem_alloc : memref<!tpu.dma_semaphore, #tpu.memory_space<semaphore_mem>>
          %dma_start3A = tpu.memref_slice %arg9[%add3A_103] : memref<600000xf32, #tpu.memory_space<hbm>> -> memref<2000xf32, #tpu.memory_space<hbm>>
          %dma_start3A_105 = tpu.memref_slice %arg9[%add3A_103] : memref<600000xf32, #tpu.memory_space<hbm>> -> memref<2000xf32, #tpu.memory_space<hbm>>
          tpu.enqueue_dma source(%arg14 : memref<2000xf32, #tpu.memory_space<vmem>>) target(%dma_start3A_105 : memref<2000xf32, #tpu.memory_space<hbm>>) target_semaphore(%run_scoped3A : memref<!tpu.dma_semaphore, #tpu.memory_space<semaphore_mem>>)
          %dma_wait3A = tpu.memref_slice %arg9[%add3A_103] : memref<600000xf32, #tpu.memory_space<hbm>> -> memref<2000xf32, #tpu.memory_space<hbm>>
          %dma_wait3A_106 = tpu.memref_slice %arg9[%add3A_103] : memref<600000xf32, #tpu.memory_space<hbm>> -> memref<2000xf32, #tpu.memory_space<hbm>>
          tpu.wait_dma2 semaphore(%run_scoped3A : memref<!tpu.dma_semaphore, #tpu.memory_space<semaphore_mem>>) src(%arg14 : memref<2000xf32, #tpu.memory_space<vmem>>) dst(%dma_wait3A_106 : memref<2000xf32, #tpu.memory_space<hbm>>)
          tpu.yield
        }) : () -> ()
        %scan3A_104 = arith.constant 0 : i32
        scf.yield %scan3A_104 : i32
      }
      %scan3A_89 = arith.constant 5 : i32
    } else {
    }
    %barrier3A_62 = arith.constant 0 : index
    tpu.barrier barrier_id(%barrier3A_62)
    "tpu.region"() ({
      %run_scoped3A = tpu.sem_alloc : memref<!tpu.dma_semaphore, #tpu.memory_space<semaphore_mem>>
      %dma_start3A = arith.constant 200000 : i32
      %dma_start3A_83 = tpu.memref_slice %arg5[%dma_start3A] : memref<300000xf32, #tpu.memory_space<hbm>> -> memref<100000xf32, #tpu.memory_space<hbm>>
      %dma_start3A_84 = arith.constant 200000 : i32
      %dma_start3A_85 = tpu.memref_slice %arg5[%dma_start3A_84] : memref<300000xf32, #tpu.memory_space<hbm>> -> memref<100000xf32, #tpu.memory_space<hbm>>
      tpu.enqueue_dma source(%dma_start3A_85 : memref<100000xf32, #tpu.memory_space<hbm>>) target(%arg10 : memref<100000xf32, #tpu.memory_space<vmem>>) target_semaphore(%run_scoped3A : memref<!tpu.dma_semaphore, #tpu.memory_space<semaphore_mem>>)
      %dma_wait3A = arith.constant 200000 : i32
      %dma_wait3A_86 = tpu.memref_slice %arg5[%dma_wait3A] : memref<300000xf32, #tpu.memory_space<hbm>> -> memref<100000xf32, #tpu.memory_space<hbm>>
      %dma_wait3A_87 = arith.constant 200000 : i32
      %dma_wait3A_88 = tpu.memref_slice %arg5[%dma_wait3A_87] : memref<300000xf32, #tpu.memory_space<hbm>> -> memref<100000xf32, #tpu.memory_space<hbm>>
      tpu.wait_dma2 semaphore(%run_scoped3A : memref<!tpu.dma_semaphore, #tpu.memory_space<semaphore_mem>>) src(%dma_wait3A_88 : memref<100000xf32, #tpu.memory_space<hbm>>) dst(%arg10 : memref<100000xf32, #tpu.memory_space<vmem>>)
      tpu.yield
    }) : () -> ()
    %lt3A_63 = arith.constant 10 : i32
    %lt3A_64 = arith.cmpi slt, %arg1, %lt3A_63 : i32
    %convert_element_type3A_65 = arith.extui %lt3A_64 : i1 to i32
    %cond3A_66 = arith.constant 0 : i32
    %cond3A_67 = arith.cmpi ne, %convert_element_type3A_65, %cond3A_66 : i32
    scf.if %cond3A_67 {
      "tpu.region"() ({
        %run_scoped3A = tpu.sem_alloc : memref<!tpu.dma_semaphore, #tpu.memory_space<semaphore_mem>>
        tpu.enqueue_dma source(%arg6 : memref<2000xf32, #tpu.memory_space<hbm>>) target(%arg14 : memref<2000xf32, #tpu.memory_space<vmem>>) target_semaphore(%run_scoped3A : memref<!tpu.dma_semaphore, #tpu.memory_space<semaphore_mem>>)
        tpu.wait_dma2 semaphore(%run_scoped3A : memref<!tpu.dma_semaphore, #tpu.memory_space<semaphore_mem>>) src(%arg6 : memref<2000xf32, #tpu.memory_space<hbm>>) dst(%arg14 : memref<2000xf32, #tpu.memory_space<vmem>>)
        tpu.yield
      }) : () -> ()
      %scan3A_83 = arith.constant 0 : i32
      %scan3A_84 = arith.constant 0 : i32
      %scan3A_85 = arith.constant 5 : i32
      %scan3A_86 = arith.addi %scan3A_84, %scan3A_85 : i32
      %scan3A_87 = arith.constant 1 : i32
      %scan3A_88 = scf.for %scan3A_90 = %scan3A_84 to %scan3A_86 step %scan3A_87 iter_args(%scan3A_91 = %scan3A_83) -> (i32)  : i32 {
        %mul3A_92 = arith.constant 10000 : i32
        %mul3A_93 = arith.muli %arg1, %mul3A_92 : i32
        %mul3A_94 = arith.constant 2000 : i32
        %mul3A_95 = arith.muli %scan3A_90, %mul3A_94 : i32
        %add3A_96 = arith.addi %mul3A_93, %mul3A_95 : i32
        "tpu.region"() ({
          %run_scoped3A = tpu.sem_alloc : memref<!tpu.dma_semaphore, #tpu.memory_space<semaphore_mem>>
          %dma_start3A = tpu.memref_slice %arg15[%add3A_96] : memref<100000xf32, #tpu.memory_space<vmem_shared>> -> memref<2000xf32, #tpu.memory_space<vmem_shared>>
          %dma_start3A_98 = tpu.memref_slice %arg15[%add3A_96] : memref<100000xf32, #tpu.memory_space<vmem_shared>> -> memref<2000xf32, #tpu.memory_space<vmem_shared>>
          tpu.enqueue_dma source(%arg14 : memref<2000xf32, #tpu.memory_space<vmem>>) target(%dma_start3A_98 : memref<2000xf32, #tpu.memory_space<vmem_shared>>) target_semaphore(%run_scoped3A : memref<!tpu.dma_semaphore, #tpu.memory_space<semaphore_mem>>)
          %dma_wait3A = tpu.memref_slice %arg15[%add3A_96] : memref<100000xf32, #tpu.memory_space<vmem_shared>> -> memref<2000xf32, #tpu.memory_space<vmem_shared>>
          %dma_wait3A_99 = tpu.memref_slice %arg15[%add3A_96] : memref<100000xf32, #tpu.memory_space<vmem_shared>> -> memref<2000xf32, #tpu.memory_space<vmem_shared>>
          tpu.wait_dma2 semaphore(%run_scoped3A : memref<!tpu.dma_semaphore, #tpu.memory_space<semaphore_mem>>) src(%arg14 : memref<2000xf32, #tpu.memory_space<vmem>>) dst(%dma_wait3A_99 : memref<2000xf32, #tpu.memory_space<vmem_shared>>)
          tpu.yield
        }) : () -> ()
        %scan3A_97 = arith.constant 0 : i32
        scf.yield %scan3A_97 : i32
      }
      %scan3A_89 = arith.constant 5 : i32
    } else {
    }
    %barrier3A_68 = arith.constant 0 : index
    tpu.barrier barrier_id(%barrier3A_68)
    %scan3A_69 = arith.constant 0 : i32
    %scan3A_70 = arith.constant 0 : i32
    %scan3A_71 = arith.constant 25 : i32
    %scan3A_72 = arith.addi %scan3A_70, %scan3A_71 : i32
    %scan3A_73 = arith.constant 1 : i32
    %scan3A_74 = scf.for %scan3A_83 = %scan3A_70 to %scan3A_72 step %scan3A_73 iter_args(%scan3A_84 = %scan3A_69) -> (i32)  : i32 {
      %mul3A_85 = arith.constant 50000 : i32
      %mul3A_86 = arith.muli %add3A, %mul3A_85 : i32
      %mul3A_87 = arith.constant 2000 : i32
      %mul3A_88 = arith.muli %scan3A_83, %mul3A_87 : i32
      %add3A_89 = arith.addi %mul3A_86, %mul3A_88 : i32
      "tpu.region"() ({
        %run_scoped3A = tpu.sem_alloc : memref<!tpu.dma_semaphore, #tpu.memory_space<semaphore_mem>>
        %dma_start3A = tpu.memref_slice %arg2[%add3A_89] : memref<1600000xi32, #tpu.memory_space<hbm>> -> memref<2000xi32, #tpu.memory_space<hbm>>
        %dma_start3A_108 = tpu.memref_slice %arg2[%add3A_89] : memref<1600000xi32, #tpu.memory_space<hbm>> -> memref<2000xi32, #tpu.memory_space<hbm>>
        tpu.enqueue_dma source(%dma_start3A_108 : memref<2000xi32, #tpu.memory_space<hbm>>) target(%arg11 : memref<2000xi32, #tpu.memory_space<vmem>>) target_semaphore(%run_scoped3A : memref<!tpu.dma_semaphore, #tpu.memory_space<semaphore_mem>>)
        %dma_wait3A = tpu.memref_slice %arg2[%add3A_89] : memref<1600000xi32, #tpu.memory_space<hbm>> -> memref<2000xi32, #tpu.memory_space<hbm>>
        %dma_wait3A_109 = tpu.memref_slice %arg2[%add3A_89] : memref<1600000xi32, #tpu.memory_space<hbm>> -> memref<2000xi32, #tpu.memory_space<hbm>>
        tpu.wait_dma2 semaphore(%run_scoped3A : memref<!tpu.dma_semaphore, #tpu.memory_space<semaphore_mem>>) src(%dma_wait3A_109 : memref<2000xi32, #tpu.memory_space<hbm>>) dst(%arg11 : memref<2000xi32, #tpu.memory_space<vmem>>)
        tpu.yield
      }) : () -> ()
      "tpu.region"() ({
        %run_scoped3A = tpu.sem_alloc : memref<!tpu.dma_semaphore, #tpu.memory_space<semaphore_mem>>
        %dma_start3A = tpu.memref_slice %arg3[%add3A_89] : memref<1600000xi32, #tpu.memory_space<hbm>> -> memref<2000xi32, #tpu.memory_space<hbm>>
        %dma_start3A_108 = tpu.memref_slice %arg3[%add3A_89] : memref<1600000xi32, #tpu.memory_space<hbm>> -> memref<2000xi32, #tpu.memory_space<hbm>>
        tpu.enqueue_dma source(%dma_start3A_108 : memref<2000xi32, #tpu.memory_space<hbm>>) target(%arg12 : memref<2000xi32, #tpu.memory_space<vmem>>) target_semaphore(%run_scoped3A : memref<!tpu.dma_semaphore, #tpu.memory_space<semaphore_mem>>)
        %dma_wait3A = tpu.memref_slice %arg3[%add3A_89] : memref<1600000xi32, #tpu.memory_space<hbm>> -> memref<2000xi32, #tpu.memory_space<hbm>>
        %dma_wait3A_109 = tpu.memref_slice %arg3[%add3A_89] : memref<1600000xi32, #tpu.memory_space<hbm>> -> memref<2000xi32, #tpu.memory_space<hbm>>
        tpu.wait_dma2 semaphore(%run_scoped3A : memref<!tpu.dma_semaphore, #tpu.memory_space<semaphore_mem>>) src(%dma_wait3A_109 : memref<2000xi32, #tpu.memory_space<hbm>>) dst(%arg12 : memref<2000xi32, #tpu.memory_space<vmem>>)
        tpu.yield
      }) : () -> ()
      "tpu.region"() ({
        %run_scoped3A = tpu.sem_alloc : memref<!tpu.dma_semaphore, #tpu.memory_space<semaphore_mem>>
        %dma_start3A = tpu.memref_slice %arg8[%add3A_89] : memref<1600000xf32, #tpu.memory_space<hbm>> -> memref<2000xf32, #tpu.memory_space<hbm>>
        %dma_start3A_108 = tpu.memref_slice %arg8[%add3A_89] : memref<1600000xf32, #tpu.memory_space<hbm>> -> memref<2000xf32, #tpu.memory_space<hbm>>
        tpu.enqueue_dma source(%dma_start3A_108 : memref<2000xf32, #tpu.memory_space<hbm>>) target(%arg13 : memref<2000xf32, #tpu.memory_space<vmem>>) target_semaphore(%run_scoped3A : memref<!tpu.dma_semaphore, #tpu.memory_space<semaphore_mem>>)
        %dma_wait3A = tpu.memref_slice %arg8[%add3A_89] : memref<1600000xf32, #tpu.memory_space<hbm>> -> memref<2000xf32, #tpu.memory_space<hbm>>
        %dma_wait3A_109 = tpu.memref_slice %arg8[%add3A_89] : memref<1600000xf32, #tpu.memory_space<hbm>> -> memref<2000xf32, #tpu.memory_space<hbm>>
        tpu.wait_dma2 semaphore(%run_scoped3A : memref<!tpu.dma_semaphore, #tpu.memory_space<semaphore_mem>>) src(%dma_wait3A_109 : memref<2000xf32, #tpu.memory_space<hbm>>) dst(%arg13 : memref<2000xf32, #tpu.memory_space<vmem>>)
        tpu.yield
      }) : () -> ()
      %scan3A_90 = arith.constant 0 : i32
      %scan3A_91 = arith.constant 0 : i32
      %scan3A_92 = arith.constant 124 : i32
      %scan3A_93 = arith.addi %scan3A_91, %scan3A_92 : i32
      %scan3A_94 = arith.constant 4 : i32
      %scan3A_95 = scf.for %scan3A_108 = %scan3A_91 to %scan3A_93 step %scan3A_94 iter_args(%scan3A_109 = %scan3A_90) -> (i32)  : i32 {
        %mul3A_110 = arith.constant 16 : i32
        %mul3A_111 = arith.muli %scan3A_108, %mul3A_110 : i32
        %get3A_112 = arith.index_cast %mul3A_111 : i32 to index
        %get3A_113 = tpu.vector_load %arg11[%get3A_112] {strides = array<i32>} : memref<2000xi32, #tpu.memory_space<vmem>>, vector<16xi32>,
        %gather3A_114 = tpu.vector_load_idx %arg10[%get3A_113] : memref<100000xf32, #tpu.memory_space<vmem>>[vector<16xi32>], vector<16xf32>,
        %get3A_115 = arith.index_cast %mul3A_111 : i32 to index
        %get3A_116 = tpu.vector_load %arg13[%get3A_115] {strides = array<i32>} : memref<2000xf32, #tpu.memory_space<vmem>>, vector<16xf32>,
        %mul3A_117 = arith.mulf %gather3A_114, %get3A_116 : vector<16xf32>
        %swap3A_118 = arith.index_cast %mul3A_111 : i32 to index
        %swap3A_119 = tpu.vector_load %arg14[%swap3A_118] {strides = array<i32>} : memref<2000xf32, #tpu.memory_space<vmem>>, vector<16xf32>,
        tpu.vector_store %arg14[%swap3A_118], %mul3A_117 {strides = array<i32>} : memref<2000xf32, #tpu.memory_space<vmem>>, vector<16xf32>,
        %scan3A_120 = arith.constant 0 : i32
        %scan3A_121 = arith.constant 1 : i32
        %scan3A_122 = arith.addi %scan3A_108, %scan3A_121 : i32
        %mul3A_123 = arith.constant 16 : i32
        %mul3A_124 = arith.muli %scan3A_122, %mul3A_123 : i32
        %get3A_125 = arith.index_cast %mul3A_124 : i32 to index
        %get3A_126 = tpu.vector_load %arg11[%get3A_125] {strides = array<i32>} : memref<2000xi32, #tpu.memory_space<vmem>>, vector<16xi32>,
        %gather3A_127 = tpu.vector_load_idx %arg10[%get3A_126] : memref<100000xf32, #tpu.memory_space<vmem>>[vector<16xi32>], vector<16xf32>,
        %get3A_128 = arith.index_cast %mul3A_124 : i32 to index
        %get3A_129 = tpu.vector_load %arg13[%get3A_128] {strides = array<i32>} : memref<2000xf32, #tpu.memory_space<vmem>>, vector<16xf32>,
        %mul3A_130 = arith.mulf %gather3A_127, %get3A_129 : vector<16xf32>
        %swap3A_131 = arith.index_cast %mul3A_124 : i32 to index
        %swap3A_132 = tpu.vector_load %arg14[%swap3A_131] {strides = array<i32>} : memref<2000xf32, #tpu.memory_space<vmem>>, vector<16xf32>,
        tpu.vector_store %arg14[%swap3A_131], %mul3A_130 {strides = array<i32>} : memref<2000xf32, #tpu.memory_space<vmem>>, vector<16xf32>,
        %scan3A_133 = arith.constant 0 : i32
        %scan3A_134 = arith.constant 2 : i32
        %scan3A_135 = arith.addi %scan3A_108, %scan3A_134 : i32
        %mul3A_136 = arith.constant 16 : i32
        %mul3A_137 = arith.muli %scan3A_135, %mul3A_136 : i32
        %get3A_138 = arith.index_cast %mul3A_137 : i32 to index
        %get3A_139 = tpu.vector_load %arg11[%get3A_138] {strides = array<i32>} : memref<2000xi32, #tpu.memory_space<vmem>>, vector<16xi32>,
        %gather3A_140 = tpu.vector_load_idx %arg10[%get3A_139] : memref<100000xf32, #tpu.memory_space<vmem>>[vector<16xi32>], vector<16xf32>,
        %get3A_141 = arith.index_cast %mul3A_137 : i32 to index
        %get3A_142 = tpu.vector_load %arg13[%get3A_141] {strides = array<i32>} : memref<2000xf32, #tpu.memory_space<vmem>>, vector<16xf32>,
        %mul3A_143 = arith.mulf %gather3A_140, %get3A_142 : vector<16xf32>
        %swap3A_144 = arith.index_cast %mul3A_137 : i32 to index
        %swap3A_145 = tpu.vector_load %arg14[%swap3A_144] {strides = array<i32>} : memref<2000xf32, #tpu.memory_space<vmem>>, vector<16xf32>,
        tpu.vector_store %arg14[%swap3A_144], %mul3A_143 {strides = array<i32>} : memref<2000xf32, #tpu.memory_space<vmem>>, vector<16xf32>,
        %scan3A_146 = arith.constant 0 : i32
        %scan3A_147 = arith.constant 3 : i32
        %scan3A_148 = arith.addi %scan3A_108, %scan3A_147 : i32
        %mul3A_149 = arith.constant 16 : i32
        %mul3A_150 = arith.muli %scan3A_148, %mul3A_149 : i32
        %get3A_151 = arith.index_cast %mul3A_150 : i32 to index
        %get3A_152 = tpu.vector_load %arg11[%get3A_151] {strides = array<i32>} : memref<2000xi32, #tpu.memory_space<vmem>>, vector<16xi32>,
        %gather3A_153 = tpu.vector_load_idx %arg10[%get3A_152] : memref<100000xf32, #tpu.memory_space<vmem>>[vector<16xi32>], vector<16xf32>,
        %get3A_154 = arith.index_cast %mul3A_150 : i32 to index
        %get3A_155 = tpu.vector_load %arg13[%get3A_154] {strides = array<i32>} : memref<2000xf32, #tpu.memory_space<vmem>>, vector<16xf32>,
        %mul3A_156 = arith.mulf %gather3A_153, %get3A_155 : vector<16xf32>
        %swap3A_157 = arith.index_cast %mul3A_150 : i32 to index
        %swap3A_158 = tpu.vector_load %arg14[%swap3A_157] {strides = array<i32>} : memref<2000xf32, #tpu.memory_space<vmem>>, vector<16xf32>,
        tpu.vector_store %arg14[%swap3A_157], %mul3A_156 {strides = array<i32>} : memref<2000xf32, #tpu.memory_space<vmem>>, vector<16xf32>,
        %scan3A_159 = arith.constant 0 : i32
        scf.yield %scan3A_159 : i32
      }
      %scan3A_96 = arith.constant 124 : i32
      %scan3A_97 = arith.addi %scan3A_91, %scan3A_96 : i32
      %mul3A_98 = arith.constant 16 : i32
      %mul3A_99 = arith.muli %scan3A_97, %mul3A_98 : i32
      %get3A = arith.index_cast %mul3A_99 : i32 to index
      %get3A_100 = tpu.vector_load %arg11[%get3A] {strides = array<i32>} : memref<2000xi32, #tpu.memory_space<vmem>>, vector<16xi32>,
      %gather3A = tpu.vector_load_idx %arg10[%get3A_100] : memref<100000xf32, #tpu.memory_space<vmem>>[vector<16xi32>], vector<16xf32>,
      %get3A_101 = arith.index_cast %mul3A_99 : i32 to index
      %get3A_102 = tpu.vector_load %arg13[%get3A_101] {strides = array<i32>} : memref<2000xf32, #tpu.memory_space<vmem>>, vector<16xf32>,
      %mul3A_103 = arith.mulf %gather3A, %get3A_102 : vector<16xf32>
      %swap3A = arith.index_cast %mul3A_99 : i32 to index
      %swap3A_104 = tpu.vector_load %arg14[%swap3A] {strides = array<i32>} : memref<2000xf32, #tpu.memory_space<vmem>>, vector<16xf32>,
      tpu.vector_store %arg14[%swap3A], %mul3A_103 {strides = array<i32>} : memref<2000xf32, #tpu.memory_space<vmem>>, vector<16xf32>,
      %scan3A_105 = arith.constant 0 : i32
      %scan3A_106 = arith.constant 125 : i32
      "tpu.region"() ({
        %run_scoped3A = tpu.sem_alloc : memref<!tpu.dma_semaphore, #tpu.memory_space<semaphore_mem>>
        %dma_start3A = arith.constant 0 : i32
        %dma_start3A_108 = tpu.memref_slice %arg15[%dma_start3A] : memref<100000xf32, #tpu.memory_space<vmem_shared>> -> memref<100000xf32, #tpu.memory_space<vmem_shared>>
        tpu.enqueue_indirect_dma source(%arg14 : memref<2000xf32, #tpu.memory_space<vmem>>) target(%dma_start3A_108 : memref<100000xf32, #tpu.memory_space<vmem_shared>>) offsets(%arg12 : memref<2000xi32, #tpu.memory_space<vmem>>) semaphore(%run_scoped3A : memref<!tpu.dma_semaphore, #tpu.memory_space<semaphore_mem>>) {add = true}
        %dma_wait3A = arith.constant 0 : i32
        %dma_wait3A_109 = tpu.memref_slice %arg15[%dma_wait3A] : memref<100000xf32, #tpu.memory_space<vmem_shared>> -> memref<100000xf32, #tpu.memory_space<vmem_shared>>
        tpu.wait_indirect_dma semaphore(%run_scoped3A : memref<!tpu.dma_semaphore, #tpu.memory_space<semaphore_mem>>) src(%arg14 : memref<2000xf32, #tpu.memory_space<vmem>>) dst(%dma_wait3A_109 : memref<100000xf32, #tpu.memory_space<vmem_shared>>)
        tpu.yield
      }) : () -> ()
      %scan3A_107 = arith.constant 0 : i32
      scf.yield %scan3A_107 : i32
    }
    %scan3A_75 = arith.constant 25 : i32
    %barrier3A_76 = arith.constant 0 : index
    tpu.barrier barrier_id(%barrier3A_76)
    %lt3A_77 = arith.constant 10 : i32
    %lt3A_78 = arith.cmpi slt, %arg1, %lt3A_77 : i32
    %convert_element_type3A_79 = arith.extui %lt3A_78 : i1 to i32
    %cond3A_80 = arith.constant 0 : i32
    %cond3A_81 = arith.cmpi ne, %convert_element_type3A_79, %cond3A_80 : i32
    scf.if %cond3A_81 {
      %scan3A_83 = arith.constant 0 : i32
      %scan3A_84 = arith.constant 0 : i32
      %scan3A_85 = arith.constant 5 : i32
      %scan3A_86 = arith.addi %scan3A_84, %scan3A_85 : i32
      %scan3A_87 = arith.constant 1 : i32
      %scan3A_88 = scf.for %scan3A_90 = %scan3A_84 to %scan3A_86 step %scan3A_87 iter_args(%scan3A_91 = %scan3A_83) -> (i32)  : i32 {
        %mul3A_92 = arith.constant 10000 : i32
        %mul3A_93 = arith.muli %arg1, %mul3A_92 : i32
        %mul3A_94 = arith.constant 2000 : i32
        %mul3A_95 = arith.muli %scan3A_90, %mul3A_94 : i32
        %add3A_96 = arith.addi %mul3A_93, %mul3A_95 : i32
        "tpu.region"() ({
          %run_scoped3A = tpu.sem_alloc : memref<!tpu.dma_semaphore, #tpu.memory_space<semaphore_mem>>
          %dma_start3A = tpu.memref_slice %arg15[%add3A_96] : memref<100000xf32, #tpu.memory_space<vmem_shared>> -> memref<2000xf32, #tpu.memory_space<vmem_shared>>
          %dma_start3A_105 = tpu.memref_slice %arg15[%add3A_96] : memref<100000xf32, #tpu.memory_space<vmem_shared>> -> memref<2000xf32, #tpu.memory_space<vmem_shared>>
          tpu.enqueue_dma source(%dma_start3A_105 : memref<2000xf32, #tpu.memory_space<vmem_shared>>) target(%arg14 : memref<2000xf32, #tpu.memory_space<vmem>>) target_semaphore(%run_scoped3A : memref<!tpu.dma_semaphore, #tpu.memory_space<semaphore_mem>>)
          %dma_wait3A = tpu.memref_slice %arg15[%add3A_96] : memref<100000xf32, #tpu.memory_space<vmem_shared>> -> memref<2000xf32, #tpu.memory_space<vmem_shared>>
          %dma_wait3A_106 = tpu.memref_slice %arg15[%add3A_96] : memref<100000xf32, #tpu.memory_space<vmem_shared>> -> memref<2000xf32, #tpu.memory_space<vmem_shared>>
          tpu.wait_dma2 semaphore(%run_scoped3A : memref<!tpu.dma_semaphore, #tpu.memory_space<semaphore_mem>>) src(%dma_wait3A_106 : memref<2000xf32, #tpu.memory_space<vmem_shared>>) dst(%arg14 : memref<2000xf32, #tpu.memory_space<vmem>>)
          tpu.yield
        }) : () -> ()
        %mul3A_97 = arith.constant 3 : i32
        %mul3A_98 = arith.muli %arg0, %mul3A_97 : i32
        %mul3A_99 = arith.constant 100000 : i32
        %mul3A_100 = arith.muli %mul3A_98, %mul3A_99 : i32
        %add3A_101 = arith.constant 200000 : i32
        %add3A_102 = arith.addi %mul3A_100, %add3A_101 : i32
        %add3A_103 = arith.addi %add3A_102, %add3A_96 : i32
        "tpu.region"() ({
          %run_scoped3A = tpu.sem_alloc : memref<!tpu.dma_semaphore, #tpu.memory_space<semaphore_mem>>
          %dma_start3A = tpu.memref_slice %arg9[%add3A_103] : memref<600000xf32, #tpu.memory_space<hbm>> -> memref<2000xf32, #tpu.memory_space<hbm>>
          %dma_start3A_105 = tpu.memref_slice %arg9[%add3A_103] : memref<600000xf32, #tpu.memory_space<hbm>> -> memref<2000xf32, #tpu.memory_space<hbm>>
          tpu.enqueue_dma source(%arg14 : memref<2000xf32, #tpu.memory_space<vmem>>) target(%dma_start3A_105 : memref<2000xf32, #tpu.memory_space<hbm>>) target_semaphore(%run_scoped3A : memref<!tpu.dma_semaphore, #tpu.memory_space<semaphore_mem>>)
          %dma_wait3A = tpu.memref_slice %arg9[%add3A_103] : memref<600000xf32, #tpu.memory_space<hbm>> -> memref<2000xf32, #tpu.memory_space<hbm>>
          %dma_wait3A_106 = tpu.memref_slice %arg9[%add3A_103] : memref<600000xf32, #tpu.memory_space<hbm>> -> memref<2000xf32, #tpu.memory_space<hbm>>
          tpu.wait_dma2 semaphore(%run_scoped3A : memref<!tpu.dma_semaphore, #tpu.memory_space<semaphore_mem>>) src(%arg14 : memref<2000xf32, #tpu.memory_space<vmem>>) dst(%dma_wait3A_106 : memref<2000xf32, #tpu.memory_space<hbm>>)
          tpu.yield
        }) : () -> ()
        %scan3A_104 = arith.constant 0 : i32
        scf.yield %scan3A_104 : i32
      }
      %scan3A_89 = arith.constant 5 : i32
    } else {
    }
    %barrier3A_82 = arith.constant 0 : index
    tpu.barrier barrier_id(%barrier3A_82)
    return
  }
}

#map = affine_map<(d0, d1) -> (0)>
#map1 = affine_map<(d0, d1) -> (0, 0)>
#map2 = affine_map<(d0, d1) -> (0, 0, 0)>
module attributes {stable_mosaic.version = 14 : i64} {
  func.func @_l2_body(%arg0: i32, %arg1: i32, %arg2: memref<1600000xi32, #tpu.memory_space<hbm>>, %arg3: memref<1600000xi32, #tpu.memory_space<hbm>>, %arg4: memref<1600000xf32, #tpu.memory_space<hbm>>, %arg5: memref<200000x16xf32, #tpu.memory_space<hbm>>, %arg6: memref<1000x16xf32, #tpu.memory_space<hbm>>, %arg7: memref<2x100000x16xf32, #tpu.memory_space<hbm>>, %arg8: memref<1008xi32, #tpu.memory_space<vmem>>, %arg9: memref<992xi32, #tpu.memory_space<vmem>>, %arg10: memref<1008xi32, #tpu.memory_space<vmem>>, %arg11: memref<992xi32, #tpu.memory_space<vmem>>, %arg12: memref<2000xf32, #tpu.memory_space<vmem>>, %arg13: memref<1008x16xf32, #tpu.memory_space<vmem>>, %arg14: memref<100000x16xf32, #tpu.memory_space<vmem_shared>>) attributes {dimension_semantics = [#tpu.dimension_semantics<core_parallel>, #tpu.dimension_semantics<subcore_parallel>], iteration_bounds = array<i64: 2, 16>, scalar_prefetch = 0 : i64, scratch_operands = 7 : i64, tpu.core_type = #tpu.core_type<sc_vector_subcore>, window_params = [{transform_indices = #map}, {transform_indices = #map}, {transform_indices = #map}, {transform_indices = #map1}, {transform_indices = #map1}, {transform_indices = #map2}]} {
    %mul3A = arith.constant 100000 : i32
    %mul3A_0 = arith.muli %arg0, %mul3A : i32
    %lt3A = arith.constant 10 : i32
    %lt3A_1 = arith.cmpi slt, %arg1, %lt3A : i32
    %convert_element_type3A = arith.extui %lt3A_1 : i1 to i32
    %cond3A = arith.constant 0 : i32
    %cond3A_2 = arith.cmpi ne, %convert_element_type3A, %cond3A : i32
    scf.if %cond3A_2 {
      "tpu.region"() ({
        %run_scoped3A = tpu.sem_alloc : memref<!tpu.dma_semaphore, #tpu.memory_space<semaphore_mem>>
        %dma_start3A = arith.constant 0 : i32
        %dma_start3A_22 = arith.constant 0 : i32
        %dma_start3A_23 = tpu.memref_slice %arg13[%dma_start3A, %dma_start3A_22] : memref<1008x16xf32, #tpu.memory_space<vmem>> -> memref<1000x16xf32, #tpu.memory_space<vmem>>
        %dma_start3A_24 = arith.constant 0 : i32
        %dma_start3A_25 = arith.constant 0 : i32
        %dma_start3A_26 = tpu.memref_slice %arg13[%dma_start3A_24, %dma_start3A_25] : memref<1008x16xf32, #tpu.memory_space<vmem>> -> memref<1000x16xf32, #tpu.memory_space<vmem>>
        tpu.enqueue_dma source(%arg6 : memref<1000x16xf32, #tpu.memory_space<hbm>>) target(%dma_start3A_26 : memref<1000x16xf32, #tpu.memory_space<vmem>>) target_semaphore(%run_scoped3A : memref<!tpu.dma_semaphore, #tpu.memory_space<semaphore_mem>>)
        %dma_wait3A = arith.constant 0 : i32
        %dma_wait3A_27 = arith.constant 0 : i32
        %dma_wait3A_28 = tpu.memref_slice %arg13[%dma_wait3A, %dma_wait3A_27] : memref<1008x16xf32, #tpu.memory_space<vmem>> -> memref<1000x16xf32, #tpu.memory_space<vmem>>
        %dma_wait3A_29 = arith.constant 0 : i32
        %dma_wait3A_30 = arith.constant 0 : i32
        %dma_wait3A_31 = tpu.memref_slice %arg13[%dma_wait3A_29, %dma_wait3A_30] : memref<1008x16xf32, #tpu.memory_space<vmem>> -> memref<1000x16xf32, #tpu.memory_space<vmem>>
        tpu.wait_dma2 semaphore(%run_scoped3A : memref<!tpu.dma_semaphore, #tpu.memory_space<semaphore_mem>>) src(%arg6 : memref<1000x16xf32, #tpu.memory_space<hbm>>) dst(%dma_wait3A_31 : memref<1000x16xf32, #tpu.memory_space<vmem>>)
        tpu.yield
      }) : () -> ()
      %scan3A_15 = arith.constant 0 : i32
      %scan3A_16 = arith.constant 0 : i32
      %scan3A_17 = arith.constant 10 : i32
      %scan3A_18 = arith.addi %scan3A_16, %scan3A_17 : i32
      %scan3A_19 = arith.constant 1 : i32
      %scan3A_20 = scf.for %scan3A_22 = %scan3A_16 to %scan3A_18 step %scan3A_19 iter_args(%scan3A_23 = %scan3A_15) -> (i32)  : i32 {
        %mul3A_24 = arith.constant 10000 : i32
        %mul3A_25 = arith.muli %arg1, %mul3A_24 : i32
        %mul3A_26 = arith.constant 1000 : i32
        %mul3A_27 = arith.muli %scan3A_22, %mul3A_26 : i32
        %add3A = arith.addi %mul3A_25, %mul3A_27 : i32
        "tpu.region"() ({
          %run_scoped3A = tpu.sem_alloc : memref<!tpu.dma_semaphore, #tpu.memory_space<semaphore_mem>>
          %dma_start3A = arith.constant 0 : i32
          %dma_start3A_29 = arith.constant 0 : i32
          %dma_start3A_30 = tpu.memref_slice %arg13[%dma_start3A, %dma_start3A_29] : memref<1008x16xf32, #tpu.memory_space<vmem>> -> memref<1000x16xf32, #tpu.memory_space<vmem>>
          %dma_start3A_31 = arith.constant 0 : i32
          %dma_start3A_32 = tpu.memref_slice %arg14[%add3A, %dma_start3A_31] : memref<100000x16xf32, #tpu.memory_space<vmem_shared>> -> memref<1000x16xf32, #tpu.memory_space<vmem_shared>>
          %dma_start3A_33 = arith.constant 0 : i32
          %dma_start3A_34 = tpu.memref_slice %arg14[%add3A, %dma_start3A_33] : memref<100000x16xf32, #tpu.memory_space<vmem_shared>> -> memref<1000x16xf32, #tpu.memory_space<vmem_shared>>
          %dma_start3A_35 = arith.constant 0 : i32
          %dma_start3A_36 = arith.constant 0 : i32
          %dma_start3A_37 = tpu.memref_slice %arg13[%dma_start3A_35, %dma_start3A_36] : memref<1008x16xf32, #tpu.memory_space<vmem>> -> memref<1000x16xf32, #tpu.memory_space<vmem>>
          tpu.enqueue_dma source(%dma_start3A_37 : memref<1000x16xf32, #tpu.memory_space<vmem>>) target(%dma_start3A_34 : memref<1000x16xf32, #tpu.memory_space<vmem_shared>>) target_semaphore(%run_scoped3A : memref<!tpu.dma_semaphore, #tpu.memory_space<semaphore_mem>>)
          %dma_wait3A = arith.constant 0 : i32
          %dma_wait3A_38 = arith.constant 0 : i32
          %dma_wait3A_39 = tpu.memref_slice %arg13[%dma_wait3A, %dma_wait3A_38] : memref<1008x16xf32, #tpu.memory_space<vmem>> -> memref<1000x16xf32, #tpu.memory_space<vmem>>
          %dma_wait3A_40 = arith.constant 0 : i32
          %dma_wait3A_41 = tpu.memref_slice %arg14[%add3A, %dma_wait3A_40] : memref<100000x16xf32, #tpu.memory_space<vmem_shared>> -> memref<1000x16xf32, #tpu.memory_space<vmem_shared>>
          %dma_wait3A_42 = arith.constant 0 : i32
          %dma_wait3A_43 = tpu.memref_slice %arg14[%add3A, %dma_wait3A_42] : memref<100000x16xf32, #tpu.memory_space<vmem_shared>> -> memref<1000x16xf32, #tpu.memory_space<vmem_shared>>
          %dma_wait3A_44 = arith.constant 0 : i32
          %dma_wait3A_45 = arith.constant 0 : i32
          %dma_wait3A_46 = tpu.memref_slice %arg13[%dma_wait3A_44, %dma_wait3A_45] : memref<1008x16xf32, #tpu.memory_space<vmem>> -> memref<1000x16xf32, #tpu.memory_space<vmem>>
          tpu.wait_dma2 semaphore(%run_scoped3A : memref<!tpu.dma_semaphore, #tpu.memory_space<semaphore_mem>>) src(%dma_wait3A_46 : memref<1000x16xf32, #tpu.memory_space<vmem>>) dst(%dma_wait3A_43 : memref<1000x16xf32, #tpu.memory_space<vmem_shared>>)
          tpu.yield
        }) : () -> ()
        %scan3A_28 = arith.constant 0 : i32
        scf.yield %scan3A_28 : i32
      }
      %scan3A_21 = arith.constant 10 : i32
    } else {
    }
    %barrier3A = arith.constant 0 : index
    tpu.barrier barrier_id(%barrier3A)
    %scan3A = arith.constant 0 : i32
    %scan3A_3 = arith.constant 0 : i32
    %scan3A_4 = arith.constant 50 : i32
    %scan3A_5 = arith.addi %scan3A_3, %scan3A_4 : i32
    %scan3A_6 = arith.constant 1 : i32
    %scan3A_7 = scf.for %scan3A_15 = %scan3A_3 to %scan3A_5 step %scan3A_6 iter_args(%scan3A_16 = %scan3A) -> (i32)  : i32 {
      %mul3A_17 = arith.constant 100000 : i32
      %mul3A_18 = arith.muli %arg1, %mul3A_17 : i32
      %mul3A_19 = arith.constant 2000 : i32
      %mul3A_20 = arith.muli %scan3A_15, %mul3A_19 : i32
      %add3A = arith.addi %mul3A_18, %mul3A_20 : i32
      "tpu.region"() ({
        %run_scoped3A = tpu.sem_alloc : memref<!tpu.dma_semaphore, #tpu.memory_space<semaphore_mem>>
        %dma_start3A = tpu.memref_slice %arg2[%add3A] : memref<1600000xi32, #tpu.memory_space<hbm>> -> memref<1008xi32, #tpu.memory_space<hbm>>
        %dma_start3A_107 = tpu.memref_slice %arg2[%add3A] : memref<1600000xi32, #tpu.memory_space<hbm>> -> memref<1008xi32, #tpu.memory_space<hbm>>
        tpu.enqueue_dma source(%dma_start3A_107 : memref<1008xi32, #tpu.memory_space<hbm>>) target(%arg8 : memref<1008xi32, #tpu.memory_space<vmem>>) target_semaphore(%run_scoped3A : memref<!tpu.dma_semaphore, #tpu.memory_space<semaphore_mem>>)
        %dma_wait3A = tpu.memref_slice %arg2[%add3A] : memref<1600000xi32, #tpu.memory_space<hbm>> -> memref<1008xi32, #tpu.memory_space<hbm>>
        %dma_wait3A_108 = tpu.memref_slice %arg2[%add3A] : memref<1600000xi32, #tpu.memory_space<hbm>> -> memref<1008xi32, #tpu.memory_space<hbm>>
        tpu.wait_dma2 semaphore(%run_scoped3A : memref<!tpu.dma_semaphore, #tpu.memory_space<semaphore_mem>>) src(%dma_wait3A_108 : memref<1008xi32, #tpu.memory_space<hbm>>) dst(%arg8 : memref<1008xi32, #tpu.memory_space<vmem>>)
        tpu.yield
      }) : () -> ()
      %add3A_21 = arith.constant 1008 : i32
      %add3A_22 = arith.addi %add3A, %add3A_21 : i32
      "tpu.region"() ({
        %run_scoped3A = tpu.sem_alloc : memref<!tpu.dma_semaphore, #tpu.memory_space<semaphore_mem>>
        %dma_start3A = tpu.memref_slice %arg2[%add3A_22] : memref<1600000xi32, #tpu.memory_space<hbm>> -> memref<992xi32, #tpu.memory_space<hbm>>
        %dma_start3A_107 = tpu.memref_slice %arg2[%add3A_22] : memref<1600000xi32, #tpu.memory_space<hbm>> -> memref<992xi32, #tpu.memory_space<hbm>>
        tpu.enqueue_dma source(%dma_start3A_107 : memref<992xi32, #tpu.memory_space<hbm>>) target(%arg9 : memref<992xi32, #tpu.memory_space<vmem>>) target_semaphore(%run_scoped3A : memref<!tpu.dma_semaphore, #tpu.memory_space<semaphore_mem>>)
        %dma_wait3A = tpu.memref_slice %arg2[%add3A_22] : memref<1600000xi32, #tpu.memory_space<hbm>> -> memref<992xi32, #tpu.memory_space<hbm>>
        %dma_wait3A_108 = tpu.memref_slice %arg2[%add3A_22] : memref<1600000xi32, #tpu.memory_space<hbm>> -> memref<992xi32, #tpu.memory_space<hbm>>
        tpu.wait_dma2 semaphore(%run_scoped3A : memref<!tpu.dma_semaphore, #tpu.memory_space<semaphore_mem>>) src(%dma_wait3A_108 : memref<992xi32, #tpu.memory_space<hbm>>) dst(%arg9 : memref<992xi32, #tpu.memory_space<vmem>>)
        tpu.yield
      }) : () -> ()
      "tpu.region"() ({
        %run_scoped3A = tpu.sem_alloc : memref<!tpu.dma_semaphore, #tpu.memory_space<semaphore_mem>>
        %dma_start3A = tpu.memref_slice %arg3[%add3A] : memref<1600000xi32, #tpu.memory_space<hbm>> -> memref<1008xi32, #tpu.memory_space<hbm>>
        %dma_start3A_107 = tpu.memref_slice %arg3[%add3A] : memref<1600000xi32, #tpu.memory_space<hbm>> -> memref<1008xi32, #tpu.memory_space<hbm>>
        tpu.enqueue_dma source(%dma_start3A_107 : memref<1008xi32, #tpu.memory_space<hbm>>) target(%arg10 : memref<1008xi32, #tpu.memory_space<vmem>>) target_semaphore(%run_scoped3A : memref<!tpu.dma_semaphore, #tpu.memory_space<semaphore_mem>>)
        %dma_wait3A = tpu.memref_slice %arg3[%add3A] : memref<1600000xi32, #tpu.memory_space<hbm>> -> memref<1008xi32, #tpu.memory_space<hbm>>
        %dma_wait3A_108 = tpu.memref_slice %arg3[%add3A] : memref<1600000xi32, #tpu.memory_space<hbm>> -> memref<1008xi32, #tpu.memory_space<hbm>>
        tpu.wait_dma2 semaphore(%run_scoped3A : memref<!tpu.dma_semaphore, #tpu.memory_space<semaphore_mem>>) src(%dma_wait3A_108 : memref<1008xi32, #tpu.memory_space<hbm>>) dst(%arg10 : memref<1008xi32, #tpu.memory_space<vmem>>)
        tpu.yield
      }) : () -> ()
      %add3A_23 = arith.constant 1008 : i32
      %add3A_24 = arith.addi %add3A, %add3A_23 : i32
      "tpu.region"() ({
        %run_scoped3A = tpu.sem_alloc : memref<!tpu.dma_semaphore, #tpu.memory_space<semaphore_mem>>
        %dma_start3A = tpu.memref_slice %arg3[%add3A_24] : memref<1600000xi32, #tpu.memory_space<hbm>> -> memref<992xi32, #tpu.memory_space<hbm>>
        %dma_start3A_107 = tpu.memref_slice %arg3[%add3A_24] : memref<1600000xi32, #tpu.memory_space<hbm>> -> memref<992xi32, #tpu.memory_space<hbm>>
        tpu.enqueue_dma source(%dma_start3A_107 : memref<992xi32, #tpu.memory_space<hbm>>) target(%arg11 : memref<992xi32, #tpu.memory_space<vmem>>) target_semaphore(%run_scoped3A : memref<!tpu.dma_semaphore, #tpu.memory_space<semaphore_mem>>)
        %dma_wait3A = tpu.memref_slice %arg3[%add3A_24] : memref<1600000xi32, #tpu.memory_space<hbm>> -> memref<992xi32, #tpu.memory_space<hbm>>
        %dma_wait3A_108 = tpu.memref_slice %arg3[%add3A_24] : memref<1600000xi32, #tpu.memory_space<hbm>> -> memref<992xi32, #tpu.memory_space<hbm>>
        tpu.wait_dma2 semaphore(%run_scoped3A : memref<!tpu.dma_semaphore, #tpu.memory_space<semaphore_mem>>) src(%dma_wait3A_108 : memref<992xi32, #tpu.memory_space<hbm>>) dst(%arg11 : memref<992xi32, #tpu.memory_space<vmem>>)
        tpu.yield
      }) : () -> ()
      "tpu.region"() ({
        %run_scoped3A = tpu.sem_alloc : memref<!tpu.dma_semaphore, #tpu.memory_space<semaphore_mem>>
        %dma_start3A = tpu.memref_slice %arg4[%add3A] : memref<1600000xf32, #tpu.memory_space<hbm>> -> memref<2000xf32, #tpu.memory_space<hbm>>
        %dma_start3A_107 = tpu.memref_slice %arg4[%add3A] : memref<1600000xf32, #tpu.memory_space<hbm>> -> memref<2000xf32, #tpu.memory_space<hbm>>
        tpu.enqueue_dma source(%dma_start3A_107 : memref<2000xf32, #tpu.memory_space<hbm>>) target(%arg12 : memref<2000xf32, #tpu.memory_space<vmem>>) target_semaphore(%run_scoped3A : memref<!tpu.dma_semaphore, #tpu.memory_space<semaphore_mem>>)
        %dma_wait3A = tpu.memref_slice %arg4[%add3A] : memref<1600000xf32, #tpu.memory_space<hbm>> -> memref<2000xf32, #tpu.memory_space<hbm>>
        %dma_wait3A_108 = tpu.memref_slice %arg4[%add3A] : memref<1600000xf32, #tpu.memory_space<hbm>> -> memref<2000xf32, #tpu.memory_space<hbm>>
        tpu.wait_dma2 semaphore(%run_scoped3A : memref<!tpu.dma_semaphore, #tpu.memory_space<semaphore_mem>>) src(%dma_wait3A_108 : memref<2000xf32, #tpu.memory_space<hbm>>) dst(%arg12 : memref<2000xf32, #tpu.memory_space<vmem>>)
        tpu.yield
      }) : () -> ()
      %scan3A_25 = arith.constant 0 : i32
      %scan3A_26 = arith.constant 0 : i32
      %scan3A_27 = arith.constant 60 : i32
      %scan3A_28 = arith.addi %scan3A_26, %scan3A_27 : i32
      %scan3A_29 = arith.constant 4 : i32
      %scan3A_30 = scf.for %scan3A_107 = %scan3A_26 to %scan3A_28 step %scan3A_29 iter_args(%scan3A_108 = %scan3A_25) -> (i32)  : i32 {
        %mul3A_109 = arith.constant 16 : i32
        %mul3A_110 = arith.muli %scan3A_107, %mul3A_109 : i32
        %get3A_111 = arith.index_cast %mul3A_110 : i32 to index
        %get3A_112 = tpu.vector_load %arg8[%get3A_111] {strides = array<i32>} : memref<1008xi32, #tpu.memory_space<vmem>>, vector<16xi32>,
        %add3A_113 = vector.broadcast %mul3A_0 : i32 to vector<16xi32>
        %add3A_114 = arith.addi %get3A_112, %add3A_113 : vector<16xi32>
        %swap3A_115 = arith.index_cast %mul3A_110 : i32 to index
        %swap3A_116 = tpu.vector_load %arg8[%swap3A_115] {strides = array<i32>} : memref<1008xi32, #tpu.memory_space<vmem>>, vector<16xi32>,
        tpu.vector_store %arg8[%swap3A_115], %add3A_114 {strides = array<i32>} : memref<1008xi32, #tpu.memory_space<vmem>>, vector<16xi32>,
        %scan3A_117 = arith.constant 0 : i32
        %scan3A_118 = arith.constant 1 : i32
        %scan3A_119 = arith.addi %scan3A_107, %scan3A_118 : i32
        %mul3A_120 = arith.constant 16 : i32
        %mul3A_121 = arith.muli %scan3A_119, %mul3A_120 : i32
        %get3A_122 = arith.index_cast %mul3A_121 : i32 to index
        %get3A_123 = tpu.vector_load %arg8[%get3A_122] {strides = array<i32>} : memref<1008xi32, #tpu.memory_space<vmem>>, vector<16xi32>,
        %add3A_124 = vector.broadcast %mul3A_0 : i32 to vector<16xi32>
        %add3A_125 = arith.addi %get3A_123, %add3A_124 : vector<16xi32>
        %swap3A_126 = arith.index_cast %mul3A_121 : i32 to index
        %swap3A_127 = tpu.vector_load %arg8[%swap3A_126] {strides = array<i32>} : memref<1008xi32, #tpu.memory_space<vmem>>, vector<16xi32>,
        tpu.vector_store %arg8[%swap3A_126], %add3A_125 {strides = array<i32>} : memref<1008xi32, #tpu.memory_space<vmem>>, vector<16xi32>,
        %scan3A_128 = arith.constant 0 : i32
        %scan3A_129 = arith.constant 2 : i32
        %scan3A_130 = arith.addi %scan3A_107, %scan3A_129 : i32
        %mul3A_131 = arith.constant 16 : i32
        %mul3A_132 = arith.muli %scan3A_130, %mul3A_131 : i32
        %get3A_133 = arith.index_cast %mul3A_132 : i32 to index
        %get3A_134 = tpu.vector_load %arg8[%get3A_133] {strides = array<i32>} : memref<1008xi32, #tpu.memory_space<vmem>>, vector<16xi32>,
        %add3A_135 = vector.broadcast %mul3A_0 : i32 to vector<16xi32>
        %add3A_136 = arith.addi %get3A_134, %add3A_135 : vector<16xi32>
        %swap3A_137 = arith.index_cast %mul3A_132 : i32 to index
        %swap3A_138 = tpu.vector_load %arg8[%swap3A_137] {strides = array<i32>} : memref<1008xi32, #tpu.memory_space<vmem>>, vector<16xi32>,
        tpu.vector_store %arg8[%swap3A_137], %add3A_136 {strides = array<i32>} : memref<1008xi32, #tpu.memory_space<vmem>>, vector<16xi32>,
        %scan3A_139 = arith.constant 0 : i32
        %scan3A_140 = arith.constant 3 : i32
        %scan3A_141 = arith.addi %scan3A_107, %scan3A_140 : i32
        %mul3A_142 = arith.constant 16 : i32
        %mul3A_143 = arith.muli %scan3A_141, %mul3A_142 : i32
        %get3A_144 = arith.index_cast %mul3A_143 : i32 to index
        %get3A_145 = tpu.vector_load %arg8[%get3A_144] {strides = array<i32>} : memref<1008xi32, #tpu.memory_space<vmem>>, vector<16xi32>,
        %add3A_146 = vector.broadcast %mul3A_0 : i32 to vector<16xi32>
        %add3A_147 = arith.addi %get3A_145, %add3A_146 : vector<16xi32>
        %swap3A_148 = arith.index_cast %mul3A_143 : i32 to index
        %swap3A_149 = tpu.vector_load %arg8[%swap3A_148] {strides = array<i32>} : memref<1008xi32, #tpu.memory_space<vmem>>, vector<16xi32>,
        tpu.vector_store %arg8[%swap3A_148], %add3A_147 {strides = array<i32>} : memref<1008xi32, #tpu.memory_space<vmem>>, vector<16xi32>,
        %scan3A_150 = arith.constant 0 : i32
        scf.yield %scan3A_150 : i32
      }
      %scan3A_31 = arith.constant 60 : i32
      %scan3A_32 = arith.addi %scan3A_26, %scan3A_31 : i32
      %mul3A_33 = arith.constant 16 : i32
      %mul3A_34 = arith.muli %scan3A_32, %mul3A_33 : i32
      %get3A = arith.index_cast %mul3A_34 : i32 to index
      %get3A_35 = tpu.vector_load %arg8[%get3A] {strides = array<i32>} : memref<1008xi32, #tpu.memory_space<vmem>>, vector<16xi32>,
      %add3A_36 = vector.broadcast %mul3A_0 : i32 to vector<16xi32>
      %add3A_37 = arith.addi %get3A_35, %add3A_36 : vector<16xi32>
      %swap3A = arith.index_cast %mul3A_34 : i32 to index
      %swap3A_38 = tpu.vector_load %arg8[%swap3A] {strides = array<i32>} : memref<1008xi32, #tpu.memory_space<vmem>>, vector<16xi32>,
      tpu.vector_store %arg8[%swap3A], %add3A_37 {strides = array<i32>} : memref<1008xi32, #tpu.memory_space<vmem>>, vector<16xi32>,
      %scan3A_39 = arith.constant 0 : i32
      %scan3A_40 = arith.constant 61 : i32
      %scan3A_41 = arith.addi %scan3A_26, %scan3A_40 : i32
      %mul3A_42 = arith.constant 16 : i32
      %mul3A_43 = arith.muli %scan3A_41, %mul3A_42 : i32
      %get3A_44 = arith.index_cast %mul3A_43 : i32 to index
      %get3A_45 = tpu.vector_load %arg8[%get3A_44] {strides = array<i32>} : memref<1008xi32, #tpu.memory_space<vmem>>, vector<16xi32>,
      %add3A_46 = vector.broadcast %mul3A_0 : i32 to vector<16xi32>
      %add3A_47 = arith.addi %get3A_45, %add3A_46 : vector<16xi32>
      %swap3A_48 = arith.index_cast %mul3A_43 : i32 to index
      %swap3A_49 = tpu.vector_load %arg8[%swap3A_48] {strides = array<i32>} : memref<1008xi32, #tpu.memory_space<vmem>>, vector<16xi32>,
      tpu.vector_store %arg8[%swap3A_48], %add3A_47 {strides = array<i32>} : memref<1008xi32, #tpu.memory_space<vmem>>, vector<16xi32>,
      %scan3A_50 = arith.constant 0 : i32
      %scan3A_51 = arith.constant 62 : i32
      %scan3A_52 = arith.addi %scan3A_26, %scan3A_51 : i32
      %mul3A_53 = arith.constant 16 : i32
      %mul3A_54 = arith.muli %scan3A_52, %mul3A_53 : i32
      %get3A_55 = arith.index_cast %mul3A_54 : i32 to index
      %get3A_56 = tpu.vector_load %arg8[%get3A_55] {strides = array<i32>} : memref<1008xi32, #tpu.memory_space<vmem>>, vector<16xi32>,
      %add3A_57 = vector.broadcast %mul3A_0 : i32 to vector<16xi32>
      %add3A_58 = arith.addi %get3A_56, %add3A_57 : vector<16xi32>
      %swap3A_59 = arith.index_cast %mul3A_54 : i32 to index
      %swap3A_60 = tpu.vector_load %arg8[%swap3A_59] {strides = array<i32>} : memref<1008xi32, #tpu.memory_space<vmem>>, vector<16xi32>,
      tpu.vector_store %arg8[%swap3A_59], %add3A_58 {strides = array<i32>} : memref<1008xi32, #tpu.memory_space<vmem>>, vector<16xi32>,
      %scan3A_61 = arith.constant 0 : i32
      %scan3A_62 = arith.constant 63 : i32
      %scan3A_63 = arith.constant 0 : i32
      %scan3A_64 = arith.constant 0 : i32
      %scan3A_65 = arith.constant 60 : i32
      %scan3A_66 = arith.addi %scan3A_64, %scan3A_65 : i32
      %scan3A_67 = arith.constant 4 : i32
      %scan3A_68 = scf.for %scan3A_107 = %scan3A_64 to %scan3A_66 step %scan3A_67 iter_args(%scan3A_108 = %scan3A_63) -> (i32)  : i32 {
        %mul3A_109 = arith.constant 16 : i32
        %mul3A_110 = arith.muli %scan3A_107, %mul3A_109 : i32
        %get3A_111 = arith.index_cast %mul3A_110 : i32 to index
        %get3A_112 = tpu.vector_load %arg9[%get3A_111] {strides = array<i32>} : memref<992xi32, #tpu.memory_space<vmem>>, vector<16xi32>,
        %add3A_113 = vector.broadcast %mul3A_0 : i32 to vector<16xi32>
        %add3A_114 = arith.addi %get3A_112, %add3A_113 : vector<16xi32>
        %swap3A_115 = arith.index_cast %mul3A_110 : i32 to index
        %swap3A_116 = tpu.vector_load %arg9[%swap3A_115] {strides = array<i32>} : memref<992xi32, #tpu.memory_space<vmem>>, vector<16xi32>,
        tpu.vector_store %arg9[%swap3A_115], %add3A_114 {strides = array<i32>} : memref<992xi32, #tpu.memory_space<vmem>>, vector<16xi32>,
        %scan3A_117 = arith.constant 0 : i32
        %scan3A_118 = arith.constant 1 : i32
        %scan3A_119 = arith.addi %scan3A_107, %scan3A_118 : i32
        %mul3A_120 = arith.constant 16 : i32
        %mul3A_121 = arith.muli %scan3A_119, %mul3A_120 : i32
        %get3A_122 = arith.index_cast %mul3A_121 : i32 to index
        %get3A_123 = tpu.vector_load %arg9[%get3A_122] {strides = array<i32>} : memref<992xi32, #tpu.memory_space<vmem>>, vector<16xi32>,
        %add3A_124 = vector.broadcast %mul3A_0 : i32 to vector<16xi32>
        %add3A_125 = arith.addi %get3A_123, %add3A_124 : vector<16xi32>
        %swap3A_126 = arith.index_cast %mul3A_121 : i32 to index
        %swap3A_127 = tpu.vector_load %arg9[%swap3A_126] {strides = array<i32>} : memref<992xi32, #tpu.memory_space<vmem>>, vector<16xi32>,
        tpu.vector_store %arg9[%swap3A_126], %add3A_125 {strides = array<i32>} : memref<992xi32, #tpu.memory_space<vmem>>, vector<16xi32>,
        %scan3A_128 = arith.constant 0 : i32
        %scan3A_129 = arith.constant 2 : i32
        %scan3A_130 = arith.addi %scan3A_107, %scan3A_129 : i32
        %mul3A_131 = arith.constant 16 : i32
        %mul3A_132 = arith.muli %scan3A_130, %mul3A_131 : i32
        %get3A_133 = arith.index_cast %mul3A_132 : i32 to index
        %get3A_134 = tpu.vector_load %arg9[%get3A_133] {strides = array<i32>} : memref<992xi32, #tpu.memory_space<vmem>>, vector<16xi32>,
        %add3A_135 = vector.broadcast %mul3A_0 : i32 to vector<16xi32>
        %add3A_136 = arith.addi %get3A_134, %add3A_135 : vector<16xi32>
        %swap3A_137 = arith.index_cast %mul3A_132 : i32 to index
        %swap3A_138 = tpu.vector_load %arg9[%swap3A_137] {strides = array<i32>} : memref<992xi32, #tpu.memory_space<vmem>>, vector<16xi32>,
        tpu.vector_store %arg9[%swap3A_137], %add3A_136 {strides = array<i32>} : memref<992xi32, #tpu.memory_space<vmem>>, vector<16xi32>,
        %scan3A_139 = arith.constant 0 : i32
        %scan3A_140 = arith.constant 3 : i32
        %scan3A_141 = arith.addi %scan3A_107, %scan3A_140 : i32
        %mul3A_142 = arith.constant 16 : i32
        %mul3A_143 = arith.muli %scan3A_141, %mul3A_142 : i32
        %get3A_144 = arith.index_cast %mul3A_143 : i32 to index
        %get3A_145 = tpu.vector_load %arg9[%get3A_144] {strides = array<i32>} : memref<992xi32, #tpu.memory_space<vmem>>, vector<16xi32>,
        %add3A_146 = vector.broadcast %mul3A_0 : i32 to vector<16xi32>
        %add3A_147 = arith.addi %get3A_145, %add3A_146 : vector<16xi32>
        %swap3A_148 = arith.index_cast %mul3A_143 : i32 to index
        %swap3A_149 = tpu.vector_load %arg9[%swap3A_148] {strides = array<i32>} : memref<992xi32, #tpu.memory_space<vmem>>, vector<16xi32>,
        tpu.vector_store %arg9[%swap3A_148], %add3A_147 {strides = array<i32>} : memref<992xi32, #tpu.memory_space<vmem>>, vector<16xi32>,
        %scan3A_150 = arith.constant 0 : i32
        scf.yield %scan3A_150 : i32
      }
      %scan3A_69 = arith.constant 60 : i32
      %scan3A_70 = arith.addi %scan3A_64, %scan3A_69 : i32
      %mul3A_71 = arith.constant 16 : i32
      %mul3A_72 = arith.muli %scan3A_70, %mul3A_71 : i32
      %get3A_73 = arith.index_cast %mul3A_72 : i32 to index
      %get3A_74 = tpu.vector_load %arg9[%get3A_73] {strides = array<i32>} : memref<992xi32, #tpu.memory_space<vmem>>, vector<16xi32>,
      %add3A_75 = vector.broadcast %mul3A_0 : i32 to vector<16xi32>
      %add3A_76 = arith.addi %get3A_74, %add3A_75 : vector<16xi32>
      %swap3A_77 = arith.index_cast %mul3A_72 : i32 to index
      %swap3A_78 = tpu.vector_load %arg9[%swap3A_77] {strides = array<i32>} : memref<992xi32, #tpu.memory_space<vmem>>, vector<16xi32>,
      tpu.vector_store %arg9[%swap3A_77], %add3A_76 {strides = array<i32>} : memref<992xi32, #tpu.memory_space<vmem>>, vector<16xi32>,
      %scan3A_79 = arith.constant 0 : i32
      %scan3A_80 = arith.constant 61 : i32
      %scan3A_81 = arith.addi %scan3A_64, %scan3A_80 : i32
      %mul3A_82 = arith.constant 16 : i32
      %mul3A_83 = arith.muli %scan3A_81, %mul3A_82 : i32
      %get3A_84 = arith.index_cast %mul3A_83 : i32 to index
      %get3A_85 = tpu.vector_load %arg9[%get3A_84] {strides = array<i32>} : memref<992xi32, #tpu.memory_space<vmem>>, vector<16xi32>,
      %add3A_86 = vector.broadcast %mul3A_0 : i32 to vector<16xi32>
      %add3A_87 = arith.addi %get3A_85, %add3A_86 : vector<16xi32>
      %swap3A_88 = arith.index_cast %mul3A_83 : i32 to index
      %swap3A_89 = tpu.vector_load %arg9[%swap3A_88] {strides = array<i32>} : memref<992xi32, #tpu.memory_space<vmem>>, vector<16xi32>,
      tpu.vector_store %arg9[%swap3A_88], %add3A_87 {strides = array<i32>} : memref<992xi32, #tpu.memory_space<vmem>>, vector<16xi32>,
      %scan3A_90 = arith.constant 0 : i32
      %scan3A_91 = arith.constant 62 : i32
      "tpu.region"() ({
        %run_scoped3A = tpu.sem_alloc : memref<!tpu.dma_semaphore, #tpu.memory_space<semaphore_mem>>
        %dma_start3A = arith.constant 0 : i32
        %dma_start3A_107 = arith.constant 0 : i32
        %dma_start3A_108 = tpu.memref_slice %arg5[%dma_start3A, %dma_start3A_107] : memref<200000x16xf32, #tpu.memory_space<hbm>> -> memref<200000x16xf32, #tpu.memory_space<hbm>>
        tpu.enqueue_indirect_dma source(%dma_start3A_108 : memref<200000x16xf32, #tpu.memory_space<hbm>>) target(%arg13 : memref<1008x16xf32, #tpu.memory_space<vmem>>) offsets(%arg8 : memref<1008xi32, #tpu.memory_space<vmem>>) semaphore(%run_scoped3A : memref<!tpu.dma_semaphore, #tpu.memory_space<semaphore_mem>>)
        %dma_wait3A = arith.constant 0 : i32
        %dma_wait3A_109 = arith.constant 0 : i32
        %dma_wait3A_110 = tpu.memref_slice %arg5[%dma_wait3A, %dma_wait3A_109] : memref<200000x16xf32, #tpu.memory_space<hbm>> -> memref<200000x16xf32, #tpu.memory_space<hbm>>
        tpu.wait_indirect_dma semaphore(%run_scoped3A : memref<!tpu.dma_semaphore, #tpu.memory_space<semaphore_mem>>) src(%dma_wait3A_110 : memref<200000x16xf32, #tpu.memory_space<hbm>>) dst(%arg13 : memref<1008x16xf32, #tpu.memory_space<vmem>>)
        tpu.yield
      }) : () -> ()
      %scan3A_92 = arith.constant 0 : i32
      %scan3A_93 = arith.constant 0 : i32
      %scan3A_94 = arith.constant 63 : i32
      %scan3A_95 = arith.addi %scan3A_93, %scan3A_94 : i32
      %scan3A_96 = arith.constant 1 : i32
      %scan3A_97 = scf.for %scan3A_107 = %scan3A_93 to %scan3A_95 step %scan3A_96 iter_args(%scan3A_108 = %scan3A_92) -> (i32)  : i32 {
        %mul3A_109 = arith.constant 16 : i32
        %mul3A_110 = arith.muli %scan3A_107, %mul3A_109 : i32
        %add3A_111 = arith.constant 0 : i32
        %add3A_112 = arith.addi %add3A_111, %mul3A_110 : i32
        %get3A_113 = arith.index_cast %add3A_112 : i32 to index
        %get3A_114 = tpu.vector_load %arg12[%get3A_113] {strides = array<i32>} : memref<2000xf32, #tpu.memory_space<vmem>>, vector<16xf32>,
        %mul3A_115 = arith.constant 16 : i32
        %mul3A_116 = arith.muli %scan3A_107, %mul3A_115 : i32
        %add3A_117 = arith.constant 0 : i32
        %add3A_118 = arith.addi %mul3A_116, %add3A_117 : i32
        %get3A_119 = arith.index_cast %add3A_118 : i32 to index
        %get3A_120 = arith.constant 0 : index
        %get3A_121 = tpu.vector_load %arg13[%get3A_119, %get3A_120] {strides = array<i32>} : memref<1008x16xf32, #tpu.memory_space<vmem>>, vector<16xf32>,
        %slice3A = vector.extract_strided_slice %get3A_114 {offsets = [0], sizes = [1], strides = [1]} : vector<16xf32> to vector<1xf32>
        %squeeze3A = vector.extract %slice3A[0] : f32 from vector<1xf32>
        %mul3A_122 = vector.broadcast %squeeze3A : f32 to vector<16xf32>
        %mul3A_123 = arith.mulf %get3A_121, %mul3A_122 : vector<16xf32>
        %swap3A_124 = arith.index_cast %add3A_118 : i32 to index
        %swap3A_125 = arith.constant 0 : index
        %swap3A_126 = tpu.vector_load %arg13[%swap3A_124, %swap3A_125] {strides = array<i32>} : memref<1008x16xf32, #tpu.memory_space<vmem>>, vector<16xf32>,
        tpu.vector_store %arg13[%swap3A_124, %swap3A_125], %mul3A_123 {strides = array<i32>} : memref<1008x16xf32, #tpu.memory_space<vmem>>, vector<16xf32>,
        %mul3A_127 = arith.constant 16 : i32
        %mul3A_128 = arith.muli %scan3A_107, %mul3A_127 : i32
        %add3A_129 = arith.constant 1 : i32
        %add3A_130 = arith.addi %mul3A_128, %add3A_129 : i32
        %get3A_131 = arith.index_cast %add3A_130 : i32 to index
        %get3A_132 = arith.constant 0 : index
        %get3A_133 = tpu.vector_load %arg13[%get3A_131, %get3A_132] {strides = array<i32>} : memref<1008x16xf32, #tpu.memory_space<vmem>>, vector<16xf32>,
        %slice3A_134 = vector.extract_strided_slice %get3A_114 {offsets = [1], sizes = [1], strides = [1]} : vector<16xf32> to vector<1xf32>
        %squeeze3A_135 = vector.extract %slice3A_134[0] : f32 from vector<1xf32>
        %mul3A_136 = vector.broadcast %squeeze3A_135 : f32 to vector<16xf32>
        %mul3A_137 = arith.mulf %get3A_133, %mul3A_136 : vector<16xf32>
        %swap3A_138 = arith.index_cast %add3A_130 : i32 to index
        %swap3A_139 = arith.constant 0 : index
        %swap3A_140 = tpu.vector_load %arg13[%swap3A_138, %swap3A_139] {strides = array<i32>} : memref<1008x16xf32, #tpu.memory_space<vmem>>, vector<16xf32>,
        tpu.vector_store %arg13[%swap3A_138, %swap3A_139], %mul3A_137 {strides = array<i32>} : memref<1008x16xf32, #tpu.memory_space<vmem>>, vector<16xf32>,
        %mul3A_141 = arith.constant 16 : i32
        %mul3A_142 = arith.muli %scan3A_107, %mul3A_141 : i32
        %add3A_143 = arith.constant 2 : i32
        %add3A_144 = arith.addi %mul3A_142, %add3A_143 : i32
        %get3A_145 = arith.index_cast %add3A_144 : i32 to index
        %get3A_146 = arith.constant 0 : index
        %get3A_147 = tpu.vector_load %arg13[%get3A_145, %get3A_146] {strides = array<i32>} : memref<1008x16xf32, #tpu.memory_space<vmem>>, vector<16xf32>,
        %slice3A_148 = vector.extract_strided_slice %get3A_114 {offsets = [2], sizes = [1], strides = [1]} : vector<16xf32> to vector<1xf32>
        %squeeze3A_149 = vector.extract %slice3A_148[0] : f32 from vector<1xf32>
        %mul3A_150 = vector.broadcast %squeeze3A_149 : f32 to vector<16xf32>
        %mul3A_151 = arith.mulf %get3A_147, %mul3A_150 : vector<16xf32>
        %swap3A_152 = arith.index_cast %add3A_144 : i32 to index
        %swap3A_153 = arith.constant 0 : index
        %swap3A_154 = tpu.vector_load %arg13[%swap3A_152, %swap3A_153] {strides = array<i32>} : memref<1008x16xf32, #tpu.memory_space<vmem>>, vector<16xf32>,
        tpu.vector_store %arg13[%swap3A_152, %swap3A_153], %mul3A_151 {strides = array<i32>} : memref<1008x16xf32, #tpu.memory_space<vmem>>, vector<16xf32>,
        %mul3A_155 = arith.constant 16 : i32
        %mul3A_156 = arith.muli %scan3A_107, %mul3A_155 : i32
        %add3A_157 = arith.constant 3 : i32
        %add3A_158 = arith.addi %mul3A_156, %add3A_157 : i32
        %get3A_159 = arith.index_cast %add3A_158 : i32 to index
        %get3A_160 = arith.constant 0 : index
        %get3A_161 = tpu.vector_load %arg13[%get3A_159, %get3A_160] {strides = array<i32>} : memref<1008x16xf32, #tpu.memory_space<vmem>>, vector<16xf32>,
        %slice3A_162 = vector.extract_strided_slice %get3A_114 {offsets = [3], sizes = [1], strides = [1]} : vector<16xf32> to vector<1xf32>
        %squeeze3A_163 = vector.extract %slice3A_162[0] : f32 from vector<1xf32>
        %mul3A_164 = vector.broadcast %squeeze3A_163 : f32 to vector<16xf32>
        %mul3A_165 = arith.mulf %get3A_161, %mul3A_164 : vector<16xf32>
        %swap3A_166 = arith.index_cast %add3A_158 : i32 to index
        %swap3A_167 = arith.constant 0 : index
        %swap3A_168 = tpu.vector_load %arg13[%swap3A_166, %swap3A_167] {strides = array<i32>} : memref<1008x16xf32, #tpu.memory_space<vmem>>, vector<16xf32>,
        tpu.vector_store %arg13[%swap3A_166, %swap3A_167], %mul3A_165 {strides = array<i32>} : memref<1008x16xf32, #tpu.memory_space<vmem>>, vector<16xf32>,
        %mul3A_169 = arith.constant 16 : i32
        %mul3A_170 = arith.muli %scan3A_107, %mul3A_169 : i32
        %add3A_171 = arith.constant 4 : i32
        %add3A_172 = arith.addi %mul3A_170, %add3A_171 : i32
        %get3A_173 = arith.index_cast %add3A_172 : i32 to index
        %get3A_174 = arith.constant 0 : index
        %get3A_175 = tpu.vector_load %arg13[%get3A_173, %get3A_174] {strides = array<i32>} : memref<1008x16xf32, #tpu.memory_space<vmem>>, vector<16xf32>,
        %slice3A_176 = vector.extract_strided_slice %get3A_114 {offsets = [4], sizes = [1], strides = [1]} : vector<16xf32> to vector<1xf32>
        %squeeze3A_177 = vector.extract %slice3A_176[0] : f32 from vector<1xf32>
        %mul3A_178 = vector.broadcast %squeeze3A_177 : f32 to vector<16xf32>
        %mul3A_179 = arith.mulf %get3A_175, %mul3A_178 : vector<16xf32>
        %swap3A_180 = arith.index_cast %add3A_172 : i32 to index
        %swap3A_181 = arith.constant 0 : index
        %swap3A_182 = tpu.vector_load %arg13[%swap3A_180, %swap3A_181] {strides = array<i32>} : memref<1008x16xf32, #tpu.memory_space<vmem>>, vector<16xf32>,
        tpu.vector_store %arg13[%swap3A_180, %swap3A_181], %mul3A_179 {strides = array<i32>} : memref<1008x16xf32, #tpu.memory_space<vmem>>, vector<16xf32>,
        %mul3A_183 = arith.constant 16 : i32
        %mul3A_184 = arith.muli %scan3A_107, %mul3A_183 : i32
        %add3A_185 = arith.constant 5 : i32
        %add3A_186 = arith.addi %mul3A_184, %add3A_185 : i32
        %get3A_187 = arith.index_cast %add3A_186 : i32 to index
        %get3A_188 = arith.constant 0 : index
        %get3A_189 = tpu.vector_load %arg13[%get3A_187, %get3A_188] {strides = array<i32>} : memref<1008x16xf32, #tpu.memory_space<vmem>>, vector<16xf32>,
        %slice3A_190 = vector.extract_strided_slice %get3A_114 {offsets = [5], sizes = [1], strides = [1]} : vector<16xf32> to vector<1xf32>
        %squeeze3A_191 = vector.extract %slice3A_190[0] : f32 from vector<1xf32>
        %mul3A_192 = vector.broadcast %squeeze3A_191 : f32 to vector<16xf32>
        %mul3A_193 = arith.mulf %get3A_189, %mul3A_192 : vector<16xf32>
        %swap3A_194 = arith.index_cast %add3A_186 : i32 to index
        %swap3A_195 = arith.constant 0 : index
        %swap3A_196 = tpu.vector_load %arg13[%swap3A_194, %swap3A_195] {strides = array<i32>} : memref<1008x16xf32, #tpu.memory_space<vmem>>, vector<16xf32>,
        tpu.vector_store %arg13[%swap3A_194, %swap3A_195], %mul3A_193 {strides = array<i32>} : memref<1008x16xf32, #tpu.memory_space<vmem>>, vector<16xf32>,
        %mul3A_197 = arith.constant 16 : i32
        %mul3A_198 = arith.muli %scan3A_107, %mul3A_197 : i32
        %add3A_199 = arith.constant 6 : i32
        %add3A_200 = arith.addi %mul3A_198, %add3A_199 : i32
        %get3A_201 = arith.index_cast %add3A_200 : i32 to index
        %get3A_202 = arith.constant 0 : index
        %get3A_203 = tpu.vector_load %arg13[%get3A_201, %get3A_202] {strides = array<i32>} : memref<1008x16xf32, #tpu.memory_space<vmem>>, vector<16xf32>,
        %slice3A_204 = vector.extract_strided_slice %get3A_114 {offsets = [6], sizes = [1], strides = [1]} : vector<16xf32> to vector<1xf32>
        %squeeze3A_205 = vector.extract %slice3A_204[0] : f32 from vector<1xf32>
        %mul3A_206 = vector.broadcast %squeeze3A_205 : f32 to vector<16xf32>
        %mul3A_207 = arith.mulf %get3A_203, %mul3A_206 : vector<16xf32>
        %swap3A_208 = arith.index_cast %add3A_200 : i32 to index
        %swap3A_209 = arith.constant 0 : index
        %swap3A_210 = tpu.vector_load %arg13[%swap3A_208, %swap3A_209] {strides = array<i32>} : memref<1008x16xf32, #tpu.memory_space<vmem>>, vector<16xf32>,
        tpu.vector_store %arg13[%swap3A_208, %swap3A_209], %mul3A_207 {strides = array<i32>} : memref<1008x16xf32, #tpu.memory_space<vmem>>, vector<16xf32>,
        %mul3A_211 = arith.constant 16 : i32
        %mul3A_212 = arith.muli %scan3A_107, %mul3A_211 : i32
        %add3A_213 = arith.constant 7 : i32
        %add3A_214 = arith.addi %mul3A_212, %add3A_213 : i32
        %get3A_215 = arith.index_cast %add3A_214 : i32 to index
        %get3A_216 = arith.constant 0 : index
        %get3A_217 = tpu.vector_load %arg13[%get3A_215, %get3A_216] {strides = array<i32>} : memref<1008x16xf32, #tpu.memory_space<vmem>>, vector<16xf32>,
        %slice3A_218 = vector.extract_strided_slice %get3A_114 {offsets = [7], sizes = [1], strides = [1]} : vector<16xf32> to vector<1xf32>
        %squeeze3A_219 = vector.extract %slice3A_218[0] : f32 from vector<1xf32>
        %mul3A_220 = vector.broadcast %squeeze3A_219 : f32 to vector<16xf32>
        %mul3A_221 = arith.mulf %get3A_217, %mul3A_220 : vector<16xf32>
        %swap3A_222 = arith.index_cast %add3A_214 : i32 to index
        %swap3A_223 = arith.constant 0 : index
        %swap3A_224 = tpu.vector_load %arg13[%swap3A_222, %swap3A_223] {strides = array<i32>} : memref<1008x16xf32, #tpu.memory_space<vmem>>, vector<16xf32>,
        tpu.vector_store %arg13[%swap3A_222, %swap3A_223], %mul3A_221 {strides = array<i32>} : memref<1008x16xf32, #tpu.memory_space<vmem>>, vector<16xf32>,
        %mul3A_225 = arith.constant 16 : i32
        %mul3A_226 = arith.muli %scan3A_107, %mul3A_225 : i32
        %add3A_227 = arith.constant 8 : i32
        %add3A_228 = arith.addi %mul3A_226, %add3A_227 : i32
        %get3A_229 = arith.index_cast %add3A_228 : i32 to index
        %get3A_230 = arith.constant 0 : index
        %get3A_231 = tpu.vector_load %arg13[%get3A_229, %get3A_230] {strides = array<i32>} : memref<1008x16xf32, #tpu.memory_space<vmem>>, vector<16xf32>,
        %slice3A_232 = vector.extract_strided_slice %get3A_114 {offsets = [8], sizes = [1], strides = [1]} : vector<16xf32> to vector<1xf32>
        %squeeze3A_233 = vector.extract %slice3A_232[0] : f32 from vector<1xf32>
        %mul3A_234 = vector.broadcast %squeeze3A_233 : f32 to vector<16xf32>
        %mul3A_235 = arith.mulf %get3A_231, %mul3A_234 : vector<16xf32>
        %swap3A_236 = arith.index_cast %add3A_228 : i32 to index
        %swap3A_237 = arith.constant 0 : index
        %swap3A_238 = tpu.vector_load %arg13[%swap3A_236, %swap3A_237] {strides = array<i32>} : memref<1008x16xf32, #tpu.memory_space<vmem>>, vector<16xf32>,
        tpu.vector_store %arg13[%swap3A_236, %swap3A_237], %mul3A_235 {strides = array<i32>} : memref<1008x16xf32, #tpu.memory_space<vmem>>, vector<16xf32>,
        %mul3A_239 = arith.constant 16 : i32
        %mul3A_240 = arith.muli %scan3A_107, %mul3A_239 : i32
        %add3A_241 = arith.constant 9 : i32
        %add3A_242 = arith.addi %mul3A_240, %add3A_241 : i32
        %get3A_243 = arith.index_cast %add3A_242 : i32 to index
        %get3A_244 = arith.constant 0 : index
        %get3A_245 = tpu.vector_load %arg13[%get3A_243, %get3A_244] {strides = array<i32>} : memref<1008x16xf32, #tpu.memory_space<vmem>>, vector<16xf32>,
        %slice3A_246 = vector.extract_strided_slice %get3A_114 {offsets = [9], sizes = [1], strides = [1]} : vector<16xf32> to vector<1xf32>
        %squeeze3A_247 = vector.extract %slice3A_246[0] : f32 from vector<1xf32>
        %mul3A_248 = vector.broadcast %squeeze3A_247 : f32 to vector<16xf32>
        %mul3A_249 = arith.mulf %get3A_245, %mul3A_248 : vector<16xf32>
        %swap3A_250 = arith.index_cast %add3A_242 : i32 to index
        %swap3A_251 = arith.constant 0 : index
        %swap3A_252 = tpu.vector_load %arg13[%swap3A_250, %swap3A_251] {strides = array<i32>} : memref<1008x16xf32, #tpu.memory_space<vmem>>, vector<16xf32>,
        tpu.vector_store %arg13[%swap3A_250, %swap3A_251], %mul3A_249 {strides = array<i32>} : memref<1008x16xf32, #tpu.memory_space<vmem>>, vector<16xf32>,
        %mul3A_253 = arith.constant 16 : i32
        %mul3A_254 = arith.muli %scan3A_107, %mul3A_253 : i32
        %add3A_255 = arith.constant 10 : i32
        %add3A_256 = arith.addi %mul3A_254, %add3A_255 : i32
        %get3A_257 = arith.index_cast %add3A_256 : i32 to index
        %get3A_258 = arith.constant 0 : index
        %get3A_259 = tpu.vector_load %arg13[%get3A_257, %get3A_258] {strides = array<i32>} : memref<1008x16xf32, #tpu.memory_space<vmem>>, vector<16xf32>,
        %slice3A_260 = vector.extract_strided_slice %get3A_114 {offsets = [10], sizes = [1], strides = [1]} : vector<16xf32> to vector<1xf32>
        %squeeze3A_261 = vector.extract %slice3A_260[0] : f32 from vector<1xf32>
        %mul3A_262 = vector.broadcast %squeeze3A_261 : f32 to vector<16xf32>
        %mul3A_263 = arith.mulf %get3A_259, %mul3A_262 : vector<16xf32>
        %swap3A_264 = arith.index_cast %add3A_256 : i32 to index
        %swap3A_265 = arith.constant 0 : index
        %swap3A_266 = tpu.vector_load %arg13[%swap3A_264, %swap3A_265] {strides = array<i32>} : memref<1008x16xf32, #tpu.memory_space<vmem>>, vector<16xf32>,
        tpu.vector_store %arg13[%swap3A_264, %swap3A_265], %mul3A_263 {strides = array<i32>} : memref<1008x16xf32, #tpu.memory_space<vmem>>, vector<16xf32>,
        %mul3A_267 = arith.constant 16 : i32
        %mul3A_268 = arith.muli %scan3A_107, %mul3A_267 : i32
        %add3A_269 = arith.constant 11 : i32
        %add3A_270 = arith.addi %mul3A_268, %add3A_269 : i32
        %get3A_271 = arith.index_cast %add3A_270 : i32 to index
        %get3A_272 = arith.constant 0 : index
        %get3A_273 = tpu.vector_load %arg13[%get3A_271, %get3A_272] {strides = array<i32>} : memref<1008x16xf32, #tpu.memory_space<vmem>>, vector<16xf32>,
        %slice3A_274 = vector.extract_strided_slice %get3A_114 {offsets = [11], sizes = [1], strides = [1]} : vector<16xf32> to vector<1xf32>
        %squeeze3A_275 = vector.extract %slice3A_274[0] : f32 from vector<1xf32>
        %mul3A_276 = vector.broadcast %squeeze3A_275 : f32 to vector<16xf32>
        %mul3A_277 = arith.mulf %get3A_273, %mul3A_276 : vector<16xf32>
        %swap3A_278 = arith.index_cast %add3A_270 : i32 to index
        %swap3A_279 = arith.constant 0 : index
        %swap3A_280 = tpu.vector_load %arg13[%swap3A_278, %swap3A_279] {strides = array<i32>} : memref<1008x16xf32, #tpu.memory_space<vmem>>, vector<16xf32>,
        tpu.vector_store %arg13[%swap3A_278, %swap3A_279], %mul3A_277 {strides = array<i32>} : memref<1008x16xf32, #tpu.memory_space<vmem>>, vector<16xf32>,
        %mul3A_281 = arith.constant 16 : i32
        %mul3A_282 = arith.muli %scan3A_107, %mul3A_281 : i32
        %add3A_283 = arith.constant 12 : i32
        %add3A_284 = arith.addi %mul3A_282, %add3A_283 : i32
        %get3A_285 = arith.index_cast %add3A_284 : i32 to index
        %get3A_286 = arith.constant 0 : index
        %get3A_287 = tpu.vector_load %arg13[%get3A_285, %get3A_286] {strides = array<i32>} : memref<1008x16xf32, #tpu.memory_space<vmem>>, vector<16xf32>,
        %slice3A_288 = vector.extract_strided_slice %get3A_114 {offsets = [12], sizes = [1], strides = [1]} : vector<16xf32> to vector<1xf32>
        %squeeze3A_289 = vector.extract %slice3A_288[0] : f32 from vector<1xf32>
        %mul3A_290 = vector.broadcast %squeeze3A_289 : f32 to vector<16xf32>
        %mul3A_291 = arith.mulf %get3A_287, %mul3A_290 : vector<16xf32>
        %swap3A_292 = arith.index_cast %add3A_284 : i32 to index
        %swap3A_293 = arith.constant 0 : index
        %swap3A_294 = tpu.vector_load %arg13[%swap3A_292, %swap3A_293] {strides = array<i32>} : memref<1008x16xf32, #tpu.memory_space<vmem>>, vector<16xf32>,
        tpu.vector_store %arg13[%swap3A_292, %swap3A_293], %mul3A_291 {strides = array<i32>} : memref<1008x16xf32, #tpu.memory_space<vmem>>, vector<16xf32>,
        %mul3A_295 = arith.constant 16 : i32
        %mul3A_296 = arith.muli %scan3A_107, %mul3A_295 : i32
        %add3A_297 = arith.constant 13 : i32
        %add3A_298 = arith.addi %mul3A_296, %add3A_297 : i32
        %get3A_299 = arith.index_cast %add3A_298 : i32 to index
        %get3A_300 = arith.constant 0 : index
        %get3A_301 = tpu.vector_load %arg13[%get3A_299, %get3A_300] {strides = array<i32>} : memref<1008x16xf32, #tpu.memory_space<vmem>>, vector<16xf32>,
        %slice3A_302 = vector.extract_strided_slice %get3A_114 {offsets = [13], sizes = [1], strides = [1]} : vector<16xf32> to vector<1xf32>
        %squeeze3A_303 = vector.extract %slice3A_302[0] : f32 from vector<1xf32>
        %mul3A_304 = vector.broadcast %squeeze3A_303 : f32 to vector<16xf32>
        %mul3A_305 = arith.mulf %get3A_301, %mul3A_304 : vector<16xf32>
        %swap3A_306 = arith.index_cast %add3A_298 : i32 to index
        %swap3A_307 = arith.constant 0 : index
        %swap3A_308 = tpu.vector_load %arg13[%swap3A_306, %swap3A_307] {strides = array<i32>} : memref<1008x16xf32, #tpu.memory_space<vmem>>, vector<16xf32>,
        tpu.vector_store %arg13[%swap3A_306, %swap3A_307], %mul3A_305 {strides = array<i32>} : memref<1008x16xf32, #tpu.memory_space<vmem>>, vector<16xf32>,
        %mul3A_309 = arith.constant 16 : i32
        %mul3A_310 = arith.muli %scan3A_107, %mul3A_309 : i32
        %add3A_311 = arith.constant 14 : i32
        %add3A_312 = arith.addi %mul3A_310, %add3A_311 : i32
        %get3A_313 = arith.index_cast %add3A_312 : i32 to index
        %get3A_314 = arith.constant 0 : index
        %get3A_315 = tpu.vector_load %arg13[%get3A_313, %get3A_314] {strides = array<i32>} : memref<1008x16xf32, #tpu.memory_space<vmem>>, vector<16xf32>,
        %slice3A_316 = vector.extract_strided_slice %get3A_114 {offsets = [14], sizes = [1], strides = [1]} : vector<16xf32> to vector<1xf32>
        %squeeze3A_317 = vector.extract %slice3A_316[0] : f32 from vector<1xf32>
        %mul3A_318 = vector.broadcast %squeeze3A_317 : f32 to vector<16xf32>
        %mul3A_319 = arith.mulf %get3A_315, %mul3A_318 : vector<16xf32>
        %swap3A_320 = arith.index_cast %add3A_312 : i32 to index
        %swap3A_321 = arith.constant 0 : index
        %swap3A_322 = tpu.vector_load %arg13[%swap3A_320, %swap3A_321] {strides = array<i32>} : memref<1008x16xf32, #tpu.memory_space<vmem>>, vector<16xf32>,
        tpu.vector_store %arg13[%swap3A_320, %swap3A_321], %mul3A_319 {strides = array<i32>} : memref<1008x16xf32, #tpu.memory_space<vmem>>, vector<16xf32>,
        %mul3A_323 = arith.constant 16 : i32
        %mul3A_324 = arith.muli %scan3A_107, %mul3A_323 : i32
        %add3A_325 = arith.constant 15 : i32
        %add3A_326 = arith.addi %mul3A_324, %add3A_325 : i32
        %get3A_327 = arith.index_cast %add3A_326 : i32 to index
        %get3A_328 = arith.constant 0 : index
        %get3A_329 = tpu.vector_load %arg13[%get3A_327, %get3A_328] {strides = array<i32>} : memref<1008x16xf32, #tpu.memory_space<vmem>>, vector<16xf32>,
        %slice3A_330 = vector.extract_strided_slice %get3A_114 {offsets = [15], sizes = [1], strides = [1]} : vector<16xf32> to vector<1xf32>
        %squeeze3A_331 = vector.extract %slice3A_330[0] : f32 from vector<1xf32>
        %mul3A_332 = vector.broadcast %squeeze3A_331 : f32 to vector<16xf32>
        %mul3A_333 = arith.mulf %get3A_329, %mul3A_332 : vector<16xf32>
        %swap3A_334 = arith.index_cast %add3A_326 : i32 to index
        %swap3A_335 = arith.constant 0 : index
        %swap3A_336 = tpu.vector_load %arg13[%swap3A_334, %swap3A_335] {strides = array<i32>} : memref<1008x16xf32, #tpu.memory_space<vmem>>, vector<16xf32>,
        tpu.vector_store %arg13[%swap3A_334, %swap3A_335], %mul3A_333 {strides = array<i32>} : memref<1008x16xf32, #tpu.memory_space<vmem>>, vector<16xf32>,
        %scan3A_337 = arith.constant 0 : i32
        scf.yield %scan3A_337 : i32
      }
      %scan3A_98 = arith.constant 63 : i32
      "tpu.region"() ({
        %run_scoped3A = tpu.sem_alloc : memref<!tpu.dma_semaphore, #tpu.memory_space<semaphore_mem>>
        %dma_start3A = arith.constant 0 : i32
        %dma_start3A_107 = arith.constant 0 : i32
        %dma_start3A_108 = tpu.memref_slice %arg14[%dma_start3A, %dma_start3A_107] : memref<100000x16xf32, #tpu.memory_space<vmem_shared>> -> memref<100000x16xf32, #tpu.memory_space<vmem_shared>>
        tpu.enqueue_indirect_dma source(%arg13 : memref<1008x16xf32, #tpu.memory_space<vmem>>) target(%dma_start3A_108 : memref<100000x16xf32, #tpu.memory_space<vmem_shared>>) offsets(%arg10 : memref<1008xi32, #tpu.memory_space<vmem>>) semaphore(%run_scoped3A : memref<!tpu.dma_semaphore, #tpu.memory_space<semaphore_mem>>) {add = true}
        %dma_wait3A = arith.constant 0 : i32
        %dma_wait3A_109 = arith.constant 0 : i32
        %dma_wait3A_110 = tpu.memref_slice %arg14[%dma_wait3A, %dma_wait3A_109] : memref<100000x16xf32, #tpu.memory_space<vmem_shared>> -> memref<100000x16xf32, #tpu.memory_space<vmem_shared>>
        tpu.wait_indirect_dma semaphore(%run_scoped3A : memref<!tpu.dma_semaphore, #tpu.memory_space<semaphore_mem>>) src(%arg13 : memref<1008x16xf32, #tpu.memory_space<vmem>>) dst(%dma_wait3A_110 : memref<100000x16xf32, #tpu.memory_space<vmem_shared>>)
        tpu.yield
      }) : () -> ()
      "tpu.region"() ({
        %run_scoped3A = tpu.sem_alloc : memref<!tpu.dma_semaphore, #tpu.memory_space<semaphore_mem>>
        %dma_start3A = arith.constant 0 : i32
        %dma_start3A_107 = arith.constant 0 : i32
        %dma_start3A_108 = tpu.memref_slice %arg13[%dma_start3A, %dma_start3A_107] : memref<1008x16xf32, #tpu.memory_space<vmem>> -> memref<992x16xf32, #tpu.memory_space<vmem>>
        %dma_start3A_109 = arith.constant 0 : i32
        %dma_start3A_110 = arith.constant 0 : i32
        %dma_start3A_111 = tpu.memref_slice %arg5[%dma_start3A_109, %dma_start3A_110] : memref<200000x16xf32, #tpu.memory_space<hbm>> -> memref<200000x16xf32, #tpu.memory_space<hbm>>
        tpu.enqueue_indirect_dma source(%dma_start3A_111 : memref<200000x16xf32, #tpu.memory_space<hbm>>) target(%dma_start3A_108 : memref<992x16xf32, #tpu.memory_space<vmem>>) offsets(%arg9 : memref<992xi32, #tpu.memory_space<vmem>>) semaphore(%run_scoped3A : memref<!tpu.dma_semaphore, #tpu.memory_space<semaphore_mem>>)
        %dma_wait3A = arith.constant 0 : i32
        %dma_wait3A_112 = arith.constant 0 : i32
        %dma_wait3A_113 = tpu.memref_slice %arg13[%dma_wait3A, %dma_wait3A_112] : memref<1008x16xf32, #tpu.memory_space<vmem>> -> memref<992x16xf32, #tpu.memory_space<vmem>>
        %dma_wait3A_114 = arith.constant 0 : i32
        %dma_wait3A_115 = arith.constant 0 : i32
        %dma_wait3A_116 = tpu.memref_slice %arg5[%dma_wait3A_114, %dma_wait3A_115] : memref<200000x16xf32, #tpu.memory_space<hbm>> -> memref<200000x16xf32, #tpu.memory_space<hbm>>
        tpu.wait_indirect_dma semaphore(%run_scoped3A : memref<!tpu.dma_semaphore, #tpu.memory_space<semaphore_mem>>) src(%dma_wait3A_116 : memref<200000x16xf32, #tpu.memory_space<hbm>>) dst(%dma_wait3A_113 : memref<992x16xf32, #tpu.memory_space<vmem>>)
        tpu.yield
      }) : () -> ()
      %scan3A_99 = arith.constant 0 : i32
      %scan3A_100 = arith.constant 0 : i32
      %scan3A_101 = arith.constant 62 : i32
      %scan3A_102 = arith.addi %scan3A_100, %scan3A_101 : i32
      %scan3A_103 = arith.constant 1 : i32
      %scan3A_104 = scf.for %scan3A_107 = %scan3A_100 to %scan3A_102 step %scan3A_103 iter_args(%scan3A_108 = %scan3A_99) -> (i32)  : i32 {
        %mul3A_109 = arith.constant 16 : i32
        %mul3A_110 = arith.muli %scan3A_107, %mul3A_109 : i32
        %add3A_111 = arith.constant 1008 : i32
        %add3A_112 = arith.addi %add3A_111, %mul3A_110 : i32
        %get3A_113 = arith.index_cast %add3A_112 : i32 to index
        %get3A_114 = tpu.vector_load %arg12[%get3A_113] {strides = array<i32>} : memref<2000xf32, #tpu.memory_space<vmem>>, vector<16xf32>,
        %mul3A_115 = arith.constant 16 : i32
        %mul3A_116 = arith.muli %scan3A_107, %mul3A_115 : i32
        %add3A_117 = arith.constant 0 : i32
        %add3A_118 = arith.addi %mul3A_116, %add3A_117 : i32
        %get3A_119 = arith.index_cast %add3A_118 : i32 to index
        %get3A_120 = arith.constant 0 : index
        %get3A_121 = tpu.vector_load %arg13[%get3A_119, %get3A_120] {strides = array<i32>} : memref<1008x16xf32, #tpu.memory_space<vmem>>, vector<16xf32>,
        %slice3A = vector.extract_strided_slice %get3A_114 {offsets = [0], sizes = [1], strides = [1]} : vector<16xf32> to vector<1xf32>
        %squeeze3A = vector.extract %slice3A[0] : f32 from vector<1xf32>
        %mul3A_122 = vector.broadcast %squeeze3A : f32 to vector<16xf32>
        %mul3A_123 = arith.mulf %get3A_121, %mul3A_122 : vector<16xf32>
        %swap3A_124 = arith.index_cast %add3A_118 : i32 to index
        %swap3A_125 = arith.constant 0 : index
        %swap3A_126 = tpu.vector_load %arg13[%swap3A_124, %swap3A_125] {strides = array<i32>} : memref<1008x16xf32, #tpu.memory_space<vmem>>, vector<16xf32>,
        tpu.vector_store %arg13[%swap3A_124, %swap3A_125], %mul3A_123 {strides = array<i32>} : memref<1008x16xf32, #tpu.memory_space<vmem>>, vector<16xf32>,
        %mul3A_127 = arith.constant 16 : i32
        %mul3A_128 = arith.muli %scan3A_107, %mul3A_127 : i32
        %add3A_129 = arith.constant 1 : i32
        %add3A_130 = arith.addi %mul3A_128, %add3A_129 : i32
        %get3A_131 = arith.index_cast %add3A_130 : i32 to index
        %get3A_132 = arith.constant 0 : index
        %get3A_133 = tpu.vector_load %arg13[%get3A_131, %get3A_132] {strides = array<i32>} : memref<1008x16xf32, #tpu.memory_space<vmem>>, vector<16xf32>,
        %slice3A_134 = vector.extract_strided_slice %get3A_114 {offsets = [1], sizes = [1], strides = [1]} : vector<16xf32> to vector<1xf32>
        %squeeze3A_135 = vector.extract %slice3A_134[0] : f32 from vector<1xf32>
        %mul3A_136 = vector.broadcast %squeeze3A_135 : f32 to vector<16xf32>
        %mul3A_137 = arith.mulf %get3A_133, %mul3A_136 : vector<16xf32>
        %swap3A_138 = arith.index_cast %add3A_130 : i32 to index
        %swap3A_139 = arith.constant 0 : index
        %swap3A_140 = tpu.vector_load %arg13[%swap3A_138, %swap3A_139] {strides = array<i32>} : memref<1008x16xf32, #tpu.memory_space<vmem>>, vector<16xf32>,
        tpu.vector_store %arg13[%swap3A_138, %swap3A_139], %mul3A_137 {strides = array<i32>} : memref<1008x16xf32, #tpu.memory_space<vmem>>, vector<16xf32>,
        %mul3A_141 = arith.constant 16 : i32
        %mul3A_142 = arith.muli %scan3A_107, %mul3A_141 : i32
        %add3A_143 = arith.constant 2 : i32
        %add3A_144 = arith.addi %mul3A_142, %add3A_143 : i32
        %get3A_145 = arith.index_cast %add3A_144 : i32 to index
        %get3A_146 = arith.constant 0 : index
        %get3A_147 = tpu.vector_load %arg13[%get3A_145, %get3A_146] {strides = array<i32>} : memref<1008x16xf32, #tpu.memory_space<vmem>>, vector<16xf32>,
        %slice3A_148 = vector.extract_strided_slice %get3A_114 {offsets = [2], sizes = [1], strides = [1]} : vector<16xf32> to vector<1xf32>
        %squeeze3A_149 = vector.extract %slice3A_148[0] : f32 from vector<1xf32>
        %mul3A_150 = vector.broadcast %squeeze3A_149 : f32 to vector<16xf32>
        %mul3A_151 = arith.mulf %get3A_147, %mul3A_150 : vector<16xf32>
        %swap3A_152 = arith.index_cast %add3A_144 : i32 to index
        %swap3A_153 = arith.constant 0 : index
        %swap3A_154 = tpu.vector_load %arg13[%swap3A_152, %swap3A_153] {strides = array<i32>} : memref<1008x16xf32, #tpu.memory_space<vmem>>, vector<16xf32>,
        tpu.vector_store %arg13[%swap3A_152, %swap3A_153], %mul3A_151 {strides = array<i32>} : memref<1008x16xf32, #tpu.memory_space<vmem>>, vector<16xf32>,
        %mul3A_155 = arith.constant 16 : i32
        %mul3A_156 = arith.muli %scan3A_107, %mul3A_155 : i32
        %add3A_157 = arith.constant 3 : i32
        %add3A_158 = arith.addi %mul3A_156, %add3A_157 : i32
        %get3A_159 = arith.index_cast %add3A_158 : i32 to index
        %get3A_160 = arith.constant 0 : index
        %get3A_161 = tpu.vector_load %arg13[%get3A_159, %get3A_160] {strides = array<i32>} : memref<1008x16xf32, #tpu.memory_space<vmem>>, vector<16xf32>,
        %slice3A_162 = vector.extract_strided_slice %get3A_114 {offsets = [3], sizes = [1], strides = [1]} : vector<16xf32> to vector<1xf32>
        %squeeze3A_163 = vector.extract %slice3A_162[0] : f32 from vector<1xf32>
        %mul3A_164 = vector.broadcast %squeeze3A_163 : f32 to vector<16xf32>
        %mul3A_165 = arith.mulf %get3A_161, %mul3A_164 : vector<16xf32>
        %swap3A_166 = arith.index_cast %add3A_158 : i32 to index
        %swap3A_167 = arith.constant 0 : index
        %swap3A_168 = tpu.vector_load %arg13[%swap3A_166, %swap3A_167] {strides = array<i32>} : memref<1008x16xf32, #tpu.memory_space<vmem>>, vector<16xf32>,
        tpu.vector_store %arg13[%swap3A_166, %swap3A_167], %mul3A_165 {strides = array<i32>} : memref<1008x16xf32, #tpu.memory_space<vmem>>, vector<16xf32>,
        %mul3A_169 = arith.constant 16 : i32
        %mul3A_170 = arith.muli %scan3A_107, %mul3A_169 : i32
        %add3A_171 = arith.constant 4 : i32
        %add3A_172 = arith.addi %mul3A_170, %add3A_171 : i32
        %get3A_173 = arith.index_cast %add3A_172 : i32 to index
        %get3A_174 = arith.constant 0 : index
        %get3A_175 = tpu.vector_load %arg13[%get3A_173, %get3A_174] {strides = array<i32>} : memref<1008x16xf32, #tpu.memory_space<vmem>>, vector<16xf32>,
        %slice3A_176 = vector.extract_strided_slice %get3A_114 {offsets = [4], sizes = [1], strides = [1]} : vector<16xf32> to vector<1xf32>
        %squeeze3A_177 = vector.extract %slice3A_176[0] : f32 from vector<1xf32>
        %mul3A_178 = vector.broadcast %squeeze3A_177 : f32 to vector<16xf32>
        %mul3A_179 = arith.mulf %get3A_175, %mul3A_178 : vector<16xf32>
        %swap3A_180 = arith.index_cast %add3A_172 : i32 to index
        %swap3A_181 = arith.constant 0 : index
        %swap3A_182 = tpu.vector_load %arg13[%swap3A_180, %swap3A_181] {strides = array<i32>} : memref<1008x16xf32, #tpu.memory_space<vmem>>, vector<16xf32>,
        tpu.vector_store %arg13[%swap3A_180, %swap3A_181], %mul3A_179 {strides = array<i32>} : memref<1008x16xf32, #tpu.memory_space<vmem>>, vector<16xf32>,
        %mul3A_183 = arith.constant 16 : i32
        %mul3A_184 = arith.muli %scan3A_107, %mul3A_183 : i32
        %add3A_185 = arith.constant 5 : i32
        %add3A_186 = arith.addi %mul3A_184, %add3A_185 : i32
        %get3A_187 = arith.index_cast %add3A_186 : i32 to index
        %get3A_188 = arith.constant 0 : index
        %get3A_189 = tpu.vector_load %arg13[%get3A_187, %get3A_188] {strides = array<i32>} : memref<1008x16xf32, #tpu.memory_space<vmem>>, vector<16xf32>,
        %slice3A_190 = vector.extract_strided_slice %get3A_114 {offsets = [5], sizes = [1], strides = [1]} : vector<16xf32> to vector<1xf32>
        %squeeze3A_191 = vector.extract %slice3A_190[0] : f32 from vector<1xf32>
        %mul3A_192 = vector.broadcast %squeeze3A_191 : f32 to vector<16xf32>
        %mul3A_193 = arith.mulf %get3A_189, %mul3A_192 : vector<16xf32>
        %swap3A_194 = arith.index_cast %add3A_186 : i32 to index
        %swap3A_195 = arith.constant 0 : index
        %swap3A_196 = tpu.vector_load %arg13[%swap3A_194, %swap3A_195] {strides = array<i32>} : memref<1008x16xf32, #tpu.memory_space<vmem>>, vector<16xf32>,
        tpu.vector_store %arg13[%swap3A_194, %swap3A_195], %mul3A_193 {strides = array<i32>} : memref<1008x16xf32, #tpu.memory_space<vmem>>, vector<16xf32>,
        %mul3A_197 = arith.constant 16 : i32
        %mul3A_198 = arith.muli %scan3A_107, %mul3A_197 : i32
        %add3A_199 = arith.constant 6 : i32
        %add3A_200 = arith.addi %mul3A_198, %add3A_199 : i32
        %get3A_201 = arith.index_cast %add3A_200 : i32 to index
        %get3A_202 = arith.constant 0 : index
        %get3A_203 = tpu.vector_load %arg13[%get3A_201, %get3A_202] {strides = array<i32>} : memref<1008x16xf32, #tpu.memory_space<vmem>>, vector<16xf32>,
        %slice3A_204 = vector.extract_strided_slice %get3A_114 {offsets = [6], sizes = [1], strides = [1]} : vector<16xf32> to vector<1xf32>
        %squeeze3A_205 = vector.extract %slice3A_204[0] : f32 from vector<1xf32>
        %mul3A_206 = vector.broadcast %squeeze3A_205 : f32 to vector<16xf32>
        %mul3A_207 = arith.mulf %get3A_203, %mul3A_206 : vector<16xf32>
        %swap3A_208 = arith.index_cast %add3A_200 : i32 to index
        %swap3A_209 = arith.constant 0 : index
        %swap3A_210 = tpu.vector_load %arg13[%swap3A_208, %swap3A_209] {strides = array<i32>} : memref<1008x16xf32, #tpu.memory_space<vmem>>, vector<16xf32>,
        tpu.vector_store %arg13[%swap3A_208, %swap3A_209], %mul3A_207 {strides = array<i32>} : memref<1008x16xf32, #tpu.memory_space<vmem>>, vector<16xf32>,
        %mul3A_211 = arith.constant 16 : i32
        %mul3A_212 = arith.muli %scan3A_107, %mul3A_211 : i32
        %add3A_213 = arith.constant 7 : i32
        %add3A_214 = arith.addi %mul3A_212, %add3A_213 : i32
        %get3A_215 = arith.index_cast %add3A_214 : i32 to index
        %get3A_216 = arith.constant 0 : index
        %get3A_217 = tpu.vector_load %arg13[%get3A_215, %get3A_216] {strides = array<i32>} : memref<1008x16xf32, #tpu.memory_space<vmem>>, vector<16xf32>,
        %slice3A_218 = vector.extract_strided_slice %get3A_114 {offsets = [7], sizes = [1], strides = [1]} : vector<16xf32> to vector<1xf32>
        %squeeze3A_219 = vector.extract %slice3A_218[0] : f32 from vector<1xf32>
        %mul3A_220 = vector.broadcast %squeeze3A_219 : f32 to vector<16xf32>
        %mul3A_221 = arith.mulf %get3A_217, %mul3A_220 : vector<16xf32>
        %swap3A_222 = arith.index_cast %add3A_214 : i32 to index
        %swap3A_223 = arith.constant 0 : index
        %swap3A_224 = tpu.vector_load %arg13[%swap3A_222, %swap3A_223] {strides = array<i32>} : memref<1008x16xf32, #tpu.memory_space<vmem>>, vector<16xf32>,
        tpu.vector_store %arg13[%swap3A_222, %swap3A_223], %mul3A_221 {strides = array<i32>} : memref<1008x16xf32, #tpu.memory_space<vmem>>, vector<16xf32>,
        %mul3A_225 = arith.constant 16 : i32
        %mul3A_226 = arith.muli %scan3A_107, %mul3A_225 : i32
        %add3A_227 = arith.constant 8 : i32
        %add3A_228 = arith.addi %mul3A_226, %add3A_227 : i32
        %get3A_229 = arith.index_cast %add3A_228 : i32 to index
        %get3A_230 = arith.constant 0 : index
        %get3A_231 = tpu.vector_load %arg13[%get3A_229, %get3A_230] {strides = array<i32>} : memref<1008x16xf32, #tpu.memory_space<vmem>>, vector<16xf32>,
        %slice3A_232 = vector.extract_strided_slice %get3A_114 {offsets = [8], sizes = [1], strides = [1]} : vector<16xf32> to vector<1xf32>
        %squeeze3A_233 = vector.extract %slice3A_232[0] : f32 from vector<1xf32>
        %mul3A_234 = vector.broadcast %squeeze3A_233 : f32 to vector<16xf32>
        %mul3A_235 = arith.mulf %get3A_231, %mul3A_234 : vector<16xf32>
        %swap3A_236 = arith.index_cast %add3A_228 : i32 to index
        %swap3A_237 = arith.constant 0 : index
        %swap3A_238 = tpu.vector_load %arg13[%swap3A_236, %swap3A_237] {strides = array<i32>} : memref<1008x16xf32, #tpu.memory_space<vmem>>, vector<16xf32>,
        tpu.vector_store %arg13[%swap3A_236, %swap3A_237], %mul3A_235 {strides = array<i32>} : memref<1008x16xf32, #tpu.memory_space<vmem>>, vector<16xf32>,
        %mul3A_239 = arith.constant 16 : i32
        %mul3A_240 = arith.muli %scan3A_107, %mul3A_239 : i32
        %add3A_241 = arith.constant 9 : i32
        %add3A_242 = arith.addi %mul3A_240, %add3A_241 : i32
        %get3A_243 = arith.index_cast %add3A_242 : i32 to index
        %get3A_244 = arith.constant 0 : index
        %get3A_245 = tpu.vector_load %arg13[%get3A_243, %get3A_244] {strides = array<i32>} : memref<1008x16xf32, #tpu.memory_space<vmem>>, vector<16xf32>,
        %slice3A_246 = vector.extract_strided_slice %get3A_114 {offsets = [9], sizes = [1], strides = [1]} : vector<16xf32> to vector<1xf32>
        %squeeze3A_247 = vector.extract %slice3A_246[0] : f32 from vector<1xf32>
        %mul3A_248 = vector.broadcast %squeeze3A_247 : f32 to vector<16xf32>
        %mul3A_249 = arith.mulf %get3A_245, %mul3A_248 : vector<16xf32>
        %swap3A_250 = arith.index_cast %add3A_242 : i32 to index
        %swap3A_251 = arith.constant 0 : index
        %swap3A_252 = tpu.vector_load %arg13[%swap3A_250, %swap3A_251] {strides = array<i32>} : memref<1008x16xf32, #tpu.memory_space<vmem>>, vector<16xf32>,
        tpu.vector_store %arg13[%swap3A_250, %swap3A_251], %mul3A_249 {strides = array<i32>} : memref<1008x16xf32, #tpu.memory_space<vmem>>, vector<16xf32>,
        %mul3A_253 = arith.constant 16 : i32
        %mul3A_254 = arith.muli %scan3A_107, %mul3A_253 : i32
        %add3A_255 = arith.constant 10 : i32
        %add3A_256 = arith.addi %mul3A_254, %add3A_255 : i32
        %get3A_257 = arith.index_cast %add3A_256 : i32 to index
        %get3A_258 = arith.constant 0 : index
        %get3A_259 = tpu.vector_load %arg13[%get3A_257, %get3A_258] {strides = array<i32>} : memref<1008x16xf32, #tpu.memory_space<vmem>>, vector<16xf32>,
        %slice3A_260 = vector.extract_strided_slice %get3A_114 {offsets = [10], sizes = [1], strides = [1]} : vector<16xf32> to vector<1xf32>
        %squeeze3A_261 = vector.extract %slice3A_260[0] : f32 from vector<1xf32>
        %mul3A_262 = vector.broadcast %squeeze3A_261 : f32 to vector<16xf32>
        %mul3A_263 = arith.mulf %get3A_259, %mul3A_262 : vector<16xf32>
        %swap3A_264 = arith.index_cast %add3A_256 : i32 to index
        %swap3A_265 = arith.constant 0 : index
        %swap3A_266 = tpu.vector_load %arg13[%swap3A_264, %swap3A_265] {strides = array<i32>} : memref<1008x16xf32, #tpu.memory_space<vmem>>, vector<16xf32>,
        tpu.vector_store %arg13[%swap3A_264, %swap3A_265], %mul3A_263 {strides = array<i32>} : memref<1008x16xf32, #tpu.memory_space<vmem>>, vector<16xf32>,
        %mul3A_267 = arith.constant 16 : i32
        %mul3A_268 = arith.muli %scan3A_107, %mul3A_267 : i32
        %add3A_269 = arith.constant 11 : i32
        %add3A_270 = arith.addi %mul3A_268, %add3A_269 : i32
        %get3A_271 = arith.index_cast %add3A_270 : i32 to index
        %get3A_272 = arith.constant 0 : index
        %get3A_273 = tpu.vector_load %arg13[%get3A_271, %get3A_272] {strides = array<i32>} : memref<1008x16xf32, #tpu.memory_space<vmem>>, vector<16xf32>,
        %slice3A_274 = vector.extract_strided_slice %get3A_114 {offsets = [11], sizes = [1], strides = [1]} : vector<16xf32> to vector<1xf32>
        %squeeze3A_275 = vector.extract %slice3A_274[0] : f32 from vector<1xf32>
        %mul3A_276 = vector.broadcast %squeeze3A_275 : f32 to vector<16xf32>
        %mul3A_277 = arith.mulf %get3A_273, %mul3A_276 : vector<16xf32>
        %swap3A_278 = arith.index_cast %add3A_270 : i32 to index
        %swap3A_279 = arith.constant 0 : index
        %swap3A_280 = tpu.vector_load %arg13[%swap3A_278, %swap3A_279] {strides = array<i32>} : memref<1008x16xf32, #tpu.memory_space<vmem>>, vector<16xf32>,
        tpu.vector_store %arg13[%swap3A_278, %swap3A_279], %mul3A_277 {strides = array<i32>} : memref<1008x16xf32, #tpu.memory_space<vmem>>, vector<16xf32>,
        %mul3A_281 = arith.constant 16 : i32
        %mul3A_282 = arith.muli %scan3A_107, %mul3A_281 : i32
        %add3A_283 = arith.constant 12 : i32
        %add3A_284 = arith.addi %mul3A_282, %add3A_283 : i32
        %get3A_285 = arith.index_cast %add3A_284 : i32 to index
        %get3A_286 = arith.constant 0 : index
        %get3A_287 = tpu.vector_load %arg13[%get3A_285, %get3A_286] {strides = array<i32>} : memref<1008x16xf32, #tpu.memory_space<vmem>>, vector<16xf32>,
        %slice3A_288 = vector.extract_strided_slice %get3A_114 {offsets = [12], sizes = [1], strides = [1]} : vector<16xf32> to vector<1xf32>
        %squeeze3A_289 = vector.extract %slice3A_288[0] : f32 from vector<1xf32>
        %mul3A_290 = vector.broadcast %squeeze3A_289 : f32 to vector<16xf32>
        %mul3A_291 = arith.mulf %get3A_287, %mul3A_290 : vector<16xf32>
        %swap3A_292 = arith.index_cast %add3A_284 : i32 to index
        %swap3A_293 = arith.constant 0 : index
        %swap3A_294 = tpu.vector_load %arg13[%swap3A_292, %swap3A_293] {strides = array<i32>} : memref<1008x16xf32, #tpu.memory_space<vmem>>, vector<16xf32>,
        tpu.vector_store %arg13[%swap3A_292, %swap3A_293], %mul3A_291 {strides = array<i32>} : memref<1008x16xf32, #tpu.memory_space<vmem>>, vector<16xf32>,
        %mul3A_295 = arith.constant 16 : i32
        %mul3A_296 = arith.muli %scan3A_107, %mul3A_295 : i32
        %add3A_297 = arith.constant 13 : i32
        %add3A_298 = arith.addi %mul3A_296, %add3A_297 : i32
        %get3A_299 = arith.index_cast %add3A_298 : i32 to index
        %get3A_300 = arith.constant 0 : index
        %get3A_301 = tpu.vector_load %arg13[%get3A_299, %get3A_300] {strides = array<i32>} : memref<1008x16xf32, #tpu.memory_space<vmem>>, vector<16xf32>,
        %slice3A_302 = vector.extract_strided_slice %get3A_114 {offsets = [13], sizes = [1], strides = [1]} : vector<16xf32> to vector<1xf32>
        %squeeze3A_303 = vector.extract %slice3A_302[0] : f32 from vector<1xf32>
        %mul3A_304 = vector.broadcast %squeeze3A_303 : f32 to vector<16xf32>
        %mul3A_305 = arith.mulf %get3A_301, %mul3A_304 : vector<16xf32>
        %swap3A_306 = arith.index_cast %add3A_298 : i32 to index
        %swap3A_307 = arith.constant 0 : index
        %swap3A_308 = tpu.vector_load %arg13[%swap3A_306, %swap3A_307] {strides = array<i32>} : memref<1008x16xf32, #tpu.memory_space<vmem>>, vector<16xf32>,
        tpu.vector_store %arg13[%swap3A_306, %swap3A_307], %mul3A_305 {strides = array<i32>} : memref<1008x16xf32, #tpu.memory_space<vmem>>, vector<16xf32>,
        %mul3A_309 = arith.constant 16 : i32
        %mul3A_310 = arith.muli %scan3A_107, %mul3A_309 : i32
        %add3A_311 = arith.constant 14 : i32
        %add3A_312 = arith.addi %mul3A_310, %add3A_311 : i32
        %get3A_313 = arith.index_cast %add3A_312 : i32 to index
        %get3A_314 = arith.constant 0 : index
        %get3A_315 = tpu.vector_load %arg13[%get3A_313, %get3A_314] {strides = array<i32>} : memref<1008x16xf32, #tpu.memory_space<vmem>>, vector<16xf32>,
        %slice3A_316 = vector.extract_strided_slice %get3A_114 {offsets = [14], sizes = [1], strides = [1]} : vector<16xf32> to vector<1xf32>
        %squeeze3A_317 = vector.extract %slice3A_316[0] : f32 from vector<1xf32>
        %mul3A_318 = vector.broadcast %squeeze3A_317 : f32 to vector<16xf32>
        %mul3A_319 = arith.mulf %get3A_315, %mul3A_318 : vector<16xf32>
        %swap3A_320 = arith.index_cast %add3A_312 : i32 to index
        %swap3A_321 = arith.constant 0 : index
        %swap3A_322 = tpu.vector_load %arg13[%swap3A_320, %swap3A_321] {strides = array<i32>} : memref<1008x16xf32, #tpu.memory_space<vmem>>, vector<16xf32>,
        tpu.vector_store %arg13[%swap3A_320, %swap3A_321], %mul3A_319 {strides = array<i32>} : memref<1008x16xf32, #tpu.memory_space<vmem>>, vector<16xf32>,
        %mul3A_323 = arith.constant 16 : i32
        %mul3A_324 = arith.muli %scan3A_107, %mul3A_323 : i32
        %add3A_325 = arith.constant 15 : i32
        %add3A_326 = arith.addi %mul3A_324, %add3A_325 : i32
        %get3A_327 = arith.index_cast %add3A_326 : i32 to index
        %get3A_328 = arith.constant 0 : index
        %get3A_329 = tpu.vector_load %arg13[%get3A_327, %get3A_328] {strides = array<i32>} : memref<1008x16xf32, #tpu.memory_space<vmem>>, vector<16xf32>,
        %slice3A_330 = vector.extract_strided_slice %get3A_114 {offsets = [15], sizes = [1], strides = [1]} : vector<16xf32> to vector<1xf32>
        %squeeze3A_331 = vector.extract %slice3A_330[0] : f32 from vector<1xf32>
        %mul3A_332 = vector.broadcast %squeeze3A_331 : f32 to vector<16xf32>
        %mul3A_333 = arith.mulf %get3A_329, %mul3A_332 : vector<16xf32>
        %swap3A_334 = arith.index_cast %add3A_326 : i32 to index
        %swap3A_335 = arith.constant 0 : index
        %swap3A_336 = tpu.vector_load %arg13[%swap3A_334, %swap3A_335] {strides = array<i32>} : memref<1008x16xf32, #tpu.memory_space<vmem>>, vector<16xf32>,
        tpu.vector_store %arg13[%swap3A_334, %swap3A_335], %mul3A_333 {strides = array<i32>} : memref<1008x16xf32, #tpu.memory_space<vmem>>, vector<16xf32>,
        %scan3A_337 = arith.constant 0 : i32
        scf.yield %scan3A_337 : i32
      }
      %scan3A_105 = arith.constant 62 : i32
      "tpu.region"() ({
        %run_scoped3A = tpu.sem_alloc : memref<!tpu.dma_semaphore, #tpu.memory_space<semaphore_mem>>
        %dma_start3A = arith.constant 0 : i32
        %dma_start3A_107 = arith.constant 0 : i32
        %dma_start3A_108 = tpu.memref_slice %arg13[%dma_start3A, %dma_start3A_107] : memref<1008x16xf32, #tpu.memory_space<vmem>> -> memref<992x16xf32, #tpu.memory_space<vmem>>
        %dma_start3A_109 = arith.constant 0 : i32
        %dma_start3A_110 = arith.constant 0 : i32
        %dma_start3A_111 = tpu.memref_slice %arg14[%dma_start3A_109, %dma_start3A_110] : memref<100000x16xf32, #tpu.memory_space<vmem_shared>> -> memref<100000x16xf32, #tpu.memory_space<vmem_shared>>
        tpu.enqueue_indirect_dma source(%dma_start3A_108 : memref<992x16xf32, #tpu.memory_space<vmem>>) target(%dma_start3A_111 : memref<100000x16xf32, #tpu.memory_space<vmem_shared>>) offsets(%arg11 : memref<992xi32, #tpu.memory_space<vmem>>) semaphore(%run_scoped3A : memref<!tpu.dma_semaphore, #tpu.memory_space<semaphore_mem>>) {add = true}
        %dma_wait3A = arith.constant 0 : i32
        %dma_wait3A_112 = arith.constant 0 : i32
        %dma_wait3A_113 = tpu.memref_slice %arg13[%dma_wait3A, %dma_wait3A_112] : memref<1008x16xf32, #tpu.memory_space<vmem>> -> memref<992x16xf32, #tpu.memory_space<vmem>>
        %dma_wait3A_114 = arith.constant 0 : i32
        %dma_wait3A_115 = arith.constant 0 : i32
        %dma_wait3A_116 = tpu.memref_slice %arg14[%dma_wait3A_114, %dma_wait3A_115] : memref<100000x16xf32, #tpu.memory_space<vmem_shared>> -> memref<100000x16xf32, #tpu.memory_space<vmem_shared>>
        tpu.wait_indirect_dma semaphore(%run_scoped3A : memref<!tpu.dma_semaphore, #tpu.memory_space<semaphore_mem>>) src(%dma_wait3A_113 : memref<992x16xf32, #tpu.memory_space<vmem>>) dst(%dma_wait3A_116 : memref<100000x16xf32, #tpu.memory_space<vmem_shared>>)
        tpu.yield
      }) : () -> ()
      %scan3A_106 = arith.constant 0 : i32
      scf.yield %scan3A_106 : i32
    }
    %scan3A_8 = arith.constant 50 : i32
    %barrier3A_9 = arith.constant 0 : index
    tpu.barrier barrier_id(%barrier3A_9)
    %lt3A_10 = arith.constant 10 : i32
    %lt3A_11 = arith.cmpi slt, %arg1, %lt3A_10 : i32
    %convert_element_type3A_12 = arith.extui %lt3A_11 : i1 to i32
    %cond3A_13 = arith.constant 0 : i32
    %cond3A_14 = arith.cmpi ne, %convert_element_type3A_12, %cond3A_13 : i32
    scf.if %cond3A_14 {
      %scan3A_15 = arith.constant 0 : i32
      %scan3A_16 = arith.constant 0 : i32
      %scan3A_17 = arith.constant 10 : i32
      %scan3A_18 = arith.addi %scan3A_16, %scan3A_17 : i32
      %scan3A_19 = arith.constant 1 : i32
      %scan3A_20 = scf.for %scan3A_22 = %scan3A_16 to %scan3A_18 step %scan3A_19 iter_args(%scan3A_23 = %scan3A_15) -> (i32)  : i32 {
        %mul3A_24 = arith.constant 10000 : i32
        %mul3A_25 = arith.muli %arg1, %mul3A_24 : i32
        %mul3A_26 = arith.constant 1000 : i32
        %mul3A_27 = arith.muli %scan3A_22, %mul3A_26 : i32
        %add3A = arith.addi %mul3A_25, %mul3A_27 : i32
        "tpu.region"() ({
          %run_scoped3A = tpu.sem_alloc : memref<!tpu.dma_semaphore, #tpu.memory_space<semaphore_mem>>
          %dma_start3A = arith.constant 0 : i32
          %dma_start3A_29 = arith.constant 0 : i32
          %dma_start3A_30 = tpu.memref_slice %arg13[%dma_start3A, %dma_start3A_29] : memref<1008x16xf32, #tpu.memory_space<vmem>> -> memref<1000x16xf32, #tpu.memory_space<vmem>>
          %dma_start3A_31 = arith.constant 0 : i32
          %dma_start3A_32 = tpu.memref_slice %arg14[%add3A, %dma_start3A_31] : memref<100000x16xf32, #tpu.memory_space<vmem_shared>> -> memref<1000x16xf32, #tpu.memory_space<vmem_shared>>
          %dma_start3A_33 = arith.constant 0 : i32
          %dma_start3A_34 = arith.constant 0 : i32
          %dma_start3A_35 = tpu.memref_slice %arg13[%dma_start3A_33, %dma_start3A_34] : memref<1008x16xf32, #tpu.memory_space<vmem>> -> memref<1000x16xf32, #tpu.memory_space<vmem>>
          %dma_start3A_36 = arith.constant 0 : i32
          %dma_start3A_37 = tpu.memref_slice %arg14[%add3A, %dma_start3A_36] : memref<100000x16xf32, #tpu.memory_space<vmem_shared>> -> memref<1000x16xf32, #tpu.memory_space<vmem_shared>>
          tpu.enqueue_dma source(%dma_start3A_37 : memref<1000x16xf32, #tpu.memory_space<vmem_shared>>) target(%dma_start3A_35 : memref<1000x16xf32, #tpu.memory_space<vmem>>) target_semaphore(%run_scoped3A : memref<!tpu.dma_semaphore, #tpu.memory_space<semaphore_mem>>)
          %dma_wait3A = arith.constant 0 : i32
          %dma_wait3A_38 = arith.constant 0 : i32
          %dma_wait3A_39 = tpu.memref_slice %arg13[%dma_wait3A, %dma_wait3A_38] : memref<1008x16xf32, #tpu.memory_space<vmem>> -> memref<1000x16xf32, #tpu.memory_space<vmem>>
          %dma_wait3A_40 = arith.constant 0 : i32
          %dma_wait3A_41 = tpu.memref_slice %arg14[%add3A, %dma_wait3A_40] : memref<100000x16xf32, #tpu.memory_space<vmem_shared>> -> memref<1000x16xf32, #tpu.memory_space<vmem_shared>>
          %dma_wait3A_42 = arith.constant 0 : i32
          %dma_wait3A_43 = arith.constant 0 : i32
          %dma_wait3A_44 = tpu.memref_slice %arg13[%dma_wait3A_42, %dma_wait3A_43] : memref<1008x16xf32, #tpu.memory_space<vmem>> -> memref<1000x16xf32, #tpu.memory_space<vmem>>
          %dma_wait3A_45 = arith.constant 0 : i32
          %dma_wait3A_46 = tpu.memref_slice %arg14[%add3A, %dma_wait3A_45] : memref<100000x16xf32, #tpu.memory_space<vmem_shared>> -> memref<1000x16xf32, #tpu.memory_space<vmem_shared>>
          tpu.wait_dma2 semaphore(%run_scoped3A : memref<!tpu.dma_semaphore, #tpu.memory_space<semaphore_mem>>) src(%dma_wait3A_46 : memref<1000x16xf32, #tpu.memory_space<vmem_shared>>) dst(%dma_wait3A_44 : memref<1000x16xf32, #tpu.memory_space<vmem>>)
          tpu.yield
        }) : () -> ()
        "tpu.region"() ({
          %run_scoped3A = tpu.sem_alloc : memref<!tpu.dma_semaphore, #tpu.memory_space<semaphore_mem>>
          %dma_start3A = arith.constant 0 : i32
          %dma_start3A_29 = arith.constant 0 : i32
          %dma_start3A_30 = tpu.memref_slice %arg13[%dma_start3A, %dma_start3A_29] : memref<1008x16xf32, #tpu.memory_space<vmem>> -> memref<1000x16xf32, #tpu.memory_space<vmem>>
          %dma_start3A_31 = arith.constant 0 : i32
          %dma_start3A_32 = tpu.memref_slice %arg7[%arg0, %add3A, %dma_start3A_31] : memref<2x100000x16xf32, #tpu.memory_space<hbm>> -> memref<1x1000x16xf32, #tpu.memory_space<hbm>>
          %dma_start3A_33 = tpu.memref_squeeze %dma_start3A_32 : memref<1x1000x16xf32, #tpu.memory_space<hbm>> -> memref<1000x16xf32, #tpu.memory_space<hbm>>
          %dma_start3A_34 = arith.constant 0 : i32
          %dma_start3A_35 = tpu.memref_slice %arg7[%arg0, %add3A, %dma_start3A_34] : memref<2x100000x16xf32, #tpu.memory_space<hbm>> -> memref<1x1000x16xf32, #tpu.memory_space<hbm>>
          %dma_start3A_36 = tpu.memref_squeeze %dma_start3A_35 : memref<1x1000x16xf32, #tpu.memory_space<hbm>> -> memref<1000x16xf32, #tpu.memory_space<hbm>>
          %dma_start3A_37 = arith.constant 0 : i32
          %dma_start3A_38 = arith.constant 0 : i32
          %dma_start3A_39 = tpu.memref_slice %arg13[%dma_start3A_37, %dma_start3A_38] : memref<1008x16xf32, #tpu.memory_space<vmem>> -> memref<1000x16xf32, #tpu.memory_space<vmem>>
          tpu.enqueue_dma source(%dma_start3A_39 : memref<1000x16xf32, #tpu.memory_space<vmem>>) target(%dma_start3A_36 : memref<1000x16xf32, #tpu.memory_space<hbm>>) target_semaphore(%run_scoped3A : memref<!tpu.dma_semaphore, #tpu.memory_space<semaphore_mem>>)
          %dma_wait3A = arith.constant 0 : i32
          %dma_wait3A_40 = arith.constant 0 : i32
          %dma_wait3A_41 = tpu.memref_slice %arg13[%dma_wait3A, %dma_wait3A_40] : memref<1008x16xf32, #tpu.memory_space<vmem>> -> memref<1000x16xf32, #tpu.memory_space<vmem>>
          %dma_wait3A_42 = arith.constant 0 : i32
          %dma_wait3A_43 = tpu.memref_slice %arg7[%arg0, %add3A, %dma_wait3A_42] : memref<2x100000x16xf32, #tpu.memory_space<hbm>> -> memref<1x1000x16xf32, #tpu.memory_space<hbm>>
          %dma_wait3A_44 = tpu.memref_squeeze %dma_wait3A_43 : memref<1x1000x16xf32, #tpu.memory_space<hbm>> -> memref<1000x16xf32, #tpu.memory_space<hbm>>
          %dma_wait3A_45 = arith.constant 0 : i32
          %dma_wait3A_46 = tpu.memref_slice %arg7[%arg0, %add3A, %dma_wait3A_45] : memref<2x100000x16xf32, #tpu.memory_space<hbm>> -> memref<1x1000x16xf32, #tpu.memory_space<hbm>>
          %dma_wait3A_47 = tpu.memref_squeeze %dma_wait3A_46 : memref<1x1000x16xf32, #tpu.memory_space<hbm>> -> memref<1000x16xf32, #tpu.memory_space<hbm>>
          %dma_wait3A_48 = arith.constant 0 : i32
          %dma_wait3A_49 = arith.constant 0 : i32
          %dma_wait3A_50 = tpu.memref_slice %arg13[%dma_wait3A_48, %dma_wait3A_49] : memref<1008x16xf32, #tpu.memory_space<vmem>> -> memref<1000x16xf32, #tpu.memory_space<vmem>>
          tpu.wait_dma2 semaphore(%run_scoped3A : memref<!tpu.dma_semaphore, #tpu.memory_space<semaphore_mem>>) src(%dma_wait3A_50 : memref<1000x16xf32, #tpu.memory_space<vmem>>) dst(%dma_wait3A_47 : memref<1000x16xf32, #tpu.memory_space<hbm>>)
          tpu.yield
        }) : () -> ()
        %scan3A_28 = arith.constant 0 : i32
        scf.yield %scan3A_28 : i32
      }
      %scan3A_21 = arith.constant 10 : i32
    } else {
    }
    return
  }
}

module attributes {stable_mosaic.version = 14 : i64} {
  func.func @_h1_body(%arg0: i32, %arg1: memref<2x2000x3xf32, #tpu.memory_space<vmem>>, %arg2: memref<2000x3xf32, #tpu.memory_space<vmem>>, %arg3: memref<2000x3xf32, #tpu.memory_space<vmem>>, %arg4: memref<3x32xf32, #tpu.memory_space<vmem>>, %arg5: memref<1x32xf32, #tpu.memory_space<vmem>>, %arg6: memref<2x2000x16xf32, #tpu.memory_space<vmem>>) attributes {dimension_semantics = [#tpu.dimension_semantics<arbitrary>], iteration_bounds = array<i64: 50>, scalar_prefetch = 0 : i64, scratch_operands = 0 : i64, tpu.core_type = #tpu.core_type<tc>, window_params = [{transform_indices = @transform_0, window_bounds = array<i64: 2, 2000, 3>}, {transform_indices = @transform_1, window_bounds = array<i64: 2000, 3>}, {transform_indices = @transform_2, window_bounds = array<i64: 2000, 3>}, {pipeline_mode = #tpu.pipeline_mode<synchronous>, transform_indices = @transform_3, window_bounds = array<i64: 3, 32>}, {pipeline_mode = #tpu.pipeline_mode<synchronous>, transform_indices = @transform_4, window_bounds = array<i64: 1, 32>}, {transform_indices = @transform_5, window_bounds = array<i64: 2, 2000, 16>}]} {
    %get3A = arith.constant 0 : index
    %get3A_0 = arith.constant 0 : index
    %get3A_1 = arith.constant 0 : index
    %get3A_2 = vector.load %arg1[%get3A, %get3A_0, %get3A_1] : memref<2x2000x3xf32, #tpu.memory_space<vmem>>, vector<1x2000x3xf32>
    %get3A_3 = vector.shape_cast %get3A_2 : vector<1x2000x3xf32> to vector<2000x3xf32>
    %get3A_4 = arith.constant 1 : index
    %get3A_5 = arith.constant 0 : index
    %get3A_6 = arith.constant 0 : index
    %get3A_7 = vector.load %arg1[%get3A_4, %get3A_5, %get3A_6] : memref<2x2000x3xf32, #tpu.memory_space<vmem>>, vector<1x2000x3xf32>
    %get3A_8 = vector.shape_cast %get3A_7 : vector<1x2000x3xf32> to vector<2000x3xf32>
    %add3A = arith.addf %get3A_3, %get3A_8 : vector<2000x3xf32>
    %get3A_9 = arith.constant 0 : index
    %get3A_10 = arith.constant 0 : index
    %get3A_11 = vector.load %arg2[%get3A_9, %get3A_10] : memref<2000x3xf32, #tpu.memory_space<vmem>>, vector<2000x3xf32>
    %get3A_12 = arith.constant 0 : index
    %get3A_13 = arith.constant 0 : index
    %get3A_14 = vector.load %arg3[%get3A_12, %get3A_13] : memref<2000x3xf32, #tpu.memory_space<vmem>>, vector<2000x3xf32>
    %mul3A = arith.mulf %get3A_11, %get3A_14 : vector<2000x3xf32>
    %add3A_15 = arith.addf %add3A, %mul3A : vector<2000x3xf32>
    %get3A_16 = arith.constant 0 : index
    %get3A_17 = arith.constant 0 : index
    %get3A_18 = vector.load %arg4[%get3A_16, %get3A_17] : memref<3x32xf32, #tpu.memory_space<vmem>>, vector<3x32xf32>
    %dot_general3A = arith.constant dense<0.000000e+00> : vector<2000x32xf32>
    %dot_general3A_19 = tpu.matmul %add3A_15, %get3A_18, %dot_general3A {dimension_numbers = #tpu.dot_dimension_numbers<[1], [0], [0], [1], [0, 0, 1, 1], [], []>, transpose_lhs_hint = false} : vector<2000x3xf32>, vector<3x32xf32>, vector<2000x32xf32> -> vector<2000x32xf32>
    %get3A_20 = arith.constant 0 : index
    %get3A_21 = arith.constant 0 : index
    %get3A_22 = vector.load %arg5[%get3A_20, %get3A_21] : memref<1x32xf32, #tpu.memory_space<vmem>>, vector<1x32xf32>
    %add3A_23 = vector.broadcast %get3A_22 : vector<1x32xf32> to vector<2000x32xf32>
    %add3A_24 = arith.addf %dot_general3A_19, %add3A_23 : vector<2000x32xf32>
    %max3A = arith.constant 0.000000e+00 : f32
    %max3A_25 = vector.broadcast %max3A : f32 to vector<2000x32xf32>
    %max3A_26 = arith.maximumf %add3A_24, %max3A_25 : vector<2000x32xf32>
    %slice3A = vector.extract_strided_slice %max3A_26 {offsets = [0, 0], sizes = [2000, 16], strides = [1, 1]} : vector<2000x32xf32> to vector<2000x16xf32>
    %swap3A = arith.constant 0 : index
    %swap3A_27 = arith.constant 0 : index
    %swap3A_28 = arith.constant 0 : index
    %swap3A_29 = vector.load %arg6[%swap3A, %swap3A_27, %swap3A_28] : memref<2x2000x16xf32, #tpu.memory_space<vmem>>, vector<1x2000x16xf32>
    %swap3A_30 = vector.shape_cast %swap3A_29 : vector<1x2000x16xf32> to vector<2000x16xf32>
    %swap3A_31 = vector.shape_cast %slice3A : vector<2000x16xf32> to vector<1x2000x16xf32>
    tpu.vector_store %arg6[%swap3A, %swap3A_27, %swap3A_28], %swap3A_31 {strides = array<i32>} : memref<2x2000x16xf32, #tpu.memory_space<vmem>>, vector<1x2000x16xf32>,
    %slice3A_32 = vector.extract_strided_slice %max3A_26 {offsets = [0, 16], sizes = [2000, 16], strides = [1, 1]} : vector<2000x32xf32> to vector<2000x16xf32>
    %swap3A_33 = arith.constant 1 : index
    %swap3A_34 = arith.constant 0 : index
    %swap3A_35 = arith.constant 0 : index
    %swap3A_36 = vector.load %arg6[%swap3A_33, %swap3A_34, %swap3A_35] : memref<2x2000x16xf32, #tpu.memory_space<vmem>>, vector<1x2000x16xf32>
    %swap3A_37 = vector.shape_cast %swap3A_36 : vector<1x2000x16xf32> to vector<2000x16xf32>
    %swap3A_38 = vector.shape_cast %slice3A_32 : vector<2000x16xf32> to vector<1x2000x16xf32>
    tpu.vector_store %arg6[%swap3A_33, %swap3A_34, %swap3A_35], %swap3A_38 {strides = array<i32>} : memref<2x2000x16xf32, #tpu.memory_space<vmem>>, vector<1x2000x16xf32>,
    return
  }
  func.func @transform_0(%arg0: i32) -> (i32, i32, i32) {
    %c0_i32 = arith.constant 0 : i32
    %c0_i32_0 = arith.constant 0 : i32
    %c0_i32_1 = arith.constant 0 : i32
    return %c0_i32, %arg0, %c0_i32_0 : i32, i32, i32
  }
  func.func @transform_1(%arg0: i32) -> (i32, i32) {
    %c0_i32 = arith.constant 0 : i32
    %c0_i32_0 = arith.constant 0 : i32
    return %arg0, %c0_i32 : i32, i32
  }
  func.func @transform_2(%arg0: i32) -> (i32, i32) {
    %c0_i32 = arith.constant 0 : i32
    %c0_i32_0 = arith.constant 0 : i32
    return %arg0, %c0_i32 : i32, i32
  }
  func.func @transform_3(%arg0: i32) -> (i32, i32) {
    %c0_i32 = arith.constant 0 : i32
    %c0_i32_0 = arith.constant 0 : i32
    %c0_i32_1 = arith.constant 0 : i32
    return %c0_i32, %c0_i32_0 : i32, i32
  }
  func.func @transform_4(%arg0: i32) -> (i32, i32) {
    %c0_i32 = arith.constant 0 : i32
    %c0_i32_0 = arith.constant 0 : i32
    %c0_i32_1 = arith.constant 0 : i32
    return %c0_i32, %c0_i32_0 : i32, i32
  }
  func.func @transform_5(%arg0: i32) -> (i32, i32, i32) {
    %c0_i32 = arith.constant 0 : i32
    %c0_i32_0 = arith.constant 0 : i32
    %c0_i32_1 = arith.constant 0 : i32
    return %c0_i32, %arg0, %c0_i32_0 : i32, i32, i32
  }
}

module attributes {stable_mosaic.version = 14 : i64} {
  func.func @_out_body(%arg0: i32, %arg1: memref<2x2000x16xf32, #tpu.memory_space<vmem>>, %arg2: memref<2x2000x16xf32, #tpu.memory_space<vmem>>, %arg3: memref<2000x16xf32, #tpu.memory_space<vmem>>, %arg4: memref<32x32xf32, #tpu.memory_space<vmem>>, %arg5: memref<1x32xf32, #tpu.memory_space<vmem>>, %arg6: memref<32x1xf32, #tpu.memory_space<vmem>>, %arg7: memref<1x1xf32, #tpu.memory_space<vmem>>, %arg8: memref<1x1xf32, #tpu.memory_space<vmem>>, %arg9: memref<1x32xf32, #tpu.memory_space<vmem>>) attributes {dimension_semantics = [#tpu.dimension_semantics<arbitrary>], iteration_bounds = array<i64: 50>, scalar_prefetch = 0 : i64, scratch_operands = 1 : i64, tpu.core_type = #tpu.core_type<tc>, window_params = [{transform_indices = @transform_0, window_bounds = array<i64: 2, 2000, 16>}, {transform_indices = @transform_1, window_bounds = array<i64: 2, 2000, 16>}, {transform_indices = @transform_2, window_bounds = array<i64: 2000, 16>}, {pipeline_mode = #tpu.pipeline_mode<synchronous>, transform_indices = @transform_3, window_bounds = array<i64: 32, 32>}, {pipeline_mode = #tpu.pipeline_mode<synchronous>, transform_indices = @transform_4, window_bounds = array<i64: 1, 32>}, {pipeline_mode = #tpu.pipeline_mode<synchronous>, transform_indices = @transform_5, window_bounds = array<i64: 32, 1>}, {pipeline_mode = #tpu.pipeline_mode<synchronous>, transform_indices = @transform_6, window_bounds = array<i64: 1, 1>}, {pipeline_mode = #tpu.pipeline_mode<synchronous>, transform_indices = @transform_7, window_bounds = array<i64: 1, 1>}]} {
    %eq3A = arith.constant 0 : i32
    %eq3A_0 = arith.cmpi eq, %arg0, %eq3A : i32
    %convert_element_type3A = arith.extui %eq3A_0 : i1 to i32
    %cond3A = arith.constant 0 : i32
    %cond3A_1 = arith.cmpi ne, %convert_element_type3A, %cond3A : i32
    scf.if %cond3A_1 {
      %broadcast_in_dim3A_49 = arith.constant 0.000000e+00 : f32
      %broadcast_in_dim3A_50 = vector.broadcast %broadcast_in_dim3A_49 : f32 to vector<1x32xf32>
      %swap3A_51 = arith.constant 0 : index
      %swap3A_52 = arith.constant 0 : index
      %swap3A_53 = vector.load %arg9[%swap3A_51, %swap3A_52] : memref<1x32xf32, #tpu.memory_space<vmem>>, vector<1x32xf32>
      tpu.vector_store %arg9[%swap3A_51, %swap3A_52], %broadcast_in_dim3A_50 {strides = array<i32>} : memref<1x32xf32, #tpu.memory_space<vmem>>, vector<1x32xf32>,
    } else {
    }
    %get3A = arith.constant 0 : index
    %get3A_2 = arith.constant 0 : index
    %get3A_3 = vector.load %arg3[%get3A, %get3A_2] : memref<2000x16xf32, #tpu.memory_space<vmem>>, vector<2000x16xf32>
    %get3A_4 = arith.constant 0 : index
    %get3A_5 = arith.constant 0 : index
    %get3A_6 = arith.constant 0 : index
    %get3A_7 = vector.load %arg1[%get3A_4, %get3A_5, %get3A_6] : memref<2x2000x16xf32, #tpu.memory_space<vmem>>, vector<1x2000x16xf32>
    %get3A_8 = vector.shape_cast %get3A_7 : vector<1x2000x16xf32> to vector<2000x16xf32>
    %get3A_9 = arith.constant 0 : index
    %get3A_10 = arith.constant 0 : index
    %get3A_11 = arith.constant 0 : index
    %get3A_12 = vector.load %arg2[%get3A_9, %get3A_10, %get3A_11] : memref<2x2000x16xf32, #tpu.memory_space<vmem>>, vector<1x2000x16xf32>
    %get3A_13 = vector.shape_cast %get3A_12 : vector<1x2000x16xf32> to vector<2000x16xf32>
    %mul3A = arith.mulf %get3A_13, %get3A_3 : vector<2000x16xf32>
    %add3A = arith.addf %get3A_8, %mul3A : vector<2000x16xf32>
    %get3A_14 = arith.constant 1 : index
    %get3A_15 = arith.constant 0 : index
    %get3A_16 = arith.constant 0 : index
    %get3A_17 = vector.load %arg1[%get3A_14, %get3A_15, %get3A_16] : memref<2x2000x16xf32, #tpu.memory_space<vmem>>, vector<1x2000x16xf32>
    %get3A_18 = vector.shape_cast %get3A_17 : vector<1x2000x16xf32> to vector<2000x16xf32>
    %get3A_19 = arith.constant 1 : index
    %get3A_20 = arith.constant 0 : index
    %get3A_21 = arith.constant 0 : index
    %get3A_22 = vector.load %arg2[%get3A_19, %get3A_20, %get3A_21] : memref<2x2000x16xf32, #tpu.memory_space<vmem>>, vector<1x2000x16xf32>
    %get3A_23 = vector.shape_cast %get3A_22 : vector<1x2000x16xf32> to vector<2000x16xf32>
    %mul3A_24 = arith.mulf %get3A_23, %get3A_3 : vector<2000x16xf32>
    %add3A_25 = arith.addf %get3A_18, %mul3A_24 : vector<2000x16xf32>
    %concatenate3A = tpu.concatenate %add3A, %add3A_25 in 1 : vector<2000x16xf32>, vector<2000x16xf32> -> vector<2000x32xf32>
    %get3A_26 = arith.constant 0 : index
    %get3A_27 = arith.constant 0 : index
    %get3A_28 = vector.load %arg4[%get3A_26, %get3A_27] : memref<32x32xf32, #tpu.memory_space<vmem>>, vector<32x32xf32>
    %dot_general3A = arith.constant dense<0.000000e+00> : vector<2000x32xf32>
    %dot_general3A_29 = tpu.matmul %concatenate3A, %get3A_28, %dot_general3A {dimension_numbers = #tpu.dot_dimension_numbers<[1], [0], [0], [1], [0, 0, 1, 1], [], []>, transpose_lhs_hint = false} : vector<2000x32xf32>, vector<32x32xf32>, vector<2000x32xf32> -> vector<2000x32xf32>
    %get3A_30 = arith.constant 0 : index
    %get3A_31 = arith.constant 0 : index
    %get3A_32 = vector.load %arg5[%get3A_30, %get3A_31] : memref<1x32xf32, #tpu.memory_space<vmem>>, vector<1x32xf32>
    %add3A_33 = vector.broadcast %get3A_32 : vector<1x32xf32> to vector<2000x32xf32>
    %add3A_34 = arith.addf %dot_general3A_29, %add3A_33 : vector<2000x32xf32>
    %max3A = arith.constant 0.000000e+00 : f32
    %max3A_35 = vector.broadcast %max3A : f32 to vector<2000x32xf32>
    %max3A_36 = arith.maximumf %add3A_34, %max3A_35 : vector<2000x32xf32>
    %get3A_37 = arith.constant 0 : index
    %get3A_38 = arith.constant 0 : index
    %get3A_39 = vector.load %arg9[%get3A_37, %get3A_38] : memref<1x32xf32, #tpu.memory_space<vmem>>, vector<1x32xf32>
    %reduce_sum3A = arith.constant dense<0.000000e+00> : vector<32xf32>
    %reduce_sum3A_40 = vector.multi_reduction <add>, %max3A_36, %reduce_sum3A [0] : vector<2000x32xf32> to vector<32xf32>
    %broadcast_in_dim3A = vector.shape_cast %reduce_sum3A_40 : vector<32xf32> to vector<1x32xf32>
    %add3A_41 = arith.addf %get3A_39, %broadcast_in_dim3A : vector<1x32xf32>
    %swap3A = arith.constant 0 : index
    %swap3A_42 = arith.constant 0 : index
    %swap3A_43 = vector.load %arg9[%swap3A, %swap3A_42] : memref<1x32xf32, #tpu.memory_space<vmem>>, vector<1x32xf32>
    tpu.vector_store %arg9[%swap3A, %swap3A_42], %add3A_41 {strides = array<i32>} : memref<1x32xf32, #tpu.memory_space<vmem>>, vector<1x32xf32>,
    %eq3A_44 = arith.constant 49 : i32
    %eq3A_45 = arith.cmpi eq, %arg0, %eq3A_44 : i32
    %convert_element_type3A_46 = arith.extui %eq3A_45 : i1 to i32
    %cond3A_47 = arith.constant 0 : i32
    %cond3A_48 = arith.cmpi ne, %convert_element_type3A_46, %cond3A_47 : i32
    scf.if %cond3A_48 {
      %get3A_49 = arith.constant 0 : index
      %get3A_50 = arith.constant 0 : index
      %get3A_51 = vector.load %arg9[%get3A_49, %get3A_50] : memref<1x32xf32, #tpu.memory_space<vmem>>, vector<1x32xf32>
      %mul3A_52 = arith.constant 9.99999974E-6 : f32
      %mul3A_53 = vector.broadcast %mul3A_52 : f32 to vector<1x32xf32>
      %mul3A_54 = arith.mulf %get3A_51, %mul3A_53 : vector<1x32xf32>
      %get3A_55 = arith.constant 0 : index
      %get3A_56 = arith.constant 0 : index
      %get3A_57 = vector.load %arg6[%get3A_55, %get3A_56] : memref<32x1xf32, #tpu.memory_space<vmem>>, vector<32x1xf32>
      %dot_general3A_58 = arith.constant dense<0.000000e+00> : vector<1x1xf32>
      %dot_general3A_59 = tpu.matmul %mul3A_54, %get3A_57, %dot_general3A_58 {dimension_numbers = #tpu.dot_dimension_numbers<[1], [0], [0], [1], [0, 0, 1, 1], [], []>, transpose_lhs_hint = false} : vector<1x32xf32>, vector<32x1xf32>, vector<1x1xf32> -> vector<1x1xf32>
      %get3A_60 = arith.constant 0 : index
      %get3A_61 = arith.constant 0 : index
      %get3A_62 = vector.load %arg7[%get3A_60, %get3A_61] : memref<1x1xf32, #tpu.memory_space<vmem>>, vector<1x1xf32>
      %add3A_63 = arith.addf %dot_general3A_59, %get3A_62 : vector<1x1xf32>
      %swap3A_64 = arith.constant 0 : index
      %swap3A_65 = arith.constant 0 : index
      %swap3A_66 = vector.load %arg8[%swap3A_64, %swap3A_65] : memref<1x1xf32, #tpu.memory_space<vmem>>, vector<1x1xf32>
      tpu.vector_store %arg8[%swap3A_64, %swap3A_65], %add3A_63 {strides = array<i32>} : memref<1x1xf32, #tpu.memory_space<vmem>>, vector<1x1xf32>,
    } else {
    }
    return
  }
  func.func @transform_0(%arg0: i32) -> (i32, i32, i32) {
    %c0_i32 = arith.constant 0 : i32
    %c0_i32_0 = arith.constant 0 : i32
    %c0_i32_1 = arith.constant 0 : i32
    return %c0_i32, %arg0, %c0_i32_0 : i32, i32, i32
  }
  func.func @transform_1(%arg0: i32) -> (i32, i32, i32) {
    %c0_i32 = arith.constant 0 : i32
    %c0_i32_0 = arith.constant 0 : i32
    %c0_i32_1 = arith.constant 0 : i32
    return %c0_i32, %arg0, %c0_i32_0 : i32, i32, i32
  }
  func.func @transform_2(%arg0: i32) -> (i32, i32) {
    %c0_i32 = arith.constant 0 : i32
    %c0_i32_0 = arith.constant 0 : i32
    return %arg0, %c0_i32 : i32, i32
  }
  func.func @transform_3(%arg0: i32) -> (i32, i32) {
    %c0_i32 = arith.constant 0 : i32
    %c0_i32_0 = arith.constant 0 : i32
    %c0_i32_1 = arith.constant 0 : i32
    return %c0_i32, %c0_i32_0 : i32, i32
  }
  func.func @transform_4(%arg0: i32) -> (i32, i32) {
    %c0_i32 = arith.constant 0 : i32
    %c0_i32_0 = arith.constant 0 : i32
    %c0_i32_1 = arith.constant 0 : i32
    return %c0_i32, %c0_i32_0 : i32, i32
  }
  func.func @transform_5(%arg0: i32) -> (i32, i32) {
    %c0_i32 = arith.constant 0 : i32
    %c0_i32_0 = arith.constant 0 : i32
    %c0_i32_1 = arith.constant 0 : i32
    return %c0_i32, %c0_i32_0 : i32, i32
  }
  func.func @transform_6(%arg0: i32) -> (i32, i32) {
    %c0_i32 = arith.constant 0 : i32
    %c0_i32_0 = arith.constant 0 : i32
    %c0_i32_1 = arith.constant 0 : i32
    return %c0_i32, %c0_i32_0 : i32, i32
  }
  func.func @transform_7(%arg0: i32) -> (i32, i32) {
    %c0_i32 = arith.constant 0 : i32
    %c0_i32_0 = arith.constant 0 : i32
    %c0_i32_1 = arith.constant 0 : i32
    return %c0_i32, %c0_i32_0 : i32, i32
  }
}

</mosaic_0001>

<sc_bundles>
// kernel: kernel.6.cloned.1.call-start
scs
__scs_entry_jumppad:
0x0: {  	(pc) =	sbr.rel $0x88, $3  }
0x1: {  	(tag) =	ssettag $0x0;
	lr =	simm.s32 $0x1  }
0x2: {  	[smem:$0x3F98] =	sst lr;
	_ =	strace $0xD0000000  }
0x3: {  	_ = 	snop  }
0x4: {  	_ = 	snop  }
0x5: {  	_ = 	snop  }
0x6: {  	_ = 	snop  }
0x7: {  	_ = 	snop  }
__scs_overlays_trampoline_lowered:
0x8: {  	[smem:$0x3FA7] =	sst s0  }
0x9: {  	[smem:$0x3FA8] =	sst s1  }
0xa: {  	[smem:$0x3FA9] =	sst s2  }
0xb: {  	[smem:$0x3FAA] =	sst s3  }
0xc: {  	[smem:$0x3FAB] =	sst s4  }
0xd: {  	[smem:$0x3FAC] =	sst s5  }
0xe: {  	[smem:$0x3FAD] =	sst s6  }
0xf: {  	[smem:$0x3FAE] =	sst s7  }
0x10: {  	[smem:$0x3FAF] =	sst s8  }
0x11: {  	[smem:$0x3FB0] =	sst s9;
	s0 =	simm.s32 @!p0 $0x0  }
0x12: {  	s1 =	sld [smem:$0x3F96];
	s0 =	simm.s32 @p0 $0x1  }
0x13: {  	[smem:$0x3FB1] =	sst s0;
	s0 =	simm.s32 @!p1 $0x0  }
0x14: {  	s2 =	sld [smem:$0x3F95];
	s0 =	simm.s32 @p1 $0x1  }
0x15: {  	[smem:$0x3FB2] =	sst s0;
	s0 =	simm.s32 @!p2 $0x0  }
0x16: {  	s3 =	sld [smem:$0x3FDB];
	s0 =	simm.s32 @p2 $0x1  }
0x17: {  	s4 =	simm.s32 $0x1BF5;
	[smem:$0x3FB4] =	sst s0  }
0x18: {  	s0 =	sld [smem:$0x3F97];
	_ =	swait.ge [sflag:s4], $0x0  }
0x19: {  	s7 =	sld [smem:$0x3F98]  }
0x1a: {  	s8 =	sadd.s32 $0xFFFFE003, lr  }
0x1b: {  	s9 =	sadd.s32 $0xFFFFFEF7, lr;
	s5 =	simm.s32 $0xFFFFFFFF;
	p2 =	slt.u32 s8, $0xFFFFF086  }
0x1c: {  	p1 =	slt.u32 s9, $0xF7A;
	s5 =	simm.s32 @!p2 $0x0  }
0x1d: {  	s5 =	simm.s32 @p1 $0x1;
	p0 =	seq.s32 s7, s2  }
0x1e: {  	s7 =	smul.u32 @!p0 $0xF7A, s2;
	p2 =	seq.s32 @!p0 s5, $0x0  }
0x1f: {  	s9 =	smul.u32 $0xF7A, s1;
	s8 =	simm.s32 @!p0 $0x1BF5;
	p2 =	por !p2, p0  }
0x20: {  	[sflag:s8] =	ssyncset.s32 @!p0 $0xFFFFF086;
	s6 =	sadd.s32 @!p0 s3, s7;
	s7 =	simm.s32 @!p0 $0x108  }
0x21: {  	s3 =	sadd.s32 s3, s9;
	s6 =	sadd.s32 @!p0 $0x88, s6;
	s7 =	simm.s32 @p2 $0x1082  }
0x22: {  	[simem:s7], [sflag:s8] =	dma.local @!p0 [hbm:s6], $0xF7A  }
0x23: {  	s9 =	sor.u32 $0xD0000000, s2;
	s6 =	simm.s32 $0x108;
	_ =	swait.ge @!p0 [sflag:s8], $0x0  }
0x24: {  	s3 =	sadd.s32 $0x88, s3;
	s6 =	simm.s32 @!p1 $0x1082;
	[sflag:s4] =	ssyncset.s32 $0xFFFFF086  }
0x25: {  	[simem:s6], [sflag:s4] =	dma.local [hbm:s3], $0xF7A  }
0x26: {  	[smem:$0x3F98] =	sst s1;
	(tag) =	ssettag s2;
	_ =	strace s9  }
0x27: {  	s1 =	sld [smem:$0x3FA8]  }
0x28: {  	s2 =	sld [smem:$0x3FA9]  }
0x29: {  	s4 =	sld [smem:$0x3FAB]  }
0x2a: {  	p0 =	seq.s32 s5, $0x0;
	s5 =	sld [smem:$0x3FAC]  }
0x2b: {  	s6 =	sld [smem:$0x3FAD]  }
0x2c: {  	s7 =	sld [smem:$0x3FAE]  }
0x2d: {  	s3 =	simm.s32 $0x108;
	s8 =	sld [smem:$0x3FAF]  }
0x2e: {  	s3 =	simm.s32 @!p0 $0x1082;
	s9 =	sld [smem:$0x3FB0]  }
0x2f: {  	lr =	sadd.s32 s0, s3;
	s0 =	sld [smem:$0x3FA7]  }
0x30: {  	s3 =	sld [smem:$0x3FAA]  }
0x31: {  	[smem:$0x3FB3] =	sst s10  }
0x32: {  	s10 =	sld [smem:$0x3FB1];
	_ =	sdelay $0x3  }
0x33: {  	p0 =	seq.s32 s10, $0x1;
	s10 =	sld [smem:$0x3FB3];
	_ =	sdelay $0x3  }
0x34: {  	[smem:$0x3FB3] =	sst s10  }
0x35: {  	s10 =	sld [smem:$0x3FB2];
	_ =	sdelay $0x3  }
0x36: {  	p1 =	seq.s32 s10, $0x1;
	s10 =	sld [smem:$0x3FB3];
	_ =	sdelay $0x3  }
0x37: {  	[smem:$0x3FB3] =	sst s10  }
0x38: {  	s10 =	sld [smem:$0x3FB4]  }
0x39: {  	_ = 	snop;
	(pc) =	sbr.ind lr, $3  }
0x3a: {  	_ = 	snop  }
0x3b: {  	_ = 	snop  }
0x3c: {  	p2 =	seq.s32 s10, $0x1;
	s10 =	sld [smem:$0x3FB3]  }
0x3d: {  	_ =	shalt  }
0x3e: {  	_ =	shalt  }
0x3f: {  	_ =	shalt  }
0x40: {  	_ =	shalt  }
0x41: {  	_ =	shalt  }
0x42: {  	_ =	shalt  }
0x43: {  	_ =	shalt  }
0x44: {  	_ =	shalt  }
0x45: {  	_ =	shalt  }
0x46: {  	_ =	shalt  }
0x47: {  	_ =	shalt  }
0x48: {  	_ =	shalt  }
0x49: {  	_ =	shalt  }
0x4a: {  	_ =	shalt  }
0x4b: {  	_ =	shalt  }
0x4c: {  	_ =	shalt  }
0x4d: {  	_ =	shalt  }
0x4e: {  	_ =	shalt  }
0x4f: {  	_ =	shalt  }
0x50: {  	_ =	shalt  }
0x51: {  	_ =	shalt  }
0x52: {  	_ =	shalt  }
0x53: {  	_ =	shalt  }
0x54: {  	_ =	shalt  }
0x55: {  	_ =	shalt  }
0x56: {  	_ =	shalt  }
0x57: {  	_ =	shalt  }
0x58: {  	_ =	shalt  }
0x59: {  	_ =	shalt  }
0x5a: {  	_ =	shalt  }
0x5b: {  	_ =	shalt  }
0x5c: {  	_ =	shalt  }
0x5d: {  	_ =	shalt  }
0x5e: {  	_ =	shalt  }
0x5f: {  	_ =	shalt  }
0x60: {  	_ =	shalt  }
0x61: {  	_ =	shalt  }
0x62: {  	_ =	shalt  }
0x63: {  	_ =	shalt  }
0x64: {  	_ =	shalt  }
0x65: {  	_ =	shalt  }
0x66: {  	_ =	shalt  }
0x67: {  	_ =	shalt  }
0x68: {  	_ =	shalt  }
0x69: {  	_ =	shalt  }
0x6a: {  	_ =	shalt  }
0x6b: {  	_ =	shalt  }
0x6c: {  	_ =	shalt  }
0x6d: {  	_ =	shalt  }
0x6e: {  	_ =	shalt  }
0x6f: {  	_ =	shalt  }
0x70: {  	_ =	shalt  }
0x71: {  	_ =	shalt  }
0x72: {  	_ =	shalt  }
0x73: {  	_ =	shalt  }
0x74: {  	_ =	shalt  }
0x75: {  	_ =	shalt  }
0x76: {  	_ =	shalt  }
0x77: {  	_ =	shalt  }
0x78: {  	_ =	shalt  }
0x79: {  	_ =	shalt  }
0x7a: {  	_ =	shalt  }
0x7b: {  	_ =	shalt  }
0x7c: {  	_ =	shalt  }
0x7d: {  	_ =	shalt  }
0x7e: {  	_ =	shalt  }
0x7f: {  	_ =	shalt  }
0x80: {  	_ =	shalt  }
0x81: {  	_ =	shalt  }
0x82: {  	_ =	shalt  }
0x83: {  	_ =	shalt  }
0x84: {  	_ =	shalt  }
0x85: {  	_ =	shalt  }
0x86: {  	_ =	shalt  }
0x87: {  	_ =	shalt  }
.Lfunc_end0:
.L_simem_size_0:
called_computation_lowered:
.L_overlay_start_0:
0x88: {  	s2 =	sld [smem:$0x3FD9]  }
0x89: {  	s3 =	sld [smem:$0x3FFE];
	_ =	sdelay $0x1  }
0x8a: {  	s1 =	srdreg.scid  }
0x8b: {  	s0 =	sand.u32 $0x1, s1  }
0x8c: {  	s17 =	sshll.u32 s0, $0xA;
	s2 =	sadd.s32 s3, s2  }
0x8d: {  	s2 =	sadd.s32 s2, s17  }
0x8e: {  	[smem:$0x3FBF] =	sst s2  }
0x8f: {  	_ = 	snop  }
0x90: {  	s2 =	sld [smem:$0x3FC7];
	(tm) =	ssettm $0x1  }
0x91: {  	s18 =	sld [smem:$0x3FFB];
	_ =	sdelay $0x3  }
0x92: {  	_ =	strace s18  }
0x93: {  	s3 =	sld [smem:$0x3FFC];
	_ =	sdelay $0x3  }
0x94: {  	_ =	strace s3  }
0x95: {  	s3 =	sld [smem:$0x3FFD];
	_ =	sdelay $0x3  }
0x96: {  	_ =	strace s3  }
0x97: {  	_ =	strace $0x8FFFFFFF  }
0x98: {  	s19 =	sld [smem:$0x3FDB];
	_ =	sdelay $0x1  }
0x99: {  	s4 =	simm.s32 $_scs_section_size  }
0x9a: {  	s5 =	simm.s32 $_size__tile_overlayer_lowered;
	s6 =	simm.s32 $_tile_overlayer_lowered  }
0x9b: {  	s22 =	simm.s32 $0x1BFF;
	s21 =	sshll.u32 s6, $0x1;
	s3 =	sadd.s32 s4, s19  }
0x9c: {  	s7 =	simm.s32 $0x0;
	s20 =	sshll.u32 s5, $0x1;
	s5 =	sadd.s32 s21, s3  }
0x9d: {  	[timem:s7], [sflag:s22] =	dma.local [hbm:s5], s20  }
0x9e: {  	_ =	swait.ge [sflag:s22], s20  }
0x9f: {  	s4 =	ssub.s32 $0x0, s20;
	[sflag:s22] =	ssyncset.done $0x0  }
0xa0: {  	[sflag:s22] =	ssyncadd.s32 s4;
	_ =	sdelay $0x1  }
0xa1: {  	s23 =	simm.s32 $0x1B8B  }
0xa2: {  	_ =	swait.ge [sflag:s23], $0x1  }
0xa3: {  	[sflag:s23] =	ssyncset.done $0x0  }
0xa4: {  	s25 =	simm.s32 $0x1B8E;
	s24 =	sld [smem:$0x3FFE];
	[sflag:s23] =	ssyncadd.s32 $0xFFFFFFFF  }
0xa5: {  	s26 =	simm.s32 $execute0_lowered;
	[smem:$0x3FD2] =	sst s25  }
0xa6: {  	s5 =	sshll.u32 s26, $0x1;
	_ =	strace $0x80000046;
	[dreg:$0x1] =	wrdreg $0xFFFFFFFF  }
0xa7: {  	s28 =	simm.s32 $_size_execute0_lowered;
	s3 =	sadd.s32 s3, s5;
	[dreg:$0x0] =	wrdreg $0x0  }
0xa8: {  	s5 =	sshll.u32 s28, $0x1;
	[dreg:$0x2] =	wrdreg s3  }
0xa9: {  	[dreg:$0x3] =	wrdreg s5  }
0xaa: {  	[dreg:$0x4] =	wrdreg $0xC0  }
0xab: {  	_ =	task [dreg:s7], $0x5FFFF  }
0xac: {  	[dreg:$0x1] =	wrdreg $0xFFFFFFFF  }
0xad: {  	[dreg:$0x0] =	wrdreg $0x60  }
0xae: {  	[dreg:$0x2] =	wrdreg s24  }
0xaf: {  	[dreg:$0x3] =	wrdreg s2  }
0xb0: {  	[dreg:$0x4] =	wrdreg $0x1A5E00  }
0xb1: {  	[dreg:$0x5] =	wrdreg $0x9  }
0xb2: {  	_ =	task.clear_ibuf [dreg:s7], $0x6FFFF;
	_ =	strace $0x90000046  }
0xb3: {  	s29 =	simm.s32 $0x9;
	_ =	strace $0x80000048  }
0xb4: {  	_ =	swait.ge [sflag:s29], $0x1  }
0xb5: {  	[sflag:s29] =	ssyncadd.s32 $0xFFFFFFFF  }
0xb6: {  	_ =	strace $0x90000048  }
0xb7: {  	_ =	sfence  }
0xb8: {  	s30 =	sld [smem:$0x0];
	_ =	sdelay $0x2  }
0xb9: {  	s31 =	sshll.u32 s1, $0xD;
	s1 =	sshrl.u32 s1, $0x2  }
0xba: {  	s3 =	sand.u32 $0x4000, s31;
	s1 =	sadd.s32 s1, s30  }
0xbb: {  	s0 =	sor.u32 s3, s0;
	s1 =	sshll.u32 s1, $0x11  }
0xbc: {  	s0 =	sor.u32 s1, s0  }
0xbd: {  	s0 =	sadd.s32 $0x8F2B, s0  }
0xbe: {  	[sflag:s0] =	ssyncadd.remote.s32 $0x1  }
0xbf: {  	_ =	sfence.sel $0xFFFF  }
0xc0: {  	[dreg:$0x0] =	wrdreg $0xFFFFFFFF;
	(pc) =	sbr.abs _section_cstart, $3  }
0xc1: {  	[dreg:$0x1] =	wrdreg $0xFFFFFFFF  }
0xc2: {  	_ =	task.clear_ibuf [dreg:s7], $0x2FFFF;
	_ =	strace $0x9FFFFFFF  }
0xc3: {  	(tm) =	ssettm $0x7FFFFFFF  }
tec
execute0_lowered:
.L_overlay_start_1:
0x0: {  	(tag) =	ssettag $0x1  }
0x1: {  	s0 =	srdreg.scid  }
0x2: {  	s15 =	stileid.u32;
	s2 =	simm.s32 $0x0;
	s30 =	simm.s32 $0x0  }
0x3: {  	s5 =	sand.u32 $0x1, s0;
	s0 =	rddreg [dreg:$0x0];
	s1 =	smul.u32 $0x2710, s15  }
0x4: {  	[smem:$0x7FF] =	sst s2;
	p0 =	sgt.u32 s15, $0x9;
	s3 =	ssub.s32 $0x2, s5  }
0x5: {  	s7 =	smul.u32 $0x493E0, s5;
	s8 =	sadd.s32 $0x6C800, s0;
	s5 =	sshll.u32 s5, $0x4  }
0x6: {  	s28 =	sadd.s32 $0x7EE00, s0;
	s29 =	sadd.s32 $0x82000, s0;
	s4 =	sshrl.u32 s3, $0x1  }
0x7: {  	s12 =	sadd.s32 $0x1770, s1;
	s14 =	sadd.s32 $0x1F40, s1;
	s5 =	sor.u32 s15, s5  }
0x8: {  	s3 =	ssub.s32 s3, s4;
	s9 =	sadd.s32 $0x186A0, s7;
	s6 =	sadd.s32 s7, s1  }
0x9: {  	s4 =	sadd.s32 $0x7D0, s1;
	s10 =	sadd.s32 $0x30D40, s7;
	s13 =	sadd.s32 s7, s12  }
0xa: {  	s6 =	sshrl.u32 s6, $0x3;
	s11 =	sadd.s32 s7, s4;
	s19 =	sshrl.u32 s13, $0x3  }
0xb: {  	s20 =	sadd.s32 s1, s9;
	s22 =	sadd.s32 s4, s9;
	s26 =	sadd.s32 s12, s9  }
0xc: {  	s16 =	sadd.s32 s1, s10;
	s6 =	sadd.s32 s8, s6;
	s11 =	sshrl.u32 s11, $0x3  }
0xd: {  	s21 =	sshrl.u32 s20, $0x3;
	s17 =	sshrl.u32 s16, $0x3;
	s16 =	rddreg [dreg:$0x1]  }
0xe: {  	s23 =	sshrl.u32 s22, $0x3;
	[dreg:$0x4] =	wrdreg s6;
	s11 =	sadd.s32 s8, s11  }
0xf: {  	s22 =	sadd.s32 s12, s10;
	s6 =	sadd.s32 $0xFA0, s1;
	[dreg:$0x5] =	wrdreg s11  }
0x10: {  	s18 =	sadd.s32 s7, s6;
	s7 =	sadd.s32 s7, s14;
	s24 =	sadd.s32 s6, s9  }
0x11: {  	s9 =	sadd.s32 s14, s9;
	s20 =	sadd.s32 s6, s10;
	s11 =	sshrl.u32 s18, $0x3  }
0x12: {  	s7 =	sshrl.u32 s7, $0x3;
	s25 =	sshrl.u32 s24, $0x3;
	s13 =	sshrl.u32 s9, $0x3  }
0x13: {  	s18 =	sadd.s32 s4, s10;
	s24 =	sadd.s32 s14, s10;
	s11 =	sadd.s32 s8, s11  }
0x14: {  	s10 =	sadd.s32 $0x6C600, s0;
	s7 =	sadd.s32 s8, s7;
	[dreg:$0x6] =	wrdreg s11  }
0x15: {  	s9 =	sshrl.u32 s24, $0x3;
	s11 =	sadd.s32 s8, s19;
	[dreg:$0x8] =	wrdreg s7  }
0x16: {  	s7 =	sadd.s32 s8, s21;
	s21 =	sshrl.u32 s20, $0x3;
	s20 =	rddreg [dreg:$0x2]  }
0x17: {  	s24 =	sadd.s32 $0x1600, s0;
	s19 =	sshrl.u32 s18, $0x3;
	[dreg:$0x7] =	wrdreg s11  }
0x18: {  	[dreg:$0x9] =	wrdreg s7;
	s7 =	sadd.s32 s8, s23;
	s11 =	sshrl.u32 s26, $0x3  }
0x19: {  	s23 =	sshrl.u32 s22, $0x3;
	s26 =	sadd.s32 s8, s9;
	[dreg:$0xa] =	wrdreg s7  }
0x1a: {  	s22 =	smul.u32 $0xC350, s5;
	s7 =	sadd.s32 s8, s25;
	[dreg:$0x12] =	wrdreg s26  }
0x1b: {  	s9 =	sadd.s32 $0x63200, s0;
	[dreg:$0xb] =	wrdreg s7;
	s7 =	sadd.s32 s8, s11  }
0x1c: {  	s31 =	sadd.s32 s4, s20;
	[dreg:$0xc] =	wrdreg s7;
	s7 =	sadd.s32 s8, s13  }
0x1d: {  	s18 =	sadd.s32 s6, s20;
	[dreg:$0xd] =	wrdreg s7;
	s7 =	sadd.s32 s8, s17  }
0x1e: {  	s25 =	smul.u32 $0x9C40, s15;
	[dreg:$0xe] =	wrdreg s7;
	s7 =	sadd.s32 s8, s19  }
0x1f: {  	s26 =	sadd.s32 s12, s20;
	[dreg:$0xf] =	wrdreg s7;
	s7 =	sadd.s32 s8, s21  }
0x20: {  	s11 =	sadd.s32 $0x662D4, s0;
	[dreg:$0x10] =	wrdreg s7;
	s7 =	sadd.s32 s8, s23  }
0x21: {  	s13 =	smax.u32 s3, $0x1;
	s17 =	smul.u32 $0x30D4, s15;
	[dreg:$0x11] =	wrdreg s7  }
0x22: {  	s15 =	simm.s32 $0x19E10;
	_ =	strace $0x80000047;
	[dreg:$0x13] =	wrdreg s9  }
0x23: {  	s6 =	sadd.s32 s17, s16;
	s8 =	sshrl.u32 s25, $0x2;
	[dreg:$0x18] =	wrdreg s10  }
0x24: {  	s23 =	sadd.s32 $0x32400, s0;
	s0 =	sadd.s32 $0x693A8, s0;
	[dreg:$0x14] =	wrdreg s11  }
0x25: {  	s21 =	sadd.s32 s8, s20;
	s8 =	sadd.s32 s14, s20;
	[dreg:$0x15] =	wrdreg s0  }
0x26: {  	s7 =	sadd.s32 s17, s24;
	s14 =	simm.s32 $0x1;
	[dreg:$0x16] =	wrdreg s13  }
0x27: {  	[dreg:$0x17] =	wrdreg s18;
	s19 =	sadd.s32 $0x7D0, s21;
	s25 =	sadd.s32 $0xFA0, s21  }
0x28: {  	s10 =	sadd.s32 $0x1770, s21;
	s11 =	sadd.s32 $0x1F40, s21;
	s9 =	sadd.s32 s1, s20  }
0x29: {  	s13 =	simm.s32 $0x18E70;
	s18 =	simm.s32 $0x7D0;
	[dreg:$0x19] =	wrdreg s19  }
0x2a: {  	[dreg:$0x1a] =	wrdreg s25;
	s19 =	simm.s32 $0x186A0;
	s25 =	simm.s32 $0x19640  }
.LBB2_1:
0x2b: {  	s0 =	simm.s32 @!p0 $0x0;
	s3 =	simm.s32 @!p0 $0x19E10;
	s4 =	rddreg [dreg:$0x18]  }
0x2c: {  	[tilespmem:s3], [sflag:$0x1] =	stream.linear.gather @!p0 [hbm4b:s4+s0], $0x7D0, $0x38;
	[tilespmem:$0x1BE50] =	vst v63  }
0x2d: {  	s0 =	simm.s32 @!p0 $0x1  }
0x2e: {  	_ =	swait.ge @!p0 [sflag:s0], $0x7D0  }
0x2f: {  	[sflag:s0] =	ssyncset.done @!p0 $0x0  }
0x30: {  	[sflag:s0] =	ssyncadd.s32 @!p0 $0xFFFFF830  }
0x31: {  	[spmem:s21] =	stream.linear.scatter @!p0 [tilespmem:s3], [sflag:$0x1], $0x7D0, $0x38;
	[tilespmem:$0x1BE50] =	vst v63  }
0x32: {  	_ =	swait.ge @!p0 [sflag:s0], $0x7D0  }
0x33: {  	[sflag:s0] =	ssyncset.done @!p0 $0x0  }
0x34: {  	s4 =	rddreg [dreg:$0x19];
	[sflag:s0] =	ssyncadd.s32 @!p0 $0xFFFFF830  }
0x35: {  	[spmem:s4] =	stream.linear.scatter @!p0 [tilespmem:s3], [sflag:$0x1], $0x7D0, $0x38;
	[tilespmem:$0x1BE50] =	vst v63  }
0x36: {  	_ =	swait.ge @!p0 [sflag:s0], $0x7D0  }
0x37: {  	[sflag:s0] =	ssyncset.done @!p0 $0x0  }
0x38: {  	s4 =	rddreg [dreg:$0x1a];
	[sflag:s0] =	ssyncadd.s32 @!p0 $0xFFFFF830  }
0x39: {  	[spmem:s4] =	stream.linear.scatter @!p0 [tilespmem:s3], [sflag:$0x1], $0x7D0, $0x38;
	[tilespmem:$0x1BE50] =	vst v63  }
0x3a: {  	_ =	swait.ge @!p0 [sflag:s0], $0x7D0  }
0x3b: {  	[sflag:s0] =	ssyncset.done @!p0 $0x0  }
0x3c: {  	[sflag:s0] =	ssyncadd.s32 @!p0 $0xFFFFF830  }
0x3d: {  	[spmem:s10] =	stream.linear.scatter @!p0 [tilespmem:s3], [sflag:$0x1], $0x7D0, $0x38;
	[tilespmem:$0x1BE50] =	vst v63  }
0x3e: {  	_ =	swait.ge @!p0 [sflag:s0], $0x7D0  }
0x3f: {  	[sflag:s0] =	ssyncset.done @!p0 $0x0  }
0x40: {  	[sflag:s0] =	ssyncadd.s32 @!p0 $0xFFFFF830  }
0x41: {  	[spmem:s11] =	stream.linear.scatter @!p0 [tilespmem:s3], [sflag:$0x1], $0x7D0, $0x38;
	[tilespmem:$0x1BE50] =	vst v63  }
0x42: {  	_ =	swait.ge @!p0 [sflag:s0], $0x7D0  }
0x43: {  	[sflag:s0] =	ssyncset.done @!p0 $0x0  }
0x44: {  	[sflag:s0] =	ssyncadd.s32 @!p0 $0xFFFFF830  }
0x45: {  	s17 =	sadd.s32 $0x0, s7;
	[bflag:$0x0] =	sbarrier.arrive $0xFFFF  }
0x46: {  	[tilespmem:s13], [sflag:$0x1] =	stream.linear.gather [hbm4b:s17+s2], $0x7D0, $0x38;
	[tilespmem:$0x1BE50] =	vst v63  }
0x47: {  	_ =	swait.ge [sflag:s14], $0x7D0  }
0x48: {  	[sflag:s14] =	ssyncset.done $0x0  }
0x49: {  	s12 =	smov.u32 s31;
	s31 =	sadd.s32 $0x0, s6;
	[sflag:s14] =	ssyncadd.s32 $0xFFFFF830  }
0x4a: {  	[tilespmem:s15], [sflag:$0x1] =	stream.linear.gather [hbm4b:s31+s2], $0x7D0, $0x38;
	[tilespmem:$0x1BE50] =	vst v63  }
0x4b: {  	_ =	swait.ge [sflag:s14], $0x7D0  }
0x4c: {  	[sflag:s14] =	ssyncset.done $0x0  }
0x4d: {  	[sflag:s14] =	ssyncadd.s32 $0xFFFFF830  }
0x4e: {  	[spmem:s20] =	stream.indirect.scatter.add.f32 [tilespmem:s15], [sflag:$0x1], $0x1, s13, s18, $0xb8;
	[tilespmem:$0x1BE50] =	vst v63  }
0x4f: {  	_ =	swait.ge [sflag:s14], $0x7D0  }
0x50: {  	s3 =	simm.s32 $0x1F4;
	s0 =	simm.s32 $0xFA;
	[sflag:s14] =	ssyncset.done $0x0  }
.LBB2_2:
0x51: {  	s4 =	sadd.s32 s0, s7  }
0x52: {  	[sflag:s14] =	ssyncadd.s32 $0xFFFFF830;
	s5 =	smov.u32 s3;
	s17 =	sadd.s32 $0xFA, s3  }
0x53: {  	[tilespmem:s13], [sflag:$0x1] =	stream.linear.gather [hbm4b:s4+s2], $0x7D0, $0x38;
	[tilespmem:$0x1BE50] =	vst v63  }
0x54: {  	p1 =	sne.s32 s3, $0x2FDA;
	_ =	swait.ge [sflag:s14], $0x7D0  }
0x55: {  	[sflag:s14] =	ssyncset.done $0x0  }
0x56: {  	s3 =	sadd.s32 s0, s6;
	s0 =	smov.u32 s5;
	[sflag:s14] =	ssyncadd.s32 $0xFFFFF830  }
0x57: {  	[tilespmem:s15], [sflag:$0x1] =	stream.linear.gather [hbm4b:s3+s2], $0x7D0, $0x38;
	[tilespmem:$0x1BE50] =	vst v63  }
0x58: {  	_ =	swait.ge [sflag:s14], $0x7D0  }
.Ltmp0:
0x59: {  	[sflag:s14] =	ssyncset.done $0x0;
	(pc) =	sbr.rel @p1 .LBB2_2-.Ltmp0, $4  }
0x5a: {  	[sflag:s14] =	ssyncadd.s32 $0xFFFFF830  }
0x5b: {  	[spmem:s20] =	stream.indirect.scatter.add.f32 [tilespmem:s15], [sflag:$0x1], $0x1, s13, s18, $0xb8;
	[tilespmem:$0x1BE50] =	vst v63  }
0x5c: {  	_ =	swait.ge [sflag:s14], $0x7D0  }
0x5d: {  	s3 =	smov.u32 s17;
	[sflag:s14] =	ssyncset.done $0x0  }
0x5e: {  	s3 =	sadd.s32 s0, s7;
	[sflag:s14] =	ssyncadd.s32 $0xFFFFF830  }
0x5f: {  	[tilespmem:s13], [sflag:$0x1] =	stream.linear.gather [hbm4b:s3+s2], $0x7D0, $0x38;
	[tilespmem:$0x1BE50] =	vst v63  }
0x60: {  	_ =	swait.ge [sflag:s14], $0x7D0  }
0x61: {  	[sflag:s14] =	ssyncset.done $0x0  }
0x62: {  	s17 =	sadd.s32 s0, s6;
	[sflag:s14] =	ssyncadd.s32 $0xFFFFF830  }
0x63: {  	[tilespmem:s15], [sflag:$0x1] =	stream.linear.gather [hbm4b:s17+s2], $0x7D0, $0x38;
	[tilespmem:$0x1BE50] =	vst v63  }
0x64: {  	_ =	swait.ge [sflag:s14], $0x7D0  }
0x65: {  	[sflag:s14] =	ssyncset.done $0x0  }
0x66: {  	[sflag:s14] =	ssyncadd.s32 $0xFFFFF830  }
0x67: {  	[spmem:s20] =	stream.indirect.scatter.add.f32 [tilespmem:s15], [sflag:$0x1], $0x1, s13, s18, $0xb8;
	[tilespmem:$0x1BE50] =	vst v63  }
.Ltmp1:
0x68: {  	_ =	swait.ge [sflag:s14], $0x7D0;
	(pc) =	sbr.rel @p0 .LBB2_7-.Ltmp1, $4  }
0x69: {  	[sflag:s14] =	ssyncset.done $0x0  }
0x6a: {  	[sflag:s14] =	ssyncadd.s32 $0xFFFFF830  }
0x6b: {  	[bflag:$0x0] =	sbarrier.arrive $0xFFFF  }
0x6c: {  	s31 =	simm.s32 $0x0  }
.LBB2_4:
0x6d: {  	s0 =	smul.u32 $0x7D0, s31;
	_ =	sdelay $0x1  }
0x6e: {  	s17 =	sadd.s32 s1, s0  }
0x6f: {  	s0 =	sadd.s32 s17, s20  }
0x70: {  	[tilespmem:s15], [sflag:$0x1] =	stream.linear.gather [spmem:s0], $0x7D0, $0x38;
	[tilespmem:$0x1BE50] =	vst v63  }
0x71: {  	_ =	swait.ge [sflag:s14], $0x7D0  }
0x72: {  	[sflag:s14] =	ssyncset.done $0x0  }
0x73: {  	s0 =	simm.s32 $0x19E30;
	[sflag:s14] =	ssyncadd.s32 $0xFFFFF830  }
0x74: {  	v0 =	vld [tilespmem:s0+$0x0]  }
0x75: {  	v1 =	vld [tilespmem:s0+$0xFFFFFFF0]  }
0x76: {  	v2 =	vld [tilespmem:s0+$0xFFFFFFE0];
	_ =	sdelay $0x2  }
0x77: {  	v4 =	vld [tilespmem:s0+$0x10];
	v3 =	vadd.f32 $1.000000000e+00, v0  }
0x78: {  	v0 =	vadd.f32 $1.000000000e+00, v1  }
0x79: {  	v6 =	vadd.f32 $1.000000000e+00, v2;
	v1 =	vshra.s32 v3, $0x1;
	v5 =	vmul.f32 $5.000000000e-01, v3  }
0x7a: {  	v2 =	vshra.s32 v0, $0x1;
	v7 =	vsub.s32 $0x5F3759DF, v1  }
0x7b: {  	v8 =	vmul.f32 $5.000000000e-01, v0;
	v10 =	vshra.s32 v6, $0x1;
	v9 =	vmul.f32 v7, v5  }
0x7c: {  	v11 =	vmul.f32 $5.000000000e-01, v6;
	v2 =	vsub.s32 $0x5F3759DF, v2;
	v1 =	vadd.f32 $1.000000000e+00, v4  }
0x7d: {  	v4 =	vsub.s32 $0x5F3759DF, v10;
	v47 =	vmul.f32 v2, v8;
	v9 =	vmul.f32 v7, v9  }
0x7e: {  	v12 =	vmul.f32 v4, v11;
	v13 =	vshra.s32 v1, $0x1;
	v14 =	vmul.f32 $5.000000000e-01, v1  }
0x7f: {  	v10 =	vmul.f32 v2, v47;
	v13 =	vsub.s32 $0x5F3759DF, v13;
	v9 =	vsub.f32 $1.500000000e+00, v9  }
0x80: {  	v12 =	vmul.f32 v4, v12;
	v15 =	vmul.f32 v13, v14  }
0x81: {  	v10 =	vsub.f32 $1.500000000e+00, v10;
	v7 =	vmul.f32 v7, v9  }
0x82: {  	v48 =	vsub.f32 $1.500000000e+00, v12;
	v49 =	vmul.f32 v13, v15  }
0x83: {  	v2 =	vmul.f32 v2, v10;
	v50 =	vmul.f32 v7, v5  }
0x84: {  	v4 =	vmul.f32 v4, v48;
	v51 =	vsub.f32 $1.500000000e+00, v49  }
0x85: {  	v52 =	vmul.f32 v2, v8;
	v10 =	vmul.f32 v50, v7  }
0x86: {  	v53 =	vmul.f32 v4, v11;
	v9 =	vmul.f32 v13, v51  }
0x87: {  	v12 =	vmul.f32 v52, v2;
	v10 =	vsub.f32 $1.500000000e+00, v10  }
0x88: {  	v54 =	vmul.f32 v53, v4;
	v55 =	vmul.f32 v9, v14  }
0x89: {  	v12 =	vsub.f32 $1.500000000e+00, v12;
	v7 =	vmul.f32 v10, v7  }
0x8a: {  	v56 =	vsub.f32 $1.500000000e+00, v54;
	v57 =	vmul.f32 v55, v9  }
0x8b: {  	v12 =	vmul.f32 v12, v2;
	v2 =	vmul.f32 v7, v5  }
0x8c: {  	v4 =	vmul.f32 v56, v4;
	v5 =	vsub.f32 $1.500000000e+00, v57  }
0x8d: {  	v8 =	vmul.f32 v12, v8;
	v58 =	vmul.f32 v2, v7  }
0x8e: {  	v11 =	vmul.f32 v4, v11;
	v2 =	vmul.f32 v5, v9  }
0x8f: {  	v5 =	vmul.f32 v8, v12;
	v59 =	vsub.f32 $1.500000000e+00, v58  }
0x90: {  	v60 =	vmul.f32 v11, v4;
	v61 =	vmul.f32 v2, v14  }
0x91: {  	vm1 =	vgt.f32 v3, $0.0e+00;
	v7 =	vmul.f32 v59, v7  }
0x92: {  	v5 =	vsub.f32 $1.500000000e+00, v5;
	v62 =	vsub.f32 $1.500000000e+00, v60;
	v63 =	vmul.f32 v61, v2  }
0x93: {  	vm0 =	vgt.f32 v6, $0.0e+00;
	v6 =	vnsel vm1, $0x0, v7  }
0x94: {  	s3 =	simm.s32 $0x0;
	s4 =	simm.s32 $0x19E70;
	v3 =	vmul.f32 v5, v12;
	v4 =	vmul.f32 v62, v4;
	v5 =	vsub.f32 $1.500000000e+00, v63;
	[tilespmem:s0+$0x0] =	vst v6  }
.LBB2_5:
0x95: {  	v6 =	vld [tilespmem:s4+$0x0];
	s3 =	sadd.s32 $0x4, s3;
	vm1 =	vgt.f32 v0, $0.0e+00  }
0x96: {  	v0 =	vld [tilespmem:s4+$0xFFFFFFF0];
	p1 =	slt.u32 s3, $0x78;
	v4 =	vnsel vm0, $0x0, v4;
	v2 =	vmul.f32 v5, v2;
	vm0 =	vgt.f32 v1, $0.0e+00  }
0x97: {  	v1 =	vnsel vm1, $0x0, v3;
	[tilespmem:s0+$0xFFFFFFE0] =	vst v4  }
0x98: {  	v3 =	vld [tilespmem:s4+$0xFFFFFFE0];
	[tilespmem:s0+$0xFFFFFFF0] =	vst v1;
	v1 =	vnsel vm0, $0x0, v2  }
0x99: {  	[tilespmem:s0+$0x10] =	vst v1;
	s0 =	smov.u32 s4  }
0x9a: {  	v4 =	vadd.f32 $1.000000000e+00, v6;
	v1 =	vld [tilespmem:s4+$0x10]  }
0x9b: {  	v0 =	vadd.f32 $1.000000000e+00, v0  }
0x9c: {  	v2 =	vshra.s32 v4, $0x1;
	v5 =	vmul.f32 $5.000000000e-01, v4  }
0x9d: {  	v3 =	vadd.f32 $1.000000000e+00, v3;
	v6 =	vshra.s32 v0, $0x1;
	v2 =	vsub.s32 $0x5F3759DF, v2  }
0x9e: {  	v7 =	vmul.f32 $5.000000000e-01, v0;
	v6 =	vsub.s32 $0x5F3759DF, v6;
	v8 =	vmul.f32 v2, v5  }
0x9f: {  	v9 =	vshra.s32 v3, $0x1;
	v10 =	vmul.f32 $5.000000000e-01, v3;
	v1 =	vadd.f32 $1.000000000e+00, v1  }
0xa0: {  	v11 =	vmul.f32 v6, v7;
	v9 =	vsub.s32 $0x5F3759DF, v9;
	v8 =	vmul.f32 v2, v8  }
0xa1: {  	v12 =	vmul.f32 v9, v10;
	v13 =	vshra.s32 v1, $0x1;
	v14 =	vmul.f32 $5.000000000e-01, v1  }
0xa2: {  	v11 =	vmul.f32 v6, v11;
	v8 =	vsub.f32 $1.500000000e+00, v8;
	v13 =	vsub.s32 $0x5F3759DF, v13  }
0xa3: {  	v12 =	vmul.f32 v9, v12;
	v15 =	vmul.f32 v13, v14  }
0xa4: {  	v11 =	vsub.f32 $1.500000000e+00, v11;
	v2 =	vmul.f32 v2, v8  }
0xa5: {  	v8 =	vsub.f32 $1.500000000e+00, v12;
	v12 =	vmul.f32 v13, v15  }
0xa6: {  	v6 =	vmul.f32 v6, v11;
	v11 =	vmul.f32 v2, v5  }
0xa7: {  	v8 =	vmul.f32 v9, v8;
	v9 =	vsub.f32 $1.500000000e+00, v12  }
0xa8: {  	v12 =	vmul.f32 v6, v7;
	v11 =	vmul.f32 v11, v2  }
0xa9: {  	v15 =	vmul.f32 v8, v10;
	v9 =	vmul.f32 v13, v9  }
0xaa: {  	v12 =	vmul.f32 v12, v6;
	v11 =	vsub.f32 $1.500000000e+00, v11  }
0xab: {  	v13 =	vmul.f32 v15, v8;
	v15 =	vmul.f32 v9, v14  }
0xac: {  	v12 =	vsub.f32 $1.500000000e+00, v12;
	v11 =	vmul.f32 v11, v2  }
0xad: {  	v2 =	vsub.f32 $1.500000000e+00, v13;
	v13 =	vmul.f32 v15, v9  }
0xae: {  	v6 =	vmul.f32 v12, v6;
	v5 =	vmul.f32 v11, v5  }
0xaf: {  	v8 =	vmul.f32 v2, v8;
	v2 =	vsub.f32 $1.500000000e+00, v13  }
0xb0: {  	v7 =	vmul.f32 v6, v7;
	v5 =	vmul.f32 v5, v11  }
0xb1: {  	v10 =	vmul.f32 v8, v10;
	v2 =	vmul.f32 v2, v9  }
0xb2: {  	v7 =	vmul.f32 v7, v6;
	v5 =	vsub.f32 $1.500000000e+00, v5  }
.Ltmp2:
0xb3: {  	v9 =	vmul.f32 v10, v8;
	v10 =	vmul.f32 v2, v14;
	(pc) =	sbr.rel @p1 .LBB2_5-.Ltmp2, $4  }
0xb4: {  	v7 =	vsub.f32 $1.500000000e+00, v7;
	v5 =	vmul.f32 v5, v11  }
0xb5: {  	vm1 =	vgt.f32 v4, $0.0e+00;
	v9 =	vsub.f32 $1.500000000e+00, v9;
	v10 =	vmul.f32 v10, v2  }
0xb6: {  	vm0 =	vgt.f32 v3, $0.0e+00;
	v3 =	vmul.f32 v7, v6;
	v5 =	vnsel vm1, $0x0, v5  }
0xb7: {  	s4 =	sadd.s32 $0x40, s4;
	v4 =	vmul.f32 v9, v8;
	[tilespmem:s0+$0x0] =	vst v5;
	v5 =	vsub.f32 $1.500000000e+00, v10  }
0xb8: {  	_ = 	snop  }
0xb9: {  	vm1 =	vgt.f32 v0, $0.0e+00;
	v58 =	vnsel vm0, $0x0, v4;
	v2 =	vmul.f32 v5, v2  }
0xba: {  	vm14 =	vgt.f32 v1, $0.0e+00;
	v59 =	vnsel vm1, $0x0, v3;
	[tilespmem:s0+$0xFFFFFFE0] =	vst v58  }
0xbb: {  	[tilespmem:s0+$0xFFFFFFF0] =	vst v59;
	v60 =	vnsel vm14, $0x0, v2  }
0xbc: {  	[tilespmem:s0+$0x10] =	vst v60  }
0xbd: {  	v0 =	vld [tilespmem:$0x1A5D0];
	_ =	sdelay $0x4  }
0xbe: {  	v0 =	vadd.f32 $1.000000000e+00, v0;
	_ =	sdelay $0x1  }
0xbf: {  	v61 =	vshra.s32 v0, $0x1;
	v62 =	vmul.f32 $5.000000000e-01, v0  }
0xc0: {  	v1 =	vsub.s32 $0x5F3759DF, v61  }
0xc1: {  	v63 =	vmul.f32 v1, v62;
	_ =	sdelay $0x1  }
0xc2: {  	v3 =	vmul.f32 v1, v63;
	_ =	sdelay $0x1  }
0xc3: {  	v3 =	vsub.f32 $1.500000000e+00, v3;
	_ =	sdelay $0x1  }
0xc4: {  	v1 =	vmul.f32 v1, v3;
	_ =	sdelay $0x1  }
0xc5: {  	v3 =	vmul.f32 v1, v62;
	_ =	sdelay $0x1  }
0xc6: {  	v3 =	vmul.f32 v3, v1;
	_ =	sdelay $0x1  }
0xc7: {  	v3 =	vsub.f32 $1.500000000e+00, v3;
	_ =	sdelay $0x1  }
0xc8: {  	v1 =	vmul.f32 v3, v1;
	_ =	sdelay $0x1  }
0xc9: {  	v2 =	vmul.f32 v1, v62;
	_ =	sdelay $0x1  }
0xca: {  	v2 =	vmul.f32 v2, v1;
	_ =	sdelay $0x1  }
0xcb: {  	v2 =	vsub.f32 $1.500000000e+00, v2;
	_ =	sdelay $0x1  }
0xcc: {  	v1 =	vmul.f32 v2, v1  }
0xcd: {  	s31 =	sadd.s32 $0x1, s31;
	vm15 =	vgt.f32 v0, $0.0e+00  }
0xce: {  	s17 =	sshrl.u32 s17, $0x3;
	p1 =	sne.s32 s31, $0x5;
	v0 =	vnsel vm15, $0x0, v1  }
.Ltmp3:
0xcf: {  	s0 =	sadd.s32 s28, s17;
	[tilespmem:$0x1A5D0] =	vst v0;
	(pc) =	sbr.rel @p1 .LBB2_4-.Ltmp3, $4  }
0xd0: {  	[hbm4b:s0+s2] =	stream.linear.scatter [tilespmem:s15], [sflag:$0x1], $0x7D0, $0x38;
	[tilespmem:$0x1BE50] =	vst v63  }
0xd1: {  	_ =	swait.ge [sflag:s14], $0x7D0  }
0xd2: {  	[sflag:s14] =	ssyncset.done $0x0  }
0xd3: {  	[sflag:s14] =	ssyncadd.s32 $0xFFFFF830  }
.LBB2_7:
0xd4: {  	[bflag:$0x0] =	sbarrier.arrive $0xFFFF;
	s0 =	simm.s32 $0x0  }
0xd5: {  	[tilespmem:s0], [sflag:$0x1] =	stream.linear.gather [hbm4b:s28+s0], $0x186A0, $0x38;
	[tilespmem:$0x1BE50] =	vst v63  }
0xd6: {  	_ =	swait.ge [sflag:s14], $0x186A0  }
0xd7: {  	[sflag:s14] =	ssyncset.done $0x0  }
0xd8: {  	[sflag:s14] =	ssyncadd.s32 $0xFFFE7960  }
.LBB2_8:
0xd9: {  	s3 =	smul.u32 $0x7D0, s0;
	_ =	sdelay $0x1  }
0xda: {  	s3 =	sadd.s32 s22, s3  }
0xdb: {  	s3 =	sshrl.u32 s3, $0x3  }
0xdc: {  	s4 =	sadd.s32 s23, s3  }
0xdd: {  	[tilespmem:s19], [sflag:$0x1] =	stream.linear.gather [hbm4b:s4+s2], $0x7D0, $0x38;
	[tilespmem:$0x1BE50] =	vst v63  }
0xde: {  	_ =	swait.ge [sflag:s14], $0x7D0  }
0xdf: {  	[sflag:s14] =	ssyncset.done $0x0  }
0xe0: {  	s5 =	sadd.s32 s24, s3;
	[sflag:s14] =	ssyncadd.s32 $0xFFFFF830  }
0xe1: {  	[tilespmem:s13], [sflag:$0x1] =	stream.linear.gather [hbm4b:s5+s2], $0x7D0, $0x38;
	[tilespmem:$0x1BE50] =	vst v63  }
0xe2: {  	_ =	swait.ge [sflag:s14], $0x7D0  }
0xe3: {  	[sflag:s14] =	ssyncset.done $0x0  }
0xe4: {  	s17 =	sadd.s32 s16, s3;
	[sflag:s14] =	ssyncadd.s32 $0xFFFFF830  }
0xe5: {  	[tilespmem:s25], [sflag:$0x1] =	stream.linear.gather [hbm4b:s17+s2], $0x7D0, $0x38;
	[tilespmem:$0x1BE50] =	vst v63  }
0xe6: {  	_ =	swait.ge [sflag:s14], $0x7D0  }
0xe7: {  	s31 =	simm.s32 $0x18E90;
	s4 =	simm.s32 $0xFFFFFFFC;
	[sflag:s14] =	ssyncset.done $0x0  }
0xe8: {  	s5 =	simm.s32 $0x19660;
	s17 =	simm.s32 $0x186C0;
	[sflag:s14] =	ssyncadd.s32 $0xFFFFF830  }
.LBB2_9:
0xe9: {  	v0 =	vld [tilespmem:s17+$0xFFFFFFE0];
	_ =	sdelay $0x1  }
0xea: {  	v1 =	vld [tilespmem:s31+$0xFFFFFFE0];
	_ =	sdelay $0x4  }
0xeb: {  	v2 =	vld [tilespmem:s5+$0xFFFFFFE0]  }
0xec: {  	v0 =	vld.idx.msk [tilespmem:v0+s2+$0x0], $0xffff;
	_ =	sdelay $0x1  }
0xed: {  	v1 =	vld.idx.msk [tilespmem:v1+s2+$0x0], $0xffff;
	_ =	sdelay $0x2  }
0xee: {  	v0 =	vmul.f32 v2, v0;
	_ =	sdelay $0x1  }
0xef: {  	v0 =	vmul.f32 v0, v1;
	_ =	sdelay $0x1  }
0xf0: {  	[tilespmem:s5+$0xFFFFFFE0] =	vst v0  }
0xf1: {  	v0 =	vld [tilespmem:s17+$0xFFFFFFF0];
	_ =	sdelay $0x1  }
0xf2: {  	v58 =	vld [tilespmem:s31+$0xFFFFFFF0];
	_ =	sdelay $0x4  }
0xf3: {  	v59 =	vld [tilespmem:s5+$0xFFFFFFF0]  }
0xf4: {  	v0 =	vld.idx.msk [tilespmem:v0+s2+$0x0], $0xffff;
	_ =	sdelay $0x1  }
0xf5: {  	v1 =	vld.idx.msk [tilespmem:v58+s2+$0x0], $0xffff;
	_ =	sdelay $0x2  }
0xf6: {  	v0 =	vmul.f32 v59, v0;
	_ =	sdelay $0x1  }
0xf7: {  	v0 =	vmul.f32 v0, v1;
	_ =	sdelay $0x1  }
0xf8: {  	[tilespmem:s5+$0xFFFFFFF0] =	vst v0  }
0xf9: {  	v0 =	vld [tilespmem:s17+$0x0];
	_ =	sdelay $0x1  }
0xfa: {  	v60 =	vld [tilespmem:s31+$0x0];
	_ =	sdelay $0x4  }
0xfb: {  	v61 =	vld [tilespmem:s5+$0x0]  }
0xfc: {  	v0 =	vld.idx.msk [tilespmem:v0+s2+$0x0], $0xffff;
	_ =	sdelay $0x1  }
0xfd: {  	v1 =	vld.idx.msk [tilespmem:v60+s2+$0x0], $0xffff;
	_ =	sdelay $0x2  }
0xfe: {  	v0 =	vmul.f32 v61, v0;
	_ =	sdelay $0x1  }
0xff: {  	v0 =	vmul.f32 v0, v1;
	_ =	sdelay $0x1  }
0x100: {  	[tilespmem:s5+$0x0] =	vst v0  }
0x101: {  	v0 =	vld [tilespmem:s17+$0x10];
	_ =	sdelay $0x1  }
0x102: {  	v62 =	vld [tilespmem:s31+$0x10];
	_ =	sdelay $0x4  }
0x103: {  	v63 =	vld [tilespmem:s5+$0x10]  }
0x104: {  	v0 =	vld.idx.msk [tilespmem:v0+s2+$0x0], $0xffff;
	_ =	sdelay $0x1  }
0x105: {  	v1 =	vld.idx.msk [tilespmem:v62+s2+$0x0], $0xffff  }
0x106: {  	s4 =	sadd.s32 $0x4, s4  }
0x107: {  	p1 =	slt.u32 s4, $0x78  }
.Ltmp4:
0x108: {  	v0 =	vmul.f32 v63, v0;
	(pc) =	sbr.rel @p1 .LBB2_9-.Ltmp4, $3  }
0x109: {  	_ = 	snop  }
0x10a: {  	v0 =	vmul.f32 v0, v1;
	_ =	sdelay $0x1  }
0x10b: {  	s17 =	sadd.s32 $0x40, s17;
	s31 =	sadd.s32 $0x40, s31;
	[tilespmem:s5+$0x10] =	vst v0;
	s5 =	sadd.s32 $0x40, s5  }
0x10c: {  	v0 =	vld [tilespmem:$0x18E60];
	_ =	sdelay $0x1  }
0x10d: {  	v1 =	vld [tilespmem:$0x19630];
	_ =	sdelay $0x4  }
0x10e: {  	v2 =	vld [tilespmem:$0x19E00]  }
0x10f: {  	v0 =	vld.idx.msk [tilespmem:v0+s2+$0x0], $0xffff;
	_ =	sdelay $0x1  }
0x110: {  	v1 =	vld.idx.msk [tilespmem:v1+s2+$0x0], $0xffff;
	_ =	sdelay $0x2  }
0x111: {  	v0 =	vmul.f32 v2, v0;
	_ =	sdelay $0x1  }
0x112: {  	s0 =	sadd.s32 $0x1, s0;
	v0 =	vmul.f32 v0, v1  }
0x113: {  	p1 =	sne.s32 s0, $0x19  }
.Ltmp5:
0x114: {  	s3 =	sadd.s32 s29, s3;
	[tilespmem:$0x19E00] =	vst v0;
	(pc) =	sbr.rel @p1 .LBB2_8-.Ltmp5, $4  }
0x115: {  	[hbm4b:s3+s2] =	stream.linear.scatter [tilespmem:s25], [sflag:$0x1], $0x7D0, $0x38;
	[tilespmem:$0x1BE50] =	vst v63  }
0x116: {  	_ =	swait.ge [sflag:s14], $0x7D0  }
0x117: {  	[sflag:s14] =	ssyncset.done $0x0  }
0x118: {  	[sflag:s14] =	ssyncadd.s32 $0xFFFFF830  }
0x119: {  	s0 =	rddreg [dreg:$0x13]  }
0x11a: {  	[tilespmem:s2], [sflag:$0x1] =	stream.linear.gather [hbm4b:s0+s2], $0x186A0, $0x38;
	[tilespmem:$0x1BE50] =	vst v63  }
0x11b: {  	_ =	swait.ge [sflag:s14], $0x186A0  }
0x11c: {  	s3 =	simm.s32 @!p0 $0x19E10;
	[sflag:s14] =	ssyncset.done $0x0  }
0x11d: {  	s0 =	simm.s32 @!p0 $0x0;
	s4 =	rddreg [dreg:$0x18];
	[sflag:s14] =	ssyncadd.s32 $0xFFFE7960  }
0x11e: {  	[tilespmem:s3], [sflag:$0x1] =	stream.linear.gather @!p0 [hbm4b:s4+s0], $0x7D0, $0x38;
	[tilespmem:$0x1BE50] =	vst v63  }
0x11f: {  	s0 =	simm.s32 @!p0 $0x1  }
0x120: {  	_ =	swait.ge @!p0 [sflag:s0], $0x7D0  }
0x121: {  	[sflag:s0] =	ssyncset.done @!p0 $0x0  }
0x122: {  	[sflag:s0] =	ssyncadd.s32 @!p0 $0xFFFFF830  }
0x123: {  	[spmem:s21] =	stream.linear.scatter @!p0 [tilespmem:s3], [sflag:$0x1], $0x7D0, $0x38;
	[tilespmem:$0x1BE50] =	vst v63  }
0x124: {  	_ =	swait.ge @!p0 [sflag:s0], $0x7D0  }
0x125: {  	[sflag:s0] =	ssyncset.done @!p0 $0x0  }
0x126: {  	s4 =	rddreg [dreg:$0x19];
	[sflag:s0] =	ssyncadd.s32 @!p0 $0xFFFFF830  }
0x127: {  	[spmem:s4] =	stream.linear.scatter @!p0 [tilespmem:s3], [sflag:$0x1], $0x7D0, $0x38;
	[tilespmem:$0x1BE50] =	vst v63  }
0x128: {  	_ =	swait.ge @!p0 [sflag:s0], $0x7D0  }
0x129: {  	[sflag:s0] =	ssyncset.done @!p0 $0x0  }
0x12a: {  	s4 =	rddreg [dreg:$0x1a];
	[sflag:s0] =	ssyncadd.s32 @!p0 $0xFFFFF830  }
0x12b: {  	[spmem:s4] =	stream.linear.scatter @!p0 [tilespmem:s3], [sflag:$0x1], $0x7D0, $0x38;
	[tilespmem:$0x1BE50] =	vst v63  }
0x12c: {  	_ =	swait.ge @!p0 [sflag:s0], $0x7D0  }
0x12d: {  	[sflag:s0] =	ssyncset.done @!p0 $0x0  }
0x12e: {  	[sflag:s0] =	ssyncadd.s32 @!p0 $0xFFFFF830  }
0x12f: {  	[spmem:s10] =	stream.linear.scatter @!p0 [tilespmem:s3], [sflag:$0x1], $0x7D0, $0x38;
	[tilespmem:$0x1BE50] =	vst v63  }
0x130: {  	_ =	swait.ge @!p0 [sflag:s0], $0x7D0  }
0x131: {  	[sflag:s0] =	ssyncset.done @!p0 $0x0  }
0x132: {  	[sflag:s0] =	ssyncadd.s32 @!p0 $0xFFFFF830  }
0x133: {  	[spmem:s11] =	stream.linear.scatter @!p0 [tilespmem:s3], [sflag:$0x1], $0x7D0, $0x38;
	[tilespmem:$0x1BE50] =	vst v63  }
0x134: {  	_ =	swait.ge @!p0 [sflag:s0], $0x7D0  }
0x135: {  	[sflag:s0] =	ssyncset.done @!p0 $0x0  }
0x136: {  	[sflag:s0] =	ssyncadd.s32 @!p0 $0xFFFFF830  }
0x137: {  	s31 =	smov.u32 s12;
	s0 =	simm.s32 $0x0;
	[bflag:$0x0] =	sbarrier.arrive $0xFFFF  }
.LBB2_12:
0x138: {  	s3 =	smul.u32 $0x7D0, s0;
	_ =	sdelay $0x1  }
0x139: {  	s3 =	sadd.s32 s22, s3  }
0x13a: {  	s3 =	sshrl.u32 s3, $0x3  }
0x13b: {  	s4 =	sadd.s32 s23, s3  }
0x13c: {  	[tilespmem:s19], [sflag:$0x1] =	stream.linear.gather [hbm4b:s4+s2], $0x7D0, $0x38;
	[tilespmem:$0x1BE50] =	vst v63  }
0x13d: {  	_ =	swait.ge [sflag:s14], $0x7D0  }
0x13e: {  	[sflag:s14] =	ssyncset.done $0x0  }
0x13f: {  	s17 =	sadd.s32 s24, s3;
	[sflag:s14] =	ssyncadd.s32 $0xFFFFF830  }
0x140: {  	[tilespmem:s13], [sflag:$0x1] =	stream.linear.gather [hbm4b:s17+s2], $0x7D0, $0x38;
	[tilespmem:$0x1BE50] =	vst v63  }
0x141: {  	_ =	swait.ge [sflag:s14], $0x7D0  }
0x142: {  	[sflag:s14] =	ssyncset.done $0x0  }
0x143: {  	s3 =	sadd.s32 s29, s3;
	[sflag:s14] =	ssyncadd.s32 $0xFFFFF830  }
0x144: {  	[tilespmem:s25], [sflag:$0x1] =	stream.linear.gather [hbm4b:s3+s2], $0x7D0, $0x38;
	[tilespmem:$0x1BE50] =	vst v63  }
0x145: {  	_ =	swait.ge [sflag:s14], $0x7D0  }
0x146: {  	s5 =	simm.s32 $0x19660;
	s4 =	simm.s32 $0x186C0;
	[sflag:s14] =	ssyncset.done $0x0  }
0x147: {  	s17 =	simm.s32 $0x19E30;
	s3 =	simm.s32 $0xFFFFFFFC;
	[sflag:s14] =	ssyncadd.s32 $0xFFFFF830  }
.LBB2_13:
0x148: {  	v0 =	vld [tilespmem:s4+$0xFFFFFFE0];
	_ =	sdelay $0x6  }
0x149: {  	v1 =	vld [tilespmem:s5+$0xFFFFFFE0]  }
0x14a: {  	v0 =	vld.idx.msk [tilespmem:v0+s2+$0x0], $0xffff;
	_ =	sdelay $0x4  }
0x14b: {  	v0 =	vmul.f32 v1, v0;
	_ =	sdelay $0x1  }
0x14c: {  	[tilespmem:s17+$0xFFFFFFE0] =	vst v0  }
0x14d: {  	v0 =	vld [tilespmem:s4+$0xFFFFFFF0];
	_ =	sdelay $0x6  }
0x14e: {  	v61 =	vld [tilespmem:s5+$0xFFFFFFF0]  }
0x14f: {  	v0 =	vld.idx.msk [tilespmem:v0+s2+$0x0], $0xffff;
	_ =	sdelay $0x4  }
0x150: {  	v0 =	vmul.f32 v61, v0;
	_ =	sdelay $0x1  }
0x151: {  	[tilespmem:s17+$0xFFFFFFF0] =	vst v0  }
0x152: {  	v0 =	vld [tilespmem:s4+$0x0];
	_ =	sdelay $0x6  }
0x153: {  	v62 =	vld [tilespmem:s5+$0x0]  }
0x154: {  	v0 =	vld.idx.msk [tilespmem:v0+s2+$0x0], $0xffff;
	_ =	sdelay $0x4  }
0x155: {  	v0 =	vmul.f32 v62, v0;
	_ =	sdelay $0x1  }
0x156: {  	[tilespmem:s17+$0x0] =	vst v0  }
0x157: {  	v0 =	vld [tilespmem:s4+$0x10];
	_ =	sdelay $0x6  }
0x158: {  	v63 =	vld [tilespmem:s5+$0x10]  }
0x159: {  	v0 =	vld.idx.msk [tilespmem:v0+s2+$0x0], $0xffff  }
0x15a: {  	s3 =	sadd.s32 $0x4, s3  }
0x15b: {  	p1 =	slt.u32 s3, $0x78  }
.Ltmp6:
0x15c: {  	_ = 	snop;
	(pc) =	sbr.rel @p1 .LBB2_13-.Ltmp6, $3  }
0x15d: {  	_ = 	snop  }
0x15e: {  	v0 =	vmul.f32 v63, v0;
	_ =	sdelay $0x1  }
0x15f: {  	s4 =	sadd.s32 $0x40, s4;
	s5 =	sadd.s32 $0x40, s5;
	[tilespmem:s17+$0x10] =	vst v0;
	s17 =	sadd.s32 $0x40, s17  }
0x160: {  	v0 =	vld [tilespmem:$0x18E60];
	_ =	sdelay $0x6  }
0x161: {  	v1 =	vld [tilespmem:$0x19E00]  }
0x162: {  	v0 =	vld.idx.msk [tilespmem:v0+s2+$0x0], $0xffff;
	_ =	sdelay $0x4  }
0x163: {  	s0 =	sadd.s32 $0x1, s0;
	v0 =	vmul.f32 v1, v0  }
0x164: {  	p1 =	sne.s32 s0, $0x19  }
.Ltmp7:
0x165: {  	[tilespmem:$0x1A5D0] =	vst v0;
	(pc) =	sbr.rel @p1 .LBB2_12-.Ltmp7, $4  }
0x166: {  	[spmem:s20] =	stream.indirect.scatter.add.f32 [tilespmem:s15], [sflag:$0x1], $0x1, s13, s18, $0xb8;
	[tilespmem:$0x1BE50] =	vst v63  }
0x167: {  	_ =	swait.ge [sflag:s14], $0x7D0  }
0x168: {  	[sflag:s14] =	ssyncset.done $0x0  }
0x169: {  	[sflag:s14] =	ssyncadd.s32 $0xFFFFF830  }
.Ltmp8:
0x16a: {  	(pc) =	sbr.rel @p0 .LBB2_17-.Ltmp8, $2  }
0x16b: {  	_ =	sdelay $0x1  }
0x16c: {  	[bflag:$0x0] =	sbarrier.arrive $0xFFFF;
	_ =	sdelay $0x1  }
0x16d: {  	[tilespmem:s15], [sflag:$0x1] =	stream.linear.gather [spmem:s9], $0x7D0, $0x38;
	[tilespmem:$0x1BE50] =	vst v63  }
0x16e: {  	_ =	swait.ge [sflag:s14], $0x7D0  }
0x16f: {  	[sflag:s14] =	ssyncset.done $0x0  }
0x170: {  	s0 =	rddreg [dreg:$0x4];
	[sflag:s14] =	ssyncadd.s32 $0xFFFFF830  }
0x171: {  	[hbm4b:s0+s2] =	stream.linear.scatter [tilespmem:s15], [sflag:$0x1], $0x7D0, $0x38;
	[tilespmem:$0x1BE50] =	vst v63  }
0x172: {  	_ =	swait.ge [sflag:s14], $0x7D0  }
0x173: {  	[sflag:s14] =	ssyncset.done $0x0  }
0x174: {  	[sflag:s14] =	ssyncadd.s32 $0xFFFFF830  }
0x175: {  	[tilespmem:s15], [sflag:$0x1] =	stream.linear.gather [spmem:s31], $0x7D0, $0x38;
	[tilespmem:$0x1BE50] =	vst v63  }
0x176: {  	_ =	swait.ge [sflag:s14], $0x7D0  }
0x177: {  	[sflag:s14] =	ssyncset.done $0x0  }
0x178: {  	s4 =	rddreg [dreg:$0x5];
	[sflag:s14] =	ssyncadd.s32 $0xFFFFF830  }
0x179: {  	[hbm4b:s4+s2] =	stream.linear.scatter [tilespmem:s15], [sflag:$0x1], $0x7D0, $0x38;
	[tilespmem:$0x1BE50] =	vst v63  }
0x17a: {  	_ =	swait.ge [sflag:s14], $0x7D0  }
0x17b: {  	[sflag:s14] =	ssyncset.done $0x0  }
0x17c: {  	s5 =	rddreg [dreg:$0x17];
	[sflag:s14] =	ssyncadd.s32 $0xFFFFF830  }
0x17d: {  	[tilespmem:s15], [sflag:$0x1] =	stream.linear.gather [spmem:s5], $0x7D0, $0x38;
	[tilespmem:$0x1BE50] =	vst v63  }
0x17e: {  	_ =	swait.ge [sflag:s14], $0x7D0  }
0x17f: {  	[sflag:s14] =	ssyncset.done $0x0  }
0x180: {  	s12 =	rddreg [dreg:$0x6];
	[sflag:s14] =	ssyncadd.s32 $0xFFFFF830  }
0x181: {  	[hbm4b:s12+s2] =	stream.linear.scatter [tilespmem:s15], [sflag:$0x1], $0x7D0, $0x38;
	[tilespmem:$0x1BE50] =	vst v63  }
0x182: {  	_ =	swait.ge [sflag:s14], $0x7D0  }
0x183: {  	[sflag:s14] =	ssyncset.done $0x0  }
0x184: {  	[sflag:s14] =	ssyncadd.s32 $0xFFFFF830  }
0x185: {  	[tilespmem:s15], [sflag:$0x1] =	stream.linear.gather [spmem:s26], $0x7D0, $0x38;
	[tilespmem:$0x1BE50] =	vst v63  }
0x186: {  	_ =	swait.ge [sflag:s14], $0x7D0  }
0x187: {  	[sflag:s14] =	ssyncset.done $0x0  }
0x188: {  	s17 =	rddreg [dreg:$0x7];
	[sflag:s14] =	ssyncadd.s32 $0xFFFFF830  }
0x189: {  	[hbm4b:s17+s2] =	stream.linear.scatter [tilespmem:s15], [sflag:$0x1], $0x7D0, $0x38;
	[tilespmem:$0x1BE50] =	vst v63  }
0x18a: {  	_ =	swait.ge [sflag:s14], $0x7D0  }
0x18b: {  	[sflag:s14] =	ssyncset.done $0x0  }
0x18c: {  	[sflag:s14] =	ssyncadd.s32 $0xFFFFF830  }
0x18d: {  	[tilespmem:s15], [sflag:$0x1] =	stream.linear.gather [spmem:s8], $0x7D0, $0x38;
	[tilespmem:$0x1BE50] =	vst v63  }
0x18e: {  	_ =	swait.ge [sflag:s14], $0x7D0  }
0x18f: {  	[sflag:s14] =	ssyncset.done $0x0  }
0x190: {  	s3 =	rddreg [dreg:$0x8];
	[sflag:s14] =	ssyncadd.s32 $0xFFFFF830  }
0x191: {  	[hbm4b:s3+s2] =	stream.linear.scatter [tilespmem:s15], [sflag:$0x1], $0x7D0, $0x38;
	[tilespmem:$0x1BE50] =	vst v63  }
0x192: {  	_ =	swait.ge [sflag:s14], $0x7D0  }
0x193: {  	[sflag:s14] =	ssyncset.done $0x0  }
0x194: {  	[sflag:s14] =	ssyncadd.s32 $0xFFFFF830  }
0x195: {  	[bflag:$0x0] =	sbarrier.arrive $0xFFFF  }
0x196: {  	s4 =	rddreg [dreg:$0x14]  }
0x197: {  	[tilespmem:s2], [sflag:$0x1] =	stream.linear.gather [hbm4b:s4+s2], $0x186A0, $0x38;
	[tilespmem:$0x1BE50] =	vst v63  }
0x198: {  	_ =	swait.ge [sflag:s14], $0x186A0  }
0x199: {  	[sflag:s14] =	ssyncset.done $0x0  }
0x19a: {  	s5 =	rddreg [dreg:$0x18];
	[sflag:s14] =	ssyncadd.s32 $0xFFFE7960  }
0x19b: {  	[tilespmem:s15], [sflag:$0x1] =	stream.linear.gather [hbm4b:s5+s2], $0x7D0, $0x38;
	[tilespmem:$0x1BE50] =	vst v63  }
0x19c: {  	_ =	swait.ge [sflag:s14], $0x7D0  }
0x19d: {  	[sflag:s14] =	ssyncset.done $0x0  }
0x19e: {  	[sflag:s14] =	ssyncadd.s32 $0xFFFFF830  }
0x19f: {  	[spmem:s21] =	stream.linear.scatter [tilespmem:s15], [sflag:$0x1], $0x7D0, $0x38;
	[tilespmem:$0x1BE50] =	vst v63  }
0x1a0: {  	_ =	swait.ge [sflag:s14], $0x7D0  }
0x1a1: {  	[sflag:s14] =	ssyncset.done $0x0  }
0x1a2: {  	s12 =	rddreg [dreg:$0x19];
	[sflag:s14] =	ssyncadd.s32 $0xFFFFF830  }
0x1a3: {  	[spmem:s12] =	stream.linear.scatter [tilespmem:s15], [sflag:$0x1], $0x7D0, $0x38;
	[tilespmem:$0x1BE50] =	vst v63  }
0x1a4: {  	_ =	swait.ge [sflag:s14], $0x7D0  }
0x1a5: {  	[sflag:s14] =	ssyncset.done $0x0  }
0x1a6: {  	s17 =	rddreg [dreg:$0x1a];
	[sflag:s14] =	ssyncadd.s32 $0xFFFFF830  }
0x1a7: {  	[spmem:s17] =	stream.linear.scatter [tilespmem:s15], [sflag:$0x1], $0x7D0, $0x38;
	[tilespmem:$0x1BE50] =	vst v63  }
0x1a8: {  	_ =	swait.ge [sflag:s14], $0x7D0  }
0x1a9: {  	[sflag:s14] =	ssyncset.done $0x0  }
0x1aa: {  	[sflag:s14] =	ssyncadd.s32 $0xFFFFF830  }
0x1ab: {  	[spmem:s10] =	stream.linear.scatter [tilespmem:s15], [sflag:$0x1], $0x7D0, $0x38;
	[tilespmem:$0x1BE50] =	vst v63  }
0x1ac: {  	_ =	swait.ge [sflag:s14], $0x7D0  }
0x1ad: {  	[sflag:s14] =	ssyncset.done $0x0  }
.Ltmp9:
0x1ae: {  	[sflag:s14] =	ssyncadd.s32 $0xFFFFF830;
	(pc) =	sbr.rel .LBB2_18-.Ltmp9, $4  }
0x1af: {  	[spmem:s11] =	stream.linear.scatter [tilespmem:s15], [sflag:$0x1], $0x7D0, $0x38;
	[tilespmem:$0x1BE50] =	vst v63  }
0x1b0: {  	_ =	swait.ge [sflag:s14], $0x7D0  }
0x1b1: {  	[sflag:s14] =	ssyncset.done $0x0  }
0x1b2: {  	[sflag:s14] =	ssyncadd.s32 $0xFFFFF830  }
.LBB2_17:
0x1b3: {  	[bflag:$0x0] =	sbarrier.arrive $0xFFFF  }
0x1b4: {  	s0 =	rddreg [dreg:$0x14]  }
0x1b5: {  	[tilespmem:s2], [sflag:$0x1] =	stream.linear.gather [hbm4b:s0+s2], $0x186A0, $0x38;
	[tilespmem:$0x1BE50] =	vst v63  }
0x1b6: {  	_ =	swait.ge [sflag:s14], $0x186A0  }
0x1b7: {  	[sflag:s14] =	ssyncset.done $0x0  }
0x1b8: {  	[sflag:s14] =	ssyncadd.s32 $0xFFFE7960  }
.LBB2_18:
0x1b9: {  	[bflag:$0x0] =	sbarrier.arrive $0xFFFF;
	s0 =	simm.s32 $0x0  }
.LBB2_19:
0x1ba: {  	s3 =	smul.u32 $0x7D0, s0;
	_ =	sdelay $0x1  }
0x1bb: {  	s3 =	sadd.s32 s22, s3  }
0x1bc: {  	s3 =	sshrl.u32 s3, $0x3  }
0x1bd: {  	s4 =	sadd.s32 s23, s3  }
0x1be: {  	[tilespmem:s19], [sflag:$0x1] =	stream.linear.gather [hbm4b:s4+s2], $0x7D0, $0x38;
	[tilespmem:$0x1BE50] =	vst v63  }
0x1bf: {  	_ =	swait.ge [sflag:s14], $0x7D0  }
0x1c0: {  	[sflag:s14] =	ssyncset.done $0x0  }
0x1c1: {  	s17 =	sadd.s32 s24, s3;
	[sflag:s14] =	ssyncadd.s32 $0xFFFFF830  }
0x1c2: {  	[tilespmem:s13], [sflag:$0x1] =	stream.linear.gather [hbm4b:s17+s2], $0x7D0, $0x38;
	[tilespmem:$0x1BE50] =	vst v63  }
0x1c3: {  	_ =	swait.ge [sflag:s14], $0x7D0  }
0x1c4: {  	[sflag:s14] =	ssyncset.done $0x0  }
0x1c5: {  	s3 =	sadd.s32 s29, s3;
	[sflag:s14] =	ssyncadd.s32 $0xFFFFF830  }
0x1c6: {  	[tilespmem:s25], [sflag:$0x1] =	stream.linear.gather [hbm4b:s3+s2], $0x7D0, $0x38;
	[tilespmem:$0x1BE50] =	vst v63  }
0x1c7: {  	_ =	swait.ge [sflag:s14], $0x7D0  }
0x1c8: {  	s5 =	simm.s32 $0x19660;
	s4 =	simm.s32 $0x186C0;
	[sflag:s14] =	ssyncset.done $0x0  }
0x1c9: {  	s17 =	simm.s32 $0x19E30;
	s3 =	simm.s32 $0xFFFFFFFC;
	[sflag:s14] =	ssyncadd.s32 $0xFFFFF830  }
.LBB2_20:
0x1ca: {  	v0 =	vld [tilespmem:s4+$0xFFFFFFE0];
	_ =	sdelay $0x6  }
0x1cb: {  	v1 =	vld [tilespmem:s5+$0xFFFFFFE0]  }
0x1cc: {  	v0 =	vld.idx.msk [tilespmem:v0+s2+$0x0], $0xffff;
	_ =	sdelay $0x4  }
0x1cd: {  	v0 =	vmul.f32 v1, v0;
	_ =	sdelay $0x1  }
0x1ce: {  	[tilespmem:s17+$0xFFFFFFE0] =	vst v0  }
0x1cf: {  	v0 =	vld [tilespmem:s4+$0xFFFFFFF0];
	_ =	sdelay $0x6  }
0x1d0: {  	v61 =	vld [tilespmem:s5+$0xFFFFFFF0]  }
0x1d1: {  	v0 =	vld.idx.msk [tilespmem:v0+s2+$0x0], $0xffff;
	_ =	sdelay $0x4  }
0x1d2: {  	v0 =	vmul.f32 v61, v0;
	_ =	sdelay $0x1  }
0x1d3: {  	[tilespmem:s17+$0xFFFFFFF0] =	vst v0  }
0x1d4: {  	v0 =	vld [tilespmem:s4+$0x0];
	_ =	sdelay $0x6  }
0x1d5: {  	v62 =	vld [tilespmem:s5+$0x0]  }
0x1d6: {  	v0 =	vld.idx.msk [tilespmem:v0+s2+$0x0], $0xffff;
	_ =	sdelay $0x4  }
0x1d7: {  	v0 =	vmul.f32 v62, v0;
	_ =	sdelay $0x1  }
0x1d8: {  	[tilespmem:s17+$0x0] =	vst v0  }
0x1d9: {  	v0 =	vld [tilespmem:s4+$0x10];
	_ =	sdelay $0x6  }
0x1da: {  	v63 =	vld [tilespmem:s5+$0x10]  }
0x1db: {  	v0 =	vld.idx.msk [tilespmem:v0+s2+$0x0], $0xffff  }
0x1dc: {  	s3 =	sadd.s32 $0x4, s3  }
0x1dd: {  	p1 =	slt.u32 s3, $0x78  }
.Ltmp10:
0x1de: {  	_ = 	snop;
	(pc) =	sbr.rel @p1 .LBB2_20-.Ltmp10, $3  }
0x1df: {  	_ = 	snop  }
0x1e0: {  	v0 =	vmul.f32 v63, v0;
	_ =	sdelay $0x1  }
0x1e1: {  	s4 =	sadd.s32 $0x40, s4;
	s5 =	sadd.s32 $0x40, s5;
	[tilespmem:s17+$0x10] =	vst v0;
	s17 =	sadd.s32 $0x40, s17  }
0x1e2: {  	v0 =	vld [tilespmem:$0x18E60];
	_ =	sdelay $0x6  }
0x1e3: {  	v1 =	vld [tilespmem:$0x19E00]  }
0x1e4: {  	v0 =	vld.idx.msk [tilespmem:v0+s2+$0x0], $0xffff;
	_ =	sdelay $0x4  }
0x1e5: {  	s0 =	sadd.s32 $0x1, s0;
	v0 =	vmul.f32 v1, v0  }
0x1e6: {  	p1 =	sne.s32 s0, $0x19  }
.Ltmp11:
0x1e7: {  	[tilespmem:$0x1A5D0] =	vst v0;
	(pc) =	sbr.rel @p1 .LBB2_19-.Ltmp11, $4  }
0x1e8: {  	[spmem:s20] =	stream.indirect.scatter.add.f32 [tilespmem:s15], [sflag:$0x1], $0x1, s13, s18, $0xb8;
	[tilespmem:$0x1BE50] =	vst v63  }
0x1e9: {  	_ =	swait.ge [sflag:s14], $0x7D0  }
0x1ea: {  	[sflag:s14] =	ssyncset.done $0x0  }
0x1eb: {  	[sflag:s14] =	ssyncadd.s32 $0xFFFFF830  }
.Ltmp12:
0x1ec: {  	(pc) =	sbr.rel @p0 .LBB2_24-.Ltmp12, $2  }
0x1ed: {  	_ =	sdelay $0x1  }
0x1ee: {  	[bflag:$0x0] =	sbarrier.arrive $0xFFFF;
	_ =	sdelay $0x1  }
0x1ef: {  	[tilespmem:s15], [sflag:$0x1] =	stream.linear.gather [spmem:s9], $0x7D0, $0x38;
	[tilespmem:$0x1BE50] =	vst v63  }
0x1f0: {  	_ =	swait.ge [sflag:s14], $0x7D0  }
0x1f1: {  	[sflag:s14] =	ssyncset.done $0x0  }
0x1f2: {  	s0 =	rddreg [dreg:$0x9];
	[sflag:s14] =	ssyncadd.s32 $0xFFFFF830  }
0x1f3: {  	[hbm4b:s0+s2] =	stream.linear.scatter [tilespmem:s15], [sflag:$0x1], $0x7D0, $0x38;
	[tilespmem:$0x1BE50] =	vst v63  }
0x1f4: {  	_ =	swait.ge [sflag:s14], $0x7D0  }
0x1f5: {  	[sflag:s14] =	ssyncset.done $0x0  }
0x1f6: {  	[sflag:s14] =	ssyncadd.s32 $0xFFFFF830  }
0x1f7: {  	[tilespmem:s15], [sflag:$0x1] =	stream.linear.gather [spmem:s31], $0x7D0, $0x38;
	[tilespmem:$0x1BE50] =	vst v63  }
0x1f8: {  	_ =	swait.ge [sflag:s14], $0x7D0  }
0x1f9: {  	[sflag:s14] =	ssyncset.done $0x0  }
0x1fa: {  	s4 =	rddreg [dreg:$0xa];
	[sflag:s14] =	ssyncadd.s32 $0xFFFFF830  }
0x1fb: {  	[hbm4b:s4+s2] =	stream.linear.scatter [tilespmem:s15], [sflag:$0x1], $0x7D0, $0x38;
	[tilespmem:$0x1BE50] =	vst v63  }
0x1fc: {  	_ =	swait.ge [sflag:s14], $0x7D0  }
0x1fd: {  	[sflag:s14] =	ssyncset.done $0x0  }
0x1fe: {  	s5 =	rddreg [dreg:$0x17];
	[sflag:s14] =	ssyncadd.s32 $0xFFFFF830  }
0x1ff: {  	[tilespmem:s15], [sflag:$0x1] =	stream.linear.gather [spmem:s5], $0x7D0, $0x38;
	[tilespmem:$0x1BE50] =	vst v63  }
0x200: {  	_ =	swait.ge [sflag:s14], $0x7D0  }
0x201: {  	[sflag:s14] =	ssyncset.done $0x0  }
0x202: {  	s12 =	rddreg [dreg:$0xb];
	[sflag:s14] =	ssyncadd.s32 $0xFFFFF830  }
0x203: {  	[hbm4b:s12+s2] =	stream.linear.scatter [tilespmem:s15], [sflag:$0x1], $0x7D0, $0x38;
	[tilespmem:$0x1BE50] =	vst v63  }
0x204: {  	_ =	swait.ge [sflag:s14], $0x7D0  }
0x205: {  	[sflag:s14] =	ssyncset.done $0x0  }
0x206: {  	[sflag:s14] =	ssyncadd.s32 $0xFFFFF830  }
0x207: {  	[tilespmem:s15], [sflag:$0x1] =	stream.linear.gather [spmem:s26], $0x7D0, $0x38;
	[tilespmem:$0x1BE50] =	vst v63  }
0x208: {  	_ =	swait.ge [sflag:s14], $0x7D0  }
0x209: {  	[sflag:s14] =	ssyncset.done $0x0  }
0x20a: {  	s17 =	rddreg [dreg:$0xc];
	[sflag:s14] =	ssyncadd.s32 $0xFFFFF830  }
0x20b: {  	[hbm4b:s17+s2] =	stream.linear.scatter [tilespmem:s15], [sflag:$0x1], $0x7D0, $0x38;
	[tilespmem:$0x1BE50] =	vst v63  }
0x20c: {  	_ =	swait.ge [sflag:s14], $0x7D0  }
0x20d: {  	[sflag:s14] =	ssyncset.done $0x0  }
0x20e: {  	[sflag:s14] =	ssyncadd.s32 $0xFFFFF830  }
0x20f: {  	[tilespmem:s15], [sflag:$0x1] =	stream.linear.gather [spmem:s8], $0x7D0, $0x38;
	[tilespmem:$0x1BE50] =	vst v63  }
0x210: {  	_ =	swait.ge [sflag:s14], $0x7D0  }
0x211: {  	[sflag:s14] =	ssyncset.done $0x0  }
0x212: {  	s3 =	rddreg [dreg:$0xd];
	[sflag:s14] =	ssyncadd.s32 $0xFFFFF830  }
0x213: {  	[hbm4b:s3+s2] =	stream.linear.scatter [tilespmem:s15], [sflag:$0x1], $0x7D0, $0x38;
	[tilespmem:$0x1BE50] =	vst v63  }
0x214: {  	_ =	swait.ge [sflag:s14], $0x7D0  }
0x215: {  	[sflag:s14] =	ssyncset.done $0x0  }
0x216: {  	[sflag:s14] =	ssyncadd.s32 $0xFFFFF830  }
0x217: {  	[bflag:$0x0] =	sbarrier.arrive $0xFFFF  }
0x218: {  	s4 =	rddreg [dreg:$0x15]  }
0x219: {  	[tilespmem:s2], [sflag:$0x1] =	stream.linear.gather [hbm4b:s4+s2], $0x186A0, $0x38;
	[tilespmem:$0x1BE50] =	vst v63  }
0x21a: {  	_ =	swait.ge [sflag:s14], $0x186A0  }
0x21b: {  	[sflag:s14] =	ssyncset.done $0x0  }
0x21c: {  	s5 =	rddreg [dreg:$0x18];
	[sflag:s14] =	ssyncadd.s32 $0xFFFE7960  }
0x21d: {  	[tilespmem:s15], [sflag:$0x1] =	stream.linear.gather [hbm4b:s5+s2], $0x7D0, $0x38;
	[tilespmem:$0x1BE50] =	vst v63  }
0x21e: {  	_ =	swait.ge [sflag:s14], $0x7D0  }
0x21f: {  	[sflag:s14] =	ssyncset.done $0x0  }
0x220: {  	[sflag:s14] =	ssyncadd.s32 $0xFFFFF830  }
0x221: {  	[spmem:s21] =	stream.linear.scatter [tilespmem:s15], [sflag:$0x1], $0x7D0, $0x38;
	[tilespmem:$0x1BE50] =	vst v63  }
0x222: {  	_ =	swait.ge [sflag:s14], $0x7D0  }
0x223: {  	[sflag:s14] =	ssyncset.done $0x0  }
0x224: {  	s12 =	rddreg [dreg:$0x19];
	[sflag:s14] =	ssyncadd.s32 $0xFFFFF830  }
0x225: {  	[spmem:s12] =	stream.linear.scatter [tilespmem:s15], [sflag:$0x1], $0x7D0, $0x38;
	[tilespmem:$0x1BE50] =	vst v63  }
0x226: {  	_ =	swait.ge [sflag:s14], $0x7D0  }
0x227: {  	[sflag:s14] =	ssyncset.done $0x0  }
0x228: {  	s17 =	rddreg [dreg:$0x1a];
	[sflag:s14] =	ssyncadd.s32 $0xFFFFF830  }
0x229: {  	[spmem:s17] =	stream.linear.scatter [tilespmem:s15], [sflag:$0x1], $0x7D0, $0x38;
	[tilespmem:$0x1BE50] =	vst v63  }
0x22a: {  	_ =	swait.ge [sflag:s14], $0x7D0  }
0x22b: {  	[sflag:s14] =	ssyncset.done $0x0  }
0x22c: {  	[sflag:s14] =	ssyncadd.s32 $0xFFFFF830  }
0x22d: {  	[spmem:s10] =	stream.linear.scatter [tilespmem:s15], [sflag:$0x1], $0x7D0, $0x38;
	[tilespmem:$0x1BE50] =	vst v63  }
0x22e: {  	_ =	swait.ge [sflag:s14], $0x7D0  }
0x22f: {  	[sflag:s14] =	ssyncset.done $0x0  }
.Ltmp13:
0x230: {  	[sflag:s14] =	ssyncadd.s32 $0xFFFFF830;
	(pc) =	sbr.rel .LBB2_25-.Ltmp13, $4  }
0x231: {  	[spmem:s11] =	stream.linear.scatter [tilespmem:s15], [sflag:$0x1], $0x7D0, $0x38;
	[tilespmem:$0x1BE50] =	vst v63  }
0x232: {  	_ =	swait.ge [sflag:s14], $0x7D0  }
0x233: {  	[sflag:s14] =	ssyncset.done $0x0  }
0x234: {  	[sflag:s14] =	ssyncadd.s32 $0xFFFFF830  }
.LBB2_24:
0x235: {  	[bflag:$0x0] =	sbarrier.arrive $0xFFFF  }
0x236: {  	s0 =	rddreg [dreg:$0x15]  }
0x237: {  	[tilespmem:s2], [sflag:$0x1] =	stream.linear.gather [hbm4b:s0+s2], $0x186A0, $0x38;
	[tilespmem:$0x1BE50] =	vst v63  }
0x238: {  	_ =	swait.ge [sflag:s14], $0x186A0  }
0x239: {  	[sflag:s14] =	ssyncset.done $0x0  }
0x23a: {  	[sflag:s14] =	ssyncadd.s32 $0xFFFE7960  }
.LBB2_25:
0x23b: {  	[bflag:$0x0] =	sbarrier.arrive $0xFFFF;
	s0 =	simm.s32 $0x0  }
.LBB2_26:
0x23c: {  	s3 =	smul.u32 $0x7D0, s0;
	_ =	sdelay $0x1  }
0x23d: {  	s3 =	sadd.s32 s22, s3  }
0x23e: {  	s3 =	sshrl.u32 s3, $0x3  }
0x23f: {  	s4 =	sadd.s32 s23, s3  }
0x240: {  	[tilespmem:s19], [sflag:$0x1] =	stream.linear.gather [hbm4b:s4+s2], $0x7D0, $0x38;
	[tilespmem:$0x1BE50] =	vst v63  }
0x241: {  	_ =	swait.ge [sflag:s14], $0x7D0  }
0x242: {  	[sflag:s14] =	ssyncset.done $0x0  }
0x243: {  	s17 =	sadd.s32 s24, s3;
	[sflag:s14] =	ssyncadd.s32 $0xFFFFF830  }
0x244: {  	[tilespmem:s13], [sflag:$0x1] =	stream.linear.gather [hbm4b:s17+s2], $0x7D0, $0x38;
	[tilespmem:$0x1BE50] =	vst v63  }
0x245: {  	_ =	swait.ge [sflag:s14], $0x7D0  }
0x246: {  	[sflag:s14] =	ssyncset.done $0x0  }
0x247: {  	s3 =	sadd.s32 s29, s3;
	[sflag:s14] =	ssyncadd.s32 $0xFFFFF830  }
0x248: {  	[tilespmem:s25], [sflag:$0x1] =	stream.linear.gather [hbm4b:s3+s2], $0x7D0, $0x38;
	[tilespmem:$0x1BE50] =	vst v63  }
0x249: {  	_ =	swait.ge [sflag:s14], $0x7D0  }
0x24a: {  	s5 =	simm.s32 $0x19660;
	s4 =	simm.s32 $0x186C0;
	[sflag:s14] =	ssyncset.done $0x0  }
0x24b: {  	s17 =	simm.s32 $0x19E30;
	s3 =	simm.s32 $0xFFFFFFFC;
	[sflag:s14] =	ssyncadd.s32 $0xFFFFF830  }
.LBB2_27:
0x24c: {  	v0 =	vld [tilespmem:s4+$0xFFFFFFE0];
	_ =	sdelay $0x6  }
0x24d: {  	v1 =	vld [tilespmem:s5+$0xFFFFFFE0]  }
0x24e: {  	v0 =	vld.idx.msk [tilespmem:v0+s2+$0x0], $0xffff;
	_ =	sdelay $0x4  }
0x24f: {  	v0 =	vmul.f32 v1, v0;
	_ =	sdelay $0x1  }
0x250: {  	[tilespmem:s17+$0xFFFFFFE0] =	vst v0  }
0x251: {  	v0 =	vld [tilespmem:s4+$0xFFFFFFF0];
	_ =	sdelay $0x6  }
0x252: {  	v61 =	vld [tilespmem:s5+$0xFFFFFFF0]  }
0x253: {  	v0 =	vld.idx.msk [tilespmem:v0+s2+$0x0], $0xffff;
	_ =	sdelay $0x4  }
0x254: {  	v0 =	vmul.f32 v61, v0;
	_ =	sdelay $0x1  }
0x255: {  	[tilespmem:s17+$0xFFFFFFF0] =	vst v0  }
0x256: {  	v0 =	vld [tilespmem:s4+$0x0];
	_ =	sdelay $0x6  }
0x257: {  	v62 =	vld [tilespmem:s5+$0x0]  }
0x258: {  	v0 =	vld.idx.msk [tilespmem:v0+s2+$0x0], $0xffff;
	_ =	sdelay $0x4  }
0x259: {  	v0 =	vmul.f32 v62, v0;
	_ =	sdelay $0x1  }
0x25a: {  	[tilespmem:s17+$0x0] =	vst v0  }
0x25b: {  	v0 =	vld [tilespmem:s4+$0x10];
	_ =	sdelay $0x6  }
0x25c: {  	v63 =	vld [tilespmem:s5+$0x10]  }
0x25d: {  	v0 =	vld.idx.msk [tilespmem:v0+s2+$0x0], $0xffff  }
0x25e: {  	s3 =	sadd.s32 $0x4, s3  }
0x25f: {  	p1 =	slt.u32 s3, $0x78  }
.Ltmp14:
0x260: {  	_ = 	snop;
	(pc) =	sbr.rel @p1 .LBB2_27-.Ltmp14, $3  }
0x261: {  	_ = 	snop  }
0x262: {  	v0 =	vmul.f32 v63, v0;
	_ =	sdelay $0x1  }
0x263: {  	s4 =	sadd.s32 $0x40, s4;
	s5 =	sadd.s32 $0x40, s5;
	[tilespmem:s17+$0x10] =	vst v0;
	s17 =	sadd.s32 $0x40, s17  }
0x264: {  	v0 =	vld [tilespmem:$0x18E60];
	_ =	sdelay $0x6  }
0x265: {  	v1 =	vld [tilespmem:$0x19E00]  }
0x266: {  	v0 =	vld.idx.msk [tilespmem:v0+s2+$0x0], $0xffff;
	_ =	sdelay $0x4  }
0x267: {  	s0 =	sadd.s32 $0x1, s0;
	v0 =	vmul.f32 v1, v0  }
0x268: {  	p1 =	sne.s32 s0, $0x19  }
.Ltmp15:
0x269: {  	[tilespmem:$0x1A5D0] =	vst v0;
	(pc) =	sbr.rel @p1 .LBB2_26-.Ltmp15, $4  }
0x26a: {  	[spmem:s20] =	stream.indirect.scatter.add.f32 [tilespmem:s15], [sflag:$0x1], $0x1, s13, s18, $0xb8;
	[tilespmem:$0x1BE50] =	vst v63  }
0x26b: {  	_ =	swait.ge [sflag:s14], $0x7D0  }
0x26c: {  	[sflag:s14] =	ssyncset.done $0x0  }
0x26d: {  	[sflag:s14] =	ssyncadd.s32 $0xFFFFF830  }
0x26e: {  	[bflag:$0x0] =	sbarrier.arrive $0xFFFF;
	s0 =	simm.s32 @!p0 $0x19E10;
	s3 =	simm.s32 @!p0 $0x1  }
0x26f: {  	[tilespmem:s0], [sflag:$0x1] =	stream.linear.gather @!p0 [spmem:s9], $0x7D0, $0x38;
	[tilespmem:$0x1BE50] =	vst v63  }
0x270: {  	_ =	swait.ge @!p0 [sflag:s3], $0x7D0  }
0x271: {  	[sflag:s3] =	ssyncset.done @!p0 $0x0  }
0x272: {  	s4 =	simm.s32 @!p0 $0x0;
	s5 =	rddreg [dreg:$0xe];
	[sflag:s3] =	ssyncadd.s32 @!p0 $0xFFFFF830  }
0x273: {  	[hbm4b:s5+s4] =	stream.linear.scatter @!p0 [tilespmem:s0], [sflag:$0x1], $0x7D0, $0x38;
	[tilespmem:$0x1BE50] =	vst v63  }
0x274: {  	_ =	swait.ge @!p0 [sflag:s3], $0x7D0  }
0x275: {  	[sflag:s3] =	ssyncset.done @!p0 $0x0  }
0x276: {  	[sflag:s3] =	ssyncadd.s32 @!p0 $0xFFFFF830  }
0x277: {  	[tilespmem:s0], [sflag:$0x1] =	stream.linear.gather @!p0 [spmem:s31], $0x7D0, $0x38;
	[tilespmem:$0x1BE50] =	vst v63  }
0x278: {  	_ =	swait.ge @!p0 [sflag:s3], $0x7D0  }
0x279: {  	[sflag:s3] =	ssyncset.done @!p0 $0x0  }
0x27a: {  	s5 =	rddreg [dreg:$0xf];
	[sflag:s3] =	ssyncadd.s32 @!p0 $0xFFFFF830  }
0x27b: {  	[hbm4b:s5+s4] =	stream.linear.scatter @!p0 [tilespmem:s0], [sflag:$0x1], $0x7D0, $0x38;
	[tilespmem:$0x1BE50] =	vst v63  }
0x27c: {  	_ =	swait.ge @!p0 [sflag:s3], $0x7D0  }
0x27d: {  	[sflag:s3] =	ssyncset.done @!p0 $0x0  }
0x27e: {  	s5 =	rddreg [dreg:$0x17];
	[sflag:s3] =	ssyncadd.s32 @!p0 $0xFFFFF830  }
0x27f: {  	[tilespmem:s0], [sflag:$0x1] =	stream.linear.gather @!p0 [spmem:s5], $0x7D0, $0x38;
	[tilespmem:$0x1BE50] =	vst v63  }
0x280: {  	_ =	swait.ge @!p0 [sflag:s3], $0x7D0  }
0x281: {  	[sflag:s3] =	ssyncset.done @!p0 $0x0  }
0x282: {  	s5 =	rddreg [dreg:$0x10];
	[sflag:s3] =	ssyncadd.s32 @!p0 $0xFFFFF830  }
0x283: {  	[hbm4b:s5+s4] =	stream.linear.scatter @!p0 [tilespmem:s0], [sflag:$0x1], $0x7D0, $0x38;
	[tilespmem:$0x1BE50] =	vst v63  }
0x284: {  	_ =	swait.ge @!p0 [sflag:s3], $0x7D0  }
0x285: {  	[sflag:s3] =	ssyncset.done @!p0 $0x0  }
0x286: {  	[sflag:s3] =	ssyncadd.s32 @!p0 $0xFFFFF830  }
0x287: {  	[tilespmem:s0], [sflag:$0x1] =	stream.linear.gather @!p0 [spmem:s26], $0x7D0, $0x38;
	[tilespmem:$0x1BE50] =	vst v63  }
0x288: {  	_ =	swait.ge @!p0 [sflag:s3], $0x7D0  }
0x289: {  	[sflag:s3] =	ssyncset.done @!p0 $0x0  }
0x28a: {  	s5 =	rddreg [dreg:$0x11];
	[sflag:s3] =	ssyncadd.s32 @!p0 $0xFFFFF830  }
0x28b: {  	[hbm4b:s5+s4] =	stream.linear.scatter @!p0 [tilespmem:s0], [sflag:$0x1], $0x7D0, $0x38;
	[tilespmem:$0x1BE50] =	vst v63  }
0x28c: {  	_ =	swait.ge @!p0 [sflag:s3], $0x7D0  }
0x28d: {  	[sflag:s3] =	ssyncset.done @!p0 $0x0  }
0x28e: {  	[sflag:s3] =	ssyncadd.s32 @!p0 $0xFFFFF830  }
0x28f: {  	[tilespmem:s0], [sflag:$0x1] =	stream.linear.gather @!p0 [spmem:s8], $0x7D0, $0x38;
	[tilespmem:$0x1BE50] =	vst v63  }
0x290: {  	_ =	swait.ge @!p0 [sflag:s3], $0x7D0  }
0x291: {  	[sflag:s3] =	ssyncset.done @!p0 $0x0  }
0x292: {  	s5 =	rddreg [dreg:$0x12];
	[sflag:s3] =	ssyncadd.s32 @!p0 $0xFFFFF830  }
0x293: {  	[hbm4b:s5+s4] =	stream.linear.scatter @!p0 [tilespmem:s0], [sflag:$0x1], $0x7D0, $0x38;
	[tilespmem:$0x1BE50] =	vst v63  }
0x294: {  	_ =	swait.ge @!p0 [sflag:s3], $0x7D0  }
0x295: {  	s30 =	sadd.s32 $0x1, s30;
	s17 =	rddreg [dreg:$0x16]  }
0x296: {  	p1 =	sne.s32 s30, s17  }
.Ltmp16:
0x297: {  	_ = 	snop;
	(pc) =	sbr.rel @p1 .LBB2_1-.Ltmp16, $3  }
0x298: {  	[sflag:s3] =	ssyncset.done @!p0 $0x0  }
0x299: {  	[sflag:s3] =	ssyncadd.s32 @!p0 $0xFFFFF830  }
0x29a: {  	[bflag:$0x0] =	sbarrier.arrive $0xFFFF;
	_ =	sdelay $0x1  }
0x29b: {  	_ =	sfence.sel $0x180000  }
0x29c: {  	[bflag:$0x0] =	sbarrier.arrive $0xFFFF  }
0x29d: {  	_ =	strace $0x90000047  }
0x29e: {  	s0 =	stileid.u32;
	[bflag:$0x2] =	sbarrier.arrive $0xFFFF  }
0x29f: {  	p0 =	sne.s32 s0, $0x0;
	s0 =	rddreg [dreg:$0x3]  }
0x2a0: {  	s0 =	sadd.s32 @!p0 $0x100000, s0  }
0x2a1: {  	[sflag:s0] =	ssyncadd.tile.s32 @!p0 $0x1;
	_ =	shalt  }
.Lfunc_end2:
_tile_overlayer_lowered:
.L_overlay_start_2:
0x2a2: {  	(tag) =	ssettag $0x2  }
0x2a3: {  	s0 =	rddreg [dreg:$0x0];
	s2 =	stileid.u32  }
0x2a4: {  	s1 =	rddreg [dreg:$0x1];
	p0 =	sne.s32 s2, $0x0  }
0x2a5: {  	s3 =	rddreg [dreg:$0x2];
	[bflag:$0x3] =	sbarrier.arrive $0xFFFF;
	s2 =	simm.s32 @!p0 $0x1C01  }
0x2a6: {  	[timem:s3], [sflag:s2] =	dma.local @!p0 [hbm:s0], s1  }
0x2a7: {  	s0 =	simm.s32 @!p0 $0x1  }
0x2a8: {  	_ =	swait.ge @!p0 [sflag:s0], s1  }
0x2a9: {  	s1 =	ssub.s32 @!p0 $0x0, s1;
	[sflag:s0] =	ssyncset.done @!p0 $0x0  }
0x2aa: {  	[sflag:s0] =	ssyncadd.s32 @!p0 s1  }
0x2ab: {  	[bflag:$0x3] =	sbarrier.arrive $0xFFFF  }
0x2ac: {  	_ =	shalt  }

// kernel: kernel.9.cloned.1.call-start
scs
__scs_entry_jumppad:
0x0: {  	(pc) =	sbr.rel $0x88, $3  }
0x1: {  	(tag) =	ssettag $0x0;
	lr =	simm.s32 $0x1  }
0x2: {  	[smem:$0x3F98] =	sst lr;
	_ =	strace $0xD0000000  }
0x3: {  	_ = 	snop  }
0x4: {  	_ = 	snop  }
0x5: {  	_ = 	snop  }
0x6: {  	_ = 	snop  }
0x7: {  	_ = 	snop  }
__scs_overlays_trampoline_lowered:
0x8: {  	[smem:$0x3FA7] =	sst s0  }
0x9: {  	[smem:$0x3FA8] =	sst s1  }
0xa: {  	[smem:$0x3FA9] =	sst s2  }
0xb: {  	[smem:$0x3FAA] =	sst s3  }
0xc: {  	[smem:$0x3FAB] =	sst s4  }
0xd: {  	[smem:$0x3FAC] =	sst s5  }
0xe: {  	[smem:$0x3FAD] =	sst s6  }
0xf: {  	[smem:$0x3FAE] =	sst s7  }
0x10: {  	[smem:$0x3FAF] =	sst s8  }
0x11: {  	[smem:$0x3FB0] =	sst s9;
	s0 =	simm.s32 @!p0 $0x0  }
0x12: {  	s1 =	sld [smem:$0x3F96];
	s0 =	simm.s32 @p0 $0x1  }
0x13: {  	[smem:$0x3FB1] =	sst s0;
	s0 =	simm.s32 @!p1 $0x0  }
0x14: {  	s2 =	sld [smem:$0x3F95];
	s0 =	simm.s32 @p1 $0x1  }
0x15: {  	[smem:$0x3FB2] =	sst s0;
	s0 =	simm.s32 @!p2 $0x0  }
0x16: {  	s3 =	sld [smem:$0x3FDB];
	s0 =	simm.s32 @p2 $0x1  }
0x17: {  	s4 =	simm.s32 $0x1BF5;
	[smem:$0x3FB4] =	sst s0  }
0x18: {  	s0 =	sld [smem:$0x3F97];
	_ =	swait.ge [sflag:s4], $0x0  }
0x19: {  	s7 =	sld [smem:$0x3F98]  }
0x1a: {  	s8 =	sadd.s32 $0xFFFFE003, lr  }
0x1b: {  	s9 =	sadd.s32 $0xFFFFFEF7, lr;
	s5 =	simm.s32 $0xFFFFFFFF;
	p2 =	slt.u32 s8, $0xFFFFF086  }
0x1c: {  	p1 =	slt.u32 s9, $0xF7A;
	s5 =	simm.s32 @!p2 $0x0  }
0x1d: {  	s5 =	simm.s32 @p1 $0x1;
	p0 =	seq.s32 s7, s2  }
0x1e: {  	s7 =	smul.u32 @!p0 $0xF7A, s2;
	p2 =	seq.s32 @!p0 s5, $0x0  }
0x1f: {  	s9 =	smul.u32 $0xF7A, s1;
	s8 =	simm.s32 @!p0 $0x1BF5;
	p2 =	por !p2, p0  }
0x20: {  	[sflag:s8] =	ssyncset.s32 @!p0 $0xFFFFF086;
	s6 =	sadd.s32 @!p0 s3, s7;
	s7 =	simm.s32 @!p0 $0x108  }
0x21: {  	s3 =	sadd.s32 s3, s9;
	s6 =	sadd.s32 @!p0 $0x88, s6;
	s7 =	simm.s32 @p2 $0x1082  }
0x22: {  	[simem:s7], [sflag:s8] =	dma.local @!p0 [hbm:s6], $0xF7A  }
0x23: {  	s9 =	sor.u32 $0xD0000000, s2;
	s6 =	simm.s32 $0x108;
	_ =	swait.ge @!p0 [sflag:s8], $0x0  }
0x24: {  	s3 =	sadd.s32 $0x88, s3;
	s6 =	simm.s32 @!p1 $0x1082;
	[sflag:s4] =	ssyncset.s32 $0xFFFFF086  }
0x25: {  	[simem:s6], [sflag:s4] =	dma.local [hbm:s3], $0xF7A  }
0x26: {  	[smem:$0x3F98] =	sst s1;
	(tag) =	ssettag s2;
	_ =	strace s9  }
0x27: {  	s1 =	sld [smem:$0x3FA8]  }
0x28: {  	s2 =	sld [smem:$0x3FA9]  }
0x29: {  	s4 =	sld [smem:$0x3FAB]  }
0x2a: {  	p0 =	seq.s32 s5, $0x0;
	s5 =	sld [smem:$0x3FAC]  }
0x2b: {  	s6 =	sld [smem:$0x3FAD]  }
0x2c: {  	s7 =	sld [smem:$0x3FAE]  }
0x2d: {  	s3 =	simm.s32 $0x108;
	s8 =	sld [smem:$0x3FAF]  }
0x2e: {  	s3 =	simm.s32 @!p0 $0x1082;
	s9 =	sld [smem:$0x3FB0]  }
0x2f: {  	lr =	sadd.s32 s0, s3;
	s0 =	sld [smem:$0x3FA7]  }
0x30: {  	s3 =	sld [smem:$0x3FAA]  }
0x31: {  	[smem:$0x3FB3] =	sst s10  }
0x32: {  	s10 =	sld [smem:$0x3FB1];
	_ =	sdelay $0x3  }
0x33: {  	p0 =	seq.s32 s10, $0x1;
	s10 =	sld [smem:$0x3FB3];
	_ =	sdelay $0x3  }
0x34: {  	[smem:$0x3FB3] =	sst s10  }
0x35: {  	s10 =	sld [smem:$0x3FB2];
	_ =	sdelay $0x3  }
0x36: {  	p1 =	seq.s32 s10, $0x1;
	s10 =	sld [smem:$0x3FB3];
	_ =	sdelay $0x3  }
0x37: {  	[smem:$0x3FB3] =	sst s10  }
0x38: {  	s10 =	sld [smem:$0x3FB4]  }
0x39: {  	_ = 	snop;
	(pc) =	sbr.ind lr, $3  }
0x3a: {  	_ = 	snop  }
0x3b: {  	_ = 	snop  }
0x3c: {  	p2 =	seq.s32 s10, $0x1;
	s10 =	sld [smem:$0x3FB3]  }
0x3d: {  	_ =	shalt  }
0x3e: {  	_ =	shalt  }
0x3f: {  	_ =	shalt  }
0x40: {  	_ =	shalt  }
0x41: {  	_ =	shalt  }
0x42: {  	_ =	shalt  }
0x43: {  	_ =	shalt  }
0x44: {  	_ =	shalt  }
0x45: {  	_ =	shalt  }
0x46: {  	_ =	shalt  }
0x47: {  	_ =	shalt  }
0x48: {  	_ =	shalt  }
0x49: {  	_ =	shalt  }
0x4a: {  	_ =	shalt  }
0x4b: {  	_ =	shalt  }
0x4c: {  	_ =	shalt  }
0x4d: {  	_ =	shalt  }
0x4e: {  	_ =	shalt  }
0x4f: {  	_ =	shalt  }
0x50: {  	_ =	shalt  }
0x51: {  	_ =	shalt  }
0x52: {  	_ =	shalt  }
0x53: {  	_ =	shalt  }
0x54: {  	_ =	shalt  }
0x55: {  	_ =	shalt  }
0x56: {  	_ =	shalt  }
0x57: {  	_ =	shalt  }
0x58: {  	_ =	shalt  }
0x59: {  	_ =	shalt  }
0x5a: {  	_ =	shalt  }
0x5b: {  	_ =	shalt  }
0x5c: {  	_ =	shalt  }
0x5d: {  	_ =	shalt  }
0x5e: {  	_ =	shalt  }
0x5f: {  	_ =	shalt  }
0x60: {  	_ =	shalt  }
0x61: {  	_ =	shalt  }
0x62: {  	_ =	shalt  }
0x63: {  	_ =	shalt  }
0x64: {  	_ =	shalt  }
0x65: {  	_ =	shalt  }
0x66: {  	_ =	shalt  }
0x67: {  	_ =	shalt  }
0x68: {  	_ =	shalt  }
0x69: {  	_ =	shalt  }
0x6a: {  	_ =	shalt  }
0x6b: {  	_ =	shalt  }
0x6c: {  	_ =	shalt  }
0x6d: {  	_ =	shalt  }
0x6e: {  	_ =	shalt  }
0x6f: {  	_ =	shalt  }
0x70: {  	_ =	shalt  }
0x71: {  	_ =	shalt  }
0x72: {  	_ =	shalt  }
0x73: {  	_ =	shalt  }
0x74: {  	_ =	shalt  }
0x75: {  	_ =	shalt  }
0x76: {  	_ =	shalt  }
0x77: {  	_ =	shalt  }
0x78: {  	_ =	shalt  }
0x79: {  	_ =	shalt  }
0x7a: {  	_ =	shalt  }
0x7b: {  	_ =	shalt  }
0x7c: {  	_ =	shalt  }
0x7d: {  	_ =	shalt  }
0x7e: {  	_ =	shalt  }
0x7f: {  	_ =	shalt  }
0x80: {  	_ =	shalt  }
0x81: {  	_ =	shalt  }
0x82: {  	_ =	shalt  }
0x83: {  	_ =	shalt  }
0x84: {  	_ =	shalt  }
0x85: {  	_ =	shalt  }
0x86: {  	_ =	shalt  }
0x87: {  	_ =	shalt  }
.Lfunc_end0:
.L_simem_size_0:
called_computation.1_lowered:
.L_overlay_start_0:
0x88: {  	s2 =	sld [smem:$0x3FD9]  }
0x89: {  	s3 =	sld [smem:$0x3FFE];
	_ =	sdelay $0x1  }
0x8a: {  	s1 =	srdreg.scid  }
0x8b: {  	s0 =	sand.u32 $0x1, s1  }
0x8c: {  	s16 =	sshll.u32 s0, $0xA;
	s2 =	sadd.s32 s3, s2  }
0x8d: {  	s2 =	sadd.s32 s2, s16  }
0x8e: {  	[smem:$0x3FBF] =	sst s2  }
0x8f: {  	_ = 	snop  }
0x90: {  	(tm) =	ssettm $0x1  }
0x91: {  	s17 =	sld [smem:$0x3FFB];
	_ =	sdelay $0x3  }
0x92: {  	_ =	strace s17  }
0x93: {  	s2 =	sld [smem:$0x3FFC];
	_ =	sdelay $0x3  }
0x94: {  	_ =	strace s2  }
0x95: {  	s2 =	sld [smem:$0x3FFD];
	_ =	sdelay $0x3  }
0x96: {  	_ =	strace s2  }
0x97: {  	_ =	strace $0x8FFFFFFF  }
0x98: {  	s18 =	sld [smem:$0x3FDB];
	_ =	sdelay $0x1  }
0x99: {  	s19 =	simm.s32 $_scs_section_size  }
0x9a: {  	s4 =	simm.s32 $_size__tile_overlayer_lowered;
	s5 =	simm.s32 $_tile_overlayer_lowered  }
0x9b: {  	s22 =	simm.s32 $0x1BFF;
	s21 =	sshll.u32 s5, $0x1;
	s2 =	sadd.s32 s19, s18  }
0x9c: {  	s6 =	simm.s32 $0x0;
	s20 =	sshll.u32 s4, $0x1;
	s4 =	sadd.s32 s21, s2  }
0x9d: {  	[timem:s6], [sflag:s22] =	dma.local [hbm:s4], s20  }
0x9e: {  	_ =	swait.ge [sflag:s22], s20  }
0x9f: {  	s3 =	ssub.s32 $0x0, s20;
	[sflag:s22] =	ssyncset.done $0x0  }
0xa0: {  	[sflag:s22] =	ssyncadd.s32 s3;
	_ =	sdelay $0x1  }
0xa1: {  	s23 =	simm.s32 $0x1B8B  }
0xa2: {  	_ =	swait.ge [sflag:s23], $0x1  }
0xa3: {  	[sflag:s23] =	ssyncset.done $0x0  }
0xa4: {  	s25 =	simm.s32 $0x1B8E;
	s24 =	sld [smem:$0x3FFE];
	[sflag:s23] =	ssyncadd.s32 $0xFFFFFFFF  }
0xa5: {  	s26 =	simm.s32 $execute0_lowered;
	[smem:$0x3FD2] =	sst s25  }
0xa6: {  	s4 =	sshll.u32 s26, $0x1;
	_ =	strace $0x80000049;
	[dreg:$0x1] =	wrdreg $0xFFFFFFFF  }
0xa7: {  	s28 =	simm.s32 $_size_execute0_lowered;
	s2 =	sadd.s32 s2, s4;
	[dreg:$0x0] =	wrdreg $0x0  }
0xa8: {  	s4 =	sshll.u32 s28, $0x1;
	[dreg:$0x2] =	wrdreg s2  }
0xa9: {  	[dreg:$0x3] =	wrdreg s4  }
0xaa: {  	[dreg:$0x4] =	wrdreg $0xC0  }
0xab: {  	_ =	task [dreg:s6], $0x5FFFF  }
0xac: {  	[dreg:$0x1] =	wrdreg $0xFFFFFFFF  }
0xad: {  	[dreg:$0x0] =	wrdreg $0x60  }
0xae: {  	[dreg:$0x2] =	wrdreg s24  }
0xaf: {  	[dreg:$0x3] =	wrdreg $0x56700  }
0xb0: {  	[dreg:$0x4] =	wrdreg $0x9  }
0xb1: {  	_ =	task.clear_ibuf [dreg:s6], $0x5FFFF;
	_ =	strace $0x90000049  }
0xb2: {  	s29 =	simm.s32 $0x9;
	_ =	strace $0x8000004B  }
0xb3: {  	_ =	swait.ge [sflag:s29], $0x1  }
0xb4: {  	[sflag:s29] =	ssyncadd.s32 $0xFFFFFFFF  }
0xb5: {  	_ =	strace $0x9000004B  }
0xb6: {  	_ =	sfence  }
0xb7: {  	s30 =	sld [smem:$0x0];
	_ =	sdelay $0x2  }
0xb8: {  	s31 =	sshll.u32 s1, $0xD;
	s1 =	sshrl.u32 s1, $0x2  }
0xb9: {  	s3 =	sand.u32 $0x4000, s31;
	s1 =	sadd.s32 s1, s30  }
0xba: {  	s0 =	sor.u32 s3, s0;
	s1 =	sshll.u32 s1, $0x11  }
0xbb: {  	s0 =	sor.u32 s1, s0  }
0xbc: {  	s0 =	sadd.s32 $0x8F2B, s0  }
0xbd: {  	[sflag:s0] =	ssyncadd.remote.s32 $0x1  }
0xbe: {  	_ =	sfence.sel $0xFFFF  }
0xbf: {  	[dreg:$0x0] =	wrdreg $0xFFFFFFFF;
	(pc) =	sbr.abs _section_cstart, $3  }
0xc0: {  	[dreg:$0x1] =	wrdreg $0xFFFFFFFF  }
0xc1: {  	_ =	task.clear_ibuf [dreg:s6], $0x2FFFF;
	_ =	strace $0x9FFFFFFF  }
0xc2: {  	(tm) =	ssettm $0x7FFFFFFF  }
0xc3: {  	_ =	shalt  }
tec
execute0_lowered:
.L_overlay_start_1:
0x0: {  	(tag) =	ssettag $0x1  }
0x1: {  	s0 =	srdreg.scid  }
0x2: {  	s23 =	stileid.u32;
	s3 =	rddreg [dreg:$0x0]  }
0x3: {  	s1 =	simm.s32 $0x0;
	s0 =	sand.u32 $0x1, s0;
	s4 =	smul.u32 $0x27100, s23  }
0x4: {  	[smem:$0x7FF] =	sst s1;
	s5 =	sadd.s32 $0x114A00, s3;
	s31 =	smul.u32 $0x9C400, s23  }
0x5: {  	s16 =	sadd.s32 $0x82000, s3;
	s17 =	sadd.s32 $0xB2E00, s3;
	p0 =	sgt.u32 s23, $0x9  }
0x6: {  	s2 =	smul.u32 $0x186A00, s0;
	s6 =	ssub.s32 $0x2, s0;
	s8 =	sadd.s32 $0x3E80, s4  }
0x7: {  	s9 =	sshrl.u32 s6, $0x1;
	s12 =	sadd.s32 $0xFA00, s4;
	s18 =	sadd.s32 $0x1B580, s4  }
0x8: {  	s7 =	sadd.s32 s2, s4;
	s10 =	sadd.s32 s2, s8;
	s6 =	ssub.s32 s6, s9  }
0x9: {  	s9 =	sadd.s32 $0xBB80, s4;
	s13 =	sadd.s32 s2, s12;
	s15 =	sadd.s32 s2, s18  }
0xa: {  	s7 =	sshrl.u32 s7, $0x3;
	s21 =	sshrl.u32 s10, $0x3;
	s11 =	sadd.s32 s2, s9  }
0xb: {  	s25 =	sshrl.u32 s13, $0x3;
	s13 =	sadd.s32 $0x17700, s4;
	s7 =	sadd.s32 s5, s7  }
0xc: {  	s11 =	sshrl.u32 s11, $0x3;
	[dreg:$0x3] =	wrdreg s7;
	s7 =	sadd.s32 s5, s21  }
0xd: {  	s14 =	sadd.s32 s2, s13;
	[dreg:$0x4] =	wrdreg s7;
	s7 =	sadd.s32 $0x7D00, s4  }
0xe: {  	s24 =	sadd.s32 s5, s11;
	s14 =	sshrl.u32 s14, $0x3;
	s22 =	sadd.s32 s2, s7  }
0xf: {  	[dreg:$0x6] =	wrdreg s24;
	s28 =	sadd.s32 s5, s14;
	s10 =	sshrl.u32 s22, $0x3  }
0x10: {  	s29 =	sshrl.u32 s15, $0x3;
	[dreg:$0x9] =	wrdreg s28;
	s10 =	sadd.s32 s5, s10  }
0x11: {  	s21 =	sadd.s32 $0x1F400, s4;
	[dreg:$0x5] =	wrdreg s10;
	s10 =	sadd.s32 s5, s25  }
0x12: {  	s30 =	sadd.s32 s2, s21;
	[dreg:$0x7] =	wrdreg s10;
	s10 =	sadd.s32 $0x13880, s4  }
0x13: {  	s14 =	sshrl.u32 s30, $0x3;
	s22 =	sadd.s32 $0x23280, s4;
	s26 =	sadd.s32 s2, s10  }
0x14: {  	s14 =	sadd.s32 s5, s14;
	s2 =	sadd.s32 s2, s22;
	s11 =	sshrl.u32 s26, $0x3  }
0x15: {  	[dreg:$0xb] =	wrdreg s14;
	s2 =	sshrl.u32 s2, $0x3;
	s11 =	sadd.s32 s5, s11  }
0x16: {  	s24 =	smul.u32 $0x186A0, s0;
	s2 =	sadd.s32 s5, s2;
	[dreg:$0x8] =	wrdreg s11  }
0x17: {  	s15 =	sadd.s32 $0x1600, s3;
	s11 =	sadd.s32 s5, s29;
	[dreg:$0xc] =	wrdreg s2  }
0x18: {  	s19 =	smax.u32 s6, $0x1;
	v0 =	vmov s24;
	s24 =	simm.s32 $0x1770;
	[dreg:$0xa] =	wrdreg s11  }
0x19: {  	s14 =	sadd.s32 $0x32400, s3;
	s3 =	sadd.s32 $0x66400, s3;
	s11 =	rddreg [dreg:$0x1]  }
0x1a: {  	_ =	strace $0x8000004A;
	[dreg:$0xd] =	wrdreg s3;
	s5 =	sadd.s32 s4, s11  }
0x1b: {  	s3 =	sshrl.u32 s31, $0x2;
	s6 =	sadd.s32 s8, s11;
	[dreg:$0xe] =	wrdreg s5  }
0x1c: {  	s8 =	sadd.s32 s7, s11;
	s9 =	sadd.s32 s9, s11;
	[dreg:$0xf] =	wrdreg s6  }
0x1d: {  	s25 =	sadd.s32 s12, s11;
	s26 =	sadd.s32 s10, s11;
	[dreg:$0x10] =	wrdreg s8  }
0x1e: {  	s28 =	sadd.s32 s13, s11;
	s29 =	sadd.s32 s18, s11;
	[dreg:$0x11] =	wrdreg s9  }
0x1f: {  	s30 =	sadd.s32 s21, s11;
	s31 =	sadd.s32 s22, s11;
	[dreg:$0x12] =	wrdreg s25  }
0x20: {  	s10 =	smul.u32 $0x186A0, s23;
	s12 =	simm.s32 $0x1;
	[dreg:$0x13] =	wrdreg s26  }
0x21: {  	s13 =	simm.s32 $0x3F0;
	s21 =	simm.s32 $0x7D0;
	[dreg:$0x14] =	wrdreg s28  }
0x22: {  	s22 =	simm.s32 $0xBC0;
	s23 =	simm.s32 $0xFA0;
	[dreg:$0x15] =	wrdreg s29  }
.Ltmp0:
0x23: {  	s20 =	sadd.s32 s3, s11;
	[dreg:$0x16] =	wrdreg s30;
	(pc) =	sbr.rel .LBB2_1-.Ltmp0, $4  }
0x24: {  	[dreg:$0x17] =	wrdreg s31;
	s25 =	simm.s32 $0x3E0;
	s26 =	simm.s32 $0x0  }
0x25: {  	s0 =	sadd.s32 $0x3E80, s20;
	s2 =	sadd.s32 $0x7D00, s20;
	s3 =	sadd.s32 $0xBB80, s20  }
0x26: {  	s4 =	sadd.s32 $0xFA00, s20;
	s5 =	sadd.s32 $0x13880, s20;
	s6 =	sadd.s32 $0x17700, s20  }
0x27: {  	s7 =	sadd.s32 $0x1B580, s20;
	s8 =	sadd.s32 $0x1F400, s20;
	s9 =	sadd.s32 $0x23280, s20  }
.LBB2_13:
0x28: {  	s26 =	sadd.s32 $0x1, s26  }
0x29: {  	p1 =	sne.s32 s26, s19  }
.Ltmp1:
0x2a: {  	_ = 	snop;
	(pc) =	sbr.rel @!p1 .LBB2_14-.Ltmp1, $1  }
0x2b: {  	_ =	sdelay $0x3  }
.LBB2_1:
0x2c: {  	s18 =	simm.s32 @!p0 $0x0;
	s28 =	simm.s32 @!p0 $0x1770;
	s29 =	rddreg [dreg:$0xd]  }
0x2d: {  	[tilespmem:s28], [sflag:$0x1] =	stream.linear.gather @!p0 [hbm4b:s29+s18], $0x3E80, $0x38;
	[tilespmem:$0x1DD10] =	vst v63  }
0x2e: {  	s18 =	simm.s32 @!p0 $0x1  }
0x2f: {  	_ =	swait.ge @!p0 [sflag:s18], $0x3E80  }
0x30: {  	[sflag:s18] =	ssyncset.done @!p0 $0x0  }
0x31: {  	[sflag:s18] =	ssyncadd.s32 @!p0 $0xFFFFC180  }
0x32: {  	[spmem:s20] =	stream.linear.scatter @!p0 [tilespmem:s28], [sflag:$0x1], $0x3E80, $0x38;
	[tilespmem:$0x1DD10] =	vst v63  }
0x33: {  	_ =	swait.ge @!p0 [sflag:s18], $0x3E80  }
0x34: {  	[sflag:s18] =	ssyncset.done @!p0 $0x0  }
0x35: {  	[sflag:s18] =	ssyncadd.s32 @!p0 $0xFFFFC180  }
0x36: {  	[spmem:s0] =	stream.linear.scatter @!p0 [tilespmem:s28], [sflag:$0x1], $0x3E80, $0x38;
	[tilespmem:$0x1DD10] =	vst v63  }
0x37: {  	_ =	swait.ge @!p0 [sflag:s18], $0x3E80  }
0x38: {  	[sflag:s18] =	ssyncset.done @!p0 $0x0  }
0x39: {  	[sflag:s18] =	ssyncadd.s32 @!p0 $0xFFFFC180  }
0x3a: {  	[spmem:s2] =	stream.linear.scatter @!p0 [tilespmem:s28], [sflag:$0x1], $0x3E80, $0x38;
	[tilespmem:$0x1DD10] =	vst v63  }
0x3b: {  	_ =	swait.ge @!p0 [sflag:s18], $0x3E80  }
0x3c: {  	[sflag:s18] =	ssyncset.done @!p0 $0x0  }
0x3d: {  	[sflag:s18] =	ssyncadd.s32 @!p0 $0xFFFFC180  }
0x3e: {  	[spmem:s3] =	stream.linear.scatter @!p0 [tilespmem:s28], [sflag:$0x1], $0x3E80, $0x38;
	[tilespmem:$0x1DD10] =	vst v63  }
0x3f: {  	_ =	swait.ge @!p0 [sflag:s18], $0x3E80  }
0x40: {  	[sflag:s18] =	ssyncset.done @!p0 $0x0  }
0x41: {  	[sflag:s18] =	ssyncadd.s32 @!p0 $0xFFFFC180  }
0x42: {  	[spmem:s4] =	stream.linear.scatter @!p0 [tilespmem:s28], [sflag:$0x1], $0x3E80, $0x38;
	[tilespmem:$0x1DD10] =	vst v63  }
0x43: {  	_ =	swait.ge @!p0 [sflag:s18], $0x3E80  }
0x44: {  	[sflag:s18] =	ssyncset.done @!p0 $0x0  }
0x45: {  	[sflag:s18] =	ssyncadd.s32 @!p0 $0xFFFFC180  }
0x46: {  	[spmem:s5] =	stream.linear.scatter @!p0 [tilespmem:s28], [sflag:$0x1], $0x3E80, $0x38;
	[tilespmem:$0x1DD10] =	vst v63  }
0x47: {  	_ =	swait.ge @!p0 [sflag:s18], $0x3E80  }
0x48: {  	[sflag:s18] =	ssyncset.done @!p0 $0x0  }
0x49: {  	[sflag:s18] =	ssyncadd.s32 @!p0 $0xFFFFC180  }
0x4a: {  	[spmem:s6] =	stream.linear.scatter @!p0 [tilespmem:s28], [sflag:$0x1], $0x3E80, $0x38;
	[tilespmem:$0x1DD10] =	vst v63  }
0x4b: {  	_ =	swait.ge @!p0 [sflag:s18], $0x3E80  }
0x4c: {  	[sflag:s18] =	ssyncset.done @!p0 $0x0  }
0x4d: {  	[sflag:s18] =	ssyncadd.s32 @!p0 $0xFFFFC180  }
0x4e: {  	[spmem:s7] =	stream.linear.scatter @!p0 [tilespmem:s28], [sflag:$0x1], $0x3E80, $0x38;
	[tilespmem:$0x1DD10] =	vst v63  }
0x4f: {  	_ =	swait.ge @!p0 [sflag:s18], $0x3E80  }
0x50: {  	[sflag:s18] =	ssyncset.done @!p0 $0x0  }
0x51: {  	[sflag:s18] =	ssyncadd.s32 @!p0 $0xFFFFC180  }
0x52: {  	[spmem:s8] =	stream.linear.scatter @!p0 [tilespmem:s28], [sflag:$0x1], $0x3E80, $0x38;
	[tilespmem:$0x1DD10] =	vst v63  }
0x53: {  	_ =	swait.ge @!p0 [sflag:s18], $0x3E80  }
0x54: {  	[sflag:s18] =	ssyncset.done @!p0 $0x0  }
0x55: {  	[sflag:s18] =	ssyncadd.s32 @!p0 $0xFFFFC180  }
0x56: {  	[spmem:s9] =	stream.linear.scatter @!p0 [tilespmem:s28], [sflag:$0x1], $0x3E80, $0x38;
	[tilespmem:$0x1DD10] =	vst v63  }
0x57: {  	_ =	swait.ge @!p0 [sflag:s18], $0x3E80  }
0x58: {  	[sflag:s18] =	ssyncset.done @!p0 $0x0  }
0x59: {  	[sflag:s18] =	ssyncadd.s32 @!p0 $0xFFFFC180  }
0x5a: {  	s28 =	simm.s32 $0x0;
	[bflag:$0x0] =	sbarrier.arrive $0xFFFF  }
.LBB2_2:
0x5b: {  	s18 =	smul.u32 $0x7D0, s28;
	_ =	sdelay $0x1  }
0x5c: {  	s18 =	sadd.s32 s10, s18  }
0x5d: {  	s18 =	sshrl.u32 s18, $0x3  }
0x5e: {  	s29 =	sadd.s32 s14, s18  }
0x5f: {  	[tilespmem:s1], [sflag:$0x1] =	stream.linear.gather [hbm4b:s29+s1], $0x3F0, $0x38;
	[tilespmem:$0x1DD10] =	vst v63  }
0x60: {  	_ =	swait.ge [sflag:s12], $0x3F0  }
0x61: {  	s29 =	sadd.s32 $0x7E, s18;
	[sflag:s12] =	ssyncset.done $0x0  }
0x62: {  	s30 =	sadd.s32 s14, s29;
	[sflag:s12] =	ssyncadd.s32 $0xFFFFFC10  }
0x63: {  	[tilespmem:s13], [sflag:$0x1] =	stream.linear.gather [hbm4b:s30+s1], $0x3E0, $0x38;
	[tilespmem:$0x1DD10] =	vst v63  }
0x64: {  	_ =	swait.ge [sflag:s12], $0x3E0  }
0x65: {  	[sflag:s12] =	ssyncset.done $0x0  }
0x66: {  	s30 =	sadd.s32 s15, s18;
	[sflag:s12] =	ssyncadd.s32 $0xFFFFFC20  }
0x67: {  	[tilespmem:s21], [sflag:$0x1] =	stream.linear.gather [hbm4b:s30+s1], $0x3F0, $0x38;
	[tilespmem:$0x1DD10] =	vst v63  }
0x68: {  	_ =	swait.ge [sflag:s12], $0x3F0  }
0x69: {  	[sflag:s12] =	ssyncset.done $0x0  }
0x6a: {  	s29 =	sadd.s32 s15, s29;
	[sflag:s12] =	ssyncadd.s32 $0xFFFFFC10  }
0x6b: {  	[tilespmem:s22], [sflag:$0x1] =	stream.linear.gather [hbm4b:s29+s1], $0x3E0, $0x38;
	[tilespmem:$0x1DD10] =	vst v63  }
0x6c: {  	_ =	swait.ge [sflag:s12], $0x3E0  }
0x6d: {  	[sflag:s12] =	ssyncset.done $0x0  }
0x6e: {  	s18 =	sadd.s32 s16, s18;
	[sflag:s12] =	ssyncadd.s32 $0xFFFFFC20  }
0x6f: {  	[tilespmem:s23], [sflag:$0x1] =	stream.linear.gather [hbm4b:s18+s1], $0x7D0, $0x38;
	[tilespmem:$0x1DD10] =	vst v63  }
0x70: {  	_ =	swait.ge [sflag:s12], $0x7D0  }
0x71: {  	[sflag:s12] =	ssyncset.done $0x0  }
0x72: {  	s29 =	simm.s32 $0x20;
	[sflag:s12] =	ssyncadd.s32 $0xFFFFF830  }
0x73: {  	v3 =	vld [tilespmem:s29+$0xFFFFFFE0]  }
0x74: {  	v4 =	vld [tilespmem:s29+$0x0]  }
0x75: {  	v1 =	vld [tilespmem:s29+$0x10]  }
0x76: {  	v2 =	vld [tilespmem:s29+$0xFFFFFFF0];
	_ =	sdelay $0x1  }
0x77: {  	v3 =	vadd.s32 v0, v3  }
0x78: {  	s31 =	simm.s32 $0x60;
	s30 =	simm.s32 $0x0;
	[tilespmem:s29+$0xFFFFFFE0] =	vst v3;
	v3 =	vadd.s32 v0, v4  }
.LBB2_3:
0x79: {  	v4 =	vld [tilespmem:s31+$0xFFFFFFE0];
	[tilespmem:s29+$0x0] =	vst v3;
	v1 =	vadd.s32 v0, v1;
	s30 =	sadd.s32 $0x4, s30  }
0x7a: {  	v3 =	vld [tilespmem:s31+$0x0];
	v2 =	vadd.s32 v0, v2;
	[tilespmem:s29+$0x10] =	vst v1;
	p1 =	slt.u32 s30, $0x38  }
.Ltmp2:
0x7b: {  	v1 =	vld [tilespmem:s31+$0x10];
	[tilespmem:s29+$0xFFFFFFF0] =	vst v2;
	s29 =	smov.u32 s31;
	(pc) =	sbr.rel @p1 .LBB2_3-.Ltmp2, $3  }
0x7c: {  	v2 =	vld [tilespmem:s31+$0xFFFFFFF0];
	_ =	sdelay $0x1  }
0x7d: {  	v4 =	vadd.s32 v0, v4  }
0x7e: {  	s31 =	sadd.s32 $0x40, s31;
	[tilespmem:s29+$0xFFFFFFE0] =	vst v4;
	v3 =	vadd.s32 v0, v3  }
0x7f: {  	[tilespmem:s29+$0x0] =	vst v3;
	v1 =	vadd.s32 v0, v1  }
0x80: {  	v2 =	vadd.s32 v0, v2;
	[tilespmem:s29+$0x10] =	vst v1  }
0x81: {  	[tilespmem:s29+$0xFFFFFFF0] =	vst v2  }
0x82: {  	v1 =	vld [tilespmem:$0x3C0]  }
0x83: {  	v2 =	vld [tilespmem:$0x3D0]  }
0x84: {  	v3 =	vld [tilespmem:$0x3E0];
	_ =	sdelay $0x2  }
0x85: {  	v1 =	vadd.s32 v0, v1  }
0x86: {  	[tilespmem:$0x3C0] =	vst v1;
	v1 =	vadd.s32 v0, v2  }
0x87: {  	[tilespmem:$0x3D0] =	vst v1;
	v1 =	vadd.s32 v0, v3  }
0x88: {  	s29 =	simm.s32 $0x410;
	[tilespmem:$0x3E0] =	vst v1  }
0x89: {  	v3 =	vld [tilespmem:s29+$0xFFFFFFE0]  }
0x8a: {  	v4 =	vld [tilespmem:s29+$0x0]  }
0x8b: {  	v1 =	vld [tilespmem:s29+$0x10]  }
0x8c: {  	v2 =	vld [tilespmem:s29+$0xFFFFFFF0];
	_ =	sdelay $0x1  }
0x8d: {  	v3 =	vadd.s32 v0, v3  }
0x8e: {  	s30 =	simm.s32 $0x0;
	s31 =	simm.s32 $0x450;
	[tilespmem:s29+$0xFFFFFFE0] =	vst v3;
	v3 =	vadd.s32 v0, v4  }
.LBB2_5:
0x8f: {  	v4 =	vld [tilespmem:s31+$0xFFFFFFE0];
	[tilespmem:s29+$0x0] =	vst v3;
	v1 =	vadd.s32 v0, v1;
	s30 =	sadd.s32 $0x4, s30  }
0x90: {  	v3 =	vld [tilespmem:s31+$0x0];
	v2 =	vadd.s32 v0, v2;
	[tilespmem:s29+$0x10] =	vst v1;
	p1 =	slt.u32 s30, $0x38  }
.Ltmp3:
0x91: {  	v1 =	vld [tilespmem:s31+$0x10];
	[tilespmem:s29+$0xFFFFFFF0] =	vst v2;
	s29 =	smov.u32 s31;
	(pc) =	sbr.rel @p1 .LBB2_5-.Ltmp3, $3  }
0x92: {  	v2 =	vld [tilespmem:s31+$0xFFFFFFF0];
	_ =	sdelay $0x1  }
0x93: {  	v4 =	vadd.s32 v0, v4  }
0x94: {  	s31 =	sadd.s32 $0x40, s31;
	[tilespmem:s29+$0xFFFFFFE0] =	vst v4;
	v3 =	vadd.s32 v0, v3  }
0x95: {  	[tilespmem:s29+$0x0] =	vst v3;
	v1 =	vadd.s32 v0, v1  }
0x96: {  	v2 =	vadd.s32 v0, v2;
	[tilespmem:s29+$0x10] =	vst v1  }
0x97: {  	[tilespmem:s29+$0xFFFFFFF0] =	vst v2  }
0x98: {  	v1 =	vld [tilespmem:$0x7B0]  }
0x99: {  	v2 =	vld [tilespmem:$0x7C0];
	_ =	sdelay $0x3  }
0x9a: {  	v1 =	vadd.s32 v0, v1  }
0x9b: {  	[tilespmem:$0x7B0] =	vst v1;
	v1 =	vadd.s32 v0, v2  }
0x9c: {  	s18 =	simm.s32 $0x0;
	[tilespmem:$0x7C0] =	vst v1  }
0x9d: {  	[tilespmem:s24], [sflag:$0x1] =	stream.indirect.gather [hbm4b:s17+s13], $0x10, s18, s13, $0xb8;
	[tilespmem:$0x1DD10] =	vst v63  }
0x9e: {  	_ =	swait.ge [sflag:s12], $0x3F00  }
0x9f: {  	[sflag:s12] =	ssyncset.done $0x0  }
0xa0: {  	s29 =	simm.s32 $0x17F0;
	[sflag:s12] =	ssyncadd.s32 $0xFFFFC100  }
0xa1: {  	s31 =	simm.s32 $0x40;
	s30 =	simm.s32 $0x17F0;
	s18 =	simm.s32 $0x0;
	v1 =	vld [tilespmem:s29+$0xFFFFFFB0]  }
.LBB2_7:
0xa2: {  	p1 =	sne.s32 s31, $0xF80;
	v2 =	vld [tilespmem:s18+$0xFA0]  }
0xa3: {  	v3 =	vld [tilespmem:s29+$0xFFFFFF90]  }
0xa4: {  	v4 =	vld [tilespmem:s29+$0xFFFFFF80]  }
0xa5: {  	v5 =	vld [tilespmem:s29+$0xFFFFFFA0]  }
0xa6: {  	v6 =	vld [tilespmem:s29+$0xFFFFFFF0]  }
0xa7: {  	v7 =	vbroadcast v2, $0x0;
	v8 =	vbroadcast v2, $0x1;
	v9 =	vld [tilespmem:s29+$0xFFFFFFD0]  }
0xa8: {  	v10 =	vbroadcast v2, $0x2;
	v11 =	vbroadcast v2, $0x3;
	v12 =	vld [tilespmem:s29+$0xFFFFFFC0]  }
0xa9: {  	v4 =	vmul.f32 v7, v4;
	v3 =	vmul.f32 v3, v8;
	v7 =	vld [tilespmem:s29+$0xFFFFFFE0]  }
0xaa: {  	v1 =	vmul.f32 v1, v11;
	v5 =	vmul.f32 v5, v10;
	v8 =	vld [tilespmem:s29+$0x30]  }
0xab: {  	v10 =	vbroadcast v2, $0x5;
	[tilespmem:s29+$0xFFFFFF80] =	vst v4;
	v4 =	vbroadcast v2, $0x4;
	v11 =	vld [tilespmem:s29+$0x10]  }
0xac: {  	v13 =	vbroadcast v2, $0x7;
	[tilespmem:s29+$0xFFFFFF90] =	vst v3;
	v3 =	vbroadcast v2, $0x6;
	v14 =	vld [tilespmem:s29+$0x0]  }
0xad: {  	[tilespmem:s29+$0xFFFFFFA0] =	vst v5;
	v4 =	vmul.f32 v12, v4;
	v5 =	vmul.f32 v9, v10;
	v9 =	vld [tilespmem:s29+$0x20]  }
0xae: {  	[tilespmem:s29+$0xFFFFFFB0] =	vst v1;
	v1 =	vmul.f32 v7, v3;
	v3 =	vmul.f32 v6, v13;
	v6 =	vld [tilespmem:s29+$0x70]  }
0xaf: {  	v7 =	vbroadcast v2, $0x9;
	[tilespmem:s29+$0xFFFFFFC0] =	vst v4;
	v4 =	vbroadcast v2, $0x8;
	v10 =	vld [tilespmem:s29+$0x50]  }
0xb0: {  	v12 =	vbroadcast v2, $0xB;
	[tilespmem:s29+$0xFFFFFFD0] =	vst v5;
	v5 =	vbroadcast v2, $0xA;
	v13 =	vld [tilespmem:s29+$0x40]  }
0xb1: {  	[tilespmem:s29+$0xFFFFFFE0] =	vst v1;
	v1 =	vmul.f32 v14, v4;
	v4 =	vmul.f32 v11, v7;
	v7 =	vld [tilespmem:s29+$0x60]  }
0xb2: {  	[tilespmem:s29+$0xFFFFFFF0] =	vst v3;
	v3 =	vmul.f32 v9, v5;
	v5 =	vmul.f32 v8, v12  }
0xb3: {  	v8 =	vbroadcast v2, $0xD;
	[tilespmem:s29+$0x0] =	vst v1;
	v1 =	vbroadcast v2, $0xC  }
0xb4: {  	[tilespmem:s29+$0x10] =	vst v4;
	v4 =	vbroadcast v2, $0xE;
	v2 =	vbroadcast v2, $0xF  }
0xb5: {  	[tilespmem:s29+$0x20] =	vst v3;
	v1 =	vmul.f32 v13, v1;
	v3 =	vmul.f32 v10, v8  }
.Ltmp4:
0xb6: {  	[tilespmem:s29+$0x30] =	vst v5;
	v4 =	vmul.f32 v7, v4;
	v2 =	vmul.f32 v6, v2;
	(pc) =	sbr.rel @p1 .LBB2_7-.Ltmp4, $4  }
0xb7: {  	[tilespmem:s29+$0x40] =	vst v1  }
0xb8: {  	[tilespmem:s29+$0x50] =	vst v3  }
0xb9: {  	s29 =	sadd.s32 $0x100, s29;
	[tilespmem:s30+$0x60] =	vst v4  }
0xba: {  	s18 =	sshra.s32 s31, $0x2;
	s31 =	sadd.s32 $0x40, s31;
	v1 =	vld [tilespmem:s29+$0xFFFFFFB0];
	[tilespmem:s30+$0x70] =	vst v2;
	s30 =	smov.u32 s29  }
0xbb: {  	v2 =	vld [tilespmem:s18+$0xFA0];
	_ =	sdelay $0x1  }
0xbc: {  	v3 =	vld [tilespmem:s29+$0xFFFFFF80]  }
0xbd: {  	v4 =	vld [tilespmem:s29+$0xFFFFFF90]  }
0xbe: {  	v5 =	vld [tilespmem:s29+$0xFFFFFFA0]  }
0xbf: {  	v6 =	vbroadcast v2, $0x0  }
0xc0: {  	v9 =	vld [tilespmem:s29+$0xFFFFFFD0];
	v7 =	vbroadcast v2, $0x1  }
0xc1: {  	v8 =	vld [tilespmem:s29+$0xFFFFFFC0];
	v10 =	vbroadcast v2, $0x2;
	v3 =	vmul.f32 v6, v3  }
0xc2: {  	v48 =	vld [tilespmem:s29+$0xFFFFFFE0];
	v47 =	vbroadcast v2, $0x3;
	v4 =	vmul.f32 v4, v7  }
0xc3: {  	v51 =	vld [tilespmem:s29+$0x10];
	v49 =	vbroadcast v2, $0x5;
	v5 =	vmul.f32 v5, v10;
	[tilespmem:s29+$0xFFFFFF80] =	vst v3  }
0xc4: {  	v11 =	vld [tilespmem:s29+$0xFFFFFFF0];
	v1 =	vmul.f32 v1, v47;
	v3 =	vbroadcast v2, $0x4;
	[tilespmem:s29+$0xFFFFFF90] =	vst v4  }
0xc5: {  	v50 =	vld [tilespmem:s29+$0x0];
	v12 =	vbroadcast v2, $0x6;
	v6 =	vmul.f32 v9, v49;
	[tilespmem:s29+$0xFFFFFFA0] =	vst v5  }
0xc6: {  	v56 =	vld [tilespmem:s29+$0x50];
	v54 =	vbroadcast v2, $0x9;
	[tilespmem:s29+$0xFFFFFFB0] =	vst v1;
	v3 =	vmul.f32 v8, v3  }
0xc7: {  	v53 =	vld [tilespmem:s29+$0x20];
	v52 =	vbroadcast v2, $0x7;
	v7 =	vmul.f32 v48, v12;
	[tilespmem:s29+$0xFFFFFFD0] =	vst v6  }
0xc8: {  	v59 =	vmul.f32 v51, v54;
	v1 =	vld [tilespmem:s29+$0x30];
	[tilespmem:s29+$0xFFFFFFC0] =	vst v3;
	v3 =	vbroadcast v2, $0x8  }
0xc9: {  	v55 =	vld [tilespmem:s29+$0x40];
	v62 =	vbroadcast v2, $0xD;
	v5 =	vmul.f32 v11, v52;
	[tilespmem:s29+$0xFFFFFFE0] =	vst v7  }
0xca: {  	v60 =	vld [tilespmem:s29+$0x60];
	v57 =	vbroadcast v2, $0xA;
	[tilespmem:s29+$0x10] =	vst v59;
	v3 =	vmul.f32 v50, v3  }
0xcb: {  	v61 =	vld [tilespmem:s29+$0x70];
	v58 =	vbroadcast v2, $0xB;
	v4 =	vmul.f32 v56, v62;
	[tilespmem:s29+$0xFFFFFFF0] =	vst v5  }
0xcc: {  	v8 =	vmul.f32 v53, v57;
	[tilespmem:s29+$0x0] =	vst v3;
	v3 =	vbroadcast v2, $0xC  }
0xcd: {  	v63 =	vbroadcast v2, $0xE;
	[tilespmem:s29+$0x50] =	vst v4;
	v1 =	vmul.f32 v1, v58  }
0xce: {  	[tilespmem:s29+$0x20] =	vst v8;
	v2 =	vbroadcast v2, $0xF;
	v3 =	vmul.f32 v55, v3  }
0xcf: {  	[tilespmem:s29+$0x30] =	vst v1;
	v1 =	vmul.f32 v60, v63  }
0xd0: {  	v2 =	vmul.f32 v61, v2;
	[tilespmem:s29+$0x40] =	vst v3  }
0xd1: {  	[tilespmem:s30+$0x60] =	vst v1  }
0xd2: {  	[tilespmem:s30+$0x70] =	vst v2  }
0xd3: {  	[spmem:s11] =	stream.indirect.scatter.add.f32 [tilespmem:s24], [sflag:$0x1], $0x10, s21, s13, $0xb8;
	[tilespmem:$0x1DD10] =	vst v63  }
0xd4: {  	_ =	swait.ge [sflag:s12], $0x3F00  }
0xd5: {  	[sflag:s12] =	ssyncset.done $0x0  }
0xd6: {  	[sflag:s12] =	ssyncadd.s32 $0xFFFFC100  }
0xd7: {  	[tilespmem:s24], [sflag:$0x1] =	stream.indirect.gather [hbm4b:s17+s25], $0x10, s13, s25, $0xb8;
	[tilespmem:$0x1DD10] =	vst v63  }
0xd8: {  	_ =	swait.ge [sflag:s12], $0x3E00  }
0xd9: {  	[sflag:s12] =	ssyncset.done $0x0  }
0xda: {  	s29 =	simm.s32 $0x17F0;
	[sflag:s12] =	ssyncadd.s32 $0xFFFFC200  }
0xdb: {  	s18 =	simm.s32 $0x0;
	s31 =	simm.s32 $0x40;
	s30 =	simm.s32 $0x17F0;
	v1 =	vld [tilespmem:s29+$0xFFFFFFB0]  }
.LBB2_9:
0xdc: {  	p1 =	sne.s32 s31, $0xF40;
	v2 =	vld [tilespmem:s18+$0x1390]  }
0xdd: {  	v3 =	vld [tilespmem:s29+$0xFFFFFF90]  }
0xde: {  	v4 =	vld [tilespmem:s29+$0xFFFFFF80]  }
0xdf: {  	v5 =	vld [tilespmem:s29+$0xFFFFFFA0]  }
0xe0: {  	v6 =	vld [tilespmem:s29+$0xFFFFFFF0]  }
0xe1: {  	v7 =	vbroadcast v2, $0x0;
	v8 =	vbroadcast v2, $0x1;
	v9 =	vld [tilespmem:s29+$0xFFFFFFD0]  }
0xe2: {  	v10 =	vbroadcast v2, $0x2;
	v11 =	vbroadcast v2, $0x3;
	v12 =	vld [tilespmem:s29+$0xFFFFFFC0]  }
0xe3: {  	v4 =	vmul.f32 v7, v4;
	v3 =	vmul.f32 v3, v8;
	v7 =	vld [tilespmem:s29+$0xFFFFFFE0]  }
0xe4: {  	v1 =	vmul.f32 v1, v11;
	v5 =	vmul.f32 v5, v10;
	v8 =	vld [tilespmem:s29+$0x30]  }
0xe5: {  	v10 =	vbroadcast v2, $0x5;
	[tilespmem:s29+$0xFFFFFF80] =	vst v4;
	v4 =	vbroadcast v2, $0x4;
	v11 =	vld [tilespmem:s29+$0x10]  }
0xe6: {  	v13 =	vbroadcast v2, $0x7;
	[tilespmem:s29+$0xFFFFFF90] =	vst v3;
	v3 =	vbroadcast v2, $0x6;
	v14 =	vld [tilespmem:s29+$0x0]  }
0xe7: {  	[tilespmem:s29+$0xFFFFFFA0] =	vst v5;
	v4 =	vmul.f32 v12, v4;
	v5 =	vmul.f32 v9, v10;
	v9 =	vld [tilespmem:s29+$0x20]  }
0xe8: {  	[tilespmem:s29+$0xFFFFFFB0] =	vst v1;
	v1 =	vmul.f32 v7, v3;
	v3 =	vmul.f32 v6, v13;
	v6 =	vld [tilespmem:s29+$0x70]  }
0xe9: {  	v7 =	vbroadcast v2, $0x9;
	[tilespmem:s29+$0xFFFFFFC0] =	vst v4;
	v4 =	vbroadcast v2, $0x8;
	v10 =	vld [tilespmem:s29+$0x50]  }
0xea: {  	v12 =	vbroadcast v2, $0xB;
	[tilespmem:s29+$0xFFFFFFD0] =	vst v5;
	v5 =	vbroadcast v2, $0xA;
	v13 =	vld [tilespmem:s29+$0x40]  }
0xeb: {  	[tilespmem:s29+$0xFFFFFFE0] =	vst v1;
	v1 =	vmul.f32 v14, v4;
	v4 =	vmul.f32 v11, v7;
	v7 =	vld [tilespmem:s29+$0x60]  }
0xec: {  	[tilespmem:s29+$0xFFFFFFF0] =	vst v3;
	v3 =	vmul.f32 v9, v5;
	v5 =	vmul.f32 v8, v12  }
0xed: {  	v8 =	vbroadcast v2, $0xD;
	[tilespmem:s29+$0x0] =	vst v1;
	v1 =	vbroadcast v2, $0xC  }
0xee: {  	[tilespmem:s29+$0x10] =	vst v4;
	v4 =	vbroadcast v2, $0xE;
	v2 =	vbroadcast v2, $0xF  }
0xef: {  	[tilespmem:s29+$0x20] =	vst v3;
	v1 =	vmul.f32 v13, v1;
	v3 =	vmul.f32 v10, v8  }
.Ltmp5:
0xf0: {  	[tilespmem:s29+$0x30] =	vst v5;
	v4 =	vmul.f32 v7, v4;
	v2 =	vmul.f32 v6, v2;
	(pc) =	sbr.rel @p1 .LBB2_9-.Ltmp5, $4  }
0xf1: {  	[tilespmem:s29+$0x40] =	vst v1  }
0xf2: {  	[tilespmem:s29+$0x50] =	vst v3  }
0xf3: {  	s29 =	sadd.s32 $0x100, s29;
	[tilespmem:s30+$0x60] =	vst v4  }
0xf4: {  	s18 =	sshra.s32 s31, $0x2;
	s31 =	sadd.s32 $0x40, s31;
	v1 =	vld [tilespmem:s29+$0xFFFFFFB0];
	[tilespmem:s30+$0x70] =	vst v2;
	s30 =	smov.u32 s29  }
0xf5: {  	v2 =	vld [tilespmem:s18+$0x1390];
	_ =	sdelay $0x1  }
0xf6: {  	v3 =	vld [tilespmem:s29+$0xFFFFFF80]  }
0xf7: {  	v4 =	vld [tilespmem:s29+$0xFFFFFF90]  }
0xf8: {  	v5 =	vld [tilespmem:s29+$0xFFFFFFA0]  }
0xf9: {  	v6 =	vbroadcast v2, $0x0  }
0xfa: {  	v9 =	vld [tilespmem:s29+$0xFFFFFFD0];
	v7 =	vbroadcast v2, $0x1  }
0xfb: {  	v8 =	vld [tilespmem:s29+$0xFFFFFFC0];
	v10 =	vbroadcast v2, $0x2;
	v3 =	vmul.f32 v6, v3  }
0xfc: {  	v48 =	vld [tilespmem:s29+$0xFFFFFFE0];
	v47 =	vbroadcast v2, $0x3;
	v4 =	vmul.f32 v4, v7  }
0xfd: {  	v51 =	vld [tilespmem:s29+$0x10];
	v49 =	vbroadcast v2, $0x5;
	v5 =	vmul.f32 v5, v10;
	[tilespmem:s29+$0xFFFFFF80] =	vst v3  }
0xfe: {  	v11 =	vld [tilespmem:s29+$0xFFFFFFF0];
	v1 =	vmul.f32 v1, v47;
	v3 =	vbroadcast v2, $0x4;
	[tilespmem:s29+$0xFFFFFF90] =	vst v4  }
0xff: {  	v50 =	vld [tilespmem:s29+$0x0];
	v12 =	vbroadcast v2, $0x6;
	v6 =	vmul.f32 v9, v49;
	[tilespmem:s29+$0xFFFFFFA0] =	vst v5  }
0x100: {  	v56 =	vld [tilespmem:s29+$0x50];
	v54 =	vbroadcast v2, $0x9;
	[tilespmem:s29+$0xFFFFFFB0] =	vst v1;
	v3 =	vmul.f32 v8, v3  }
0x101: {  	v53 =	vld [tilespmem:s29+$0x20];
	v52 =	vbroadcast v2, $0x7;
	v7 =	vmul.f32 v48, v12;
	[tilespmem:s29+$0xFFFFFFD0] =	vst v6  }
0x102: {  	v59 =	vmul.f32 v51, v54;
	v1 =	vld [tilespmem:s29+$0x30];
	[tilespmem:s29+$0xFFFFFFC0] =	vst v3;
	v3 =	vbroadcast v2, $0x8  }
0x103: {  	v55 =	vld [tilespmem:s29+$0x40];
	v62 =	vbroadcast v2, $0xD;
	v5 =	vmul.f32 v11, v52;
	[tilespmem:s29+$0xFFFFFFE0] =	vst v7  }
0x104: {  	v60 =	vld [tilespmem:s29+$0x60];
	v57 =	vbroadcast v2, $0xA;
	[tilespmem:s29+$0x10] =	vst v59;
	v3 =	vmul.f32 v50, v3  }
0x105: {  	v61 =	vld [tilespmem:s29+$0x70];
	v58 =	vbroadcast v2, $0xB;
	v4 =	vmul.f32 v56, v62;
	[tilespmem:s29+$0xFFFFFFF0] =	vst v5  }
0x106: {  	v8 =	vmul.f32 v53, v57;
	[tilespmem:s29+$0x0] =	vst v3;
	v3 =	vbroadcast v2, $0xC  }
0x107: {  	v63 =	vbroadcast v2, $0xE;
	[tilespmem:s29+$0x50] =	vst v4;
	v1 =	vmul.f32 v1, v58  }
0x108: {  	[tilespmem:s29+$0x20] =	vst v8;
	v2 =	vbroadcast v2, $0xF;
	v3 =	vmul.f32 v55, v3  }
0x109: {  	[tilespmem:s29+$0x30] =	vst v1;
	v1 =	vmul.f32 v60, v63  }
0x10a: {  	s28 =	sadd.s32 $0x1, s28;
	v2 =	vmul.f32 v61, v2;
	[tilespmem:s29+$0x40] =	vst v3  }
0x10b: {  	p1 =	sne.s32 s28, $0x32;
	[tilespmem:s30+$0x60] =	vst v1  }
.Ltmp6:
0x10c: {  	[tilespmem:s30+$0x70] =	vst v2;
	(pc) =	sbr.rel @p1 .LBB2_2-.Ltmp6, $4  }
0x10d: {  	[spmem:s11] =	stream.indirect.scatter.add.f32 [tilespmem:s24], [sflag:$0x1], $0x10, s22, s25, $0xb8;
	[tilespmem:$0x1DD10] =	vst v63  }
0x10e: {  	_ =	swait.ge [sflag:s12], $0x3E00  }
0x10f: {  	[sflag:s12] =	ssyncset.done $0x0  }
0x110: {  	[sflag:s12] =	ssyncadd.s32 $0xFFFFC200  }
.Ltmp7:
0x111: {  	(pc) =	sbr.rel @p0 .LBB2_13-.Ltmp7, $2  }
0x112: {  	_ =	sdelay $0x1  }
0x113: {  	[bflag:$0x0] =	sbarrier.arrive $0xFFFF;
	_ =	sdelay $0x1  }
0x114: {  	s18 =	rddreg [dreg:$0xe]  }
0x115: {  	[tilespmem:s24], [sflag:$0x1] =	stream.linear.gather [spmem:s18], $0x3E80, $0x38;
	[tilespmem:$0x1DD10] =	vst v63  }
0x116: {  	_ =	swait.ge [sflag:s12], $0x3E80  }
0x117: {  	[sflag:s12] =	ssyncset.done $0x0  }
0x118: {  	s29 =	rddreg [dreg:$0x3];
	[sflag:s12] =	ssyncadd.s32 $0xFFFFC180  }
0x119: {  	[hbm4b:s29+s1] =	stream.linear.scatter [tilespmem:s24], [sflag:$0x1], $0x3E80, $0x38;
	[tilespmem:$0x1DD10] =	vst v63  }
0x11a: {  	_ =	swait.ge [sflag:s12], $0x3E80  }
0x11b: {  	[sflag:s12] =	ssyncset.done $0x0  }
0x11c: {  	s30 =	rddreg [dreg:$0xf];
	[sflag:s12] =	ssyncadd.s32 $0xFFFFC180  }
0x11d: {  	[tilespmem:s24], [sflag:$0x1] =	stream.linear.gather [spmem:s30], $0x3E80, $0x38;
	[tilespmem:$0x1DD10] =	vst v63  }
0x11e: {  	_ =	swait.ge [sflag:s12], $0x3E80  }
0x11f: {  	[sflag:s12] =	ssyncset.done $0x0  }
0x120: {  	s31 =	rddreg [dreg:$0x4];
	[sflag:s12] =	ssyncadd.s32 $0xFFFFC180  }
0x121: {  	[hbm4b:s31+s1] =	stream.linear.scatter [tilespmem:s24], [sflag:$0x1], $0x3E80, $0x38;
	[tilespmem:$0x1DD10] =	vst v63  }
0x122: {  	_ =	swait.ge [sflag:s12], $0x3E80  }
0x123: {  	[sflag:s12] =	ssyncset.done $0x0  }
0x124: {  	s28 =	rddreg [dreg:$0x10];
	[sflag:s12] =	ssyncadd.s32 $0xFFFFC180  }
0x125: {  	[tilespmem:s24], [sflag:$0x1] =	stream.linear.gather [spmem:s28], $0x3E80, $0x38;
	[tilespmem:$0x1DD10] =	vst v63  }
0x126: {  	_ =	swait.ge [sflag:s12], $0x3E80  }
0x127: {  	[sflag:s12] =	ssyncset.done $0x0  }
0x128: {  	s29 =	rddreg [dreg:$0x5];
	[sflag:s12] =	ssyncadd.s32 $0xFFFFC180  }
0x129: {  	[hbm4b:s29+s1] =	stream.linear.scatter [tilespmem:s24], [sflag:$0x1], $0x3E80, $0x38;
	[tilespmem:$0x1DD10] =	vst v63  }
0x12a: {  	_ =	swait.ge [sflag:s12], $0x3E80  }
0x12b: {  	[sflag:s12] =	ssyncset.done $0x0  }
0x12c: {  	s30 =	rddreg [dreg:$0x11];
	[sflag:s12] =	ssyncadd.s32 $0xFFFFC180  }
0x12d: {  	[tilespmem:s24], [sflag:$0x1] =	stream.linear.gather [spmem:s30], $0x3E80, $0x38;
	[tilespmem:$0x1DD10] =	vst v63  }
0x12e: {  	_ =	swait.ge [sflag:s12], $0x3E80  }
0x12f: {  	[sflag:s12] =	ssyncset.done $0x0  }
0x130: {  	s31 =	rddreg [dreg:$0x6];
	[sflag:s12] =	ssyncadd.s32 $0xFFFFC180  }
0x131: {  	[hbm4b:s31+s1] =	stream.linear.scatter [tilespmem:s24], [sflag:$0x1], $0x3E80, $0x38;
	[tilespmem:$0x1DD10] =	vst v63  }
0x132: {  	_ =	swait.ge [sflag:s12], $0x3E80  }
0x133: {  	[sflag:s12] =	ssyncset.done $0x0  }
0x134: {  	s28 =	rddreg [dreg:$0x12];
	[sflag:s12] =	ssyncadd.s32 $0xFFFFC180  }
0x135: {  	[tilespmem:s24], [sflag:$0x1] =	stream.linear.gather [spmem:s28], $0x3E80, $0x38;
	[tilespmem:$0x1DD10] =	vst v63  }
0x136: {  	_ =	swait.ge [sflag:s12], $0x3E80  }
0x137: {  	[sflag:s12] =	ssyncset.done $0x0  }
0x138: {  	s29 =	rddreg [dreg:$0x7];
	[sflag:s12] =	ssyncadd.s32 $0xFFFFC180  }
0x139: {  	[hbm4b:s29+s1] =	stream.linear.scatter [tilespmem:s24], [sflag:$0x1], $0x3E80, $0x38;
	[tilespmem:$0x1DD10] =	vst v63  }
0x13a: {  	_ =	swait.ge [sflag:s12], $0x3E80  }
0x13b: {  	[sflag:s12] =	ssyncset.done $0x0  }
0x13c: {  	s30 =	rddreg [dreg:$0x13];
	[sflag:s12] =	ssyncadd.s32 $0xFFFFC180  }
0x13d: {  	[tilespmem:s24], [sflag:$0x1] =	stream.linear.gather [spmem:s30], $0x3E80, $0x38;
	[tilespmem:$0x1DD10] =	vst v63  }
0x13e: {  	_ =	swait.ge [sflag:s12], $0x3E80  }
0x13f: {  	[sflag:s12] =	ssyncset.done $0x0  }
0x140: {  	s31 =	rddreg [dreg:$0x8];
	[sflag:s12] =	ssyncadd.s32 $0xFFFFC180  }
0x141: {  	[hbm4b:s31+s1] =	stream.linear.scatter [tilespmem:s24], [sflag:$0x1], $0x3E80, $0x38;
	[tilespmem:$0x1DD10] =	vst v63  }
0x142: {  	_ =	swait.ge [sflag:s12], $0x3E80  }
0x143: {  	[sflag:s12] =	ssyncset.done $0x0  }
0x144: {  	s28 =	rddreg [dreg:$0x14];
	[sflag:s12] =	ssyncadd.s32 $0xFFFFC180  }
0x145: {  	[tilespmem:s24], [sflag:$0x1] =	stream.linear.gather [spmem:s28], $0x3E80, $0x38;
	[tilespmem:$0x1DD10] =	vst v63  }
0x146: {  	_ =	swait.ge [sflag:s12], $0x3E80  }
0x147: {  	[sflag:s12] =	ssyncset.done $0x0  }
0x148: {  	s29 =	rddreg [dreg:$0x9];
	[sflag:s12] =	ssyncadd.s32 $0xFFFFC180  }
0x149: {  	[hbm4b:s29+s1] =	stream.linear.scatter [tilespmem:s24], [sflag:$0x1], $0x3E80, $0x38;
	[tilespmem:$0x1DD10] =	vst v63  }
0x14a: {  	_ =	swait.ge [sflag:s12], $0x3E80  }
0x14b: {  	[sflag:s12] =	ssyncset.done $0x0  }
0x14c: {  	s30 =	rddreg [dreg:$0x15];
	[sflag:s12] =	ssyncadd.s32 $0xFFFFC180  }
0x14d: {  	[tilespmem:s24], [sflag:$0x1] =	stream.linear.gather [spmem:s30], $0x3E80, $0x38;
	[tilespmem:$0x1DD10] =	vst v63  }
0x14e: {  	_ =	swait.ge [sflag:s12], $0x3E80  }
0x14f: {  	[sflag:s12] =	ssyncset.done $0x0  }
0x150: {  	s31 =	rddreg [dreg:$0xa];
	[sflag:s12] =	ssyncadd.s32 $0xFFFFC180  }
0x151: {  	[hbm4b:s31+s1] =	stream.linear.scatter [tilespmem:s24], [sflag:$0x1], $0x3E80, $0x38;
	[tilespmem:$0x1DD10] =	vst v63  }
0x152: {  	_ =	swait.ge [sflag:s12], $0x3E80  }
0x153: {  	[sflag:s12] =	ssyncset.done $0x0  }
0x154: {  	s28 =	rddreg [dreg:$0x16];
	[sflag:s12] =	ssyncadd.s32 $0xFFFFC180  }
0x155: {  	[tilespmem:s24], [sflag:$0x1] =	stream.linear.gather [spmem:s28], $0x3E80, $0x38;
	[tilespmem:$0x1DD10] =	vst v63  }
0x156: {  	_ =	swait.ge [sflag:s12], $0x3E80  }
0x157: {  	[sflag:s12] =	ssyncset.done $0x0  }
0x158: {  	s29 =	rddreg [dreg:$0xb];
	[sflag:s12] =	ssyncadd.s32 $0xFFFFC180  }
0x159: {  	[hbm4b:s29+s1] =	stream.linear.scatter [tilespmem:s24], [sflag:$0x1], $0x3E80, $0x38;
	[tilespmem:$0x1DD10] =	vst v63  }
0x15a: {  	_ =	swait.ge [sflag:s12], $0x3E80  }
0x15b: {  	[sflag:s12] =	ssyncset.done $0x0  }
0x15c: {  	s30 =	rddreg [dreg:$0x17];
	[sflag:s12] =	ssyncadd.s32 $0xFFFFC180  }
0x15d: {  	[tilespmem:s24], [sflag:$0x1] =	stream.linear.gather [spmem:s30], $0x3E80, $0x38;
	[tilespmem:$0x1DD10] =	vst v63  }
0x15e: {  	_ =	swait.ge [sflag:s12], $0x3E80  }
0x15f: {  	[sflag:s12] =	ssyncset.done $0x0  }
.Ltmp8:
0x160: {  	s31 =	rddreg [dreg:$0xc];
	[sflag:s12] =	ssyncadd.s32 $0xFFFFC180;
	(pc) =	sbr.rel .LBB2_13-.Ltmp8, $4  }
0x161: {  	[hbm4b:s31+s1] =	stream.linear.scatter [tilespmem:s24], [sflag:$0x1], $0x3E80, $0x38;
	[tilespmem:$0x1DD10] =	vst v63  }
0x162: {  	_ =	swait.ge [sflag:s12], $0x3E80  }
0x163: {  	[sflag:s12] =	ssyncset.done $0x0  }
0x164: {  	[sflag:s12] =	ssyncadd.s32 $0xFFFFC180  }
.LBB2_14:
0x165: {  	_ =	sfence.sel $0x180000  }
0x166: {  	[bflag:$0x0] =	sbarrier.arrive $0xFFFF  }
0x167: {  	_ =	strace $0x9000004A  }
0x168: {  	s0 =	stileid.u32;
	[bflag:$0x2] =	sbarrier.arrive $0xFFFF  }
0x169: {  	p0 =	sne.s32 s0, $0x0;
	s0 =	rddreg [dreg:$0x2]  }
0x16a: {  	s0 =	sadd.s32 @!p0 $0x100000, s0  }
0x16b: {  	[sflag:s0] =	ssyncadd.tile.s32 @!p0 $0x1;
	_ =	shalt  }
.Lfunc_end2:
_tile_overlayer_lowered:
.L_overlay_start_2:
0x16c: {  	(tag) =	ssettag $0x2  }
0x16d: {  	s0 =	rddreg [dreg:$0x0];
	s2 =	stileid.u32  }
0x16e: {  	s1 =	rddreg [dreg:$0x1];
	p0 =	sne.s32 s2, $0x0  }
0x16f: {  	s3 =	rddreg [dreg:$0x2];
	[bflag:$0x3] =	sbarrier.arrive $0xFFFF;
	s2 =	simm.s32 @!p0 $0x1C01  }
0x170: {  	[timem:s3], [sflag:s2] =	dma.local @!p0 [hbm:s0], s1  }
0x171: {  	s0 =	simm.s32 @!p0 $0x1  }
0x172: {  	_ =	swait.ge @!p0 [sflag:s0], s1  }
0x173: {  	s1 =	ssub.s32 @!p0 $0x0, s1;
	[sflag:s0] =	ssyncset.done @!p0 $0x0  }
0x174: {  	[sflag:s0] =	ssyncadd.s32 @!p0 s1  }
0x175: {  	[bflag:$0x3] =	sbarrier.arrive $0xFFFF  }
0x176: {  	_ =	shalt  }

</sc_bundles>
